<compile_context>
chip_gen: v7x
topology: tpu7x:2x2x1
jax: 0.10.2.dev20260603
libtpu: 0.0.44.dev20260713+nightly
codegen_flags: <defaults>
</compile_context>

<pallas_src>
import functools

import jax
import jax.numpy as jnp
from jax import lax
from jax.experimental import pallas as pl
from jax.experimental.pallas import tpu as pltpu
from jax.experimental.pallas import tpu_sc as plsc

N = 10000
E = 320000
IN_DIM = 128
HID = 16
OUT_DIM = 40

NC = 2
NS = 16
NW = NC * NS
L = 16

CH = 128
RING = 8
LEAD = 4
NCH = 80
EPT = NCH * CH
EPAD = EPT * NW

NPAD = 10240
ZROWS = NPAD // NS

DEG_PAD = NPAD
DEG_Z = DEG_PAD // NS


@functools.cache
def _sc_degree_kernel():
    return functools.partial(
        pl.kernel,
        out_type=jax.ShapeDtypeStruct((NC, DEG_PAD), jnp.float32),
        mesh=plsc.VectorSubcoreMesh(core_axis_name="c", subcore_axis_name="s"),
        scratch_types=[
            pltpu.VMEM((NCH, CH), jnp.int32),
            pltpu.VMEM((CH,), jnp.float32),
            pltpu.VMEM((DEG_Z,), jnp.float32),
            pltpu.VMEM_SHARED((DEG_PAD,), jnp.float32),
        ],
        compiler_params=pltpu.CompilerParams(use_tc_tiling_on_sc=False),
    )(_sc_degree_body)


def _sc_degree_body(dst, out, didx, ones, zbuf, acc):
    c = lax.axis_index("c")
    s = lax.axis_index("s")
    w = c * NS + s

    @pl.loop(0, CH // L)
    def _(i):
        ones[pl.ds(i * L, L)] = jnp.ones((L,), jnp.float32)

    @pl.loop(0, DEG_Z // L)
    def _(i):
        zbuf[pl.ds(i * L, L)] = jnp.zeros((L,), jnp.float32)

    pltpu.sync_copy(zbuf, acc.at[pl.ds(s * DEG_Z, DEG_Z)])
    pltpu.sync_copy(dst.at[w], didx)
    plsc.subcore_barrier()

    @pl.loop(0, NCH)
    def _(j):
        pltpu.sync_copy(ones, acc.at[didx.at[j]], add=True)

    plsc.subcore_barrier()
    pltpu.sync_copy(acc.at[pl.ds(s * DEG_Z, DEG_Z)],
                    out.at[c, pl.ds(s * DEG_Z, DEG_Z)])


@functools.cache
def _sc_aggregate_kernel():
    return functools.partial(
        pl.kernel,
        out_type=jax.ShapeDtypeStruct((NC, NPAD, HID), jnp.float32),
        mesh=plsc.VectorSubcoreMesh(core_axis_name="c", subcore_axis_name="s"),
        scratch_types=[
            pltpu.VMEM((NCH, CH), jnp.int32),
            pltpu.VMEM((NCH, CH), jnp.int32),
            pltpu.VMEM((RING, CH, HID), jnp.float32),
            pltpu.VMEM((ZROWS, HID), jnp.float32),
            pltpu.VMEM_SHARED((NPAD, HID), jnp.float32),
            pltpu.VMEM_SHARED((NPAD, HID), jnp.float32),
            [pltpu.SemaphoreType.DMA] * RING,
            [pltpu.SemaphoreType.DMA] * RING,
        ],
        compiler_params=pltpu.CompilerParams(use_tc_tiling_on_sc=False),
    )(_sc_aggregate_body)


def _sc_aggregate_body(table, src, dst, out, sidx, didx, rows, zbuf, acc,
                       tbl, gsems, ssems):
    c = lax.axis_index("c")
    s = lax.axis_index("s")
    w = c * NS + s

    @pl.loop(0, ZROWS)
    def _(i):
        zbuf[i, :] = jnp.zeros((HID,), jnp.float32)

    pltpu.sync_copy(zbuf, acc.at[pl.ds(s * ZROWS, ZROWS)])
    pltpu.sync_copy(table.at[pl.ds(s * ZROWS, ZROWS)],
                    tbl.at[pl.ds(s * ZROWS, ZROWS)])
    pltpu.sync_copy(src.at[w], sidx)
    pltpu.sync_copy(dst.at[w], didx)
    plsc.subcore_barrier()

    for b in range(LEAD):
        pltpu.async_copy(tbl.at[sidx.at[b]], rows.at[b], gsems[b])

    for j in range(RING - LEAD):
        b, bg = j, j + LEAD
        pltpu.make_async_copy(tbl.at[sidx.at[j]], rows.at[b], gsems[b]).wait()
        pltpu.async_copy(rows.at[b], acc.at[didx.at[j]], ssems[b], add=True)
        pltpu.async_copy(tbl.at[sidx.at[j + LEAD]], rows.at[bg], gsems[bg])

    @pl.loop(0, (NCH - RING) // RING)
    def _(g):
        for k in range(RING):
            j = (RING - LEAD) + g * RING + k
            b = (RING - LEAD + k) % RING
            bg = k
            pltpu.make_async_copy(tbl.at[sidx.at[j]], rows.at[b], gsems[b]).wait()
            pltpu.async_copy(rows.at[b], acc.at[didx.at[j]], ssems[b], add=True)
            pltpu.make_async_copy(
                rows.at[bg], acc.at[didx.at[g * RING + k]], ssems[bg]).wait()
            pltpu.async_copy(tbl.at[sidx.at[j + LEAD]], rows.at[bg], gsems[bg])

    for t in range(LEAD):
        j = NCH - LEAD + t
        b = j % RING
        pltpu.make_async_copy(tbl.at[sidx.at[j]], rows.at[b], gsems[b]).wait()
        pltpu.async_copy(rows.at[b], acc.at[didx.at[j]], ssems[b], add=True)

    for b in range(RING):
        pltpu.make_async_copy(
            rows.at[b], acc.at[didx.at[NCH - RING + b]], ssems[b]).wait()

    plsc.subcore_barrier()
    pltpu.sync_copy(acc.at[pl.ds(s * ZROWS, ZROWS)],
                    out.at[c, pl.ds(s * ZROWS, ZROWS)])



def _tc_h1(xp, W1):
    BR = 640

    def body(x_ref, w_ref, o_ref):
        o_ref[...] = jnp.dot(x_ref[...], w_ref[...],
                             preferred_element_type=jnp.float32)

    return pl.pallas_call(
        body,
        grid=(NPAD // BR,),
        in_specs=[
            pl.BlockSpec((BR, IN_DIM), lambda i: (i, 0)),
            pl.BlockSpec((IN_DIM, HID), lambda i: (0, 0)),
        ],
        out_specs=pl.BlockSpec((BR, HID), lambda i: (i, 0)),
        out_shape=jax.ShapeDtypeStruct((NPAD, HID), jnp.float32),
    )(xp, W1)


def _tc_scale(degp, h1):
    BR = 640

    def body(p_ref, h_ref, o_ref, d_ref):
        deg = 1.0 + p_ref[0, 0] + p_ref[0, 1]
        dis = lax.rsqrt(deg)[:, None]
        d_ref[...] = dis
        o_ref[...] = h_ref[...] * dis

    return pl.pallas_call(
        body,
        grid=(NPAD // BR,),
        in_specs=[
            pl.BlockSpec((1, NC, BR), lambda i: (0, 0, i)),
            pl.BlockSpec((BR, HID), lambda i: (i, 0)),
        ],
        out_specs=[
            pl.BlockSpec((BR, HID), lambda i: (i, 0)),
            pl.BlockSpec((BR, 1), lambda i: (i, 0)),
        ],
        out_shape=[
            jax.ShapeDtypeStruct((NPAD, HID), jnp.float32),
            jax.ShapeDtypeStruct((NPAD, 1), jnp.float32),
        ],
    )(degp.reshape(1, NC, NPAD), h1)


def _tc_rs(accp, h1s, dis, b1):
    BR = 640

    def body(a_ref, h_ref, d_ref, b_ref, o_ref):
        t = (a_ref[0] + a_ref[1] + h_ref[...]) * d_ref[...] + b_ref[...]
        o_ref[...] = jnp.maximum(t, 0.0) * d_ref[...]

    return pl.pallas_call(
        body,
        grid=(NPAD // BR,),
        in_specs=[
            pl.BlockSpec((NC, BR, HID), lambda i: (0, i, 0)),
            pl.BlockSpec((BR, HID), lambda i: (i, 0)),
            pl.BlockSpec((BR, 1), lambda i: (i, 0)),
            pl.BlockSpec((1, HID), lambda i: (0, 0)),
        ],
        out_specs=pl.BlockSpec((BR, HID), lambda i: (i, 0)),
        out_shape=jax.ShapeDtypeStruct((NPAD, HID), jnp.float32),
    )(accp, h1s, dis, b1)


def _tc_out(accp2, rs, dis, W2, b2):
    BR = 1000

    def body(a_ref, r_ref, d_ref, w_ref, b_ref, o_ref):
        t = (a_ref[0] + a_ref[1] + r_ref[...]) * d_ref[...]
        o_ref[...] = (
            jnp.dot(t, w_ref[...], preferred_element_type=jnp.float32)
            + b_ref[...]
        )

    return pl.pallas_call(
        body,
        grid=(N // BR,),
        in_specs=[
            pl.BlockSpec((NC, BR, HID), lambda i: (0, i, 0)),
            pl.BlockSpec((BR, HID), lambda i: (i, 0)),
            pl.BlockSpec((BR, 1), lambda i: (i, 0)),
            pl.BlockSpec((HID, OUT_DIM), lambda i: (0, 0)),
            pl.BlockSpec((1, OUT_DIM), lambda i: (0, 0)),
        ],
        out_specs=pl.BlockSpec((BR, OUT_DIM), lambda i: (i, 0)),
        out_shape=jax.ShapeDtypeStruct((N, OUT_DIM), jnp.float32),
    )(accp2, rs, dis, W2, b2)



def kernel(x, edge_index, W1, b1, W2, b2):
    ei = edge_index.astype(jnp.int32)
    pad = EPAD - E
    srcp = jnp.concatenate([ei[0], jnp.zeros((pad,), jnp.int32)])
    srcp = srcp.reshape(NW, NCH, CH)
    dstp = jnp.concatenate([ei[1], jnp.full((pad,), N, jnp.int32)])
    dstp = dstp.reshape(NW, NCH, CH)

    xp = jnp.pad(x, ((0, NPAD - N), (0, 0)))
    h1 = _tc_h1(xp, W1)
    degp = _sc_degree_kernel()(dstp)
    h1s, dis = _tc_scale(degp, h1)
    accp1 = _sc_aggregate_kernel()(h1s, srcp, dstp)
    rs = _tc_rs(accp1, h1s, dis, b1.reshape(1, HID))
    accp2 = _sc_aggregate_kernel()(rs, srcp, dstp)
    return _tc_out(accp2, rs, dis, W2, b2.reshape(1, OUT_DIM))

# --- scband reference (transcript-rebuilt; emitter-appended) ---
"""Pipeline reference for scband-net-16982300688706 (READ-ONLY COPY).

The authoritative reference and input builder live on the scoring server;
editing this copy changes nothing except your own understanding.
"""

import jax, jax.numpy as jnp
import numpy as np

N_NODES = 10000
N_EDGES = 320000
IN_DIM = 128
HID_DIM = 16
OUT_DIM = 40


def gcn_conv(x, edge_index, W, b):
    # GCNConv: add self-loops, symmetric normalization, linear transform, scatter-add aggregation
    n = x.shape[0]
    loop = jnp.arange(n, dtype=edge_index.dtype)
    src = jnp.concatenate([edge_index[0], loop])
    dst = jnp.concatenate([edge_index[1], loop])
    deg = jnp.zeros((n,), dtype=x.dtype).at[dst].add(1.0)
    deg_inv_sqrt = jnp.where(deg > 0, deg ** -0.5, 0.0)
    norm = deg_inv_sqrt[src] * deg_inv_sqrt[dst]
    h = x @ W
    msgs = h[src] * norm[:, None]
    out = jnp.zeros((n, W.shape[1]), dtype=x.dtype).at[dst].add(msgs)
    return out + b


def setup_inputs(seed: int = 0) -> dict:
    key = jax.random.key(seed)
    k1, k2, k3, k4, k5, k6 = jax.random.split(key, 6)
    x = jax.random.normal(k1, (N_NODES, IN_DIM), dtype=jnp.float32)
    edge_index = jax.random.randint(k2, (2, N_EDGES), 0, N_NODES, dtype=jnp.int64)
    # glorot-style init for GCN weights
    W1 = jax.random.normal(k3, (IN_DIM, HID_DIM), dtype=jnp.float32) * (1.0 / np.sqrt(IN_DIM))
    b1 = jnp.zeros((HID_DIM,), dtype=jnp.float32)
    W2 = jax.random.normal(k4, (HID_DIM, OUT_DIM), dtype=jnp.float32) * (1.0 / np.sqrt(HID_DIM))
    b2 = jnp.zeros((OUT_DIM,), dtype=jnp.float32)
    return {"x": x, "edge_index": edge_index, "W1": W1, "b1": b1, "W2": W2, "b2": b2}


def reference(x, edge_index, W1, b1, W2, b2):
    h = gcn_conv(x, edge_index, W1, b1)
    h = jax.nn.relu(h)
    # F.dropout(training=self.training): identity in eval mode
    out = gcn_conv(h, edge_index, W2, b2)
    return out

if __name__ == "__main__":
    import jax
    _d = setup_inputs()
    print(jax.jit(kernel)(*tuple(_d.values())))

</pallas_src>

<mosaic_0001>
#map = affine_map<(d0, d1) -> (0, 0, 0)>
#map1 = affine_map<(d0, d1) -> (0, 0)>
module attributes {stable_mosaic.version = 14 : i64} {
  func.func @_sc_degree_body(%arg0: i32, %arg1: i32, %arg2: memref<32x80x128xi32, #tpu.memory_space<hbm>>, %arg3: memref<2x10240xf32, #tpu.memory_space<hbm>>, %arg4: memref<80x128xi32, #tpu.memory_space<vmem>>, %arg5: memref<128xf32, #tpu.memory_space<vmem>>, %arg6: memref<640xf32, #tpu.memory_space<vmem>>, %arg7: memref<10240xf32, #tpu.memory_space<vmem_shared>>) attributes {dimension_semantics = [#tpu.dimension_semantics<core_parallel>, #tpu.dimension_semantics<subcore_parallel>], iteration_bounds = array<i64: 2, 16>, scalar_prefetch = 0 : i64, scratch_operands = 4 : i64, tpu.core_type = #tpu.core_type<sc_vector_subcore>, window_params = [{transform_indices = #map}, {transform_indices = #map1}]} {
    %mul3A = arith.constant 16 : i32
    %mul3A_0 = arith.muli %arg0, %mul3A : i32
    %add3A = arith.addi %mul3A_0, %arg1 : i32
    %scan3A = arith.constant 0 : i32
    %scan3A_1 = arith.constant 8 : i32
    %scan3A_2 = arith.addi %scan3A, %scan3A_1 : i32
    %scan3A_3 = arith.constant 1 : i32
    scf.for %scan3A_22 = %scan3A to %scan3A_2 step %scan3A_3  : i32 {
      %mul3A_23 = arith.constant 1 : i32
      %mul3A_24 = arith.muli %scan3A_22, %mul3A_23 : i32
      %add3A_25 = arith.constant 0 : i32
      %add3A_26 = arith.addi %add3A_25, %mul3A_24 : i32
      %broadcast_in_dim3A = arith.constant 1.000000e+00 : f32
      %broadcast_in_dim3A_27 = vector.broadcast %broadcast_in_dim3A : f32 to vector<16xf32>
      %mul3A_28 = arith.constant 16 : i32
      %mul3A_29 = arith.muli %add3A_26, %mul3A_28 : i32
      %swap3A = arith.index_cast %mul3A_29 : i32 to index
      %swap3A_30 = tpu.vector_load %arg5[%swap3A] {strides = array<i32>} : memref<128xf32, #tpu.memory_space<vmem>>, vector<16xf32>,
      %swap3A_31 = vector.shape_cast %swap3A_30 : vector<16xf32> to vector<16xf32>
      %swap3A_32 = vector.shape_cast %broadcast_in_dim3A_27 : vector<16xf32> to vector<16xf32>
      tpu.vector_store %arg5[%swap3A], %swap3A_32 {strides = array<i32>} : memref<128xf32, #tpu.memory_space<vmem>>, vector<16xf32>,
    }
    %scan3A_4 = arith.constant 8 : i32
    %scan3A_5 = arith.constant 0 : i32
    %scan3A_6 = arith.constant 40 : i32
    %scan3A_7 = arith.addi %scan3A_5, %scan3A_6 : i32
    %scan3A_8 = arith.constant 1 : i32
    scf.for %scan3A_22 = %scan3A_5 to %scan3A_7 step %scan3A_8  : i32 {
      %mul3A_23 = arith.constant 1 : i32
      %mul3A_24 = arith.muli %scan3A_22, %mul3A_23 : i32
      %add3A_25 = arith.constant 0 : i32
      %add3A_26 = arith.addi %add3A_25, %mul3A_24 : i32
      %broadcast_in_dim3A = arith.constant 0.000000e+00 : f32
      %broadcast_in_dim3A_27 = vector.broadcast %broadcast_in_dim3A : f32 to vector<16xf32>
      %mul3A_28 = arith.constant 16 : i32
      %mul3A_29 = arith.muli %add3A_26, %mul3A_28 : i32
      %swap3A = arith.index_cast %mul3A_29 : i32 to index
      %swap3A_30 = tpu.vector_load %arg6[%swap3A] {strides = array<i32>} : memref<640xf32, #tpu.memory_space<vmem>>, vector<16xf32>,
      %swap3A_31 = vector.shape_cast %swap3A_30 : vector<16xf32> to vector<16xf32>
      %swap3A_32 = vector.shape_cast %broadcast_in_dim3A_27 : vector<16xf32> to vector<16xf32>
      tpu.vector_store %arg6[%swap3A], %swap3A_32 {strides = array<i32>} : memref<640xf32, #tpu.memory_space<vmem>>, vector<16xf32>,
    }
    %scan3A_9 = arith.constant 40 : i32
    %mul3A_10 = arith.constant 640 : i32
    %mul3A_11 = arith.muli %arg1, %mul3A_10 : i32
    "tpu.region"() ({
      %run_scoped3A = tpu.sem_alloc : memref<!tpu.dma_semaphore, #tpu.memory_space<semaphore_mem>>
      %dma_start3A = tpu.memref_slice %arg7[%mul3A_11] : memref<10240xf32, #tpu.memory_space<vmem_shared>> -> memref<640xf32, #tpu.memory_space<vmem_shared>>
      %dma_start3A_22 = tpu.memref_slice %arg7[%mul3A_11] : memref<10240xf32, #tpu.memory_space<vmem_shared>> -> memref<640xf32, #tpu.memory_space<vmem_shared>>
      tpu.enqueue_dma source(%arg6 : memref<640xf32, #tpu.memory_space<vmem>>) target(%dma_start3A_22 : memref<640xf32, #tpu.memory_space<vmem_shared>>) target_semaphore(%run_scoped3A : memref<!tpu.dma_semaphore, #tpu.memory_space<semaphore_mem>>)
      %dma_wait3A = tpu.memref_slice %arg7[%mul3A_11] : memref<10240xf32, #tpu.memory_space<vmem_shared>> -> memref<640xf32, #tpu.memory_space<vmem_shared>>
      %dma_wait3A_23 = tpu.memref_slice %arg7[%mul3A_11] : memref<10240xf32, #tpu.memory_space<vmem_shared>> -> memref<640xf32, #tpu.memory_space<vmem_shared>>
      tpu.wait_dma2 semaphore(%run_scoped3A : memref<!tpu.dma_semaphore, #tpu.memory_space<semaphore_mem>>) src(%arg6 : memref<640xf32, #tpu.memory_space<vmem>>) dst(%dma_wait3A_23 : memref<640xf32, #tpu.memory_space<vmem_shared>>)
      tpu.yield
    }) : () -> ()
    "tpu.region"() ({
      %run_scoped3A = tpu.sem_alloc : memref<!tpu.dma_semaphore, #tpu.memory_space<semaphore_mem>>
      %dma_start3A = arith.constant 0 : i32
      %dma_start3A_22 = arith.constant 0 : i32
      %dma_start3A_23 = tpu.memref_slice %arg2[%add3A, %dma_start3A, %dma_start3A_22] : memref<32x80x128xi32, #tpu.memory_space<hbm>> -> memref<1x80x128xi32, #tpu.memory_space<hbm>>
      %dma_start3A_24 = tpu.memref_squeeze %dma_start3A_23 : memref<1x80x128xi32, #tpu.memory_space<hbm>> -> memref<80x128xi32, #tpu.memory_space<hbm>>
      %dma_start3A_25 = arith.constant 0 : i32
      %dma_start3A_26 = arith.constant 0 : i32
      %dma_start3A_27 = tpu.memref_slice %arg2[%add3A, %dma_start3A_25, %dma_start3A_26] : memref<32x80x128xi32, #tpu.memory_space<hbm>> -> memref<1x80x128xi32, #tpu.memory_space<hbm>>
      %dma_start3A_28 = tpu.memref_squeeze %dma_start3A_27 : memref<1x80x128xi32, #tpu.memory_space<hbm>> -> memref<80x128xi32, #tpu.memory_space<hbm>>
      tpu.enqueue_dma source(%dma_start3A_28 : memref<80x128xi32, #tpu.memory_space<hbm>>) target(%arg4 : memref<80x128xi32, #tpu.memory_space<vmem>>) target_semaphore(%run_scoped3A : memref<!tpu.dma_semaphore, #tpu.memory_space<semaphore_mem>>)
      %dma_wait3A = arith.constant 0 : i32
      %dma_wait3A_29 = arith.constant 0 : i32
      %dma_wait3A_30 = tpu.memref_slice %arg2[%add3A, %dma_wait3A, %dma_wait3A_29] : memref<32x80x128xi32, #tpu.memory_space<hbm>> -> memref<1x80x128xi32, #tpu.memory_space<hbm>>
      %dma_wait3A_31 = tpu.memref_squeeze %dma_wait3A_30 : memref<1x80x128xi32, #tpu.memory_space<hbm>> -> memref<80x128xi32, #tpu.memory_space<hbm>>
      %dma_wait3A_32 = arith.constant 0 : i32
      %dma_wait3A_33 = arith.constant 0 : i32
      %dma_wait3A_34 = tpu.memref_slice %arg2[%add3A, %dma_wait3A_32, %dma_wait3A_33] : memref<32x80x128xi32, #tpu.memory_space<hbm>> -> memref<1x80x128xi32, #tpu.memory_space<hbm>>
      %dma_wait3A_35 = tpu.memref_squeeze %dma_wait3A_34 : memref<1x80x128xi32, #tpu.memory_space<hbm>> -> memref<80x128xi32, #tpu.memory_space<hbm>>
      tpu.wait_dma2 semaphore(%run_scoped3A : memref<!tpu.dma_semaphore, #tpu.memory_space<semaphore_mem>>) src(%dma_wait3A_35 : memref<80x128xi32, #tpu.memory_space<hbm>>) dst(%arg4 : memref<80x128xi32, #tpu.memory_space<vmem>>)
      tpu.yield
    }) : () -> ()
    %barrier3A = arith.constant 0 : index
    tpu.barrier barrier_id(%barrier3A)
    %scan3A_12 = arith.constant 0 : i32
    %scan3A_13 = arith.constant 80 : i32
    %scan3A_14 = arith.addi %scan3A_12, %scan3A_13 : i32
    %scan3A_15 = arith.constant 1 : i32
    scf.for %scan3A_22 = %scan3A_12 to %scan3A_14 step %scan3A_15  : i32 {
      %mul3A_23 = arith.constant 1 : i32
      %mul3A_24 = arith.muli %scan3A_22, %mul3A_23 : i32
      %add3A_25 = arith.constant 0 : i32
      %add3A_26 = arith.addi %add3A_25, %mul3A_24 : i32
      "tpu.region"() ({
        %run_scoped3A = tpu.sem_alloc : memref<!tpu.dma_semaphore, #tpu.memory_space<semaphore_mem>>
        %dma_start3A = arith.constant 0 : i32
        %dma_start3A_27 = tpu.memref_slice %arg4[%add3A_26, %dma_start3A] : memref<80x128xi32, #tpu.memory_space<vmem>> -> memref<1x128xi32, #tpu.memory_space<vmem>>
        %dma_start3A_28 = tpu.memref_squeeze %dma_start3A_27 : memref<1x128xi32, #tpu.memory_space<vmem>> -> memref<128xi32, #tpu.memory_space<vmem>>
        %dma_start3A_29 = arith.constant 0 : i32
        %dma_start3A_30 = tpu.memref_slice %arg7[%dma_start3A_29] : memref<10240xf32, #tpu.memory_space<vmem_shared>> -> memref<10240xf32, #tpu.memory_space<vmem_shared>>
        tpu.enqueue_indirect_dma source(%arg5 : memref<128xf32, #tpu.memory_space<vmem>>) target(%dma_start3A_30 : memref<10240xf32, #tpu.memory_space<vmem_shared>>) offsets(%dma_start3A_28 : memref<128xi32, #tpu.memory_space<vmem>>) semaphore(%run_scoped3A : memref<!tpu.dma_semaphore, #tpu.memory_space<semaphore_mem>>) {add = true}
        %dma_wait3A = arith.constant 0 : i32
        %dma_wait3A_31 = tpu.memref_slice %arg4[%add3A_26, %dma_wait3A] : memref<80x128xi32, #tpu.memory_space<vmem>> -> memref<1x128xi32, #tpu.memory_space<vmem>>
        %dma_wait3A_32 = tpu.memref_squeeze %dma_wait3A_31 : memref<1x128xi32, #tpu.memory_space<vmem>> -> memref<128xi32, #tpu.memory_space<vmem>>
        %dma_wait3A_33 = arith.constant 0 : i32
        %dma_wait3A_34 = tpu.memref_slice %arg7[%dma_wait3A_33] : memref<10240xf32, #tpu.memory_space<vmem_shared>> -> memref<10240xf32, #tpu.memory_space<vmem_shared>>
        tpu.wait_indirect_dma semaphore(%run_scoped3A : memref<!tpu.dma_semaphore, #tpu.memory_space<semaphore_mem>>) src(%arg5 : memref<128xf32, #tpu.memory_space<vmem>>) dst(%dma_wait3A_34 : memref<10240xf32, #tpu.memory_space<vmem_shared>>)
        tpu.yield
      }) : () -> ()
    }
    %scan3A_16 = arith.constant 80 : i32
    %barrier3A_17 = arith.constant 0 : index
    tpu.barrier barrier_id(%barrier3A_17)
    %mul3A_18 = arith.constant 640 : i32
    %mul3A_19 = arith.muli %arg1, %mul3A_18 : i32
    %mul3A_20 = arith.constant 640 : i32
    %mul3A_21 = arith.muli %arg1, %mul3A_20 : i32
    "tpu.region"() ({
      %run_scoped3A = tpu.sem_alloc : memref<!tpu.dma_semaphore, #tpu.memory_space<semaphore_mem>>
      %dma_start3A = tpu.memref_slice %arg3[%arg0, %mul3A_21] : memref<2x10240xf32, #tpu.memory_space<hbm>> -> memref<1x640xf32, #tpu.memory_space<hbm>>
      %dma_start3A_22 = tpu.memref_squeeze %dma_start3A : memref<1x640xf32, #tpu.memory_space<hbm>> -> memref<640xf32, #tpu.memory_space<hbm>>
      %dma_start3A_23 = tpu.memref_slice %arg7[%mul3A_19] : memref<10240xf32, #tpu.memory_space<vmem_shared>> -> memref<640xf32, #tpu.memory_space<vmem_shared>>
      tpu.enqueue_dma source(%dma_start3A_23 : memref<640xf32, #tpu.memory_space<vmem_shared>>) target(%dma_start3A_22 : memref<640xf32, #tpu.memory_space<hbm>>) target_semaphore(%run_scoped3A : memref<!tpu.dma_semaphore, #tpu.memory_space<semaphore_mem>>)
      %dma_wait3A = tpu.memref_slice %arg3[%arg0, %mul3A_21] : memref<2x10240xf32, #tpu.memory_space<hbm>> -> memref<1x640xf32, #tpu.memory_space<hbm>>
      %dma_wait3A_24 = tpu.memref_squeeze %dma_wait3A : memref<1x640xf32, #tpu.memory_space<hbm>> -> memref<640xf32, #tpu.memory_space<hbm>>
      %dma_wait3A_25 = tpu.memref_slice %arg7[%mul3A_19] : memref<10240xf32, #tpu.memory_space<vmem_shared>> -> memref<640xf32, #tpu.memory_space<vmem_shared>>
      tpu.wait_dma2 semaphore(%run_scoped3A : memref<!tpu.dma_semaphore, #tpu.memory_space<semaphore_mem>>) src(%dma_wait3A_25 : memref<640xf32, #tpu.memory_space<vmem_shared>>) dst(%dma_wait3A_24 : memref<640xf32, #tpu.memory_space<hbm>>)
      tpu.yield
    }) : () -> ()
    return
  }
}

#map = affine_map<(d0, d1) -> (0, 0)>
#map1 = affine_map<(d0, d1) -> (0, 0, 0)>
module attributes {stable_mosaic.version = 14 : i64} {
  func.func @_sc_aggregate_body(%arg0: i32, %arg1: i32, %arg2: memref<10240x16xf32, #tpu.memory_space<hbm>>, %arg3: memref<32x80x128xi32, #tpu.memory_space<hbm>>, %arg4: memref<32x80x128xi32, #tpu.memory_space<hbm>>, %arg5: memref<2x10240x16xf32, #tpu.memory_space<hbm>>, %arg6: memref<80x128xi32, #tpu.memory_space<vmem>>, %arg7: memref<80x128xi32, #tpu.memory_space<vmem>>, %arg8: memref<8x128x16xf32, #tpu.memory_space<vmem>>, %arg9: memref<640x16xf32, #tpu.memory_space<vmem>>, %arg10: memref<10240x16xf32, #tpu.memory_space<vmem_shared>>, %arg11: memref<10240x16xf32, #tpu.memory_space<vmem_shared>>, %arg12: memref<!tpu.dma_semaphore, #tpu.memory_space<semaphore_mem>>, %arg13: memref<!tpu.dma_semaphore, #tpu.memory_space<semaphore_mem>>, %arg14: memref<!tpu.dma_semaphore, #tpu.memory_space<semaphore_mem>>, %arg15: memref<!tpu.dma_semaphore, #tpu.memory_space<semaphore_mem>>, %arg16: memref<!tpu.dma_semaphore, #tpu.memory_space<semaphore_mem>>, %arg17: memref<!tpu.dma_semaphore, #tpu.memory_space<semaphore_mem>>, %arg18: memref<!tpu.dma_semaphore, #tpu.memory_space<semaphore_mem>>, %arg19: memref<!tpu.dma_semaphore, #tpu.memory_space<semaphore_mem>>, %arg20: memref<!tpu.dma_semaphore, #tpu.memory_space<semaphore_mem>>, %arg21: memref<!tpu.dma_semaphore, #tpu.memory_space<semaphore_mem>>, %arg22: memref<!tpu.dma_semaphore, #tpu.memory_space<semaphore_mem>>, %arg23: memref<!tpu.dma_semaphore, #tpu.memory_space<semaphore_mem>>, %arg24: memref<!tpu.dma_semaphore, #tpu.memory_space<semaphore_mem>>, %arg25: memref<!tpu.dma_semaphore, #tpu.memory_space<semaphore_mem>>, %arg26: memref<!tpu.dma_semaphore, #tpu.memory_space<semaphore_mem>>, %arg27: memref<!tpu.dma_semaphore, #tpu.memory_space<semaphore_mem>>) attributes {dimension_semantics = [#tpu.dimension_semantics<core_parallel>, #tpu.dimension_semantics<subcore_parallel>], iteration_bounds = array<i64: 2, 16>, scalar_prefetch = 0 : i64, scratch_operands = 22 : i64, tpu.core_type = #tpu.core_type<sc_vector_subcore>, window_params = [{transform_indices = #map}, {transform_indices = #map1}, {transform_indices = #map1}, {transform_indices = #map1}]} {
    %mul3A = arith.constant 16 : i32
    %mul3A_0 = arith.muli %arg0, %mul3A : i32
    %add3A = arith.addi %mul3A_0, %arg1 : i32
    %scan3A = arith.constant 0 : i32
    %scan3A_1 = arith.constant 640 : i32
    %scan3A_2 = arith.addi %scan3A, %scan3A_1 : i32
    %scan3A_3 = arith.constant 1 : i32
    scf.for %scan3A_403 = %scan3A to %scan3A_2 step %scan3A_3  : i32 {
      %mul3A_404 = arith.constant 1 : i32
      %mul3A_405 = arith.muli %scan3A_403, %mul3A_404 : i32
      %add3A_406 = arith.constant 0 : i32
      %add3A_407 = arith.addi %add3A_406, %mul3A_405 : i32
      %broadcast_in_dim3A = arith.constant 0.000000e+00 : f32
      %broadcast_in_dim3A_408 = vector.broadcast %broadcast_in_dim3A : f32 to vector<16xf32>
      %swap3A = arith.index_cast %add3A_407 : i32 to index
      %swap3A_409 = arith.constant 0 : index
      %swap3A_410 = tpu.vector_load %arg9[%swap3A, %swap3A_409] {strides = array<i32>} : memref<640x16xf32, #tpu.memory_space<vmem>>, vector<1x16xf32>,
      %swap3A_411 = vector.shape_cast %swap3A_410 : vector<1x16xf32> to vector<16xf32>
      %swap3A_412 = vector.shape_cast %broadcast_in_dim3A_408 : vector<16xf32> to vector<1x16xf32>
      tpu.vector_store %arg9[%swap3A, %swap3A_409], %swap3A_412 {strides = array<i32>} : memref<640x16xf32, #tpu.memory_space<vmem>>, vector<1x16xf32>,
    }
    %scan3A_4 = arith.constant 640 : i32
    %mul3A_5 = arith.constant 640 : i32
    %mul3A_6 = arith.muli %arg1, %mul3A_5 : i32
    "tpu.region"() ({
      %run_scoped3A = tpu.sem_alloc : memref<!tpu.dma_semaphore, #tpu.memory_space<semaphore_mem>>
      %dma_start3A_403 = arith.constant 0 : i32
      %dma_start3A_404 = tpu.memref_slice %arg10[%mul3A_6, %dma_start3A_403] : memref<10240x16xf32, #tpu.memory_space<vmem_shared>> -> memref<640x16xf32, #tpu.memory_space<vmem_shared>>
      %dma_start3A_405 = arith.constant 0 : i32
      %dma_start3A_406 = tpu.memref_slice %arg10[%mul3A_6, %dma_start3A_405] : memref<10240x16xf32, #tpu.memory_space<vmem_shared>> -> memref<640x16xf32, #tpu.memory_space<vmem_shared>>
      tpu.enqueue_dma source(%arg9 : memref<640x16xf32, #tpu.memory_space<vmem>>) target(%dma_start3A_406 : memref<640x16xf32, #tpu.memory_space<vmem_shared>>) target_semaphore(%run_scoped3A : memref<!tpu.dma_semaphore, #tpu.memory_space<semaphore_mem>>)
      %dma_wait3A_407 = arith.constant 0 : i32
      %dma_wait3A_408 = tpu.memref_slice %arg10[%mul3A_6, %dma_wait3A_407] : memref<10240x16xf32, #tpu.memory_space<vmem_shared>> -> memref<640x16xf32, #tpu.memory_space<vmem_shared>>
      %dma_wait3A_409 = arith.constant 0 : i32
      %dma_wait3A_410 = tpu.memref_slice %arg10[%mul3A_6, %dma_wait3A_409] : memref<10240x16xf32, #tpu.memory_space<vmem_shared>> -> memref<640x16xf32, #tpu.memory_space<vmem_shared>>
      tpu.wait_dma2 semaphore(%run_scoped3A : memref<!tpu.dma_semaphore, #tpu.memory_space<semaphore_mem>>) src(%arg9 : memref<640x16xf32, #tpu.memory_space<vmem>>) dst(%dma_wait3A_410 : memref<640x16xf32, #tpu.memory_space<vmem_shared>>)
      tpu.yield
    }) : () -> ()
    %mul3A_7 = arith.constant 640 : i32
    %mul3A_8 = arith.muli %arg1, %mul3A_7 : i32
    %mul3A_9 = arith.constant 640 : i32
    %mul3A_10 = arith.muli %arg1, %mul3A_9 : i32
    "tpu.region"() ({
      %run_scoped3A = tpu.sem_alloc : memref<!tpu.dma_semaphore, #tpu.memory_space<semaphore_mem>>
      %dma_start3A_403 = arith.constant 0 : i32
      %dma_start3A_404 = tpu.memref_slice %arg11[%mul3A_10, %dma_start3A_403] : memref<10240x16xf32, #tpu.memory_space<vmem_shared>> -> memref<640x16xf32, #tpu.memory_space<vmem_shared>>
      %dma_start3A_405 = arith.constant 0 : i32
      %dma_start3A_406 = tpu.memref_slice %arg2[%mul3A_8, %dma_start3A_405] : memref<10240x16xf32, #tpu.memory_space<hbm>> -> memref<640x16xf32, #tpu.memory_space<hbm>>
      tpu.enqueue_dma source(%dma_start3A_406 : memref<640x16xf32, #tpu.memory_space<hbm>>) target(%dma_start3A_404 : memref<640x16xf32, #tpu.memory_space<vmem_shared>>) target_semaphore(%run_scoped3A : memref<!tpu.dma_semaphore, #tpu.memory_space<semaphore_mem>>)
      %dma_wait3A_407 = arith.constant 0 : i32
      %dma_wait3A_408 = tpu.memref_slice %arg11[%mul3A_10, %dma_wait3A_407] : memref<10240x16xf32, #tpu.memory_space<vmem_shared>> -> memref<640x16xf32, #tpu.memory_space<vmem_shared>>
      %dma_wait3A_409 = arith.constant 0 : i32
      %dma_wait3A_410 = tpu.memref_slice %arg2[%mul3A_8, %dma_wait3A_409] : memref<10240x16xf32, #tpu.memory_space<hbm>> -> memref<640x16xf32, #tpu.memory_space<hbm>>
      tpu.wait_dma2 semaphore(%run_scoped3A : memref<!tpu.dma_semaphore, #tpu.memory_space<semaphore_mem>>) src(%dma_wait3A_410 : memref<640x16xf32, #tpu.memory_space<hbm>>) dst(%dma_wait3A_408 : memref<640x16xf32, #tpu.memory_space<vmem_shared>>)
      tpu.yield
    }) : () -> ()
    "tpu.region"() ({
      %run_scoped3A = tpu.sem_alloc : memref<!tpu.dma_semaphore, #tpu.memory_space<semaphore_mem>>
      %dma_start3A_403 = arith.constant 0 : i32
      %dma_start3A_404 = arith.constant 0 : i32
      %dma_start3A_405 = tpu.memref_slice %arg3[%add3A, %dma_start3A_403, %dma_start3A_404] : memref<32x80x128xi32, #tpu.memory_space<hbm>> -> memref<1x80x128xi32, #tpu.memory_space<hbm>>
      %dma_start3A_406 = tpu.memref_squeeze %dma_start3A_405 : memref<1x80x128xi32, #tpu.memory_space<hbm>> -> memref<80x128xi32, #tpu.memory_space<hbm>>
      %dma_start3A_407 = arith.constant 0 : i32
      %dma_start3A_408 = arith.constant 0 : i32
      %dma_start3A_409 = tpu.memref_slice %arg3[%add3A, %dma_start3A_407, %dma_start3A_408] : memref<32x80x128xi32, #tpu.memory_space<hbm>> -> memref<1x80x128xi32, #tpu.memory_space<hbm>>
      %dma_start3A_410 = tpu.memref_squeeze %dma_start3A_409 : memref<1x80x128xi32, #tpu.memory_space<hbm>> -> memref<80x128xi32, #tpu.memory_space<hbm>>
      tpu.enqueue_dma source(%dma_start3A_410 : memref<80x128xi32, #tpu.memory_space<hbm>>) target(%arg6 : memref<80x128xi32, #tpu.memory_space<vmem>>) target_semaphore(%run_scoped3A : memref<!tpu.dma_semaphore, #tpu.memory_space<semaphore_mem>>)
      %dma_wait3A_411 = arith.constant 0 : i32
      %dma_wait3A_412 = arith.constant 0 : i32
      %dma_wait3A_413 = tpu.memref_slice %arg3[%add3A, %dma_wait3A_411, %dma_wait3A_412] : memref<32x80x128xi32, #tpu.memory_space<hbm>> -> memref<1x80x128xi32, #tpu.memory_space<hbm>>
      %dma_wait3A_414 = tpu.memref_squeeze %dma_wait3A_413 : memref<1x80x128xi32, #tpu.memory_space<hbm>> -> memref<80x128xi32, #tpu.memory_space<hbm>>
      %dma_wait3A_415 = arith.constant 0 : i32
      %dma_wait3A_416 = arith.constant 0 : i32
      %dma_wait3A_417 = tpu.memref_slice %arg3[%add3A, %dma_wait3A_415, %dma_wait3A_416] : memref<32x80x128xi32, #tpu.memory_space<hbm>> -> memref<1x80x128xi32, #tpu.memory_space<hbm>>
      %dma_wait3A_418 = tpu.memref_squeeze %dma_wait3A_417 : memref<1x80x128xi32, #tpu.memory_space<hbm>> -> memref<80x128xi32, #tpu.memory_space<hbm>>
      tpu.wait_dma2 semaphore(%run_scoped3A : memref<!tpu.dma_semaphore, #tpu.memory_space<semaphore_mem>>) src(%dma_wait3A_418 : memref<80x128xi32, #tpu.memory_space<hbm>>) dst(%arg6 : memref<80x128xi32, #tpu.memory_space<vmem>>)
      tpu.yield
    }) : () -> ()
    "tpu.region"() ({
      %run_scoped3A = tpu.sem_alloc : memref<!tpu.dma_semaphore, #tpu.memory_space<semaphore_mem>>
      %dma_start3A_403 = arith.constant 0 : i32
      %dma_start3A_404 = arith.constant 0 : i32
      %dma_start3A_405 = tpu.memref_slice %arg4[%add3A, %dma_start3A_403, %dma_start3A_404] : memref<32x80x128xi32, #tpu.memory_space<hbm>> -> memref<1x80x128xi32, #tpu.memory_space<hbm>>
      %dma_start3A_406 = tpu.memref_squeeze %dma_start3A_405 : memref<1x80x128xi32, #tpu.memory_space<hbm>> -> memref<80x128xi32, #tpu.memory_space<hbm>>
      %dma_start3A_407 = arith.constant 0 : i32
      %dma_start3A_408 = arith.constant 0 : i32
      %dma_start3A_409 = tpu.memref_slice %arg4[%add3A, %dma_start3A_407, %dma_start3A_408] : memref<32x80x128xi32, #tpu.memory_space<hbm>> -> memref<1x80x128xi32, #tpu.memory_space<hbm>>
      %dma_start3A_410 = tpu.memref_squeeze %dma_start3A_409 : memref<1x80x128xi32, #tpu.memory_space<hbm>> -> memref<80x128xi32, #tpu.memory_space<hbm>>
      tpu.enqueue_dma source(%dma_start3A_410 : memref<80x128xi32, #tpu.memory_space<hbm>>) target(%arg7 : memref<80x128xi32, #tpu.memory_space<vmem>>) target_semaphore(%run_scoped3A : memref<!tpu.dma_semaphore, #tpu.memory_space<semaphore_mem>>)
      %dma_wait3A_411 = arith.constant 0 : i32
      %dma_wait3A_412 = arith.constant 0 : i32
      %dma_wait3A_413 = tpu.memref_slice %arg4[%add3A, %dma_wait3A_411, %dma_wait3A_412] : memref<32x80x128xi32, #tpu.memory_space<hbm>> -> memref<1x80x128xi32, #tpu.memory_space<hbm>>
      %dma_wait3A_414 = tpu.memref_squeeze %dma_wait3A_413 : memref<1x80x128xi32, #tpu.memory_space<hbm>> -> memref<80x128xi32, #tpu.memory_space<hbm>>
      %dma_wait3A_415 = arith.constant 0 : i32
      %dma_wait3A_416 = arith.constant 0 : i32
      %dma_wait3A_417 = tpu.memref_slice %arg4[%add3A, %dma_wait3A_415, %dma_wait3A_416] : memref<32x80x128xi32, #tpu.memory_space<hbm>> -> memref<1x80x128xi32, #tpu.memory_space<hbm>>
      %dma_wait3A_418 = tpu.memref_squeeze %dma_wait3A_417 : memref<1x80x128xi32, #tpu.memory_space<hbm>> -> memref<80x128xi32, #tpu.memory_space<hbm>>
      tpu.wait_dma2 semaphore(%run_scoped3A : memref<!tpu.dma_semaphore, #tpu.memory_space<semaphore_mem>>) src(%dma_wait3A_418 : memref<80x128xi32, #tpu.memory_space<hbm>>) dst(%arg7 : memref<80x128xi32, #tpu.memory_space<vmem>>)
      tpu.yield
    }) : () -> ()
    %barrier3A = arith.constant 0 : index
    tpu.barrier barrier_id(%barrier3A)
    %dma_start3A = arith.constant 0 : i32
    %dma_start3A_11 = arith.constant 0 : i32
    %dma_start3A_12 = arith.constant 0 : i32
    %dma_start3A_13 = arith.constant 0 : i32
    %dma_start3A_14 = tpu.memref_slice %arg8[%dma_start3A_11, %dma_start3A_12, %dma_start3A_13] : memref<8x128x16xf32, #tpu.memory_space<vmem>> -> memref<1x128x16xf32, #tpu.memory_space<vmem>>
    %dma_start3A_15 = tpu.memref_squeeze %dma_start3A_14 : memref<1x128x16xf32, #tpu.memory_space<vmem>> -> memref<128x16xf32, #tpu.memory_space<vmem>>
    %dma_start3A_16 = arith.constant 0 : i32
    %dma_start3A_17 = tpu.memref_slice %arg6[%dma_start3A, %dma_start3A_16] : memref<80x128xi32, #tpu.memory_space<vmem>> -> memref<1x128xi32, #tpu.memory_space<vmem>>
    %dma_start3A_18 = tpu.memref_squeeze %dma_start3A_17 : memref<1x128xi32, #tpu.memory_space<vmem>> -> memref<128xi32, #tpu.memory_space<vmem>>
    %dma_start3A_19 = arith.constant 0 : i32
    %dma_start3A_20 = arith.constant 0 : i32
    %dma_start3A_21 = tpu.memref_slice %arg11[%dma_start3A_19, %dma_start3A_20] : memref<10240x16xf32, #tpu.memory_space<vmem_shared>> -> memref<10240x16xf32, #tpu.memory_space<vmem_shared>>
    tpu.enqueue_indirect_dma source(%dma_start3A_21 : memref<10240x16xf32, #tpu.memory_space<vmem_shared>>) target(%dma_start3A_15 : memref<128x16xf32, #tpu.memory_space<vmem>>) offsets(%dma_start3A_18 : memref<128xi32, #tpu.memory_space<vmem>>) semaphore(%arg12 : memref<!tpu.dma_semaphore, #tpu.memory_space<semaphore_mem>>)
    %dma_start3A_22 = arith.constant 1 : i32
    %dma_start3A_23 = arith.constant 1 : i32
    %dma_start3A_24 = arith.constant 0 : i32
    %dma_start3A_25 = arith.constant 0 : i32
    %dma_start3A_26 = tpu.memref_slice %arg8[%dma_start3A_23, %dma_start3A_24, %dma_start3A_25] : memref<8x128x16xf32, #tpu.memory_space<vmem>> -> memref<1x128x16xf32, #tpu.memory_space<vmem>>
    %dma_start3A_27 = tpu.memref_squeeze %dma_start3A_26 : memref<1x128x16xf32, #tpu.memory_space<vmem>> -> memref<128x16xf32, #tpu.memory_space<vmem>>
    %dma_start3A_28 = arith.constant 0 : i32
    %dma_start3A_29 = tpu.memref_slice %arg6[%dma_start3A_22, %dma_start3A_28] : memref<80x128xi32, #tpu.memory_space<vmem>> -> memref<1x128xi32, #tpu.memory_space<vmem>>
    %dma_start3A_30 = tpu.memref_squeeze %dma_start3A_29 : memref<1x128xi32, #tpu.memory_space<vmem>> -> memref<128xi32, #tpu.memory_space<vmem>>
    %dma_start3A_31 = arith.constant 0 : i32
    %dma_start3A_32 = arith.constant 0 : i32
    %dma_start3A_33 = tpu.memref_slice %arg11[%dma_start3A_31, %dma_start3A_32] : memref<10240x16xf32, #tpu.memory_space<vmem_shared>> -> memref<10240x16xf32, #tpu.memory_space<vmem_shared>>
    tpu.enqueue_indirect_dma source(%dma_start3A_33 : memref<10240x16xf32, #tpu.memory_space<vmem_shared>>) target(%dma_start3A_27 : memref<128x16xf32, #tpu.memory_space<vmem>>) offsets(%dma_start3A_30 : memref<128xi32, #tpu.memory_space<vmem>>) semaphore(%arg13 : memref<!tpu.dma_semaphore, #tpu.memory_space<semaphore_mem>>)
    %dma_start3A_34 = arith.constant 2 : i32
    %dma_start3A_35 = arith.constant 2 : i32
    %dma_start3A_36 = arith.constant 0 : i32
    %dma_start3A_37 = arith.constant 0 : i32
    %dma_start3A_38 = tpu.memref_slice %arg8[%dma_start3A_35, %dma_start3A_36, %dma_start3A_37] : memref<8x128x16xf32, #tpu.memory_space<vmem>> -> memref<1x128x16xf32, #tpu.memory_space<vmem>>
    %dma_start3A_39 = tpu.memref_squeeze %dma_start3A_38 : memref<1x128x16xf32, #tpu.memory_space<vmem>> -> memref<128x16xf32, #tpu.memory_space<vmem>>
    %dma_start3A_40 = arith.constant 0 : i32
    %dma_start3A_41 = tpu.memref_slice %arg6[%dma_start3A_34, %dma_start3A_40] : memref<80x128xi32, #tpu.memory_space<vmem>> -> memref<1x128xi32, #tpu.memory_space<vmem>>
    %dma_start3A_42 = tpu.memref_squeeze %dma_start3A_41 : memref<1x128xi32, #tpu.memory_space<vmem>> -> memref<128xi32, #tpu.memory_space<vmem>>
    %dma_start3A_43 = arith.constant 0 : i32
    %dma_start3A_44 = arith.constant 0 : i32
    %dma_start3A_45 = tpu.memref_slice %arg11[%dma_start3A_43, %dma_start3A_44] : memref<10240x16xf32, #tpu.memory_space<vmem_shared>> -> memref<10240x16xf32, #tpu.memory_space<vmem_shared>>
    tpu.enqueue_indirect_dma source(%dma_start3A_45 : memref<10240x16xf32, #tpu.memory_space<vmem_shared>>) target(%dma_start3A_39 : memref<128x16xf32, #tpu.memory_space<vmem>>) offsets(%dma_start3A_42 : memref<128xi32, #tpu.memory_space<vmem>>) semaphore(%arg14 : memref<!tpu.dma_semaphore, #tpu.memory_space<semaphore_mem>>)
    %dma_start3A_46 = arith.constant 3 : i32
    %dma_start3A_47 = arith.constant 3 : i32
    %dma_start3A_48 = arith.constant 0 : i32
    %dma_start3A_49 = arith.constant 0 : i32
    %dma_start3A_50 = tpu.memref_slice %arg8[%dma_start3A_47, %dma_start3A_48, %dma_start3A_49] : memref<8x128x16xf32, #tpu.memory_space<vmem>> -> memref<1x128x16xf32, #tpu.memory_space<vmem>>
    %dma_start3A_51 = tpu.memref_squeeze %dma_start3A_50 : memref<1x128x16xf32, #tpu.memory_space<vmem>> -> memref<128x16xf32, #tpu.memory_space<vmem>>
    %dma_start3A_52 = arith.constant 0 : i32
    %dma_start3A_53 = tpu.memref_slice %arg6[%dma_start3A_46, %dma_start3A_52] : memref<80x128xi32, #tpu.memory_space<vmem>> -> memref<1x128xi32, #tpu.memory_space<vmem>>
    %dma_start3A_54 = tpu.memref_squeeze %dma_start3A_53 : memref<1x128xi32, #tpu.memory_space<vmem>> -> memref<128xi32, #tpu.memory_space<vmem>>
    %dma_start3A_55 = arith.constant 0 : i32
    %dma_start3A_56 = arith.constant 0 : i32
    %dma_start3A_57 = tpu.memref_slice %arg11[%dma_start3A_55, %dma_start3A_56] : memref<10240x16xf32, #tpu.memory_space<vmem_shared>> -> memref<10240x16xf32, #tpu.memory_space<vmem_shared>>
    tpu.enqueue_indirect_dma source(%dma_start3A_57 : memref<10240x16xf32, #tpu.memory_space<vmem_shared>>) target(%dma_start3A_51 : memref<128x16xf32, #tpu.memory_space<vmem>>) offsets(%dma_start3A_54 : memref<128xi32, #tpu.memory_space<vmem>>) semaphore(%arg15 : memref<!tpu.dma_semaphore, #tpu.memory_space<semaphore_mem>>)
    %dma_wait3A = arith.constant 0 : i32
    %dma_wait3A_58 = arith.constant 0 : i32
    %dma_wait3A_59 = arith.constant 0 : i32
    %dma_wait3A_60 = arith.constant 0 : i32
    %dma_wait3A_61 = tpu.memref_slice %arg8[%dma_wait3A_58, %dma_wait3A_59, %dma_wait3A_60] : memref<8x128x16xf32, #tpu.memory_space<vmem>> -> memref<1x128x16xf32, #tpu.memory_space<vmem>>
    %dma_wait3A_62 = tpu.memref_squeeze %dma_wait3A_61 : memref<1x128x16xf32, #tpu.memory_space<vmem>> -> memref<128x16xf32, #tpu.memory_space<vmem>>
    %dma_wait3A_63 = arith.constant 0 : i32
    %dma_wait3A_64 = tpu.memref_slice %arg6[%dma_wait3A, %dma_wait3A_63] : memref<80x128xi32, #tpu.memory_space<vmem>> -> memref<1x128xi32, #tpu.memory_space<vmem>>
    %dma_wait3A_65 = tpu.memref_squeeze %dma_wait3A_64 : memref<1x128xi32, #tpu.memory_space<vmem>> -> memref<128xi32, #tpu.memory_space<vmem>>
    %dma_wait3A_66 = arith.constant 0 : i32
    %dma_wait3A_67 = arith.constant 0 : i32
    %dma_wait3A_68 = tpu.memref_slice %arg11[%dma_wait3A_66, %dma_wait3A_67] : memref<10240x16xf32, #tpu.memory_space<vmem_shared>> -> memref<10240x16xf32, #tpu.memory_space<vmem_shared>>
    tpu.wait_indirect_dma semaphore(%arg12 : memref<!tpu.dma_semaphore, #tpu.memory_space<semaphore_mem>>) src(%dma_wait3A_68 : memref<10240x16xf32, #tpu.memory_space<vmem_shared>>) dst(%dma_wait3A_62 : memref<128x16xf32, #tpu.memory_space<vmem>>)
    %dma_start3A_69 = arith.constant 0 : i32
    %dma_start3A_70 = arith.constant 0 : i32
    %dma_start3A_71 = arith.constant 0 : i32
    %dma_start3A_72 = arith.constant 0 : i32
    %dma_start3A_73 = tpu.memref_slice %arg8[%dma_start3A_69, %dma_start3A_71, %dma_start3A_72] : memref<8x128x16xf32, #tpu.memory_space<vmem>> -> memref<1x128x16xf32, #tpu.memory_space<vmem>>
    %dma_start3A_74 = tpu.memref_squeeze %dma_start3A_73 : memref<1x128x16xf32, #tpu.memory_space<vmem>> -> memref<128x16xf32, #tpu.memory_space<vmem>>
    %dma_start3A_75 = arith.constant 0 : i32
    %dma_start3A_76 = tpu.memref_slice %arg7[%dma_start3A_70, %dma_start3A_75] : memref<80x128xi32, #tpu.memory_space<vmem>> -> memref<1x128xi32, #tpu.memory_space<vmem>>
    %dma_start3A_77 = tpu.memref_squeeze %dma_start3A_76 : memref<1x128xi32, #tpu.memory_space<vmem>> -> memref<128xi32, #tpu.memory_space<vmem>>
    %dma_start3A_78 = arith.constant 0 : i32
    %dma_start3A_79 = arith.constant 0 : i32
    %dma_start3A_80 = tpu.memref_slice %arg10[%dma_start3A_78, %dma_start3A_79] : memref<10240x16xf32, #tpu.memory_space<vmem_shared>> -> memref<10240x16xf32, #tpu.memory_space<vmem_shared>>
    tpu.enqueue_indirect_dma source(%dma_start3A_74 : memref<128x16xf32, #tpu.memory_space<vmem>>) target(%dma_start3A_80 : memref<10240x16xf32, #tpu.memory_space<vmem_shared>>) offsets(%dma_start3A_77 : memref<128xi32, #tpu.memory_space<vmem>>) semaphore(%arg20 : memref<!tpu.dma_semaphore, #tpu.memory_space<semaphore_mem>>) {add = true}
    %dma_start3A_81 = arith.constant 4 : i32
    %dma_start3A_82 = arith.constant 4 : i32
    %dma_start3A_83 = arith.constant 0 : i32
    %dma_start3A_84 = arith.constant 0 : i32
    %dma_start3A_85 = tpu.memref_slice %arg8[%dma_start3A_82, %dma_start3A_83, %dma_start3A_84] : memref<8x128x16xf32, #tpu.memory_space<vmem>> -> memref<1x128x16xf32, #tpu.memory_space<vmem>>
    %dma_start3A_86 = tpu.memref_squeeze %dma_start3A_85 : memref<1x128x16xf32, #tpu.memory_space<vmem>> -> memref<128x16xf32, #tpu.memory_space<vmem>>
    %dma_start3A_87 = arith.constant 0 : i32
    %dma_start3A_88 = tpu.memref_slice %arg6[%dma_start3A_81, %dma_start3A_87] : memref<80x128xi32, #tpu.memory_space<vmem>> -> memref<1x128xi32, #tpu.memory_space<vmem>>
    %dma_start3A_89 = tpu.memref_squeeze %dma_start3A_88 : memref<1x128xi32, #tpu.memory_space<vmem>> -> memref<128xi32, #tpu.memory_space<vmem>>
    %dma_start3A_90 = arith.constant 0 : i32
    %dma_start3A_91 = arith.constant 0 : i32
    %dma_start3A_92 = tpu.memref_slice %arg11[%dma_start3A_90, %dma_start3A_91] : memref<10240x16xf32, #tpu.memory_space<vmem_shared>> -> memref<10240x16xf32, #tpu.memory_space<vmem_shared>>
    tpu.enqueue_indirect_dma source(%dma_start3A_92 : memref<10240x16xf32, #tpu.memory_space<vmem_shared>>) target(%dma_start3A_86 : memref<128x16xf32, #tpu.memory_space<vmem>>) offsets(%dma_start3A_89 : memref<128xi32, #tpu.memory_space<vmem>>) semaphore(%arg16 : memref<!tpu.dma_semaphore, #tpu.memory_space<semaphore_mem>>)
    %dma_wait3A_93 = arith.constant 1 : i32
    %dma_wait3A_94 = arith.constant 1 : i32
    %dma_wait3A_95 = arith.constant 0 : i32
    %dma_wait3A_96 = arith.constant 0 : i32
    %dma_wait3A_97 = tpu.memref_slice %arg8[%dma_wait3A_94, %dma_wait3A_95, %dma_wait3A_96] : memref<8x128x16xf32, #tpu.memory_space<vmem>> -> memref<1x128x16xf32, #tpu.memory_space<vmem>>
    %dma_wait3A_98 = tpu.memref_squeeze %dma_wait3A_97 : memref<1x128x16xf32, #tpu.memory_space<vmem>> -> memref<128x16xf32, #tpu.memory_space<vmem>>
    %dma_wait3A_99 = arith.constant 0 : i32
    %dma_wait3A_100 = tpu.memref_slice %arg6[%dma_wait3A_93, %dma_wait3A_99] : memref<80x128xi32, #tpu.memory_space<vmem>> -> memref<1x128xi32, #tpu.memory_space<vmem>>
    %dma_wait3A_101 = tpu.memref_squeeze %dma_wait3A_100 : memref<1x128xi32, #tpu.memory_space<vmem>> -> memref<128xi32, #tpu.memory_space<vmem>>
    %dma_wait3A_102 = arith.constant 0 : i32
    %dma_wait3A_103 = arith.constant 0 : i32
    %dma_wait3A_104 = tpu.memref_slice %arg11[%dma_wait3A_102, %dma_wait3A_103] : memref<10240x16xf32, #tpu.memory_space<vmem_shared>> -> memref<10240x16xf32, #tpu.memory_space<vmem_shared>>
    tpu.wait_indirect_dma semaphore(%arg13 : memref<!tpu.dma_semaphore, #tpu.memory_space<semaphore_mem>>) src(%dma_wait3A_104 : memref<10240x16xf32, #tpu.memory_space<vmem_shared>>) dst(%dma_wait3A_98 : memref<128x16xf32, #tpu.memory_space<vmem>>)
    %dma_start3A_105 = arith.constant 1 : i32
    %dma_start3A_106 = arith.constant 1 : i32
    %dma_start3A_107 = arith.constant 0 : i32
    %dma_start3A_108 = arith.constant 0 : i32
    %dma_start3A_109 = tpu.memref_slice %arg8[%dma_start3A_105, %dma_start3A_107, %dma_start3A_108] : memref<8x128x16xf32, #tpu.memory_space<vmem>> -> memref<1x128x16xf32, #tpu.memory_space<vmem>>
    %dma_start3A_110 = tpu.memref_squeeze %dma_start3A_109 : memref<1x128x16xf32, #tpu.memory_space<vmem>> -> memref<128x16xf32, #tpu.memory_space<vmem>>
    %dma_start3A_111 = arith.constant 0 : i32
    %dma_start3A_112 = tpu.memref_slice %arg7[%dma_start3A_106, %dma_start3A_111] : memref<80x128xi32, #tpu.memory_space<vmem>> -> memref<1x128xi32, #tpu.memory_space<vmem>>
    %dma_start3A_113 = tpu.memref_squeeze %dma_start3A_112 : memref<1x128xi32, #tpu.memory_space<vmem>> -> memref<128xi32, #tpu.memory_space<vmem>>
    %dma_start3A_114 = arith.constant 0 : i32
    %dma_start3A_115 = arith.constant 0 : i32
    %dma_start3A_116 = tpu.memref_slice %arg10[%dma_start3A_114, %dma_start3A_115] : memref<10240x16xf32, #tpu.memory_space<vmem_shared>> -> memref<10240x16xf32, #tpu.memory_space<vmem_shared>>
    tpu.enqueue_indirect_dma source(%dma_start3A_110 : memref<128x16xf32, #tpu.memory_space<vmem>>) target(%dma_start3A_116 : memref<10240x16xf32, #tpu.memory_space<vmem_shared>>) offsets(%dma_start3A_113 : memref<128xi32, #tpu.memory_space<vmem>>) semaphore(%arg21 : memref<!tpu.dma_semaphore, #tpu.memory_space<semaphore_mem>>) {add = true}
    %dma_start3A_117 = arith.constant 5 : i32
    %dma_start3A_118 = arith.constant 5 : i32
    %dma_start3A_119 = arith.constant 0 : i32
    %dma_start3A_120 = arith.constant 0 : i32
    %dma_start3A_121 = tpu.memref_slice %arg8[%dma_start3A_118, %dma_start3A_119, %dma_start3A_120] : memref<8x128x16xf32, #tpu.memory_space<vmem>> -> memref<1x128x16xf32, #tpu.memory_space<vmem>>
    %dma_start3A_122 = tpu.memref_squeeze %dma_start3A_121 : memref<1x128x16xf32, #tpu.memory_space<vmem>> -> memref<128x16xf32, #tpu.memory_space<vmem>>
    %dma_start3A_123 = arith.constant 0 : i32
    %dma_start3A_124 = tpu.memref_slice %arg6[%dma_start3A_117, %dma_start3A_123] : memref<80x128xi32, #tpu.memory_space<vmem>> -> memref<1x128xi32, #tpu.memory_space<vmem>>
    %dma_start3A_125 = tpu.memref_squeeze %dma_start3A_124 : memref<1x128xi32, #tpu.memory_space<vmem>> -> memref<128xi32, #tpu.memory_space<vmem>>
    %dma_start3A_126 = arith.constant 0 : i32
    %dma_start3A_127 = arith.constant 0 : i32
    %dma_start3A_128 = tpu.memref_slice %arg11[%dma_start3A_126, %dma_start3A_127] : memref<10240x16xf32, #tpu.memory_space<vmem_shared>> -> memref<10240x16xf32, #tpu.memory_space<vmem_shared>>
    tpu.enqueue_indirect_dma source(%dma_start3A_128 : memref<10240x16xf32, #tpu.memory_space<vmem_shared>>) target(%dma_start3A_122 : memref<128x16xf32, #tpu.memory_space<vmem>>) offsets(%dma_start3A_125 : memref<128xi32, #tpu.memory_space<vmem>>) semaphore(%arg17 : memref<!tpu.dma_semaphore, #tpu.memory_space<semaphore_mem>>)
    %dma_wait3A_129 = arith.constant 2 : i32
    %dma_wait3A_130 = arith.constant 2 : i32
    %dma_wait3A_131 = arith.constant 0 : i32
    %dma_wait3A_132 = arith.constant 0 : i32
    %dma_wait3A_133 = tpu.memref_slice %arg8[%dma_wait3A_130, %dma_wait3A_131, %dma_wait3A_132] : memref<8x128x16xf32, #tpu.memory_space<vmem>> -> memref<1x128x16xf32, #tpu.memory_space<vmem>>
    %dma_wait3A_134 = tpu.memref_squeeze %dma_wait3A_133 : memref<1x128x16xf32, #tpu.memory_space<vmem>> -> memref<128x16xf32, #tpu.memory_space<vmem>>
    %dma_wait3A_135 = arith.constant 0 : i32
    %dma_wait3A_136 = tpu.memref_slice %arg6[%dma_wait3A_129, %dma_wait3A_135] : memref<80x128xi32, #tpu.memory_space<vmem>> -> memref<1x128xi32, #tpu.memory_space<vmem>>
    %dma_wait3A_137 = tpu.memref_squeeze %dma_wait3A_136 : memref<1x128xi32, #tpu.memory_space<vmem>> -> memref<128xi32, #tpu.memory_space<vmem>>
    %dma_wait3A_138 = arith.constant 0 : i32
    %dma_wait3A_139 = arith.constant 0 : i32
    %dma_wait3A_140 = tpu.memref_slice %arg11[%dma_wait3A_138, %dma_wait3A_139] : memref<10240x16xf32, #tpu.memory_space<vmem_shared>> -> memref<10240x16xf32, #tpu.memory_space<vmem_shared>>
    tpu.wait_indirect_dma semaphore(%arg14 : memref<!tpu.dma_semaphore, #tpu.memory_space<semaphore_mem>>) src(%dma_wait3A_140 : memref<10240x16xf32, #tpu.memory_space<vmem_shared>>) dst(%dma_wait3A_134 : memref<128x16xf32, #tpu.memory_space<vmem>>)
    %dma_start3A_141 = arith.constant 2 : i32
    %dma_start3A_142 = arith.constant 2 : i32
    %dma_start3A_143 = arith.constant 0 : i32
    %dma_start3A_144 = arith.constant 0 : i32
    %dma_start3A_145 = tpu.memref_slice %arg8[%dma_start3A_141, %dma_start3A_143, %dma_start3A_144] : memref<8x128x16xf32, #tpu.memory_space<vmem>> -> memref<1x128x16xf32, #tpu.memory_space<vmem>>
    %dma_start3A_146 = tpu.memref_squeeze %dma_start3A_145 : memref<1x128x16xf32, #tpu.memory_space<vmem>> -> memref<128x16xf32, #tpu.memory_space<vmem>>
    %dma_start3A_147 = arith.constant 0 : i32
    %dma_start3A_148 = tpu.memref_slice %arg7[%dma_start3A_142, %dma_start3A_147] : memref<80x128xi32, #tpu.memory_space<vmem>> -> memref<1x128xi32, #tpu.memory_space<vmem>>
    %dma_start3A_149 = tpu.memref_squeeze %dma_start3A_148 : memref<1x128xi32, #tpu.memory_space<vmem>> -> memref<128xi32, #tpu.memory_space<vmem>>
    %dma_start3A_150 = arith.constant 0 : i32
    %dma_start3A_151 = arith.constant 0 : i32
    %dma_start3A_152 = tpu.memref_slice %arg10[%dma_start3A_150, %dma_start3A_151] : memref<10240x16xf32, #tpu.memory_space<vmem_shared>> -> memref<10240x16xf32, #tpu.memory_space<vmem_shared>>
    tpu.enqueue_indirect_dma source(%dma_start3A_146 : memref<128x16xf32, #tpu.memory_space<vmem>>) target(%dma_start3A_152 : memref<10240x16xf32, #tpu.memory_space<vmem_shared>>) offsets(%dma_start3A_149 : memref<128xi32, #tpu.memory_space<vmem>>) semaphore(%arg22 : memref<!tpu.dma_semaphore, #tpu.memory_space<semaphore_mem>>) {add = true}
    %dma_start3A_153 = arith.constant 6 : i32
    %dma_start3A_154 = arith.constant 6 : i32
    %dma_start3A_155 = arith.constant 0 : i32
    %dma_start3A_156 = arith.constant 0 : i32
    %dma_start3A_157 = tpu.memref_slice %arg8[%dma_start3A_154, %dma_start3A_155, %dma_start3A_156] : memref<8x128x16xf32, #tpu.memory_space<vmem>> -> memref<1x128x16xf32, #tpu.memory_space<vmem>>
    %dma_start3A_158 = tpu.memref_squeeze %dma_start3A_157 : memref<1x128x16xf32, #tpu.memory_space<vmem>> -> memref<128x16xf32, #tpu.memory_space<vmem>>
    %dma_start3A_159 = arith.constant 0 : i32
    %dma_start3A_160 = tpu.memref_slice %arg6[%dma_start3A_153, %dma_start3A_159] : memref<80x128xi32, #tpu.memory_space<vmem>> -> memref<1x128xi32, #tpu.memory_space<vmem>>
    %dma_start3A_161 = tpu.memref_squeeze %dma_start3A_160 : memref<1x128xi32, #tpu.memory_space<vmem>> -> memref<128xi32, #tpu.memory_space<vmem>>
    %dma_start3A_162 = arith.constant 0 : i32
    %dma_start3A_163 = arith.constant 0 : i32
    %dma_start3A_164 = tpu.memref_slice %arg11[%dma_start3A_162, %dma_start3A_163] : memref<10240x16xf32, #tpu.memory_space<vmem_shared>> -> memref<10240x16xf32, #tpu.memory_space<vmem_shared>>
    tpu.enqueue_indirect_dma source(%dma_start3A_164 : memref<10240x16xf32, #tpu.memory_space<vmem_shared>>) target(%dma_start3A_158 : memref<128x16xf32, #tpu.memory_space<vmem>>) offsets(%dma_start3A_161 : memref<128xi32, #tpu.memory_space<vmem>>) semaphore(%arg18 : memref<!tpu.dma_semaphore, #tpu.memory_space<semaphore_mem>>)
    %dma_wait3A_165 = arith.constant 3 : i32
    %dma_wait3A_166 = arith.constant 3 : i32
    %dma_wait3A_167 = arith.constant 0 : i32
    %dma_wait3A_168 = arith.constant 0 : i32
    %dma_wait3A_169 = tpu.memref_slice %arg8[%dma_wait3A_166, %dma_wait3A_167, %dma_wait3A_168] : memref<8x128x16xf32, #tpu.memory_space<vmem>> -> memref<1x128x16xf32, #tpu.memory_space<vmem>>
    %dma_wait3A_170 = tpu.memref_squeeze %dma_wait3A_169 : memref<1x128x16xf32, #tpu.memory_space<vmem>> -> memref<128x16xf32, #tpu.memory_space<vmem>>
    %dma_wait3A_171 = arith.constant 0 : i32
    %dma_wait3A_172 = tpu.memref_slice %arg6[%dma_wait3A_165, %dma_wait3A_171] : memref<80x128xi32, #tpu.memory_space<vmem>> -> memref<1x128xi32, #tpu.memory_space<vmem>>
    %dma_wait3A_173 = tpu.memref_squeeze %dma_wait3A_172 : memref<1x128xi32, #tpu.memory_space<vmem>> -> memref<128xi32, #tpu.memory_space<vmem>>
    %dma_wait3A_174 = arith.constant 0 : i32
    %dma_wait3A_175 = arith.constant 0 : i32
    %dma_wait3A_176 = tpu.memref_slice %arg11[%dma_wait3A_174, %dma_wait3A_175] : memref<10240x16xf32, #tpu.memory_space<vmem_shared>> -> memref<10240x16xf32, #tpu.memory_space<vmem_shared>>
    tpu.wait_indirect_dma semaphore(%arg15 : memref<!tpu.dma_semaphore, #tpu.memory_space<semaphore_mem>>) src(%dma_wait3A_176 : memref<10240x16xf32, #tpu.memory_space<vmem_shared>>) dst(%dma_wait3A_170 : memref<128x16xf32, #tpu.memory_space<vmem>>)
    %dma_start3A_177 = arith.constant 3 : i32
    %dma_start3A_178 = arith.constant 3 : i32
    %dma_start3A_179 = arith.constant 0 : i32
    %dma_start3A_180 = arith.constant 0 : i32
    %dma_start3A_181 = tpu.memref_slice %arg8[%dma_start3A_177, %dma_start3A_179, %dma_start3A_180] : memref<8x128x16xf32, #tpu.memory_space<vmem>> -> memref<1x128x16xf32, #tpu.memory_space<vmem>>
    %dma_start3A_182 = tpu.memref_squeeze %dma_start3A_181 : memref<1x128x16xf32, #tpu.memory_space<vmem>> -> memref<128x16xf32, #tpu.memory_space<vmem>>
    %dma_start3A_183 = arith.constant 0 : i32
    %dma_start3A_184 = tpu.memref_slice %arg7[%dma_start3A_178, %dma_start3A_183] : memref<80x128xi32, #tpu.memory_space<vmem>> -> memref<1x128xi32, #tpu.memory_space<vmem>>
    %dma_start3A_185 = tpu.memref_squeeze %dma_start3A_184 : memref<1x128xi32, #tpu.memory_space<vmem>> -> memref<128xi32, #tpu.memory_space<vmem>>
    %dma_start3A_186 = arith.constant 0 : i32
    %dma_start3A_187 = arith.constant 0 : i32
    %dma_start3A_188 = tpu.memref_slice %arg10[%dma_start3A_186, %dma_start3A_187] : memref<10240x16xf32, #tpu.memory_space<vmem_shared>> -> memref<10240x16xf32, #tpu.memory_space<vmem_shared>>
    tpu.enqueue_indirect_dma source(%dma_start3A_182 : memref<128x16xf32, #tpu.memory_space<vmem>>) target(%dma_start3A_188 : memref<10240x16xf32, #tpu.memory_space<vmem_shared>>) offsets(%dma_start3A_185 : memref<128xi32, #tpu.memory_space<vmem>>) semaphore(%arg23 : memref<!tpu.dma_semaphore, #tpu.memory_space<semaphore_mem>>) {add = true}
    %dma_start3A_189 = arith.constant 7 : i32
    %dma_start3A_190 = arith.constant 7 : i32
    %dma_start3A_191 = arith.constant 0 : i32
    %dma_start3A_192 = arith.constant 0 : i32
    %dma_start3A_193 = tpu.memref_slice %arg8[%dma_start3A_190, %dma_start3A_191, %dma_start3A_192] : memref<8x128x16xf32, #tpu.memory_space<vmem>> -> memref<1x128x16xf32, #tpu.memory_space<vmem>>
    %dma_start3A_194 = tpu.memref_squeeze %dma_start3A_193 : memref<1x128x16xf32, #tpu.memory_space<vmem>> -> memref<128x16xf32, #tpu.memory_space<vmem>>
    %dma_start3A_195 = arith.constant 0 : i32
    %dma_start3A_196 = tpu.memref_slice %arg6[%dma_start3A_189, %dma_start3A_195] : memref<80x128xi32, #tpu.memory_space<vmem>> -> memref<1x128xi32, #tpu.memory_space<vmem>>
    %dma_start3A_197 = tpu.memref_squeeze %dma_start3A_196 : memref<1x128xi32, #tpu.memory_space<vmem>> -> memref<128xi32, #tpu.memory_space<vmem>>
    %dma_start3A_198 = arith.constant 0 : i32
    %dma_start3A_199 = arith.constant 0 : i32
    %dma_start3A_200 = tpu.memref_slice %arg11[%dma_start3A_198, %dma_start3A_199] : memref<10240x16xf32, #tpu.memory_space<vmem_shared>> -> memref<10240x16xf32, #tpu.memory_space<vmem_shared>>
    tpu.enqueue_indirect_dma source(%dma_start3A_200 : memref<10240x16xf32, #tpu.memory_space<vmem_shared>>) target(%dma_start3A_194 : memref<128x16xf32, #tpu.memory_space<vmem>>) offsets(%dma_start3A_197 : memref<128xi32, #tpu.memory_space<vmem>>) semaphore(%arg19 : memref<!tpu.dma_semaphore, #tpu.memory_space<semaphore_mem>>)
    %scan3A_201 = arith.constant 0 : i32
    %scan3A_202 = arith.constant 9 : i32
    %scan3A_203 = arith.addi %scan3A_201, %scan3A_202 : i32
    %scan3A_204 = arith.constant 1 : i32
    scf.for %scan3A_403 = %scan3A_201 to %scan3A_203 step %scan3A_204  : i32 {
      %mul3A_404 = arith.constant 1 : i32
      %mul3A_405 = arith.muli %scan3A_403, %mul3A_404 : i32
      %add3A_406 = arith.constant 0 : i32
      %add3A_407 = arith.addi %add3A_406, %mul3A_405 : i32
      %mul3A_408 = arith.constant 8 : i32
      %mul3A_409 = arith.muli %add3A_407, %mul3A_408 : i32
      %add3A_410 = arith.constant 4 : i32
      %add3A_411 = arith.addi %add3A_410, %mul3A_409 : i32
      %add3A_412 = arith.constant 0 : i32
      %add3A_413 = arith.addi %add3A_411, %add3A_412 : i32
      %dma_wait3A_414 = arith.constant 4 : i32
      %dma_wait3A_415 = arith.constant 0 : i32
      %dma_wait3A_416 = arith.constant 0 : i32
      %dma_wait3A_417 = tpu.memref_slice %arg8[%dma_wait3A_414, %dma_wait3A_415, %dma_wait3A_416] : memref<8x128x16xf32, #tpu.memory_space<vmem>> -> memref<1x128x16xf32, #tpu.memory_space<vmem>>
      %dma_wait3A_418 = tpu.memref_squeeze %dma_wait3A_417 : memref<1x128x16xf32, #tpu.memory_space<vmem>> -> memref<128x16xf32, #tpu.memory_space<vmem>>
      %dma_wait3A_419 = arith.constant 0 : i32
      %dma_wait3A_420 = tpu.memref_slice %arg6[%add3A_413, %dma_wait3A_419] : memref<80x128xi32, #tpu.memory_space<vmem>> -> memref<1x128xi32, #tpu.memory_space<vmem>>
      %dma_wait3A_421 = tpu.memref_squeeze %dma_wait3A_420 : memref<1x128xi32, #tpu.memory_space<vmem>> -> memref<128xi32, #tpu.memory_space<vmem>>
      %dma_wait3A_422 = arith.constant 0 : i32
      %dma_wait3A_423 = arith.constant 0 : i32
      %dma_wait3A_424 = tpu.memref_slice %arg11[%dma_wait3A_422, %dma_wait3A_423] : memref<10240x16xf32, #tpu.memory_space<vmem_shared>> -> memref<10240x16xf32, #tpu.memory_space<vmem_shared>>
      tpu.wait_indirect_dma semaphore(%arg16 : memref<!tpu.dma_semaphore, #tpu.memory_space<semaphore_mem>>) src(%dma_wait3A_424 : memref<10240x16xf32, #tpu.memory_space<vmem_shared>>) dst(%dma_wait3A_418 : memref<128x16xf32, #tpu.memory_space<vmem>>)
      %dma_start3A_425 = arith.constant 4 : i32
      %dma_start3A_426 = arith.constant 0 : i32
      %dma_start3A_427 = arith.constant 0 : i32
      %dma_start3A_428 = tpu.memref_slice %arg8[%dma_start3A_425, %dma_start3A_426, %dma_start3A_427] : memref<8x128x16xf32, #tpu.memory_space<vmem>> -> memref<1x128x16xf32, #tpu.memory_space<vmem>>
      %dma_start3A_429 = tpu.memref_squeeze %dma_start3A_428 : memref<1x128x16xf32, #tpu.memory_space<vmem>> -> memref<128x16xf32, #tpu.memory_space<vmem>>
      %dma_start3A_430 = arith.constant 0 : i32
      %dma_start3A_431 = tpu.memref_slice %arg7[%add3A_413, %dma_start3A_430] : memref<80x128xi32, #tpu.memory_space<vmem>> -> memref<1x128xi32, #tpu.memory_space<vmem>>
      %dma_start3A_432 = tpu.memref_squeeze %dma_start3A_431 : memref<1x128xi32, #tpu.memory_space<vmem>> -> memref<128xi32, #tpu.memory_space<vmem>>
      %dma_start3A_433 = arith.constant 0 : i32
      %dma_start3A_434 = arith.constant 0 : i32
      %dma_start3A_435 = tpu.memref_slice %arg10[%dma_start3A_433, %dma_start3A_434] : memref<10240x16xf32, #tpu.memory_space<vmem_shared>> -> memref<10240x16xf32, #tpu.memory_space<vmem_shared>>
      tpu.enqueue_indirect_dma source(%dma_start3A_429 : memref<128x16xf32, #tpu.memory_space<vmem>>) target(%dma_start3A_435 : memref<10240x16xf32, #tpu.memory_space<vmem_shared>>) offsets(%dma_start3A_432 : memref<128xi32, #tpu.memory_space<vmem>>) semaphore(%arg24 : memref<!tpu.dma_semaphore, #tpu.memory_space<semaphore_mem>>) {add = true}
      %mul3A_436 = arith.constant 8 : i32
      %mul3A_437 = arith.muli %add3A_407, %mul3A_436 : i32
      %add3A_438 = arith.constant 0 : i32
      %add3A_439 = arith.addi %mul3A_437, %add3A_438 : i32
      %dma_wait3A_440 = arith.constant 0 : i32
      %dma_wait3A_441 = arith.constant 0 : i32
      %dma_wait3A_442 = arith.constant 0 : i32
      %dma_wait3A_443 = tpu.memref_slice %arg8[%dma_wait3A_440, %dma_wait3A_441, %dma_wait3A_442] : memref<8x128x16xf32, #tpu.memory_space<vmem>> -> memref<1x128x16xf32, #tpu.memory_space<vmem>>
      %dma_wait3A_444 = tpu.memref_squeeze %dma_wait3A_443 : memref<1x128x16xf32, #tpu.memory_space<vmem>> -> memref<128x16xf32, #tpu.memory_space<vmem>>
      %dma_wait3A_445 = arith.constant 0 : i32
      %dma_wait3A_446 = tpu.memref_slice %arg7[%add3A_439, %dma_wait3A_445] : memref<80x128xi32, #tpu.memory_space<vmem>> -> memref<1x128xi32, #tpu.memory_space<vmem>>
      %dma_wait3A_447 = tpu.memref_squeeze %dma_wait3A_446 : memref<1x128xi32, #tpu.memory_space<vmem>> -> memref<128xi32, #tpu.memory_space<vmem>>
      %dma_wait3A_448 = arith.constant 0 : i32
      %dma_wait3A_449 = arith.constant 0 : i32
      %dma_wait3A_450 = tpu.memref_slice %arg10[%dma_wait3A_448, %dma_wait3A_449] : memref<10240x16xf32, #tpu.memory_space<vmem_shared>> -> memref<10240x16xf32, #tpu.memory_space<vmem_shared>>
      tpu.wait_indirect_dma semaphore(%arg20 : memref<!tpu.dma_semaphore, #tpu.memory_space<semaphore_mem>>) src(%dma_wait3A_444 : memref<128x16xf32, #tpu.memory_space<vmem>>) dst(%dma_wait3A_450 : memref<10240x16xf32, #tpu.memory_space<vmem_shared>>)
      %add3A_451 = arith.constant 4 : i32
      %add3A_452 = arith.addi %add3A_413, %add3A_451 : i32
      %dma_start3A_453 = arith.constant 0 : i32
      %dma_start3A_454 = arith.constant 0 : i32
      %dma_start3A_455 = arith.constant 0 : i32
      %dma_start3A_456 = tpu.memref_slice %arg8[%dma_start3A_453, %dma_start3A_454, %dma_start3A_455] : memref<8x128x16xf32, #tpu.memory_space<vmem>> -> memref<1x128x16xf32, #tpu.memory_space<vmem>>
      %dma_start3A_457 = tpu.memref_squeeze %dma_start3A_456 : memref<1x128x16xf32, #tpu.memory_space<vmem>> -> memref<128x16xf32, #tpu.memory_space<vmem>>
      %dma_start3A_458 = arith.constant 0 : i32
      %dma_start3A_459 = tpu.memref_slice %arg6[%add3A_452, %dma_start3A_458] : memref<80x128xi32, #tpu.memory_space<vmem>> -> memref<1x128xi32, #tpu.memory_space<vmem>>
      %dma_start3A_460 = tpu.memref_squeeze %dma_start3A_459 : memref<1x128xi32, #tpu.memory_space<vmem>> -> memref<128xi32, #tpu.memory_space<vmem>>
      %dma_start3A_461 = arith.constant 0 : i32
      %dma_start3A_462 = arith.constant 0 : i32
      %dma_start3A_463 = tpu.memref_slice %arg11[%dma_start3A_461, %dma_start3A_462] : memref<10240x16xf32, #tpu.memory_space<vmem_shared>> -> memref<10240x16xf32, #tpu.memory_space<vmem_shared>>
      tpu.enqueue_indirect_dma source(%dma_start3A_463 : memref<10240x16xf32, #tpu.memory_space<vmem_shared>>) target(%dma_start3A_457 : memref<128x16xf32, #tpu.memory_space<vmem>>) offsets(%dma_start3A_460 : memref<128xi32, #tpu.memory_space<vmem>>) semaphore(%arg12 : memref<!tpu.dma_semaphore, #tpu.memory_space<semaphore_mem>>)
      %mul3A_464 = arith.constant 8 : i32
      %mul3A_465 = arith.muli %add3A_407, %mul3A_464 : i32
      %add3A_466 = arith.constant 4 : i32
      %add3A_467 = arith.addi %add3A_466, %mul3A_465 : i32
      %add3A_468 = arith.constant 1 : i32
      %add3A_469 = arith.addi %add3A_467, %add3A_468 : i32
      %dma_wait3A_470 = arith.constant 5 : i32
      %dma_wait3A_471 = arith.constant 0 : i32
      %dma_wait3A_472 = arith.constant 0 : i32
      %dma_wait3A_473 = tpu.memref_slice %arg8[%dma_wait3A_470, %dma_wait3A_471, %dma_wait3A_472] : memref<8x128x16xf32, #tpu.memory_space<vmem>> -> memref<1x128x16xf32, #tpu.memory_space<vmem>>
      %dma_wait3A_474 = tpu.memref_squeeze %dma_wait3A_473 : memref<1x128x16xf32, #tpu.memory_space<vmem>> -> memref<128x16xf32, #tpu.memory_space<vmem>>
      %dma_wait3A_475 = arith.constant 0 : i32
      %dma_wait3A_476 = tpu.memref_slice %arg6[%add3A_469, %dma_wait3A_475] : memref<80x128xi32, #tpu.memory_space<vmem>> -> memref<1x128xi32, #tpu.memory_space<vmem>>
      %dma_wait3A_477 = tpu.memref_squeeze %dma_wait3A_476 : memref<1x128xi32, #tpu.memory_space<vmem>> -> memref<128xi32, #tpu.memory_space<vmem>>
      %dma_wait3A_478 = arith.constant 0 : i32
      %dma_wait3A_479 = arith.constant 0 : i32
      %dma_wait3A_480 = tpu.memref_slice %arg11[%dma_wait3A_478, %dma_wait3A_479] : memref<10240x16xf32, #tpu.memory_space<vmem_shared>> -> memref<10240x16xf32, #tpu.memory_space<vmem_shared>>
      tpu.wait_indirect_dma semaphore(%arg17 : memref<!tpu.dma_semaphore, #tpu.memory_space<semaphore_mem>>) src(%dma_wait3A_480 : memref<10240x16xf32, #tpu.memory_space<vmem_shared>>) dst(%dma_wait3A_474 : memref<128x16xf32, #tpu.memory_space<vmem>>)
      %dma_start3A_481 = arith.constant 5 : i32
      %dma_start3A_482 = arith.constant 0 : i32
      %dma_start3A_483 = arith.constant 0 : i32
      %dma_start3A_484 = tpu.memref_slice %arg8[%dma_start3A_481, %dma_start3A_482, %dma_start3A_483] : memref<8x128x16xf32, #tpu.memory_space<vmem>> -> memref<1x128x16xf32, #tpu.memory_space<vmem>>
      %dma_start3A_485 = tpu.memref_squeeze %dma_start3A_484 : memref<1x128x16xf32, #tpu.memory_space<vmem>> -> memref<128x16xf32, #tpu.memory_space<vmem>>
      %dma_start3A_486 = arith.constant 0 : i32
      %dma_start3A_487 = tpu.memref_slice %arg7[%add3A_469, %dma_start3A_486] : memref<80x128xi32, #tpu.memory_space<vmem>> -> memref<1x128xi32, #tpu.memory_space<vmem>>
      %dma_start3A_488 = tpu.memref_squeeze %dma_start3A_487 : memref<1x128xi32, #tpu.memory_space<vmem>> -> memref<128xi32, #tpu.memory_space<vmem>>
      %dma_start3A_489 = arith.constant 0 : i32
      %dma_start3A_490 = arith.constant 0 : i32
      %dma_start3A_491 = tpu.memref_slice %arg10[%dma_start3A_489, %dma_start3A_490] : memref<10240x16xf32, #tpu.memory_space<vmem_shared>> -> memref<10240x16xf32, #tpu.memory_space<vmem_shared>>
      tpu.enqueue_indirect_dma source(%dma_start3A_485 : memref<128x16xf32, #tpu.memory_space<vmem>>) target(%dma_start3A_491 : memref<10240x16xf32, #tpu.memory_space<vmem_shared>>) offsets(%dma_start3A_488 : memref<128xi32, #tpu.memory_space<vmem>>) semaphore(%arg25 : memref<!tpu.dma_semaphore, #tpu.memory_space<semaphore_mem>>) {add = true}
      %mul3A_492 = arith.constant 8 : i32
      %mul3A_493 = arith.muli %add3A_407, %mul3A_492 : i32
      %add3A_494 = arith.constant 1 : i32
      %add3A_495 = arith.addi %mul3A_493, %add3A_494 : i32
      %dma_wait3A_496 = arith.constant 1 : i32
      %dma_wait3A_497 = arith.constant 0 : i32
      %dma_wait3A_498 = arith.constant 0 : i32
      %dma_wait3A_499 = tpu.memref_slice %arg8[%dma_wait3A_496, %dma_wait3A_497, %dma_wait3A_498] : memref<8x128x16xf32, #tpu.memory_space<vmem>> -> memref<1x128x16xf32, #tpu.memory_space<vmem>>
      %dma_wait3A_500 = tpu.memref_squeeze %dma_wait3A_499 : memref<1x128x16xf32, #tpu.memory_space<vmem>> -> memref<128x16xf32, #tpu.memory_space<vmem>>
      %dma_wait3A_501 = arith.constant 0 : i32
      %dma_wait3A_502 = tpu.memref_slice %arg7[%add3A_495, %dma_wait3A_501] : memref<80x128xi32, #tpu.memory_space<vmem>> -> memref<1x128xi32, #tpu.memory_space<vmem>>
      %dma_wait3A_503 = tpu.memref_squeeze %dma_wait3A_502 : memref<1x128xi32, #tpu.memory_space<vmem>> -> memref<128xi32, #tpu.memory_space<vmem>>
      %dma_wait3A_504 = arith.constant 0 : i32
      %dma_wait3A_505 = arith.constant 0 : i32
      %dma_wait3A_506 = tpu.memref_slice %arg10[%dma_wait3A_504, %dma_wait3A_505] : memref<10240x16xf32, #tpu.memory_space<vmem_shared>> -> memref<10240x16xf32, #tpu.memory_space<vmem_shared>>
      tpu.wait_indirect_dma semaphore(%arg21 : memref<!tpu.dma_semaphore, #tpu.memory_space<semaphore_mem>>) src(%dma_wait3A_500 : memref<128x16xf32, #tpu.memory_space<vmem>>) dst(%dma_wait3A_506 : memref<10240x16xf32, #tpu.memory_space<vmem_shared>>)
      %add3A_507 = arith.constant 4 : i32
      %add3A_508 = arith.addi %add3A_469, %add3A_507 : i32
      %dma_start3A_509 = arith.constant 1 : i32
      %dma_start3A_510 = arith.constant 0 : i32
      %dma_start3A_511 = arith.constant 0 : i32
      %dma_start3A_512 = tpu.memref_slice %arg8[%dma_start3A_509, %dma_start3A_510, %dma_start3A_511] : memref<8x128x16xf32, #tpu.memory_space<vmem>> -> memref<1x128x16xf32, #tpu.memory_space<vmem>>
      %dma_start3A_513 = tpu.memref_squeeze %dma_start3A_512 : memref<1x128x16xf32, #tpu.memory_space<vmem>> -> memref<128x16xf32, #tpu.memory_space<vmem>>
      %dma_start3A_514 = arith.constant 0 : i32
      %dma_start3A_515 = tpu.memref_slice %arg6[%add3A_508, %dma_start3A_514] : memref<80x128xi32, #tpu.memory_space<vmem>> -> memref<1x128xi32, #tpu.memory_space<vmem>>
      %dma_start3A_516 = tpu.memref_squeeze %dma_start3A_515 : memref<1x128xi32, #tpu.memory_space<vmem>> -> memref<128xi32, #tpu.memory_space<vmem>>
      %dma_start3A_517 = arith.constant 0 : i32
      %dma_start3A_518 = arith.constant 0 : i32
      %dma_start3A_519 = tpu.memref_slice %arg11[%dma_start3A_517, %dma_start3A_518] : memref<10240x16xf32, #tpu.memory_space<vmem_shared>> -> memref<10240x16xf32, #tpu.memory_space<vmem_shared>>
      tpu.enqueue_indirect_dma source(%dma_start3A_519 : memref<10240x16xf32, #tpu.memory_space<vmem_shared>>) target(%dma_start3A_513 : memref<128x16xf32, #tpu.memory_space<vmem>>) offsets(%dma_start3A_516 : memref<128xi32, #tpu.memory_space<vmem>>) semaphore(%arg13 : memref<!tpu.dma_semaphore, #tpu.memory_space<semaphore_mem>>)
      %mul3A_520 = arith.constant 8 : i32
      %mul3A_521 = arith.muli %add3A_407, %mul3A_520 : i32
      %add3A_522 = arith.constant 4 : i32
      %add3A_523 = arith.addi %add3A_522, %mul3A_521 : i32
      %add3A_524 = arith.constant 2 : i32
      %add3A_525 = arith.addi %add3A_523, %add3A_524 : i32
      %dma_wait3A_526 = arith.constant 6 : i32
      %dma_wait3A_527 = arith.constant 0 : i32
      %dma_wait3A_528 = arith.constant 0 : i32
      %dma_wait3A_529 = tpu.memref_slice %arg8[%dma_wait3A_526, %dma_wait3A_527, %dma_wait3A_528] : memref<8x128x16xf32, #tpu.memory_space<vmem>> -> memref<1x128x16xf32, #tpu.memory_space<vmem>>
      %dma_wait3A_530 = tpu.memref_squeeze %dma_wait3A_529 : memref<1x128x16xf32, #tpu.memory_space<vmem>> -> memref<128x16xf32, #tpu.memory_space<vmem>>
      %dma_wait3A_531 = arith.constant 0 : i32
      %dma_wait3A_532 = tpu.memref_slice %arg6[%add3A_525, %dma_wait3A_531] : memref<80x128xi32, #tpu.memory_space<vmem>> -> memref<1x128xi32, #tpu.memory_space<vmem>>
      %dma_wait3A_533 = tpu.memref_squeeze %dma_wait3A_532 : memref<1x128xi32, #tpu.memory_space<vmem>> -> memref<128xi32, #tpu.memory_space<vmem>>
      %dma_wait3A_534 = arith.constant 0 : i32
      %dma_wait3A_535 = arith.constant 0 : i32
      %dma_wait3A_536 = tpu.memref_slice %arg11[%dma_wait3A_534, %dma_wait3A_535] : memref<10240x16xf32, #tpu.memory_space<vmem_shared>> -> memref<10240x16xf32, #tpu.memory_space<vmem_shared>>
      tpu.wait_indirect_dma semaphore(%arg18 : memref<!tpu.dma_semaphore, #tpu.memory_space<semaphore_mem>>) src(%dma_wait3A_536 : memref<10240x16xf32, #tpu.memory_space<vmem_shared>>) dst(%dma_wait3A_530 : memref<128x16xf32, #tpu.memory_space<vmem>>)
      %dma_start3A_537 = arith.constant 6 : i32
      %dma_start3A_538 = arith.constant 0 : i32
      %dma_start3A_539 = arith.constant 0 : i32
      %dma_start3A_540 = tpu.memref_slice %arg8[%dma_start3A_537, %dma_start3A_538, %dma_start3A_539] : memref<8x128x16xf32, #tpu.memory_space<vmem>> -> memref<1x128x16xf32, #tpu.memory_space<vmem>>
      %dma_start3A_541 = tpu.memref_squeeze %dma_start3A_540 : memref<1x128x16xf32, #tpu.memory_space<vmem>> -> memref<128x16xf32, #tpu.memory_space<vmem>>
      %dma_start3A_542 = arith.constant 0 : i32
      %dma_start3A_543 = tpu.memref_slice %arg7[%add3A_525, %dma_start3A_542] : memref<80x128xi32, #tpu.memory_space<vmem>> -> memref<1x128xi32, #tpu.memory_space<vmem>>
      %dma_start3A_544 = tpu.memref_squeeze %dma_start3A_543 : memref<1x128xi32, #tpu.memory_space<vmem>> -> memref<128xi32, #tpu.memory_space<vmem>>
      %dma_start3A_545 = arith.constant 0 : i32
      %dma_start3A_546 = arith.constant 0 : i32
      %dma_start3A_547 = tpu.memref_slice %arg10[%dma_start3A_545, %dma_start3A_546] : memref<10240x16xf32, #tpu.memory_space<vmem_shared>> -> memref<10240x16xf32, #tpu.memory_space<vmem_shared>>
      tpu.enqueue_indirect_dma source(%dma_start3A_541 : memref<128x16xf32, #tpu.memory_space<vmem>>) target(%dma_start3A_547 : memref<10240x16xf32, #tpu.memory_space<vmem_shared>>) offsets(%dma_start3A_544 : memref<128xi32, #tpu.memory_space<vmem>>) semaphore(%arg26 : memref<!tpu.dma_semaphore, #tpu.memory_space<semaphore_mem>>) {add = true}
      %mul3A_548 = arith.constant 8 : i32
      %mul3A_549 = arith.muli %add3A_407, %mul3A_548 : i32
      %add3A_550 = arith.constant 2 : i32
      %add3A_551 = arith.addi %mul3A_549, %add3A_550 : i32
      %dma_wait3A_552 = arith.constant 2 : i32
      %dma_wait3A_553 = arith.constant 0 : i32
      %dma_wait3A_554 = arith.constant 0 : i32
      %dma_wait3A_555 = tpu.memref_slice %arg8[%dma_wait3A_552, %dma_wait3A_553, %dma_wait3A_554] : memref<8x128x16xf32, #tpu.memory_space<vmem>> -> memref<1x128x16xf32, #tpu.memory_space<vmem>>
      %dma_wait3A_556 = tpu.memref_squeeze %dma_wait3A_555 : memref<1x128x16xf32, #tpu.memory_space<vmem>> -> memref<128x16xf32, #tpu.memory_space<vmem>>
      %dma_wait3A_557 = arith.constant 0 : i32
      %dma_wait3A_558 = tpu.memref_slice %arg7[%add3A_551, %dma_wait3A_557] : memref<80x128xi32, #tpu.memory_space<vmem>> -> memref<1x128xi32, #tpu.memory_space<vmem>>
      %dma_wait3A_559 = tpu.memref_squeeze %dma_wait3A_558 : memref<1x128xi32, #tpu.memory_space<vmem>> -> memref<128xi32, #tpu.memory_space<vmem>>
      %dma_wait3A_560 = arith.constant 0 : i32
      %dma_wait3A_561 = arith.constant 0 : i32
      %dma_wait3A_562 = tpu.memref_slice %arg10[%dma_wait3A_560, %dma_wait3A_561] : memref<10240x16xf32, #tpu.memory_space<vmem_shared>> -> memref<10240x16xf32, #tpu.memory_space<vmem_shared>>
      tpu.wait_indirect_dma semaphore(%arg22 : memref<!tpu.dma_semaphore, #tpu.memory_space<semaphore_mem>>) src(%dma_wait3A_556 : memref<128x16xf32, #tpu.memory_space<vmem>>) dst(%dma_wait3A_562 : memref<10240x16xf32, #tpu.memory_space<vmem_shared>>)
      %add3A_563 = arith.constant 4 : i32
      %add3A_564 = arith.addi %add3A_525, %add3A_563 : i32
      %dma_start3A_565 = arith.constant 2 : i32
      %dma_start3A_566 = arith.constant 0 : i32
      %dma_start3A_567 = arith.constant 0 : i32
      %dma_start3A_568 = tpu.memref_slice %arg8[%dma_start3A_565, %dma_start3A_566, %dma_start3A_567] : memref<8x128x16xf32, #tpu.memory_space<vmem>> -> memref<1x128x16xf32, #tpu.memory_space<vmem>>
      %dma_start3A_569 = tpu.memref_squeeze %dma_start3A_568 : memref<1x128x16xf32, #tpu.memory_space<vmem>> -> memref<128x16xf32, #tpu.memory_space<vmem>>
      %dma_start3A_570 = arith.constant 0 : i32
      %dma_start3A_571 = tpu.memref_slice %arg6[%add3A_564, %dma_start3A_570] : memref<80x128xi32, #tpu.memory_space<vmem>> -> memref<1x128xi32, #tpu.memory_space<vmem>>
      %dma_start3A_572 = tpu.memref_squeeze %dma_start3A_571 : memref<1x128xi32, #tpu.memory_space<vmem>> -> memref<128xi32, #tpu.memory_space<vmem>>
      %dma_start3A_573 = arith.constant 0 : i32
      %dma_start3A_574 = arith.constant 0 : i32
      %dma_start3A_575 = tpu.memref_slice %arg11[%dma_start3A_573, %dma_start3A_574] : memref<10240x16xf32, #tpu.memory_space<vmem_shared>> -> memref<10240x16xf32, #tpu.memory_space<vmem_shared>>
      tpu.enqueue_indirect_dma source(%dma_start3A_575 : memref<10240x16xf32, #tpu.memory_space<vmem_shared>>) target(%dma_start3A_569 : memref<128x16xf32, #tpu.memory_space<vmem>>) offsets(%dma_start3A_572 : memref<128xi32, #tpu.memory_space<vmem>>) semaphore(%arg14 : memref<!tpu.dma_semaphore, #tpu.memory_space<semaphore_mem>>)
      %mul3A_576 = arith.constant 8 : i32
      %mul3A_577 = arith.muli %add3A_407, %mul3A_576 : i32
      %add3A_578 = arith.constant 4 : i32
      %add3A_579 = arith.addi %add3A_578, %mul3A_577 : i32
      %add3A_580 = arith.constant 3 : i32
      %add3A_581 = arith.addi %add3A_579, %add3A_580 : i32
      %dma_wait3A_582 = arith.constant 7 : i32
      %dma_wait3A_583 = arith.constant 0 : i32
      %dma_wait3A_584 = arith.constant 0 : i32
      %dma_wait3A_585 = tpu.memref_slice %arg8[%dma_wait3A_582, %dma_wait3A_583, %dma_wait3A_584] : memref<8x128x16xf32, #tpu.memory_space<vmem>> -> memref<1x128x16xf32, #tpu.memory_space<vmem>>
      %dma_wait3A_586 = tpu.memref_squeeze %dma_wait3A_585 : memref<1x128x16xf32, #tpu.memory_space<vmem>> -> memref<128x16xf32, #tpu.memory_space<vmem>>
      %dma_wait3A_587 = arith.constant 0 : i32
      %dma_wait3A_588 = tpu.memref_slice %arg6[%add3A_581, %dma_wait3A_587] : memref<80x128xi32, #tpu.memory_space<vmem>> -> memref<1x128xi32, #tpu.memory_space<vmem>>
      %dma_wait3A_589 = tpu.memref_squeeze %dma_wait3A_588 : memref<1x128xi32, #tpu.memory_space<vmem>> -> memref<128xi32, #tpu.memory_space<vmem>>
      %dma_wait3A_590 = arith.constant 0 : i32
      %dma_wait3A_591 = arith.constant 0 : i32
      %dma_wait3A_592 = tpu.memref_slice %arg11[%dma_wait3A_590, %dma_wait3A_591] : memref<10240x16xf32, #tpu.memory_space<vmem_shared>> -> memref<10240x16xf32, #tpu.memory_space<vmem_shared>>
      tpu.wait_indirect_dma semaphore(%arg19 : memref<!tpu.dma_semaphore, #tpu.memory_space<semaphore_mem>>) src(%dma_wait3A_592 : memref<10240x16xf32, #tpu.memory_space<vmem_shared>>) dst(%dma_wait3A_586 : memref<128x16xf32, #tpu.memory_space<vmem>>)
      %dma_start3A_593 = arith.constant 7 : i32
      %dma_start3A_594 = arith.constant 0 : i32
      %dma_start3A_595 = arith.constant 0 : i32
      %dma_start3A_596 = tpu.memref_slice %arg8[%dma_start3A_593, %dma_start3A_594, %dma_start3A_595] : memref<8x128x16xf32, #tpu.memory_space<vmem>> -> memref<1x128x16xf32, #tpu.memory_space<vmem>>
      %dma_start3A_597 = tpu.memref_squeeze %dma_start3A_596 : memref<1x128x16xf32, #tpu.memory_space<vmem>> -> memref<128x16xf32, #tpu.memory_space<vmem>>
      %dma_start3A_598 = arith.constant 0 : i32
      %dma_start3A_599 = tpu.memref_slice %arg7[%add3A_581, %dma_start3A_598] : memref<80x128xi32, #tpu.memory_space<vmem>> -> memref<1x128xi32, #tpu.memory_space<vmem>>
      %dma_start3A_600 = tpu.memref_squeeze %dma_start3A_599 : memref<1x128xi32, #tpu.memory_space<vmem>> -> memref<128xi32, #tpu.memory_space<vmem>>
      %dma_start3A_601 = arith.constant 0 : i32
      %dma_start3A_602 = arith.constant 0 : i32
      %dma_start3A_603 = tpu.memref_slice %arg10[%dma_start3A_601, %dma_start3A_602] : memref<10240x16xf32, #tpu.memory_space<vmem_shared>> -> memref<10240x16xf32, #tpu.memory_space<vmem_shared>>
      tpu.enqueue_indirect_dma source(%dma_start3A_597 : memref<128x16xf32, #tpu.memory_space<vmem>>) target(%dma_start3A_603 : memref<10240x16xf32, #tpu.memory_space<vmem_shared>>) offsets(%dma_start3A_600 : memref<128xi32, #tpu.memory_space<vmem>>) semaphore(%arg27 : memref<!tpu.dma_semaphore, #tpu.memory_space<semaphore_mem>>) {add = true}
      %mul3A_604 = arith.constant 8 : i32
      %mul3A_605 = arith.muli %add3A_407, %mul3A_604 : i32
      %add3A_606 = arith.constant 3 : i32
      %add3A_607 = arith.addi %mul3A_605, %add3A_606 : i32
      %dma_wait3A_608 = arith.constant 3 : i32
      %dma_wait3A_609 = arith.constant 0 : i32
      %dma_wait3A_610 = arith.constant 0 : i32
      %dma_wait3A_611 = tpu.memref_slice %arg8[%dma_wait3A_608, %dma_wait3A_609, %dma_wait3A_610] : memref<8x128x16xf32, #tpu.memory_space<vmem>> -> memref<1x128x16xf32, #tpu.memory_space<vmem>>
      %dma_wait3A_612 = tpu.memref_squeeze %dma_wait3A_611 : memref<1x128x16xf32, #tpu.memory_space<vmem>> -> memref<128x16xf32, #tpu.memory_space<vmem>>
      %dma_wait3A_613 = arith.constant 0 : i32
      %dma_wait3A_614 = tpu.memref_slice %arg7[%add3A_607, %dma_wait3A_613] : memref<80x128xi32, #tpu.memory_space<vmem>> -> memref<1x128xi32, #tpu.memory_space<vmem>>
      %dma_wait3A_615 = tpu.memref_squeeze %dma_wait3A_614 : memref<1x128xi32, #tpu.memory_space<vmem>> -> memref<128xi32, #tpu.memory_space<vmem>>
      %dma_wait3A_616 = arith.constant 0 : i32
      %dma_wait3A_617 = arith.constant 0 : i32
      %dma_wait3A_618 = tpu.memref_slice %arg10[%dma_wait3A_616, %dma_wait3A_617] : memref<10240x16xf32, #tpu.memory_space<vmem_shared>> -> memref<10240x16xf32, #tpu.memory_space<vmem_shared>>
      tpu.wait_indirect_dma semaphore(%arg23 : memref<!tpu.dma_semaphore, #tpu.memory_space<semaphore_mem>>) src(%dma_wait3A_612 : memref<128x16xf32, #tpu.memory_space<vmem>>) dst(%dma_wait3A_618 : memref<10240x16xf32, #tpu.memory_space<vmem_shared>>)
      %add3A_619 = arith.constant 4 : i32
      %add3A_620 = arith.addi %add3A_581, %add3A_619 : i32
      %dma_start3A_621 = arith.constant 3 : i32
      %dma_start3A_622 = arith.constant 0 : i32
      %dma_start3A_623 = arith.constant 0 : i32
      %dma_start3A_624 = tpu.memref_slice %arg8[%dma_start3A_621, %dma_start3A_622, %dma_start3A_623] : memref<8x128x16xf32, #tpu.memory_space<vmem>> -> memref<1x128x16xf32, #tpu.memory_space<vmem>>
      %dma_start3A_625 = tpu.memref_squeeze %dma_start3A_624 : memref<1x128x16xf32, #tpu.memory_space<vmem>> -> memref<128x16xf32, #tpu.memory_space<vmem>>
      %dma_start3A_626 = arith.constant 0 : i32
      %dma_start3A_627 = tpu.memref_slice %arg6[%add3A_620, %dma_start3A_626] : memref<80x128xi32, #tpu.memory_space<vmem>> -> memref<1x128xi32, #tpu.memory_space<vmem>>
      %dma_start3A_628 = tpu.memref_squeeze %dma_start3A_627 : memref<1x128xi32, #tpu.memory_space<vmem>> -> memref<128xi32, #tpu.memory_space<vmem>>
      %dma_start3A_629 = arith.constant 0 : i32
      %dma_start3A_630 = arith.constant 0 : i32
      %dma_start3A_631 = tpu.memref_slice %arg11[%dma_start3A_629, %dma_start3A_630] : memref<10240x16xf32, #tpu.memory_space<vmem_shared>> -> memref<10240x16xf32, #tpu.memory_space<vmem_shared>>
      tpu.enqueue_indirect_dma source(%dma_start3A_631 : memref<10240x16xf32, #tpu.memory_space<vmem_shared>>) target(%dma_start3A_625 : memref<128x16xf32, #tpu.memory_space<vmem>>) offsets(%dma_start3A_628 : memref<128xi32, #tpu.memory_space<vmem>>) semaphore(%arg15 : memref<!tpu.dma_semaphore, #tpu.memory_space<semaphore_mem>>)
      %mul3A_632 = arith.constant 8 : i32
      %mul3A_633 = arith.muli %add3A_407, %mul3A_632 : i32
      %add3A_634 = arith.constant 4 : i32
      %add3A_635 = arith.addi %add3A_634, %mul3A_633 : i32
      %add3A_636 = arith.constant 4 : i32
      %add3A_637 = arith.addi %add3A_635, %add3A_636 : i32
      %dma_wait3A_638 = arith.constant 0 : i32
      %dma_wait3A_639 = arith.constant 0 : i32
      %dma_wait3A_640 = arith.constant 0 : i32
      %dma_wait3A_641 = tpu.memref_slice %arg8[%dma_wait3A_638, %dma_wait3A_639, %dma_wait3A_640] : memref<8x128x16xf32, #tpu.memory_space<vmem>> -> memref<1x128x16xf32, #tpu.memory_space<vmem>>
      %dma_wait3A_642 = tpu.memref_squeeze %dma_wait3A_641 : memref<1x128x16xf32, #tpu.memory_space<vmem>> -> memref<128x16xf32, #tpu.memory_space<vmem>>
      %dma_wait3A_643 = arith.constant 0 : i32
      %dma_wait3A_644 = tpu.memref_slice %arg6[%add3A_637, %dma_wait3A_643] : memref<80x128xi32, #tpu.memory_space<vmem>> -> memref<1x128xi32, #tpu.memory_space<vmem>>
      %dma_wait3A_645 = tpu.memref_squeeze %dma_wait3A_644 : memref<1x128xi32, #tpu.memory_space<vmem>> -> memref<128xi32, #tpu.memory_space<vmem>>
      %dma_wait3A_646 = arith.constant 0 : i32
      %dma_wait3A_647 = arith.constant 0 : i32
      %dma_wait3A_648 = tpu.memref_slice %arg11[%dma_wait3A_646, %dma_wait3A_647] : memref<10240x16xf32, #tpu.memory_space<vmem_shared>> -> memref<10240x16xf32, #tpu.memory_space<vmem_shared>>
      tpu.wait_indirect_dma semaphore(%arg12 : memref<!tpu.dma_semaphore, #tpu.memory_space<semaphore_mem>>) src(%dma_wait3A_648 : memref<10240x16xf32, #tpu.memory_space<vmem_shared>>) dst(%dma_wait3A_642 : memref<128x16xf32, #tpu.memory_space<vmem>>)
      %dma_start3A_649 = arith.constant 0 : i32
      %dma_start3A_650 = arith.constant 0 : i32
      %dma_start3A_651 = arith.constant 0 : i32
      %dma_start3A_652 = tpu.memref_slice %arg8[%dma_start3A_649, %dma_start3A_650, %dma_start3A_651] : memref<8x128x16xf32, #tpu.memory_space<vmem>> -> memref<1x128x16xf32, #tpu.memory_space<vmem>>
      %dma_start3A_653 = tpu.memref_squeeze %dma_start3A_652 : memref<1x128x16xf32, #tpu.memory_space<vmem>> -> memref<128x16xf32, #tpu.memory_space<vmem>>
      %dma_start3A_654 = arith.constant 0 : i32
      %dma_start3A_655 = tpu.memref_slice %arg7[%add3A_637, %dma_start3A_654] : memref<80x128xi32, #tpu.memory_space<vmem>> -> memref<1x128xi32, #tpu.memory_space<vmem>>
      %dma_start3A_656 = tpu.memref_squeeze %dma_start3A_655 : memref<1x128xi32, #tpu.memory_space<vmem>> -> memref<128xi32, #tpu.memory_space<vmem>>
      %dma_start3A_657 = arith.constant 0 : i32
      %dma_start3A_658 = arith.constant 0 : i32
      %dma_start3A_659 = tpu.memref_slice %arg10[%dma_start3A_657, %dma_start3A_658] : memref<10240x16xf32, #tpu.memory_space<vmem_shared>> -> memref<10240x16xf32, #tpu.memory_space<vmem_shared>>
      tpu.enqueue_indirect_dma source(%dma_start3A_653 : memref<128x16xf32, #tpu.memory_space<vmem>>) target(%dma_start3A_659 : memref<10240x16xf32, #tpu.memory_space<vmem_shared>>) offsets(%dma_start3A_656 : memref<128xi32, #tpu.memory_space<vmem>>) semaphore(%arg20 : memref<!tpu.dma_semaphore, #tpu.memory_space<semaphore_mem>>) {add = true}
      %mul3A_660 = arith.constant 8 : i32
      %mul3A_661 = arith.muli %add3A_407, %mul3A_660 : i32
      %add3A_662 = arith.constant 4 : i32
      %add3A_663 = arith.addi %mul3A_661, %add3A_662 : i32
      %dma_wait3A_664 = arith.constant 4 : i32
      %dma_wait3A_665 = arith.constant 0 : i32
      %dma_wait3A_666 = arith.constant 0 : i32
      %dma_wait3A_667 = tpu.memref_slice %arg8[%dma_wait3A_664, %dma_wait3A_665, %dma_wait3A_666] : memref<8x128x16xf32, #tpu.memory_space<vmem>> -> memref<1x128x16xf32, #tpu.memory_space<vmem>>
      %dma_wait3A_668 = tpu.memref_squeeze %dma_wait3A_667 : memref<1x128x16xf32, #tpu.memory_space<vmem>> -> memref<128x16xf32, #tpu.memory_space<vmem>>
      %dma_wait3A_669 = arith.constant 0 : i32
      %dma_wait3A_670 = tpu.memref_slice %arg7[%add3A_663, %dma_wait3A_669] : memref<80x128xi32, #tpu.memory_space<vmem>> -> memref<1x128xi32, #tpu.memory_space<vmem>>
      %dma_wait3A_671 = tpu.memref_squeeze %dma_wait3A_670 : memref<1x128xi32, #tpu.memory_space<vmem>> -> memref<128xi32, #tpu.memory_space<vmem>>
      %dma_wait3A_672 = arith.constant 0 : i32
      %dma_wait3A_673 = arith.constant 0 : i32
      %dma_wait3A_674 = tpu.memref_slice %arg10[%dma_wait3A_672, %dma_wait3A_673] : memref<10240x16xf32, #tpu.memory_space<vmem_shared>> -> memref<10240x16xf32, #tpu.memory_space<vmem_shared>>
      tpu.wait_indirect_dma semaphore(%arg24 : memref<!tpu.dma_semaphore, #tpu.memory_space<semaphore_mem>>) src(%dma_wait3A_668 : memref<128x16xf32, #tpu.memory_space<vmem>>) dst(%dma_wait3A_674 : memref<10240x16xf32, #tpu.memory_space<vmem_shared>>)
      %add3A_675 = arith.constant 4 : i32
      %add3A_676 = arith.addi %add3A_637, %add3A_675 : i32
      %dma_start3A_677 = arith.constant 4 : i32
      %dma_start3A_678 = arith.constant 0 : i32
      %dma_start3A_679 = arith.constant 0 : i32
      %dma_start3A_680 = tpu.memref_slice %arg8[%dma_start3A_677, %dma_start3A_678, %dma_start3A_679] : memref<8x128x16xf32, #tpu.memory_space<vmem>> -> memref<1x128x16xf32, #tpu.memory_space<vmem>>
      %dma_start3A_681 = tpu.memref_squeeze %dma_start3A_680 : memref<1x128x16xf32, #tpu.memory_space<vmem>> -> memref<128x16xf32, #tpu.memory_space<vmem>>
      %dma_start3A_682 = arith.constant 0 : i32
      %dma_start3A_683 = tpu.memref_slice %arg6[%add3A_676, %dma_start3A_682] : memref<80x128xi32, #tpu.memory_space<vmem>> -> memref<1x128xi32, #tpu.memory_space<vmem>>
      %dma_start3A_684 = tpu.memref_squeeze %dma_start3A_683 : memref<1x128xi32, #tpu.memory_space<vmem>> -> memref<128xi32, #tpu.memory_space<vmem>>
      %dma_start3A_685 = arith.constant 0 : i32
      %dma_start3A_686 = arith.constant 0 : i32
      %dma_start3A_687 = tpu.memref_slice %arg11[%dma_start3A_685, %dma_start3A_686] : memref<10240x16xf32, #tpu.memory_space<vmem_shared>> -> memref<10240x16xf32, #tpu.memory_space<vmem_shared>>
      tpu.enqueue_indirect_dma source(%dma_start3A_687 : memref<10240x16xf32, #tpu.memory_space<vmem_shared>>) target(%dma_start3A_681 : memref<128x16xf32, #tpu.memory_space<vmem>>) offsets(%dma_start3A_684 : memref<128xi32, #tpu.memory_space<vmem>>) semaphore(%arg16 : memref<!tpu.dma_semaphore, #tpu.memory_space<semaphore_mem>>)
      %mul3A_688 = arith.constant 8 : i32
      %mul3A_689 = arith.muli %add3A_407, %mul3A_688 : i32
      %add3A_690 = arith.constant 4 : i32
      %add3A_691 = arith.addi %add3A_690, %mul3A_689 : i32
      %add3A_692 = arith.constant 5 : i32
      %add3A_693 = arith.addi %add3A_691, %add3A_692 : i32
      %dma_wait3A_694 = arith.constant 1 : i32
      %dma_wait3A_695 = arith.constant 0 : i32
      %dma_wait3A_696 = arith.constant 0 : i32
      %dma_wait3A_697 = tpu.memref_slice %arg8[%dma_wait3A_694, %dma_wait3A_695, %dma_wait3A_696] : memref<8x128x16xf32, #tpu.memory_space<vmem>> -> memref<1x128x16xf32, #tpu.memory_space<vmem>>
      %dma_wait3A_698 = tpu.memref_squeeze %dma_wait3A_697 : memref<1x128x16xf32, #tpu.memory_space<vmem>> -> memref<128x16xf32, #tpu.memory_space<vmem>>
      %dma_wait3A_699 = arith.constant 0 : i32
      %dma_wait3A_700 = tpu.memref_slice %arg6[%add3A_693, %dma_wait3A_699] : memref<80x128xi32, #tpu.memory_space<vmem>> -> memref<1x128xi32, #tpu.memory_space<vmem>>
      %dma_wait3A_701 = tpu.memref_squeeze %dma_wait3A_700 : memref<1x128xi32, #tpu.memory_space<vmem>> -> memref<128xi32, #tpu.memory_space<vmem>>
      %dma_wait3A_702 = arith.constant 0 : i32
      %dma_wait3A_703 = arith.constant 0 : i32
      %dma_wait3A_704 = tpu.memref_slice %arg11[%dma_wait3A_702, %dma_wait3A_703] : memref<10240x16xf32, #tpu.memory_space<vmem_shared>> -> memref<10240x16xf32, #tpu.memory_space<vmem_shared>>
      tpu.wait_indirect_dma semaphore(%arg13 : memref<!tpu.dma_semaphore, #tpu.memory_space<semaphore_mem>>) src(%dma_wait3A_704 : memref<10240x16xf32, #tpu.memory_space<vmem_shared>>) dst(%dma_wait3A_698 : memref<128x16xf32, #tpu.memory_space<vmem>>)
      %dma_start3A_705 = arith.constant 1 : i32
      %dma_start3A_706 = arith.constant 0 : i32
      %dma_start3A_707 = arith.constant 0 : i32
      %dma_start3A_708 = tpu.memref_slice %arg8[%dma_start3A_705, %dma_start3A_706, %dma_start3A_707] : memref<8x128x16xf32, #tpu.memory_space<vmem>> -> memref<1x128x16xf32, #tpu.memory_space<vmem>>
      %dma_start3A_709 = tpu.memref_squeeze %dma_start3A_708 : memref<1x128x16xf32, #tpu.memory_space<vmem>> -> memref<128x16xf32, #tpu.memory_space<vmem>>
      %dma_start3A_710 = arith.constant 0 : i32
      %dma_start3A_711 = tpu.memref_slice %arg7[%add3A_693, %dma_start3A_710] : memref<80x128xi32, #tpu.memory_space<vmem>> -> memref<1x128xi32, #tpu.memory_space<vmem>>
      %dma_start3A_712 = tpu.memref_squeeze %dma_start3A_711 : memref<1x128xi32, #tpu.memory_space<vmem>> -> memref<128xi32, #tpu.memory_space<vmem>>
      %dma_start3A_713 = arith.constant 0 : i32
      %dma_start3A_714 = arith.constant 0 : i32
      %dma_start3A_715 = tpu.memref_slice %arg10[%dma_start3A_713, %dma_start3A_714] : memref<10240x16xf32, #tpu.memory_space<vmem_shared>> -> memref<10240x16xf32, #tpu.memory_space<vmem_shared>>
      tpu.enqueue_indirect_dma source(%dma_start3A_709 : memref<128x16xf32, #tpu.memory_space<vmem>>) target(%dma_start3A_715 : memref<10240x16xf32, #tpu.memory_space<vmem_shared>>) offsets(%dma_start3A_712 : memref<128xi32, #tpu.memory_space<vmem>>) semaphore(%arg21 : memref<!tpu.dma_semaphore, #tpu.memory_space<semaphore_mem>>) {add = true}
      %mul3A_716 = arith.constant 8 : i32
      %mul3A_717 = arith.muli %add3A_407, %mul3A_716 : i32
      %add3A_718 = arith.constant 5 : i32
      %add3A_719 = arith.addi %mul3A_717, %add3A_718 : i32
      %dma_wait3A_720 = arith.constant 5 : i32
      %dma_wait3A_721 = arith.constant 0 : i32
      %dma_wait3A_722 = arith.constant 0 : i32
      %dma_wait3A_723 = tpu.memref_slice %arg8[%dma_wait3A_720, %dma_wait3A_721, %dma_wait3A_722] : memref<8x128x16xf32, #tpu.memory_space<vmem>> -> memref<1x128x16xf32, #tpu.memory_space<vmem>>
      %dma_wait3A_724 = tpu.memref_squeeze %dma_wait3A_723 : memref<1x128x16xf32, #tpu.memory_space<vmem>> -> memref<128x16xf32, #tpu.memory_space<vmem>>
      %dma_wait3A_725 = arith.constant 0 : i32
      %dma_wait3A_726 = tpu.memref_slice %arg7[%add3A_719, %dma_wait3A_725] : memref<80x128xi32, #tpu.memory_space<vmem>> -> memref<1x128xi32, #tpu.memory_space<vmem>>
      %dma_wait3A_727 = tpu.memref_squeeze %dma_wait3A_726 : memref<1x128xi32, #tpu.memory_space<vmem>> -> memref<128xi32, #tpu.memory_space<vmem>>
      %dma_wait3A_728 = arith.constant 0 : i32
      %dma_wait3A_729 = arith.constant 0 : i32
      %dma_wait3A_730 = tpu.memref_slice %arg10[%dma_wait3A_728, %dma_wait3A_729] : memref<10240x16xf32, #tpu.memory_space<vmem_shared>> -> memref<10240x16xf32, #tpu.memory_space<vmem_shared>>
      tpu.wait_indirect_dma semaphore(%arg25 : memref<!tpu.dma_semaphore, #tpu.memory_space<semaphore_mem>>) src(%dma_wait3A_724 : memref<128x16xf32, #tpu.memory_space<vmem>>) dst(%dma_wait3A_730 : memref<10240x16xf32, #tpu.memory_space<vmem_shared>>)
      %add3A_731 = arith.constant 4 : i32
      %add3A_732 = arith.addi %add3A_693, %add3A_731 : i32
      %dma_start3A_733 = arith.constant 5 : i32
      %dma_start3A_734 = arith.constant 0 : i32
      %dma_start3A_735 = arith.constant 0 : i32
      %dma_start3A_736 = tpu.memref_slice %arg8[%dma_start3A_733, %dma_start3A_734, %dma_start3A_735] : memref<8x128x16xf32, #tpu.memory_space<vmem>> -> memref<1x128x16xf32, #tpu.memory_space<vmem>>
      %dma_start3A_737 = tpu.memref_squeeze %dma_start3A_736 : memref<1x128x16xf32, #tpu.memory_space<vmem>> -> memref<128x16xf32, #tpu.memory_space<vmem>>
      %dma_start3A_738 = arith.constant 0 : i32
      %dma_start3A_739 = tpu.memref_slice %arg6[%add3A_732, %dma_start3A_738] : memref<80x128xi32, #tpu.memory_space<vmem>> -> memref<1x128xi32, #tpu.memory_space<vmem>>
      %dma_start3A_740 = tpu.memref_squeeze %dma_start3A_739 : memref<1x128xi32, #tpu.memory_space<vmem>> -> memref<128xi32, #tpu.memory_space<vmem>>
      %dma_start3A_741 = arith.constant 0 : i32
      %dma_start3A_742 = arith.constant 0 : i32
      %dma_start3A_743 = tpu.memref_slice %arg11[%dma_start3A_741, %dma_start3A_742] : memref<10240x16xf32, #tpu.memory_space<vmem_shared>> -> memref<10240x16xf32, #tpu.memory_space<vmem_shared>>
      tpu.enqueue_indirect_dma source(%dma_start3A_743 : memref<10240x16xf32, #tpu.memory_space<vmem_shared>>) target(%dma_start3A_737 : memref<128x16xf32, #tpu.memory_space<vmem>>) offsets(%dma_start3A_740 : memref<128xi32, #tpu.memory_space<vmem>>) semaphore(%arg17 : memref<!tpu.dma_semaphore, #tpu.memory_space<semaphore_mem>>)
      %mul3A_744 = arith.constant 8 : i32
      %mul3A_745 = arith.muli %add3A_407, %mul3A_744 : i32
      %add3A_746 = arith.constant 4 : i32
      %add3A_747 = arith.addi %add3A_746, %mul3A_745 : i32
      %add3A_748 = arith.constant 6 : i32
      %add3A_749 = arith.addi %add3A_747, %add3A_748 : i32
      %dma_wait3A_750 = arith.constant 2 : i32
      %dma_wait3A_751 = arith.constant 0 : i32
      %dma_wait3A_752 = arith.constant 0 : i32
      %dma_wait3A_753 = tpu.memref_slice %arg8[%dma_wait3A_750, %dma_wait3A_751, %dma_wait3A_752] : memref<8x128x16xf32, #tpu.memory_space<vmem>> -> memref<1x128x16xf32, #tpu.memory_space<vmem>>
      %dma_wait3A_754 = tpu.memref_squeeze %dma_wait3A_753 : memref<1x128x16xf32, #tpu.memory_space<vmem>> -> memref<128x16xf32, #tpu.memory_space<vmem>>
      %dma_wait3A_755 = arith.constant 0 : i32
      %dma_wait3A_756 = tpu.memref_slice %arg6[%add3A_749, %dma_wait3A_755] : memref<80x128xi32, #tpu.memory_space<vmem>> -> memref<1x128xi32, #tpu.memory_space<vmem>>
      %dma_wait3A_757 = tpu.memref_squeeze %dma_wait3A_756 : memref<1x128xi32, #tpu.memory_space<vmem>> -> memref<128xi32, #tpu.memory_space<vmem>>
      %dma_wait3A_758 = arith.constant 0 : i32
      %dma_wait3A_759 = arith.constant 0 : i32
      %dma_wait3A_760 = tpu.memref_slice %arg11[%dma_wait3A_758, %dma_wait3A_759] : memref<10240x16xf32, #tpu.memory_space<vmem_shared>> -> memref<10240x16xf32, #tpu.memory_space<vmem_shared>>
      tpu.wait_indirect_dma semaphore(%arg14 : memref<!tpu.dma_semaphore, #tpu.memory_space<semaphore_mem>>) src(%dma_wait3A_760 : memref<10240x16xf32, #tpu.memory_space<vmem_shared>>) dst(%dma_wait3A_754 : memref<128x16xf32, #tpu.memory_space<vmem>>)
      %dma_start3A_761 = arith.constant 2 : i32
      %dma_start3A_762 = arith.constant 0 : i32
      %dma_start3A_763 = arith.constant 0 : i32
      %dma_start3A_764 = tpu.memref_slice %arg8[%dma_start3A_761, %dma_start3A_762, %dma_start3A_763] : memref<8x128x16xf32, #tpu.memory_space<vmem>> -> memref<1x128x16xf32, #tpu.memory_space<vmem>>
      %dma_start3A_765 = tpu.memref_squeeze %dma_start3A_764 : memref<1x128x16xf32, #tpu.memory_space<vmem>> -> memref<128x16xf32, #tpu.memory_space<vmem>>
      %dma_start3A_766 = arith.constant 0 : i32
      %dma_start3A_767 = tpu.memref_slice %arg7[%add3A_749, %dma_start3A_766] : memref<80x128xi32, #tpu.memory_space<vmem>> -> memref<1x128xi32, #tpu.memory_space<vmem>>
      %dma_start3A_768 = tpu.memref_squeeze %dma_start3A_767 : memref<1x128xi32, #tpu.memory_space<vmem>> -> memref<128xi32, #tpu.memory_space<vmem>>
      %dma_start3A_769 = arith.constant 0 : i32
      %dma_start3A_770 = arith.constant 0 : i32
      %dma_start3A_771 = tpu.memref_slice %arg10[%dma_start3A_769, %dma_start3A_770] : memref<10240x16xf32, #tpu.memory_space<vmem_shared>> -> memref<10240x16xf32, #tpu.memory_space<vmem_shared>>
      tpu.enqueue_indirect_dma source(%dma_start3A_765 : memref<128x16xf32, #tpu.memory_space<vmem>>) target(%dma_start3A_771 : memref<10240x16xf32, #tpu.memory_space<vmem_shared>>) offsets(%dma_start3A_768 : memref<128xi32, #tpu.memory_space<vmem>>) semaphore(%arg22 : memref<!tpu.dma_semaphore, #tpu.memory_space<semaphore_mem>>) {add = true}
      %mul3A_772 = arith.constant 8 : i32
      %mul3A_773 = arith.muli %add3A_407, %mul3A_772 : i32
      %add3A_774 = arith.constant 6 : i32
      %add3A_775 = arith.addi %mul3A_773, %add3A_774 : i32
      %dma_wait3A_776 = arith.constant 6 : i32
      %dma_wait3A_777 = arith.constant 0 : i32
      %dma_wait3A_778 = arith.constant 0 : i32
      %dma_wait3A_779 = tpu.memref_slice %arg8[%dma_wait3A_776, %dma_wait3A_777, %dma_wait3A_778] : memref<8x128x16xf32, #tpu.memory_space<vmem>> -> memref<1x128x16xf32, #tpu.memory_space<vmem>>
      %dma_wait3A_780 = tpu.memref_squeeze %dma_wait3A_779 : memref<1x128x16xf32, #tpu.memory_space<vmem>> -> memref<128x16xf32, #tpu.memory_space<vmem>>
      %dma_wait3A_781 = arith.constant 0 : i32
      %dma_wait3A_782 = tpu.memref_slice %arg7[%add3A_775, %dma_wait3A_781] : memref<80x128xi32, #tpu.memory_space<vmem>> -> memref<1x128xi32, #tpu.memory_space<vmem>>
      %dma_wait3A_783 = tpu.memref_squeeze %dma_wait3A_782 : memref<1x128xi32, #tpu.memory_space<vmem>> -> memref<128xi32, #tpu.memory_space<vmem>>
      %dma_wait3A_784 = arith.constant 0 : i32
      %dma_wait3A_785 = arith.constant 0 : i32
      %dma_wait3A_786 = tpu.memref_slice %arg10[%dma_wait3A_784, %dma_wait3A_785] : memref<10240x16xf32, #tpu.memory_space<vmem_shared>> -> memref<10240x16xf32, #tpu.memory_space<vmem_shared>>
      tpu.wait_indirect_dma semaphore(%arg26 : memref<!tpu.dma_semaphore, #tpu.memory_space<semaphore_mem>>) src(%dma_wait3A_780 : memref<128x16xf32, #tpu.memory_space<vmem>>) dst(%dma_wait3A_786 : memref<10240x16xf32, #tpu.memory_space<vmem_shared>>)
      %add3A_787 = arith.constant 4 : i32
      %add3A_788 = arith.addi %add3A_749, %add3A_787 : i32
      %dma_start3A_789 = arith.constant 6 : i32
      %dma_start3A_790 = arith.constant 0 : i32
      %dma_start3A_791 = arith.constant 0 : i32
      %dma_start3A_792 = tpu.memref_slice %arg8[%dma_start3A_789, %dma_start3A_790, %dma_start3A_791] : memref<8x128x16xf32, #tpu.memory_space<vmem>> -> memref<1x128x16xf32, #tpu.memory_space<vmem>>
      %dma_start3A_793 = tpu.memref_squeeze %dma_start3A_792 : memref<1x128x16xf32, #tpu.memory_space<vmem>> -> memref<128x16xf32, #tpu.memory_space<vmem>>
      %dma_start3A_794 = arith.constant 0 : i32
      %dma_start3A_795 = tpu.memref_slice %arg6[%add3A_788, %dma_start3A_794] : memref<80x128xi32, #tpu.memory_space<vmem>> -> memref<1x128xi32, #tpu.memory_space<vmem>>
      %dma_start3A_796 = tpu.memref_squeeze %dma_start3A_795 : memref<1x128xi32, #tpu.memory_space<vmem>> -> memref<128xi32, #tpu.memory_space<vmem>>
      %dma_start3A_797 = arith.constant 0 : i32
      %dma_start3A_798 = arith.constant 0 : i32
      %dma_start3A_799 = tpu.memref_slice %arg11[%dma_start3A_797, %dma_start3A_798] : memref<10240x16xf32, #tpu.memory_space<vmem_shared>> -> memref<10240x16xf32, #tpu.memory_space<vmem_shared>>
      tpu.enqueue_indirect_dma source(%dma_start3A_799 : memref<10240x16xf32, #tpu.memory_space<vmem_shared>>) target(%dma_start3A_793 : memref<128x16xf32, #tpu.memory_space<vmem>>) offsets(%dma_start3A_796 : memref<128xi32, #tpu.memory_space<vmem>>) semaphore(%arg18 : memref<!tpu.dma_semaphore, #tpu.memory_space<semaphore_mem>>)
      %mul3A_800 = arith.constant 8 : i32
      %mul3A_801 = arith.muli %add3A_407, %mul3A_800 : i32
      %add3A_802 = arith.constant 4 : i32
      %add3A_803 = arith.addi %add3A_802, %mul3A_801 : i32
      %add3A_804 = arith.constant 7 : i32
      %add3A_805 = arith.addi %add3A_803, %add3A_804 : i32
      %dma_wait3A_806 = arith.constant 3 : i32
      %dma_wait3A_807 = arith.constant 0 : i32
      %dma_wait3A_808 = arith.constant 0 : i32
      %dma_wait3A_809 = tpu.memref_slice %arg8[%dma_wait3A_806, %dma_wait3A_807, %dma_wait3A_808] : memref<8x128x16xf32, #tpu.memory_space<vmem>> -> memref<1x128x16xf32, #tpu.memory_space<vmem>>
      %dma_wait3A_810 = tpu.memref_squeeze %dma_wait3A_809 : memref<1x128x16xf32, #tpu.memory_space<vmem>> -> memref<128x16xf32, #tpu.memory_space<vmem>>
      %dma_wait3A_811 = arith.constant 0 : i32
      %dma_wait3A_812 = tpu.memref_slice %arg6[%add3A_805, %dma_wait3A_811] : memref<80x128xi32, #tpu.memory_space<vmem>> -> memref<1x128xi32, #tpu.memory_space<vmem>>
      %dma_wait3A_813 = tpu.memref_squeeze %dma_wait3A_812 : memref<1x128xi32, #tpu.memory_space<vmem>> -> memref<128xi32, #tpu.memory_space<vmem>>
      %dma_wait3A_814 = arith.constant 0 : i32
      %dma_wait3A_815 = arith.constant 0 : i32
      %dma_wait3A_816 = tpu.memref_slice %arg11[%dma_wait3A_814, %dma_wait3A_815] : memref<10240x16xf32, #tpu.memory_space<vmem_shared>> -> memref<10240x16xf32, #tpu.memory_space<vmem_shared>>
      tpu.wait_indirect_dma semaphore(%arg15 : memref<!tpu.dma_semaphore, #tpu.memory_space<semaphore_mem>>) src(%dma_wait3A_816 : memref<10240x16xf32, #tpu.memory_space<vmem_shared>>) dst(%dma_wait3A_810 : memref<128x16xf32, #tpu.memory_space<vmem>>)
      %dma_start3A_817 = arith.constant 3 : i32
      %dma_start3A_818 = arith.constant 0 : i32
      %dma_start3A_819 = arith.constant 0 : i32
      %dma_start3A_820 = tpu.memref_slice %arg8[%dma_start3A_817, %dma_start3A_818, %dma_start3A_819] : memref<8x128x16xf32, #tpu.memory_space<vmem>> -> memref<1x128x16xf32, #tpu.memory_space<vmem>>
      %dma_start3A_821 = tpu.memref_squeeze %dma_start3A_820 : memref<1x128x16xf32, #tpu.memory_space<vmem>> -> memref<128x16xf32, #tpu.memory_space<vmem>>
      %dma_start3A_822 = arith.constant 0 : i32
      %dma_start3A_823 = tpu.memref_slice %arg7[%add3A_805, %dma_start3A_822] : memref<80x128xi32, #tpu.memory_space<vmem>> -> memref<1x128xi32, #tpu.memory_space<vmem>>
      %dma_start3A_824 = tpu.memref_squeeze %dma_start3A_823 : memref<1x128xi32, #tpu.memory_space<vmem>> -> memref<128xi32, #tpu.memory_space<vmem>>
      %dma_start3A_825 = arith.constant 0 : i32
      %dma_start3A_826 = arith.constant 0 : i32
      %dma_start3A_827 = tpu.memref_slice %arg10[%dma_start3A_825, %dma_start3A_826] : memref<10240x16xf32, #tpu.memory_space<vmem_shared>> -> memref<10240x16xf32, #tpu.memory_space<vmem_shared>>
      tpu.enqueue_indirect_dma source(%dma_start3A_821 : memref<128x16xf32, #tpu.memory_space<vmem>>) target(%dma_start3A_827 : memref<10240x16xf32, #tpu.memory_space<vmem_shared>>) offsets(%dma_start3A_824 : memref<128xi32, #tpu.memory_space<vmem>>) semaphore(%arg23 : memref<!tpu.dma_semaphore, #tpu.memory_space<semaphore_mem>>) {add = true}
      %mul3A_828 = arith.constant 8 : i32
      %mul3A_829 = arith.muli %add3A_407, %mul3A_828 : i32
      %add3A_830 = arith.constant 7 : i32
      %add3A_831 = arith.addi %mul3A_829, %add3A_830 : i32
      %dma_wait3A_832 = arith.constant 7 : i32
      %dma_wait3A_833 = arith.constant 0 : i32
      %dma_wait3A_834 = arith.constant 0 : i32
      %dma_wait3A_835 = tpu.memref_slice %arg8[%dma_wait3A_832, %dma_wait3A_833, %dma_wait3A_834] : memref<8x128x16xf32, #tpu.memory_space<vmem>> -> memref<1x128x16xf32, #tpu.memory_space<vmem>>
      %dma_wait3A_836 = tpu.memref_squeeze %dma_wait3A_835 : memref<1x128x16xf32, #tpu.memory_space<vmem>> -> memref<128x16xf32, #tpu.memory_space<vmem>>
      %dma_wait3A_837 = arith.constant 0 : i32
      %dma_wait3A_838 = tpu.memref_slice %arg7[%add3A_831, %dma_wait3A_837] : memref<80x128xi32, #tpu.memory_space<vmem>> -> memref<1x128xi32, #tpu.memory_space<vmem>>
      %dma_wait3A_839 = tpu.memref_squeeze %dma_wait3A_838 : memref<1x128xi32, #tpu.memory_space<vmem>> -> memref<128xi32, #tpu.memory_space<vmem>>
      %dma_wait3A_840 = arith.constant 0 : i32
      %dma_wait3A_841 = arith.constant 0 : i32
      %dma_wait3A_842 = tpu.memref_slice %arg10[%dma_wait3A_840, %dma_wait3A_841] : memref<10240x16xf32, #tpu.memory_space<vmem_shared>> -> memref<10240x16xf32, #tpu.memory_space<vmem_shared>>
      tpu.wait_indirect_dma semaphore(%arg27 : memref<!tpu.dma_semaphore, #tpu.memory_space<semaphore_mem>>) src(%dma_wait3A_836 : memref<128x16xf32, #tpu.memory_space<vmem>>) dst(%dma_wait3A_842 : memref<10240x16xf32, #tpu.memory_space<vmem_shared>>)
      %add3A_843 = arith.constant 4 : i32
      %add3A_844 = arith.addi %add3A_805, %add3A_843 : i32
      %dma_start3A_845 = arith.constant 7 : i32
      %dma_start3A_846 = arith.constant 0 : i32
      %dma_start3A_847 = arith.constant 0 : i32
      %dma_start3A_848 = tpu.memref_slice %arg8[%dma_start3A_845, %dma_start3A_846, %dma_start3A_847] : memref<8x128x16xf32, #tpu.memory_space<vmem>> -> memref<1x128x16xf32, #tpu.memory_space<vmem>>
      %dma_start3A_849 = tpu.memref_squeeze %dma_start3A_848 : memref<1x128x16xf32, #tpu.memory_space<vmem>> -> memref<128x16xf32, #tpu.memory_space<vmem>>
      %dma_start3A_850 = arith.constant 0 : i32
      %dma_start3A_851 = tpu.memref_slice %arg6[%add3A_844, %dma_start3A_850] : memref<80x128xi32, #tpu.memory_space<vmem>> -> memref<1x128xi32, #tpu.memory_space<vmem>>
      %dma_start3A_852 = tpu.memref_squeeze %dma_start3A_851 : memref<1x128xi32, #tpu.memory_space<vmem>> -> memref<128xi32, #tpu.memory_space<vmem>>
      %dma_start3A_853 = arith.constant 0 : i32
      %dma_start3A_854 = arith.constant 0 : i32
      %dma_start3A_855 = tpu.memref_slice %arg11[%dma_start3A_853, %dma_start3A_854] : memref<10240x16xf32, #tpu.memory_space<vmem_shared>> -> memref<10240x16xf32, #tpu.memory_space<vmem_shared>>
      tpu.enqueue_indirect_dma source(%dma_start3A_855 : memref<10240x16xf32, #tpu.memory_space<vmem_shared>>) target(%dma_start3A_849 : memref<128x16xf32, #tpu.memory_space<vmem>>) offsets(%dma_start3A_852 : memref<128xi32, #tpu.memory_space<vmem>>) semaphore(%arg19 : memref<!tpu.dma_semaphore, #tpu.memory_space<semaphore_mem>>)
    }
    %scan3A_205 = arith.constant 9 : i32
    %dma_wait3A_206 = arith.constant 76 : i32
    %dma_wait3A_207 = arith.constant 4 : i32
    %dma_wait3A_208 = arith.constant 0 : i32
    %dma_wait3A_209 = arith.constant 0 : i32
    %dma_wait3A_210 = tpu.memref_slice %arg8[%dma_wait3A_207, %dma_wait3A_208, %dma_wait3A_209] : memref<8x128x16xf32, #tpu.memory_space<vmem>> -> memref<1x128x16xf32, #tpu.memory_space<vmem>>
    %dma_wait3A_211 = tpu.memref_squeeze %dma_wait3A_210 : memref<1x128x16xf32, #tpu.memory_space<vmem>> -> memref<128x16xf32, #tpu.memory_space<vmem>>
    %dma_wait3A_212 = arith.constant 0 : i32
    %dma_wait3A_213 = tpu.memref_slice %arg6[%dma_wait3A_206, %dma_wait3A_212] : memref<80x128xi32, #tpu.memory_space<vmem>> -> memref<1x128xi32, #tpu.memory_space<vmem>>
    %dma_wait3A_214 = tpu.memref_squeeze %dma_wait3A_213 : memref<1x128xi32, #tpu.memory_space<vmem>> -> memref<128xi32, #tpu.memory_space<vmem>>
    %dma_wait3A_215 = arith.constant 0 : i32
    %dma_wait3A_216 = arith.constant 0 : i32
    %dma_wait3A_217 = tpu.memref_slice %arg11[%dma_wait3A_215, %dma_wait3A_216] : memref<10240x16xf32, #tpu.memory_space<vmem_shared>> -> memref<10240x16xf32, #tpu.memory_space<vmem_shared>>
    tpu.wait_indirect_dma semaphore(%arg16 : memref<!tpu.dma_semaphore, #tpu.memory_space<semaphore_mem>>) src(%dma_wait3A_217 : memref<10240x16xf32, #tpu.memory_space<vmem_shared>>) dst(%dma_wait3A_211 : memref<128x16xf32, #tpu.memory_space<vmem>>)
    %dma_start3A_218 = arith.constant 4 : i32
    %dma_start3A_219 = arith.constant 76 : i32
    %dma_start3A_220 = arith.constant 0 : i32
    %dma_start3A_221 = arith.constant 0 : i32
    %dma_start3A_222 = tpu.memref_slice %arg8[%dma_start3A_218, %dma_start3A_220, %dma_start3A_221] : memref<8x128x16xf32, #tpu.memory_space<vmem>> -> memref<1x128x16xf32, #tpu.memory_space<vmem>>
    %dma_start3A_223 = tpu.memref_squeeze %dma_start3A_222 : memref<1x128x16xf32, #tpu.memory_space<vmem>> -> memref<128x16xf32, #tpu.memory_space<vmem>>
    %dma_start3A_224 = arith.constant 0 : i32
    %dma_start3A_225 = tpu.memref_slice %arg7[%dma_start3A_219, %dma_start3A_224] : memref<80x128xi32, #tpu.memory_space<vmem>> -> memref<1x128xi32, #tpu.memory_space<vmem>>
    %dma_start3A_226 = tpu.memref_squeeze %dma_start3A_225 : memref<1x128xi32, #tpu.memory_space<vmem>> -> memref<128xi32, #tpu.memory_space<vmem>>
    %dma_start3A_227 = arith.constant 0 : i32
    %dma_start3A_228 = arith.constant 0 : i32
    %dma_start3A_229 = tpu.memref_slice %arg10[%dma_start3A_227, %dma_start3A_228] : memref<10240x16xf32, #tpu.memory_space<vmem_shared>> -> memref<10240x16xf32, #tpu.memory_space<vmem_shared>>
    tpu.enqueue_indirect_dma source(%dma_start3A_223 : memref<128x16xf32, #tpu.memory_space<vmem>>) target(%dma_start3A_229 : memref<10240x16xf32, #tpu.memory_space<vmem_shared>>) offsets(%dma_start3A_226 : memref<128xi32, #tpu.memory_space<vmem>>) semaphore(%arg24 : memref<!tpu.dma_semaphore, #tpu.memory_space<semaphore_mem>>) {add = true}
    %dma_wait3A_230 = arith.constant 77 : i32
    %dma_wait3A_231 = arith.constant 5 : i32
    %dma_wait3A_232 = arith.constant 0 : i32
    %dma_wait3A_233 = arith.constant 0 : i32
    %dma_wait3A_234 = tpu.memref_slice %arg8[%dma_wait3A_231, %dma_wait3A_232, %dma_wait3A_233] : memref<8x128x16xf32, #tpu.memory_space<vmem>> -> memref<1x128x16xf32, #tpu.memory_space<vmem>>
    %dma_wait3A_235 = tpu.memref_squeeze %dma_wait3A_234 : memref<1x128x16xf32, #tpu.memory_space<vmem>> -> memref<128x16xf32, #tpu.memory_space<vmem>>
    %dma_wait3A_236 = arith.constant 0 : i32
    %dma_wait3A_237 = tpu.memref_slice %arg6[%dma_wait3A_230, %dma_wait3A_236] : memref<80x128xi32, #tpu.memory_space<vmem>> -> memref<1x128xi32, #tpu.memory_space<vmem>>
    %dma_wait3A_238 = tpu.memref_squeeze %dma_wait3A_237 : memref<1x128xi32, #tpu.memory_space<vmem>> -> memref<128xi32, #tpu.memory_space<vmem>>
    %dma_wait3A_239 = arith.constant 0 : i32
    %dma_wait3A_240 = arith.constant 0 : i32
    %dma_wait3A_241 = tpu.memref_slice %arg11[%dma_wait3A_239, %dma_wait3A_240] : memref<10240x16xf32, #tpu.memory_space<vmem_shared>> -> memref<10240x16xf32, #tpu.memory_space<vmem_shared>>
    tpu.wait_indirect_dma semaphore(%arg17 : memref<!tpu.dma_semaphore, #tpu.memory_space<semaphore_mem>>) src(%dma_wait3A_241 : memref<10240x16xf32, #tpu.memory_space<vmem_shared>>) dst(%dma_wait3A_235 : memref<128x16xf32, #tpu.memory_space<vmem>>)
    %dma_start3A_242 = arith.constant 5 : i32
    %dma_start3A_243 = arith.constant 77 : i32
    %dma_start3A_244 = arith.constant 0 : i32
    %dma_start3A_245 = arith.constant 0 : i32
    %dma_start3A_246 = tpu.memref_slice %arg8[%dma_start3A_242, %dma_start3A_244, %dma_start3A_245] : memref<8x128x16xf32, #tpu.memory_space<vmem>> -> memref<1x128x16xf32, #tpu.memory_space<vmem>>
    %dma_start3A_247 = tpu.memref_squeeze %dma_start3A_246 : memref<1x128x16xf32, #tpu.memory_space<vmem>> -> memref<128x16xf32, #tpu.memory_space<vmem>>
    %dma_start3A_248 = arith.constant 0 : i32
    %dma_start3A_249 = tpu.memref_slice %arg7[%dma_start3A_243, %dma_start3A_248] : memref<80x128xi32, #tpu.memory_space<vmem>> -> memref<1x128xi32, #tpu.memory_space<vmem>>
    %dma_start3A_250 = tpu.memref_squeeze %dma_start3A_249 : memref<1x128xi32, #tpu.memory_space<vmem>> -> memref<128xi32, #tpu.memory_space<vmem>>
    %dma_start3A_251 = arith.constant 0 : i32
    %dma_start3A_252 = arith.constant 0 : i32
    %dma_start3A_253 = tpu.memref_slice %arg10[%dma_start3A_251, %dma_start3A_252] : memref<10240x16xf32, #tpu.memory_space<vmem_shared>> -> memref<10240x16xf32, #tpu.memory_space<vmem_shared>>
    tpu.enqueue_indirect_dma source(%dma_start3A_247 : memref<128x16xf32, #tpu.memory_space<vmem>>) target(%dma_start3A_253 : memref<10240x16xf32, #tpu.memory_space<vmem_shared>>) offsets(%dma_start3A_250 : memref<128xi32, #tpu.memory_space<vmem>>) semaphore(%arg25 : memref<!tpu.dma_semaphore, #tpu.memory_space<semaphore_mem>>) {add = true}
    %dma_wait3A_254 = arith.constant 78 : i32
    %dma_wait3A_255 = arith.constant 6 : i32
    %dma_wait3A_256 = arith.constant 0 : i32
    %dma_wait3A_257 = arith.constant 0 : i32
    %dma_wait3A_258 = tpu.memref_slice %arg8[%dma_wait3A_255, %dma_wait3A_256, %dma_wait3A_257] : memref<8x128x16xf32, #tpu.memory_space<vmem>> -> memref<1x128x16xf32, #tpu.memory_space<vmem>>
    %dma_wait3A_259 = tpu.memref_squeeze %dma_wait3A_258 : memref<1x128x16xf32, #tpu.memory_space<vmem>> -> memref<128x16xf32, #tpu.memory_space<vmem>>
    %dma_wait3A_260 = arith.constant 0 : i32
    %dma_wait3A_261 = tpu.memref_slice %arg6[%dma_wait3A_254, %dma_wait3A_260] : memref<80x128xi32, #tpu.memory_space<vmem>> -> memref<1x128xi32, #tpu.memory_space<vmem>>
    %dma_wait3A_262 = tpu.memref_squeeze %dma_wait3A_261 : memref<1x128xi32, #tpu.memory_space<vmem>> -> memref<128xi32, #tpu.memory_space<vmem>>
    %dma_wait3A_263 = arith.constant 0 : i32
    %dma_wait3A_264 = arith.constant 0 : i32
    %dma_wait3A_265 = tpu.memref_slice %arg11[%dma_wait3A_263, %dma_wait3A_264] : memref<10240x16xf32, #tpu.memory_space<vmem_shared>> -> memref<10240x16xf32, #tpu.memory_space<vmem_shared>>
    tpu.wait_indirect_dma semaphore(%arg18 : memref<!tpu.dma_semaphore, #tpu.memory_space<semaphore_mem>>) src(%dma_wait3A_265 : memref<10240x16xf32, #tpu.memory_space<vmem_shared>>) dst(%dma_wait3A_259 : memref<128x16xf32, #tpu.memory_space<vmem>>)
    %dma_start3A_266 = arith.constant 6 : i32
    %dma_start3A_267 = arith.constant 78 : i32
    %dma_start3A_268 = arith.constant 0 : i32
    %dma_start3A_269 = arith.constant 0 : i32
    %dma_start3A_270 = tpu.memref_slice %arg8[%dma_start3A_266, %dma_start3A_268, %dma_start3A_269] : memref<8x128x16xf32, #tpu.memory_space<vmem>> -> memref<1x128x16xf32, #tpu.memory_space<vmem>>
    %dma_start3A_271 = tpu.memref_squeeze %dma_start3A_270 : memref<1x128x16xf32, #tpu.memory_space<vmem>> -> memref<128x16xf32, #tpu.memory_space<vmem>>
    %dma_start3A_272 = arith.constant 0 : i32
    %dma_start3A_273 = tpu.memref_slice %arg7[%dma_start3A_267, %dma_start3A_272] : memref<80x128xi32, #tpu.memory_space<vmem>> -> memref<1x128xi32, #tpu.memory_space<vmem>>
    %dma_start3A_274 = tpu.memref_squeeze %dma_start3A_273 : memref<1x128xi32, #tpu.memory_space<vmem>> -> memref<128xi32, #tpu.memory_space<vmem>>
    %dma_start3A_275 = arith.constant 0 : i32
    %dma_start3A_276 = arith.constant 0 : i32
    %dma_start3A_277 = tpu.memref_slice %arg10[%dma_start3A_275, %dma_start3A_276] : memref<10240x16xf32, #tpu.memory_space<vmem_shared>> -> memref<10240x16xf32, #tpu.memory_space<vmem_shared>>
    tpu.enqueue_indirect_dma source(%dma_start3A_271 : memref<128x16xf32, #tpu.memory_space<vmem>>) target(%dma_start3A_277 : memref<10240x16xf32, #tpu.memory_space<vmem_shared>>) offsets(%dma_start3A_274 : memref<128xi32, #tpu.memory_space<vmem>>) semaphore(%arg26 : memref<!tpu.dma_semaphore, #tpu.memory_space<semaphore_mem>>) {add = true}
    %dma_wait3A_278 = arith.constant 79 : i32
    %dma_wait3A_279 = arith.constant 7 : i32
    %dma_wait3A_280 = arith.constant 0 : i32
    %dma_wait3A_281 = arith.constant 0 : i32
    %dma_wait3A_282 = tpu.memref_slice %arg8[%dma_wait3A_279, %dma_wait3A_280, %dma_wait3A_281] : memref<8x128x16xf32, #tpu.memory_space<vmem>> -> memref<1x128x16xf32, #tpu.memory_space<vmem>>
    %dma_wait3A_283 = tpu.memref_squeeze %dma_wait3A_282 : memref<1x128x16xf32, #tpu.memory_space<vmem>> -> memref<128x16xf32, #tpu.memory_space<vmem>>
    %dma_wait3A_284 = arith.constant 0 : i32
    %dma_wait3A_285 = tpu.memref_slice %arg6[%dma_wait3A_278, %dma_wait3A_284] : memref<80x128xi32, #tpu.memory_space<vmem>> -> memref<1x128xi32, #tpu.memory_space<vmem>>
    %dma_wait3A_286 = tpu.memref_squeeze %dma_wait3A_285 : memref<1x128xi32, #tpu.memory_space<vmem>> -> memref<128xi32, #tpu.memory_space<vmem>>
    %dma_wait3A_287 = arith.constant 0 : i32
    %dma_wait3A_288 = arith.constant 0 : i32
    %dma_wait3A_289 = tpu.memref_slice %arg11[%dma_wait3A_287, %dma_wait3A_288] : memref<10240x16xf32, #tpu.memory_space<vmem_shared>> -> memref<10240x16xf32, #tpu.memory_space<vmem_shared>>
    tpu.wait_indirect_dma semaphore(%arg19 : memref<!tpu.dma_semaphore, #tpu.memory_space<semaphore_mem>>) src(%dma_wait3A_289 : memref<10240x16xf32, #tpu.memory_space<vmem_shared>>) dst(%dma_wait3A_283 : memref<128x16xf32, #tpu.memory_space<vmem>>)
    %dma_start3A_290 = arith.constant 7 : i32
    %dma_start3A_291 = arith.constant 79 : i32
    %dma_start3A_292 = arith.constant 0 : i32
    %dma_start3A_293 = arith.constant 0 : i32
    %dma_start3A_294 = tpu.memref_slice %arg8[%dma_start3A_290, %dma_start3A_292, %dma_start3A_293] : memref<8x128x16xf32, #tpu.memory_space<vmem>> -> memref<1x128x16xf32, #tpu.memory_space<vmem>>
    %dma_start3A_295 = tpu.memref_squeeze %dma_start3A_294 : memref<1x128x16xf32, #tpu.memory_space<vmem>> -> memref<128x16xf32, #tpu.memory_space<vmem>>
    %dma_start3A_296 = arith.constant 0 : i32
    %dma_start3A_297 = tpu.memref_slice %arg7[%dma_start3A_291, %dma_start3A_296] : memref<80x128xi32, #tpu.memory_space<vmem>> -> memref<1x128xi32, #tpu.memory_space<vmem>>
    %dma_start3A_298 = tpu.memref_squeeze %dma_start3A_297 : memref<1x128xi32, #tpu.memory_space<vmem>> -> memref<128xi32, #tpu.memory_space<vmem>>
    %dma_start3A_299 = arith.constant 0 : i32
    %dma_start3A_300 = arith.constant 0 : i32
    %dma_start3A_301 = tpu.memref_slice %arg10[%dma_start3A_299, %dma_start3A_300] : memref<10240x16xf32, #tpu.memory_space<vmem_shared>> -> memref<10240x16xf32, #tpu.memory_space<vmem_shared>>
    tpu.enqueue_indirect_dma source(%dma_start3A_295 : memref<128x16xf32, #tpu.memory_space<vmem>>) target(%dma_start3A_301 : memref<10240x16xf32, #tpu.memory_space<vmem_shared>>) offsets(%dma_start3A_298 : memref<128xi32, #tpu.memory_space<vmem>>) semaphore(%arg27 : memref<!tpu.dma_semaphore, #tpu.memory_space<semaphore_mem>>) {add = true}
    %dma_wait3A_302 = arith.constant 0 : i32
    %dma_wait3A_303 = arith.constant 72 : i32
    %dma_wait3A_304 = arith.constant 0 : i32
    %dma_wait3A_305 = arith.constant 0 : i32
    %dma_wait3A_306 = tpu.memref_slice %arg8[%dma_wait3A_302, %dma_wait3A_304, %dma_wait3A_305] : memref<8x128x16xf32, #tpu.memory_space<vmem>> -> memref<1x128x16xf32, #tpu.memory_space<vmem>>
    %dma_wait3A_307 = tpu.memref_squeeze %dma_wait3A_306 : memref<1x128x16xf32, #tpu.memory_space<vmem>> -> memref<128x16xf32, #tpu.memory_space<vmem>>
    %dma_wait3A_308 = arith.constant 0 : i32
    %dma_wait3A_309 = tpu.memref_slice %arg7[%dma_wait3A_303, %dma_wait3A_308] : memref<80x128xi32, #tpu.memory_space<vmem>> -> memref<1x128xi32, #tpu.memory_space<vmem>>
    %dma_wait3A_310 = tpu.memref_squeeze %dma_wait3A_309 : memref<1x128xi32, #tpu.memory_space<vmem>> -> memref<128xi32, #tpu.memory_space<vmem>>
    %dma_wait3A_311 = arith.constant 0 : i32
    %dma_wait3A_312 = arith.constant 0 : i32
    %dma_wait3A_313 = tpu.memref_slice %arg10[%dma_wait3A_311, %dma_wait3A_312] : memref<10240x16xf32, #tpu.memory_space<vmem_shared>> -> memref<10240x16xf32, #tpu.memory_space<vmem_shared>>
    tpu.wait_indirect_dma semaphore(%arg20 : memref<!tpu.dma_semaphore, #tpu.memory_space<semaphore_mem>>) src(%dma_wait3A_307 : memref<128x16xf32, #tpu.memory_space<vmem>>) dst(%dma_wait3A_313 : memref<10240x16xf32, #tpu.memory_space<vmem_shared>>)
    %dma_wait3A_314 = arith.constant 1 : i32
    %dma_wait3A_315 = arith.constant 73 : i32
    %dma_wait3A_316 = arith.constant 0 : i32
    %dma_wait3A_317 = arith.constant 0 : i32
    %dma_wait3A_318 = tpu.memref_slice %arg8[%dma_wait3A_314, %dma_wait3A_316, %dma_wait3A_317] : memref<8x128x16xf32, #tpu.memory_space<vmem>> -> memref<1x128x16xf32, #tpu.memory_space<vmem>>
    %dma_wait3A_319 = tpu.memref_squeeze %dma_wait3A_318 : memref<1x128x16xf32, #tpu.memory_space<vmem>> -> memref<128x16xf32, #tpu.memory_space<vmem>>
    %dma_wait3A_320 = arith.constant 0 : i32
    %dma_wait3A_321 = tpu.memref_slice %arg7[%dma_wait3A_315, %dma_wait3A_320] : memref<80x128xi32, #tpu.memory_space<vmem>> -> memref<1x128xi32, #tpu.memory_space<vmem>>
    %dma_wait3A_322 = tpu.memref_squeeze %dma_wait3A_321 : memref<1x128xi32, #tpu.memory_space<vmem>> -> memref<128xi32, #tpu.memory_space<vmem>>
    %dma_wait3A_323 = arith.constant 0 : i32
    %dma_wait3A_324 = arith.constant 0 : i32
    %dma_wait3A_325 = tpu.memref_slice %arg10[%dma_wait3A_323, %dma_wait3A_324] : memref<10240x16xf32, #tpu.memory_space<vmem_shared>> -> memref<10240x16xf32, #tpu.memory_space<vmem_shared>>
    tpu.wait_indirect_dma semaphore(%arg21 : memref<!tpu.dma_semaphore, #tpu.memory_space<semaphore_mem>>) src(%dma_wait3A_319 : memref<128x16xf32, #tpu.memory_space<vmem>>) dst(%dma_wait3A_325 : memref<10240x16xf32, #tpu.memory_space<vmem_shared>>)
    %dma_wait3A_326 = arith.constant 2 : i32
    %dma_wait3A_327 = arith.constant 74 : i32
    %dma_wait3A_328 = arith.constant 0 : i32
    %dma_wait3A_329 = arith.constant 0 : i32
    %dma_wait3A_330 = tpu.memref_slice %arg8[%dma_wait3A_326, %dma_wait3A_328, %dma_wait3A_329] : memref<8x128x16xf32, #tpu.memory_space<vmem>> -> memref<1x128x16xf32, #tpu.memory_space<vmem>>
    %dma_wait3A_331 = tpu.memref_squeeze %dma_wait3A_330 : memref<1x128x16xf32, #tpu.memory_space<vmem>> -> memref<128x16xf32, #tpu.memory_space<vmem>>
    %dma_wait3A_332 = arith.constant 0 : i32
    %dma_wait3A_333 = tpu.memref_slice %arg7[%dma_wait3A_327, %dma_wait3A_332] : memref<80x128xi32, #tpu.memory_space<vmem>> -> memref<1x128xi32, #tpu.memory_space<vmem>>
    %dma_wait3A_334 = tpu.memref_squeeze %dma_wait3A_333 : memref<1x128xi32, #tpu.memory_space<vmem>> -> memref<128xi32, #tpu.memory_space<vmem>>
    %dma_wait3A_335 = arith.constant 0 : i32
    %dma_wait3A_336 = arith.constant 0 : i32
    %dma_wait3A_337 = tpu.memref_slice %arg10[%dma_wait3A_335, %dma_wait3A_336] : memref<10240x16xf32, #tpu.memory_space<vmem_shared>> -> memref<10240x16xf32, #tpu.memory_space<vmem_shared>>
    tpu.wait_indirect_dma semaphore(%arg22 : memref<!tpu.dma_semaphore, #tpu.memory_space<semaphore_mem>>) src(%dma_wait3A_331 : memref<128x16xf32, #tpu.memory_space<vmem>>) dst(%dma_wait3A_337 : memref<10240x16xf32, #tpu.memory_space<vmem_shared>>)
    %dma_wait3A_338 = arith.constant 3 : i32
    %dma_wait3A_339 = arith.constant 75 : i32
    %dma_wait3A_340 = arith.constant 0 : i32
    %dma_wait3A_341 = arith.constant 0 : i32
    %dma_wait3A_342 = tpu.memref_slice %arg8[%dma_wait3A_338, %dma_wait3A_340, %dma_wait3A_341] : memref<8x128x16xf32, #tpu.memory_space<vmem>> -> memref<1x128x16xf32, #tpu.memory_space<vmem>>
    %dma_wait3A_343 = tpu.memref_squeeze %dma_wait3A_342 : memref<1x128x16xf32, #tpu.memory_space<vmem>> -> memref<128x16xf32, #tpu.memory_space<vmem>>
    %dma_wait3A_344 = arith.constant 0 : i32
    %dma_wait3A_345 = tpu.memref_slice %arg7[%dma_wait3A_339, %dma_wait3A_344] : memref<80x128xi32, #tpu.memory_space<vmem>> -> memref<1x128xi32, #tpu.memory_space<vmem>>
    %dma_wait3A_346 = tpu.memref_squeeze %dma_wait3A_345 : memref<1x128xi32, #tpu.memory_space<vmem>> -> memref<128xi32, #tpu.memory_space<vmem>>
    %dma_wait3A_347 = arith.constant 0 : i32
    %dma_wait3A_348 = arith.constant 0 : i32
    %dma_wait3A_349 = tpu.memref_slice %arg10[%dma_wait3A_347, %dma_wait3A_348] : memref<10240x16xf32, #tpu.memory_space<vmem_shared>> -> memref<10240x16xf32, #tpu.memory_space<vmem_shared>>
    tpu.wait_indirect_dma semaphore(%arg23 : memref<!tpu.dma_semaphore, #tpu.memory_space<semaphore_mem>>) src(%dma_wait3A_343 : memref<128x16xf32, #tpu.memory_space<vmem>>) dst(%dma_wait3A_349 : memref<10240x16xf32, #tpu.memory_space<vmem_shared>>)
    %dma_wait3A_350 = arith.constant 4 : i32
    %dma_wait3A_351 = arith.constant 76 : i32
    %dma_wait3A_352 = arith.constant 0 : i32
    %dma_wait3A_353 = arith.constant 0 : i32
    %dma_wait3A_354 = tpu.memref_slice %arg8[%dma_wait3A_350, %dma_wait3A_352, %dma_wait3A_353] : memref<8x128x16xf32, #tpu.memory_space<vmem>> -> memref<1x128x16xf32, #tpu.memory_space<vmem>>
    %dma_wait3A_355 = tpu.memref_squeeze %dma_wait3A_354 : memref<1x128x16xf32, #tpu.memory_space<vmem>> -> memref<128x16xf32, #tpu.memory_space<vmem>>
    %dma_wait3A_356 = arith.constant 0 : i32
    %dma_wait3A_357 = tpu.memref_slice %arg7[%dma_wait3A_351, %dma_wait3A_356] : memref<80x128xi32, #tpu.memory_space<vmem>> -> memref<1x128xi32, #tpu.memory_space<vmem>>
    %dma_wait3A_358 = tpu.memref_squeeze %dma_wait3A_357 : memref<1x128xi32, #tpu.memory_space<vmem>> -> memref<128xi32, #tpu.memory_space<vmem>>
    %dma_wait3A_359 = arith.constant 0 : i32
    %dma_wait3A_360 = arith.constant 0 : i32
    %dma_wait3A_361 = tpu.memref_slice %arg10[%dma_wait3A_359, %dma_wait3A_360] : memref<10240x16xf32, #tpu.memory_space<vmem_shared>> -> memref<10240x16xf32, #tpu.memory_space<vmem_shared>>
    tpu.wait_indirect_dma semaphore(%arg24 : memref<!tpu.dma_semaphore, #tpu.memory_space<semaphore_mem>>) src(%dma_wait3A_355 : memref<128x16xf32, #tpu.memory_space<vmem>>) dst(%dma_wait3A_361 : memref<10240x16xf32, #tpu.memory_space<vmem_shared>>)
    %dma_wait3A_362 = arith.constant 5 : i32
    %dma_wait3A_363 = arith.constant 77 : i32
    %dma_wait3A_364 = arith.constant 0 : i32
    %dma_wait3A_365 = arith.constant 0 : i32
    %dma_wait3A_366 = tpu.memref_slice %arg8[%dma_wait3A_362, %dma_wait3A_364, %dma_wait3A_365] : memref<8x128x16xf32, #tpu.memory_space<vmem>> -> memref<1x128x16xf32, #tpu.memory_space<vmem>>
    %dma_wait3A_367 = tpu.memref_squeeze %dma_wait3A_366 : memref<1x128x16xf32, #tpu.memory_space<vmem>> -> memref<128x16xf32, #tpu.memory_space<vmem>>
    %dma_wait3A_368 = arith.constant 0 : i32
    %dma_wait3A_369 = tpu.memref_slice %arg7[%dma_wait3A_363, %dma_wait3A_368] : memref<80x128xi32, #tpu.memory_space<vmem>> -> memref<1x128xi32, #tpu.memory_space<vmem>>
    %dma_wait3A_370 = tpu.memref_squeeze %dma_wait3A_369 : memref<1x128xi32, #tpu.memory_space<vmem>> -> memref<128xi32, #tpu.memory_space<vmem>>
    %dma_wait3A_371 = arith.constant 0 : i32
    %dma_wait3A_372 = arith.constant 0 : i32
    %dma_wait3A_373 = tpu.memref_slice %arg10[%dma_wait3A_371, %dma_wait3A_372] : memref<10240x16xf32, #tpu.memory_space<vmem_shared>> -> memref<10240x16xf32, #tpu.memory_space<vmem_shared>>
    tpu.wait_indirect_dma semaphore(%arg25 : memref<!tpu.dma_semaphore, #tpu.memory_space<semaphore_mem>>) src(%dma_wait3A_367 : memref<128x16xf32, #tpu.memory_space<vmem>>) dst(%dma_wait3A_373 : memref<10240x16xf32, #tpu.memory_space<vmem_shared>>)
    %dma_wait3A_374 = arith.constant 6 : i32
    %dma_wait3A_375 = arith.constant 78 : i32
    %dma_wait3A_376 = arith.constant 0 : i32
    %dma_wait3A_377 = arith.constant 0 : i32
    %dma_wait3A_378 = tpu.memref_slice %arg8[%dma_wait3A_374, %dma_wait3A_376, %dma_wait3A_377] : memref<8x128x16xf32, #tpu.memory_space<vmem>> -> memref<1x128x16xf32, #tpu.memory_space<vmem>>
    %dma_wait3A_379 = tpu.memref_squeeze %dma_wait3A_378 : memref<1x128x16xf32, #tpu.memory_space<vmem>> -> memref<128x16xf32, #tpu.memory_space<vmem>>
    %dma_wait3A_380 = arith.constant 0 : i32
    %dma_wait3A_381 = tpu.memref_slice %arg7[%dma_wait3A_375, %dma_wait3A_380] : memref<80x128xi32, #tpu.memory_space<vmem>> -> memref<1x128xi32, #tpu.memory_space<vmem>>
    %dma_wait3A_382 = tpu.memref_squeeze %dma_wait3A_381 : memref<1x128xi32, #tpu.memory_space<vmem>> -> memref<128xi32, #tpu.memory_space<vmem>>
    %dma_wait3A_383 = arith.constant 0 : i32
    %dma_wait3A_384 = arith.constant 0 : i32
    %dma_wait3A_385 = tpu.memref_slice %arg10[%dma_wait3A_383, %dma_wait3A_384] : memref<10240x16xf32, #tpu.memory_space<vmem_shared>> -> memref<10240x16xf32, #tpu.memory_space<vmem_shared>>
    tpu.wait_indirect_dma semaphore(%arg26 : memref<!tpu.dma_semaphore, #tpu.memory_space<semaphore_mem>>) src(%dma_wait3A_379 : memref<128x16xf32, #tpu.memory_space<vmem>>) dst(%dma_wait3A_385 : memref<10240x16xf32, #tpu.memory_space<vmem_shared>>)
    %dma_wait3A_386 = arith.constant 7 : i32
    %dma_wait3A_387 = arith.constant 79 : i32
    %dma_wait3A_388 = arith.constant 0 : i32
    %dma_wait3A_389 = arith.constant 0 : i32
    %dma_wait3A_390 = tpu.memref_slice %arg8[%dma_wait3A_386, %dma_wait3A_388, %dma_wait3A_389] : memref<8x128x16xf32, #tpu.memory_space<vmem>> -> memref<1x128x16xf32, #tpu.memory_space<vmem>>
    %dma_wait3A_391 = tpu.memref_squeeze %dma_wait3A_390 : memref<1x128x16xf32, #tpu.memory_space<vmem>> -> memref<128x16xf32, #tpu.memory_space<vmem>>
    %dma_wait3A_392 = arith.constant 0 : i32
    %dma_wait3A_393 = tpu.memref_slice %arg7[%dma_wait3A_387, %dma_wait3A_392] : memref<80x128xi32, #tpu.memory_space<vmem>> -> memref<1x128xi32, #tpu.memory_space<vmem>>
    %dma_wait3A_394 = tpu.memref_squeeze %dma_wait3A_393 : memref<1x128xi32, #tpu.memory_space<vmem>> -> memref<128xi32, #tpu.memory_space<vmem>>
    %dma_wait3A_395 = arith.constant 0 : i32
    %dma_wait3A_396 = arith.constant 0 : i32
    %dma_wait3A_397 = tpu.memref_slice %arg10[%dma_wait3A_395, %dma_wait3A_396] : memref<10240x16xf32, #tpu.memory_space<vmem_shared>> -> memref<10240x16xf32, #tpu.memory_space<vmem_shared>>
    tpu.wait_indirect_dma semaphore(%arg27 : memref<!tpu.dma_semaphore, #tpu.memory_space<semaphore_mem>>) src(%dma_wait3A_391 : memref<128x16xf32, #tpu.memory_space<vmem>>) dst(%dma_wait3A_397 : memref<10240x16xf32, #tpu.memory_space<vmem_shared>>)
    %barrier3A_398 = arith.constant 0 : index
    tpu.barrier barrier_id(%barrier3A_398)
    %mul3A_399 = arith.constant 640 : i32
    %mul3A_400 = arith.muli %arg1, %mul3A_399 : i32
    %mul3A_401 = arith.constant 640 : i32
    %mul3A_402 = arith.muli %arg1, %mul3A_401 : i32
    "tpu.region"() ({
      %run_scoped3A = tpu.sem_alloc : memref<!tpu.dma_semaphore, #tpu.memory_space<semaphore_mem>>
      %dma_start3A_403 = arith.constant 0 : i32
      %dma_start3A_404 = tpu.memref_slice %arg5[%arg0, %mul3A_402, %dma_start3A_403] : memref<2x10240x16xf32, #tpu.memory_space<hbm>> -> memref<1x640x16xf32, #tpu.memory_space<hbm>>
      %dma_start3A_405 = tpu.memref_squeeze %dma_start3A_404 : memref<1x640x16xf32, #tpu.memory_space<hbm>> -> memref<640x16xf32, #tpu.memory_space<hbm>>
      %dma_start3A_406 = arith.constant 0 : i32
      %dma_start3A_407 = tpu.memref_slice %arg10[%mul3A_400, %dma_start3A_406] : memref<10240x16xf32, #tpu.memory_space<vmem_shared>> -> memref<640x16xf32, #tpu.memory_space<vmem_shared>>
      tpu.enqueue_dma source(%dma_start3A_407 : memref<640x16xf32, #tpu.memory_space<vmem_shared>>) target(%dma_start3A_405 : memref<640x16xf32, #tpu.memory_space<hbm>>) target_semaphore(%run_scoped3A : memref<!tpu.dma_semaphore, #tpu.memory_space<semaphore_mem>>)
      %dma_wait3A_408 = arith.constant 0 : i32
      %dma_wait3A_409 = tpu.memref_slice %arg5[%arg0, %mul3A_402, %dma_wait3A_408] : memref<2x10240x16xf32, #tpu.memory_space<hbm>> -> memref<1x640x16xf32, #tpu.memory_space<hbm>>
      %dma_wait3A_410 = tpu.memref_squeeze %dma_wait3A_409 : memref<1x640x16xf32, #tpu.memory_space<hbm>> -> memref<640x16xf32, #tpu.memory_space<hbm>>
      %dma_wait3A_411 = arith.constant 0 : i32
      %dma_wait3A_412 = tpu.memref_slice %arg10[%mul3A_400, %dma_wait3A_411] : memref<10240x16xf32, #tpu.memory_space<vmem_shared>> -> memref<640x16xf32, #tpu.memory_space<vmem_shared>>
      tpu.wait_dma2 semaphore(%run_scoped3A : memref<!tpu.dma_semaphore, #tpu.memory_space<semaphore_mem>>) src(%dma_wait3A_412 : memref<640x16xf32, #tpu.memory_space<vmem_shared>>) dst(%dma_wait3A_410 : memref<640x16xf32, #tpu.memory_space<hbm>>)
      tpu.yield
    }) : () -> ()
    return
  }
}

#map = affine_map<(d0, d1) -> (0, 0)>
#map1 = affine_map<(d0, d1) -> (0, 0, 0)>
module attributes {stable_mosaic.version = 14 : i64} {
  func.func @_sc_aggregate_body(%arg0: i32, %arg1: i32, %arg2: memref<10240x16xf32, #tpu.memory_space<hbm>>, %arg3: memref<32x80x128xi32, #tpu.memory_space<hbm>>, %arg4: memref<32x80x128xi32, #tpu.memory_space<hbm>>, %arg5: memref<2x10240x16xf32, #tpu.memory_space<hbm>>, %arg6: memref<80x128xi32, #tpu.memory_space<vmem>>, %arg7: memref<80x128xi32, #tpu.memory_space<vmem>>, %arg8: memref<8x128x16xf32, #tpu.memory_space<vmem>>, %arg9: memref<640x16xf32, #tpu.memory_space<vmem>>, %arg10: memref<10240x16xf32, #tpu.memory_space<vmem_shared>>, %arg11: memref<10240x16xf32, #tpu.memory_space<vmem_shared>>, %arg12: memref<!tpu.dma_semaphore, #tpu.memory_space<semaphore_mem>>, %arg13: memref<!tpu.dma_semaphore, #tpu.memory_space<semaphore_mem>>, %arg14: memref<!tpu.dma_semaphore, #tpu.memory_space<semaphore_mem>>, %arg15: memref<!tpu.dma_semaphore, #tpu.memory_space<semaphore_mem>>, %arg16: memref<!tpu.dma_semaphore, #tpu.memory_space<semaphore_mem>>, %arg17: memref<!tpu.dma_semaphore, #tpu.memory_space<semaphore_mem>>, %arg18: memref<!tpu.dma_semaphore, #tpu.memory_space<semaphore_mem>>, %arg19: memref<!tpu.dma_semaphore, #tpu.memory_space<semaphore_mem>>, %arg20: memref<!tpu.dma_semaphore, #tpu.memory_space<semaphore_mem>>, %arg21: memref<!tpu.dma_semaphore, #tpu.memory_space<semaphore_mem>>, %arg22: memref<!tpu.dma_semaphore, #tpu.memory_space<semaphore_mem>>, %arg23: memref<!tpu.dma_semaphore, #tpu.memory_space<semaphore_mem>>, %arg24: memref<!tpu.dma_semaphore, #tpu.memory_space<semaphore_mem>>, %arg25: memref<!tpu.dma_semaphore, #tpu.memory_space<semaphore_mem>>, %arg26: memref<!tpu.dma_semaphore, #tpu.memory_space<semaphore_mem>>, %arg27: memref<!tpu.dma_semaphore, #tpu.memory_space<semaphore_mem>>) attributes {dimension_semantics = [#tpu.dimension_semantics<core_parallel>, #tpu.dimension_semantics<subcore_parallel>], iteration_bounds = array<i64: 2, 16>, scalar_prefetch = 0 : i64, scratch_operands = 22 : i64, tpu.core_type = #tpu.core_type<sc_vector_subcore>, window_params = [{transform_indices = #map}, {transform_indices = #map1}, {transform_indices = #map1}, {transform_indices = #map1}]} {
    %mul3A = arith.constant 16 : i32
    %mul3A_0 = arith.muli %arg0, %mul3A : i32
    %add3A = arith.addi %mul3A_0, %arg1 : i32
    %scan3A = arith.constant 0 : i32
    %scan3A_1 = arith.constant 640 : i32
    %scan3A_2 = arith.addi %scan3A, %scan3A_1 : i32
    %scan3A_3 = arith.constant 1 : i32
    scf.for %scan3A_403 = %scan3A to %scan3A_2 step %scan3A_3  : i32 {
      %mul3A_404 = arith.constant 1 : i32
      %mul3A_405 = arith.muli %scan3A_403, %mul3A_404 : i32
      %add3A_406 = arith.constant 0 : i32
      %add3A_407 = arith.addi %add3A_406, %mul3A_405 : i32
      %broadcast_in_dim3A = arith.constant 0.000000e+00 : f32
      %broadcast_in_dim3A_408 = vector.broadcast %broadcast_in_dim3A : f32 to vector<16xf32>
      %swap3A = arith.index_cast %add3A_407 : i32 to index
      %swap3A_409 = arith.constant 0 : index
      %swap3A_410 = tpu.vector_load %arg9[%swap3A, %swap3A_409] {strides = array<i32>} : memref<640x16xf32, #tpu.memory_space<vmem>>, vector<1x16xf32>,
      %swap3A_411 = vector.shape_cast %swap3A_410 : vector<1x16xf32> to vector<16xf32>
      %swap3A_412 = vector.shape_cast %broadcast_in_dim3A_408 : vector<16xf32> to vector<1x16xf32>
      tpu.vector_store %arg9[%swap3A, %swap3A_409], %swap3A_412 {strides = array<i32>} : memref<640x16xf32, #tpu.memory_space<vmem>>, vector<1x16xf32>,
    }
    %scan3A_4 = arith.constant 640 : i32
    %mul3A_5 = arith.constant 640 : i32
    %mul3A_6 = arith.muli %arg1, %mul3A_5 : i32
    "tpu.region"() ({
      %run_scoped3A = tpu.sem_alloc : memref<!tpu.dma_semaphore, #tpu.memory_space<semaphore_mem>>
      %dma_start3A_403 = arith.constant 0 : i32
      %dma_start3A_404 = tpu.memref_slice %arg10[%mul3A_6, %dma_start3A_403] : memref<10240x16xf32, #tpu.memory_space<vmem_shared>> -> memref<640x16xf32, #tpu.memory_space<vmem_shared>>
      %dma_start3A_405 = arith.constant 0 : i32
      %dma_start3A_406 = tpu.memref_slice %arg10[%mul3A_6, %dma_start3A_405] : memref<10240x16xf32, #tpu.memory_space<vmem_shared>> -> memref<640x16xf32, #tpu.memory_space<vmem_shared>>
      tpu.enqueue_dma source(%arg9 : memref<640x16xf32, #tpu.memory_space<vmem>>) target(%dma_start3A_406 : memref<640x16xf32, #tpu.memory_space<vmem_shared>>) target_semaphore(%run_scoped3A : memref<!tpu.dma_semaphore, #tpu.memory_space<semaphore_mem>>)
      %dma_wait3A_407 = arith.constant 0 : i32
      %dma_wait3A_408 = tpu.memref_slice %arg10[%mul3A_6, %dma_wait3A_407] : memref<10240x16xf32, #tpu.memory_space<vmem_shared>> -> memref<640x16xf32, #tpu.memory_space<vmem_shared>>
      %dma_wait3A_409 = arith.constant 0 : i32
      %dma_wait3A_410 = tpu.memref_slice %arg10[%mul3A_6, %dma_wait3A_409] : memref<10240x16xf32, #tpu.memory_space<vmem_shared>> -> memref<640x16xf32, #tpu.memory_space<vmem_shared>>
      tpu.wait_dma2 semaphore(%run_scoped3A : memref<!tpu.dma_semaphore, #tpu.memory_space<semaphore_mem>>) src(%arg9 : memref<640x16xf32, #tpu.memory_space<vmem>>) dst(%dma_wait3A_410 : memref<640x16xf32, #tpu.memory_space<vmem_shared>>)
      tpu.yield
    }) : () -> ()
    %mul3A_7 = arith.constant 640 : i32
    %mul3A_8 = arith.muli %arg1, %mul3A_7 : i32
    %mul3A_9 = arith.constant 640 : i32
    %mul3A_10 = arith.muli %arg1, %mul3A_9 : i32
    "tpu.region"() ({
      %run_scoped3A = tpu.sem_alloc : memref<!tpu.dma_semaphore, #tpu.memory_space<semaphore_mem>>
      %dma_start3A_403 = arith.constant 0 : i32
      %dma_start3A_404 = tpu.memref_slice %arg11[%mul3A_10, %dma_start3A_403] : memref<10240x16xf32, #tpu.memory_space<vmem_shared>> -> memref<640x16xf32, #tpu.memory_space<vmem_shared>>
      %dma_start3A_405 = arith.constant 0 : i32
      %dma_start3A_406 = tpu.memref_slice %arg2[%mul3A_8, %dma_start3A_405] : memref<10240x16xf32, #tpu.memory_space<hbm>> -> memref<640x16xf32, #tpu.memory_space<hbm>>
      tpu.enqueue_dma source(%dma_start3A_406 : memref<640x16xf32, #tpu.memory_space<hbm>>) target(%dma_start3A_404 : memref<640x16xf32, #tpu.memory_space<vmem_shared>>) target_semaphore(%run_scoped3A : memref<!tpu.dma_semaphore, #tpu.memory_space<semaphore_mem>>)
      %dma_wait3A_407 = arith.constant 0 : i32
      %dma_wait3A_408 = tpu.memref_slice %arg11[%mul3A_10, %dma_wait3A_407] : memref<10240x16xf32, #tpu.memory_space<vmem_shared>> -> memref<640x16xf32, #tpu.memory_space<vmem_shared>>
      %dma_wait3A_409 = arith.constant 0 : i32
      %dma_wait3A_410 = tpu.memref_slice %arg2[%mul3A_8, %dma_wait3A_409] : memref<10240x16xf32, #tpu.memory_space<hbm>> -> memref<640x16xf32, #tpu.memory_space<hbm>>
      tpu.wait_dma2 semaphore(%run_scoped3A : memref<!tpu.dma_semaphore, #tpu.memory_space<semaphore_mem>>) src(%dma_wait3A_410 : memref<640x16xf32, #tpu.memory_space<hbm>>) dst(%dma_wait3A_408 : memref<640x16xf32, #tpu.memory_space<vmem_shared>>)
      tpu.yield
    }) : () -> ()
    "tpu.region"() ({
      %run_scoped3A = tpu.sem_alloc : memref<!tpu.dma_semaphore, #tpu.memory_space<semaphore_mem>>
      %dma_start3A_403 = arith.constant 0 : i32
      %dma_start3A_404 = arith.constant 0 : i32
      %dma_start3A_405 = tpu.memref_slice %arg3[%add3A, %dma_start3A_403, %dma_start3A_404] : memref<32x80x128xi32, #tpu.memory_space<hbm>> -> memref<1x80x128xi32, #tpu.memory_space<hbm>>
      %dma_start3A_406 = tpu.memref_squeeze %dma_start3A_405 : memref<1x80x128xi32, #tpu.memory_space<hbm>> -> memref<80x128xi32, #tpu.memory_space<hbm>>
      %dma_start3A_407 = arith.constant 0 : i32
      %dma_start3A_408 = arith.constant 0 : i32
      %dma_start3A_409 = tpu.memref_slice %arg3[%add3A, %dma_start3A_407, %dma_start3A_408] : memref<32x80x128xi32, #tpu.memory_space<hbm>> -> memref<1x80x128xi32, #tpu.memory_space<hbm>>
      %dma_start3A_410 = tpu.memref_squeeze %dma_start3A_409 : memref<1x80x128xi32, #tpu.memory_space<hbm>> -> memref<80x128xi32, #tpu.memory_space<hbm>>
      tpu.enqueue_dma source(%dma_start3A_410 : memref<80x128xi32, #tpu.memory_space<hbm>>) target(%arg6 : memref<80x128xi32, #tpu.memory_space<vmem>>) target_semaphore(%run_scoped3A : memref<!tpu.dma_semaphore, #tpu.memory_space<semaphore_mem>>)
      %dma_wait3A_411 = arith.constant 0 : i32
      %dma_wait3A_412 = arith.constant 0 : i32
      %dma_wait3A_413 = tpu.memref_slice %arg3[%add3A, %dma_wait3A_411, %dma_wait3A_412] : memref<32x80x128xi32, #tpu.memory_space<hbm>> -> memref<1x80x128xi32, #tpu.memory_space<hbm>>
      %dma_wait3A_414 = tpu.memref_squeeze %dma_wait3A_413 : memref<1x80x128xi32, #tpu.memory_space<hbm>> -> memref<80x128xi32, #tpu.memory_space<hbm>>
      %dma_wait3A_415 = arith.constant 0 : i32
      %dma_wait3A_416 = arith.constant 0 : i32
      %dma_wait3A_417 = tpu.memref_slice %arg3[%add3A, %dma_wait3A_415, %dma_wait3A_416] : memref<32x80x128xi32, #tpu.memory_space<hbm>> -> memref<1x80x128xi32, #tpu.memory_space<hbm>>
      %dma_wait3A_418 = tpu.memref_squeeze %dma_wait3A_417 : memref<1x80x128xi32, #tpu.memory_space<hbm>> -> memref<80x128xi32, #tpu.memory_space<hbm>>
      tpu.wait_dma2 semaphore(%run_scoped3A : memref<!tpu.dma_semaphore, #tpu.memory_space<semaphore_mem>>) src(%dma_wait3A_418 : memref<80x128xi32, #tpu.memory_space<hbm>>) dst(%arg6 : memref<80x128xi32, #tpu.memory_space<vmem>>)
      tpu.yield
    }) : () -> ()
    "tpu.region"() ({
      %run_scoped3A = tpu.sem_alloc : memref<!tpu.dma_semaphore, #tpu.memory_space<semaphore_mem>>
      %dma_start3A_403 = arith.constant 0 : i32
      %dma_start3A_404 = arith.constant 0 : i32
      %dma_start3A_405 = tpu.memref_slice %arg4[%add3A, %dma_start3A_403, %dma_start3A_404] : memref<32x80x128xi32, #tpu.memory_space<hbm>> -> memref<1x80x128xi32, #tpu.memory_space<hbm>>
      %dma_start3A_406 = tpu.memref_squeeze %dma_start3A_405 : memref<1x80x128xi32, #tpu.memory_space<hbm>> -> memref<80x128xi32, #tpu.memory_space<hbm>>
      %dma_start3A_407 = arith.constant 0 : i32
      %dma_start3A_408 = arith.constant 0 : i32
      %dma_start3A_409 = tpu.memref_slice %arg4[%add3A, %dma_start3A_407, %dma_start3A_408] : memref<32x80x128xi32, #tpu.memory_space<hbm>> -> memref<1x80x128xi32, #tpu.memory_space<hbm>>
      %dma_start3A_410 = tpu.memref_squeeze %dma_start3A_409 : memref<1x80x128xi32, #tpu.memory_space<hbm>> -> memref<80x128xi32, #tpu.memory_space<hbm>>
      tpu.enqueue_dma source(%dma_start3A_410 : memref<80x128xi32, #tpu.memory_space<hbm>>) target(%arg7 : memref<80x128xi32, #tpu.memory_space<vmem>>) target_semaphore(%run_scoped3A : memref<!tpu.dma_semaphore, #tpu.memory_space<semaphore_mem>>)
      %dma_wait3A_411 = arith.constant 0 : i32
      %dma_wait3A_412 = arith.constant 0 : i32
      %dma_wait3A_413 = tpu.memref_slice %arg4[%add3A, %dma_wait3A_411, %dma_wait3A_412] : memref<32x80x128xi32, #tpu.memory_space<hbm>> -> memref<1x80x128xi32, #tpu.memory_space<hbm>>
      %dma_wait3A_414 = tpu.memref_squeeze %dma_wait3A_413 : memref<1x80x128xi32, #tpu.memory_space<hbm>> -> memref<80x128xi32, #tpu.memory_space<hbm>>
      %dma_wait3A_415 = arith.constant 0 : i32
      %dma_wait3A_416 = arith.constant 0 : i32
      %dma_wait3A_417 = tpu.memref_slice %arg4[%add3A, %dma_wait3A_415, %dma_wait3A_416] : memref<32x80x128xi32, #tpu.memory_space<hbm>> -> memref<1x80x128xi32, #tpu.memory_space<hbm>>
      %dma_wait3A_418 = tpu.memref_squeeze %dma_wait3A_417 : memref<1x80x128xi32, #tpu.memory_space<hbm>> -> memref<80x128xi32, #tpu.memory_space<hbm>>
      tpu.wait_dma2 semaphore(%run_scoped3A : memref<!tpu.dma_semaphore, #tpu.memory_space<semaphore_mem>>) src(%dma_wait3A_418 : memref<80x128xi32, #tpu.memory_space<hbm>>) dst(%arg7 : memref<80x128xi32, #tpu.memory_space<vmem>>)
      tpu.yield
    }) : () -> ()
    %barrier3A = arith.constant 0 : index
    tpu.barrier barrier_id(%barrier3A)
    %dma_start3A = arith.constant 0 : i32
    %dma_start3A_11 = arith.constant 0 : i32
    %dma_start3A_12 = arith.constant 0 : i32
    %dma_start3A_13 = arith.constant 0 : i32
    %dma_start3A_14 = tpu.memref_slice %arg8[%dma_start3A_11, %dma_start3A_12, %dma_start3A_13] : memref<8x128x16xf32, #tpu.memory_space<vmem>> -> memref<1x128x16xf32, #tpu.memory_space<vmem>>
    %dma_start3A_15 = tpu.memref_squeeze %dma_start3A_14 : memref<1x128x16xf32, #tpu.memory_space<vmem>> -> memref<128x16xf32, #tpu.memory_space<vmem>>
    %dma_start3A_16 = arith.constant 0 : i32
    %dma_start3A_17 = tpu.memref_slice %arg6[%dma_start3A, %dma_start3A_16] : memref<80x128xi32, #tpu.memory_space<vmem>> -> memref<1x128xi32, #tpu.memory_space<vmem>>
    %dma_start3A_18 = tpu.memref_squeeze %dma_start3A_17 : memref<1x128xi32, #tpu.memory_space<vmem>> -> memref<128xi32, #tpu.memory_space<vmem>>
    %dma_start3A_19 = arith.constant 0 : i32
    %dma_start3A_20 = arith.constant 0 : i32
    %dma_start3A_21 = tpu.memref_slice %arg11[%dma_start3A_19, %dma_start3A_20] : memref<10240x16xf32, #tpu.memory_space<vmem_shared>> -> memref<10240x16xf32, #tpu.memory_space<vmem_shared>>
    tpu.enqueue_indirect_dma source(%dma_start3A_21 : memref<10240x16xf32, #tpu.memory_space<vmem_shared>>) target(%dma_start3A_15 : memref<128x16xf32, #tpu.memory_space<vmem>>) offsets(%dma_start3A_18 : memref<128xi32, #tpu.memory_space<vmem>>) semaphore(%arg12 : memref<!tpu.dma_semaphore, #tpu.memory_space<semaphore_mem>>)
    %dma_start3A_22 = arith.constant 1 : i32
    %dma_start3A_23 = arith.constant 1 : i32
    %dma_start3A_24 = arith.constant 0 : i32
    %dma_start3A_25 = arith.constant 0 : i32
    %dma_start3A_26 = tpu.memref_slice %arg8[%dma_start3A_23, %dma_start3A_24, %dma_start3A_25] : memref<8x128x16xf32, #tpu.memory_space<vmem>> -> memref<1x128x16xf32, #tpu.memory_space<vmem>>
    %dma_start3A_27 = tpu.memref_squeeze %dma_start3A_26 : memref<1x128x16xf32, #tpu.memory_space<vmem>> -> memref<128x16xf32, #tpu.memory_space<vmem>>
    %dma_start3A_28 = arith.constant 0 : i32
    %dma_start3A_29 = tpu.memref_slice %arg6[%dma_start3A_22, %dma_start3A_28] : memref<80x128xi32, #tpu.memory_space<vmem>> -> memref<1x128xi32, #tpu.memory_space<vmem>>
    %dma_start3A_30 = tpu.memref_squeeze %dma_start3A_29 : memref<1x128xi32, #tpu.memory_space<vmem>> -> memref<128xi32, #tpu.memory_space<vmem>>
    %dma_start3A_31 = arith.constant 0 : i32
    %dma_start3A_32 = arith.constant 0 : i32
    %dma_start3A_33 = tpu.memref_slice %arg11[%dma_start3A_31, %dma_start3A_32] : memref<10240x16xf32, #tpu.memory_space<vmem_shared>> -> memref<10240x16xf32, #tpu.memory_space<vmem_shared>>
    tpu.enqueue_indirect_dma source(%dma_start3A_33 : memref<10240x16xf32, #tpu.memory_space<vmem_shared>>) target(%dma_start3A_27 : memref<128x16xf32, #tpu.memory_space<vmem>>) offsets(%dma_start3A_30 : memref<128xi32, #tpu.memory_space<vmem>>) semaphore(%arg13 : memref<!tpu.dma_semaphore, #tpu.memory_space<semaphore_mem>>)
    %dma_start3A_34 = arith.constant 2 : i32
    %dma_start3A_35 = arith.constant 2 : i32
    %dma_start3A_36 = arith.constant 0 : i32
    %dma_start3A_37 = arith.constant 0 : i32
    %dma_start3A_38 = tpu.memref_slice %arg8[%dma_start3A_35, %dma_start3A_36, %dma_start3A_37] : memref<8x128x16xf32, #tpu.memory_space<vmem>> -> memref<1x128x16xf32, #tpu.memory_space<vmem>>
    %dma_start3A_39 = tpu.memref_squeeze %dma_start3A_38 : memref<1x128x16xf32, #tpu.memory_space<vmem>> -> memref<128x16xf32, #tpu.memory_space<vmem>>
    %dma_start3A_40 = arith.constant 0 : i32
    %dma_start3A_41 = tpu.memref_slice %arg6[%dma_start3A_34, %dma_start3A_40] : memref<80x128xi32, #tpu.memory_space<vmem>> -> memref<1x128xi32, #tpu.memory_space<vmem>>
    %dma_start3A_42 = tpu.memref_squeeze %dma_start3A_41 : memref<1x128xi32, #tpu.memory_space<vmem>> -> memref<128xi32, #tpu.memory_space<vmem>>
    %dma_start3A_43 = arith.constant 0 : i32
    %dma_start3A_44 = arith.constant 0 : i32
    %dma_start3A_45 = tpu.memref_slice %arg11[%dma_start3A_43, %dma_start3A_44] : memref<10240x16xf32, #tpu.memory_space<vmem_shared>> -> memref<10240x16xf32, #tpu.memory_space<vmem_shared>>
    tpu.enqueue_indirect_dma source(%dma_start3A_45 : memref<10240x16xf32, #tpu.memory_space<vmem_shared>>) target(%dma_start3A_39 : memref<128x16xf32, #tpu.memory_space<vmem>>) offsets(%dma_start3A_42 : memref<128xi32, #tpu.memory_space<vmem>>) semaphore(%arg14 : memref<!tpu.dma_semaphore, #tpu.memory_space<semaphore_mem>>)
    %dma_start3A_46 = arith.constant 3 : i32
    %dma_start3A_47 = arith.constant 3 : i32
    %dma_start3A_48 = arith.constant 0 : i32
    %dma_start3A_49 = arith.constant 0 : i32
    %dma_start3A_50 = tpu.memref_slice %arg8[%dma_start3A_47, %dma_start3A_48, %dma_start3A_49] : memref<8x128x16xf32, #tpu.memory_space<vmem>> -> memref<1x128x16xf32, #tpu.memory_space<vmem>>
    %dma_start3A_51 = tpu.memref_squeeze %dma_start3A_50 : memref<1x128x16xf32, #tpu.memory_space<vmem>> -> memref<128x16xf32, #tpu.memory_space<vmem>>
    %dma_start3A_52 = arith.constant 0 : i32
    %dma_start3A_53 = tpu.memref_slice %arg6[%dma_start3A_46, %dma_start3A_52] : memref<80x128xi32, #tpu.memory_space<vmem>> -> memref<1x128xi32, #tpu.memory_space<vmem>>
    %dma_start3A_54 = tpu.memref_squeeze %dma_start3A_53 : memref<1x128xi32, #tpu.memory_space<vmem>> -> memref<128xi32, #tpu.memory_space<vmem>>
    %dma_start3A_55 = arith.constant 0 : i32
    %dma_start3A_56 = arith.constant 0 : i32
    %dma_start3A_57 = tpu.memref_slice %arg11[%dma_start3A_55, %dma_start3A_56] : memref<10240x16xf32, #tpu.memory_space<vmem_shared>> -> memref<10240x16xf32, #tpu.memory_space<vmem_shared>>
    tpu.enqueue_indirect_dma source(%dma_start3A_57 : memref<10240x16xf32, #tpu.memory_space<vmem_shared>>) target(%dma_start3A_51 : memref<128x16xf32, #tpu.memory_space<vmem>>) offsets(%dma_start3A_54 : memref<128xi32, #tpu.memory_space<vmem>>) semaphore(%arg15 : memref<!tpu.dma_semaphore, #tpu.memory_space<semaphore_mem>>)
    %dma_wait3A = arith.constant 0 : i32
    %dma_wait3A_58 = arith.constant 0 : i32
    %dma_wait3A_59 = arith.constant 0 : i32
    %dma_wait3A_60 = arith.constant 0 : i32
    %dma_wait3A_61 = tpu.memref_slice %arg8[%dma_wait3A_58, %dma_wait3A_59, %dma_wait3A_60] : memref<8x128x16xf32, #tpu.memory_space<vmem>> -> memref<1x128x16xf32, #tpu.memory_space<vmem>>
    %dma_wait3A_62 = tpu.memref_squeeze %dma_wait3A_61 : memref<1x128x16xf32, #tpu.memory_space<vmem>> -> memref<128x16xf32, #tpu.memory_space<vmem>>
    %dma_wait3A_63 = arith.constant 0 : i32
    %dma_wait3A_64 = tpu.memref_slice %arg6[%dma_wait3A, %dma_wait3A_63] : memref<80x128xi32, #tpu.memory_space<vmem>> -> memref<1x128xi32, #tpu.memory_space<vmem>>
    %dma_wait3A_65 = tpu.memref_squeeze %dma_wait3A_64 : memref<1x128xi32, #tpu.memory_space<vmem>> -> memref<128xi32, #tpu.memory_space<vmem>>
    %dma_wait3A_66 = arith.constant 0 : i32
    %dma_wait3A_67 = arith.constant 0 : i32
    %dma_wait3A_68 = tpu.memref_slice %arg11[%dma_wait3A_66, %dma_wait3A_67] : memref<10240x16xf32, #tpu.memory_space<vmem_shared>> -> memref<10240x16xf32, #tpu.memory_space<vmem_shared>>
    tpu.wait_indirect_dma semaphore(%arg12 : memref<!tpu.dma_semaphore, #tpu.memory_space<semaphore_mem>>) src(%dma_wait3A_68 : memref<10240x16xf32, #tpu.memory_space<vmem_shared>>) dst(%dma_wait3A_62 : memref<128x16xf32, #tpu.memory_space<vmem>>)
    %dma_start3A_69 = arith.constant 0 : i32
    %dma_start3A_70 = arith.constant 0 : i32
    %dma_start3A_71 = arith.constant 0 : i32
    %dma_start3A_72 = arith.constant 0 : i32
    %dma_start3A_73 = tpu.memref_slice %arg8[%dma_start3A_69, %dma_start3A_71, %dma_start3A_72] : memref<8x128x16xf32, #tpu.memory_space<vmem>> -> memref<1x128x16xf32, #tpu.memory_space<vmem>>
    %dma_start3A_74 = tpu.memref_squeeze %dma_start3A_73 : memref<1x128x16xf32, #tpu.memory_space<vmem>> -> memref<128x16xf32, #tpu.memory_space<vmem>>
    %dma_start3A_75 = arith.constant 0 : i32
    %dma_start3A_76 = tpu.memref_slice %arg7[%dma_start3A_70, %dma_start3A_75] : memref<80x128xi32, #tpu.memory_space<vmem>> -> memref<1x128xi32, #tpu.memory_space<vmem>>
    %dma_start3A_77 = tpu.memref_squeeze %dma_start3A_76 : memref<1x128xi32, #tpu.memory_space<vmem>> -> memref<128xi32, #tpu.memory_space<vmem>>
    %dma_start3A_78 = arith.constant 0 : i32
    %dma_start3A_79 = arith.constant 0 : i32
    %dma_start3A_80 = tpu.memref_slice %arg10[%dma_start3A_78, %dma_start3A_79] : memref<10240x16xf32, #tpu.memory_space<vmem_shared>> -> memref<10240x16xf32, #tpu.memory_space<vmem_shared>>
    tpu.enqueue_indirect_dma source(%dma_start3A_74 : memref<128x16xf32, #tpu.memory_space<vmem>>) target(%dma_start3A_80 : memref<10240x16xf32, #tpu.memory_space<vmem_shared>>) offsets(%dma_start3A_77 : memref<128xi32, #tpu.memory_space<vmem>>) semaphore(%arg20 : memref<!tpu.dma_semaphore, #tpu.memory_space<semaphore_mem>>) {add = true}
    %dma_start3A_81 = arith.constant 4 : i32
    %dma_start3A_82 = arith.constant 4 : i32
    %dma_start3A_83 = arith.constant 0 : i32
    %dma_start3A_84 = arith.constant 0 : i32
    %dma_start3A_85 = tpu.memref_slice %arg8[%dma_start3A_82, %dma_start3A_83, %dma_start3A_84] : memref<8x128x16xf32, #tpu.memory_space<vmem>> -> memref<1x128x16xf32, #tpu.memory_space<vmem>>
    %dma_start3A_86 = tpu.memref_squeeze %dma_start3A_85 : memref<1x128x16xf32, #tpu.memory_space<vmem>> -> memref<128x16xf32, #tpu.memory_space<vmem>>
    %dma_start3A_87 = arith.constant 0 : i32
    %dma_start3A_88 = tpu.memref_slice %arg6[%dma_start3A_81, %dma_start3A_87] : memref<80x128xi32, #tpu.memory_space<vmem>> -> memref<1x128xi32, #tpu.memory_space<vmem>>
    %dma_start3A_89 = tpu.memref_squeeze %dma_start3A_88 : memref<1x128xi32, #tpu.memory_space<vmem>> -> memref<128xi32, #tpu.memory_space<vmem>>
    %dma_start3A_90 = arith.constant 0 : i32
    %dma_start3A_91 = arith.constant 0 : i32
    %dma_start3A_92 = tpu.memref_slice %arg11[%dma_start3A_90, %dma_start3A_91] : memref<10240x16xf32, #tpu.memory_space<vmem_shared>> -> memref<10240x16xf32, #tpu.memory_space<vmem_shared>>
    tpu.enqueue_indirect_dma source(%dma_start3A_92 : memref<10240x16xf32, #tpu.memory_space<vmem_shared>>) target(%dma_start3A_86 : memref<128x16xf32, #tpu.memory_space<vmem>>) offsets(%dma_start3A_89 : memref<128xi32, #tpu.memory_space<vmem>>) semaphore(%arg16 : memref<!tpu.dma_semaphore, #tpu.memory_space<semaphore_mem>>)
    %dma_wait3A_93 = arith.constant 1 : i32
    %dma_wait3A_94 = arith.constant 1 : i32
    %dma_wait3A_95 = arith.constant 0 : i32
    %dma_wait3A_96 = arith.constant 0 : i32
    %dma_wait3A_97 = tpu.memref_slice %arg8[%dma_wait3A_94, %dma_wait3A_95, %dma_wait3A_96] : memref<8x128x16xf32, #tpu.memory_space<vmem>> -> memref<1x128x16xf32, #tpu.memory_space<vmem>>
    %dma_wait3A_98 = tpu.memref_squeeze %dma_wait3A_97 : memref<1x128x16xf32, #tpu.memory_space<vmem>> -> memref<128x16xf32, #tpu.memory_space<vmem>>
    %dma_wait3A_99 = arith.constant 0 : i32
    %dma_wait3A_100 = tpu.memref_slice %arg6[%dma_wait3A_93, %dma_wait3A_99] : memref<80x128xi32, #tpu.memory_space<vmem>> -> memref<1x128xi32, #tpu.memory_space<vmem>>
    %dma_wait3A_101 = tpu.memref_squeeze %dma_wait3A_100 : memref<1x128xi32, #tpu.memory_space<vmem>> -> memref<128xi32, #tpu.memory_space<vmem>>
    %dma_wait3A_102 = arith.constant 0 : i32
    %dma_wait3A_103 = arith.constant 0 : i32
    %dma_wait3A_104 = tpu.memref_slice %arg11[%dma_wait3A_102, %dma_wait3A_103] : memref<10240x16xf32, #tpu.memory_space<vmem_shared>> -> memref<10240x16xf32, #tpu.memory_space<vmem_shared>>
    tpu.wait_indirect_dma semaphore(%arg13 : memref<!tpu.dma_semaphore, #tpu.memory_space<semaphore_mem>>) src(%dma_wait3A_104 : memref<10240x16xf32, #tpu.memory_space<vmem_shared>>) dst(%dma_wait3A_98 : memref<128x16xf32, #tpu.memory_space<vmem>>)
    %dma_start3A_105 = arith.constant 1 : i32
    %dma_start3A_106 = arith.constant 1 : i32
    %dma_start3A_107 = arith.constant 0 : i32
    %dma_start3A_108 = arith.constant 0 : i32
    %dma_start3A_109 = tpu.memref_slice %arg8[%dma_start3A_105, %dma_start3A_107, %dma_start3A_108] : memref<8x128x16xf32, #tpu.memory_space<vmem>> -> memref<1x128x16xf32, #tpu.memory_space<vmem>>
    %dma_start3A_110 = tpu.memref_squeeze %dma_start3A_109 : memref<1x128x16xf32, #tpu.memory_space<vmem>> -> memref<128x16xf32, #tpu.memory_space<vmem>>
    %dma_start3A_111 = arith.constant 0 : i32
    %dma_start3A_112 = tpu.memref_slice %arg7[%dma_start3A_106, %dma_start3A_111] : memref<80x128xi32, #tpu.memory_space<vmem>> -> memref<1x128xi32, #tpu.memory_space<vmem>>
    %dma_start3A_113 = tpu.memref_squeeze %dma_start3A_112 : memref<1x128xi32, #tpu.memory_space<vmem>> -> memref<128xi32, #tpu.memory_space<vmem>>
    %dma_start3A_114 = arith.constant 0 : i32
    %dma_start3A_115 = arith.constant 0 : i32
    %dma_start3A_116 = tpu.memref_slice %arg10[%dma_start3A_114, %dma_start3A_115] : memref<10240x16xf32, #tpu.memory_space<vmem_shared>> -> memref<10240x16xf32, #tpu.memory_space<vmem_shared>>
    tpu.enqueue_indirect_dma source(%dma_start3A_110 : memref<128x16xf32, #tpu.memory_space<vmem>>) target(%dma_start3A_116 : memref<10240x16xf32, #tpu.memory_space<vmem_shared>>) offsets(%dma_start3A_113 : memref<128xi32, #tpu.memory_space<vmem>>) semaphore(%arg21 : memref<!tpu.dma_semaphore, #tpu.memory_space<semaphore_mem>>) {add = true}
    %dma_start3A_117 = arith.constant 5 : i32
    %dma_start3A_118 = arith.constant 5 : i32
    %dma_start3A_119 = arith.constant 0 : i32
    %dma_start3A_120 = arith.constant 0 : i32
    %dma_start3A_121 = tpu.memref_slice %arg8[%dma_start3A_118, %dma_start3A_119, %dma_start3A_120] : memref<8x128x16xf32, #tpu.memory_space<vmem>> -> memref<1x128x16xf32, #tpu.memory_space<vmem>>
    %dma_start3A_122 = tpu.memref_squeeze %dma_start3A_121 : memref<1x128x16xf32, #tpu.memory_space<vmem>> -> memref<128x16xf32, #tpu.memory_space<vmem>>
    %dma_start3A_123 = arith.constant 0 : i32
    %dma_start3A_124 = tpu.memref_slice %arg6[%dma_start3A_117, %dma_start3A_123] : memref<80x128xi32, #tpu.memory_space<vmem>> -> memref<1x128xi32, #tpu.memory_space<vmem>>
    %dma_start3A_125 = tpu.memref_squeeze %dma_start3A_124 : memref<1x128xi32, #tpu.memory_space<vmem>> -> memref<128xi32, #tpu.memory_space<vmem>>
    %dma_start3A_126 = arith.constant 0 : i32
    %dma_start3A_127 = arith.constant 0 : i32
    %dma_start3A_128 = tpu.memref_slice %arg11[%dma_start3A_126, %dma_start3A_127] : memref<10240x16xf32, #tpu.memory_space<vmem_shared>> -> memref<10240x16xf32, #tpu.memory_space<vmem_shared>>
    tpu.enqueue_indirect_dma source(%dma_start3A_128 : memref<10240x16xf32, #tpu.memory_space<vmem_shared>>) target(%dma_start3A_122 : memref<128x16xf32, #tpu.memory_space<vmem>>) offsets(%dma_start3A_125 : memref<128xi32, #tpu.memory_space<vmem>>) semaphore(%arg17 : memref<!tpu.dma_semaphore, #tpu.memory_space<semaphore_mem>>)
    %dma_wait3A_129 = arith.constant 2 : i32
    %dma_wait3A_130 = arith.constant 2 : i32
    %dma_wait3A_131 = arith.constant 0 : i32
    %dma_wait3A_132 = arith.constant 0 : i32
    %dma_wait3A_133 = tpu.memref_slice %arg8[%dma_wait3A_130, %dma_wait3A_131, %dma_wait3A_132] : memref<8x128x16xf32, #tpu.memory_space<vmem>> -> memref<1x128x16xf32, #tpu.memory_space<vmem>>
    %dma_wait3A_134 = tpu.memref_squeeze %dma_wait3A_133 : memref<1x128x16xf32, #tpu.memory_space<vmem>> -> memref<128x16xf32, #tpu.memory_space<vmem>>
    %dma_wait3A_135 = arith.constant 0 : i32
    %dma_wait3A_136 = tpu.memref_slice %arg6[%dma_wait3A_129, %dma_wait3A_135] : memref<80x128xi32, #tpu.memory_space<vmem>> -> memref<1x128xi32, #tpu.memory_space<vmem>>
    %dma_wait3A_137 = tpu.memref_squeeze %dma_wait3A_136 : memref<1x128xi32, #tpu.memory_space<vmem>> -> memref<128xi32, #tpu.memory_space<vmem>>
    %dma_wait3A_138 = arith.constant 0 : i32
    %dma_wait3A_139 = arith.constant 0 : i32
    %dma_wait3A_140 = tpu.memref_slice %arg11[%dma_wait3A_138, %dma_wait3A_139] : memref<10240x16xf32, #tpu.memory_space<vmem_shared>> -> memref<10240x16xf32, #tpu.memory_space<vmem_shared>>
    tpu.wait_indirect_dma semaphore(%arg14 : memref<!tpu.dma_semaphore, #tpu.memory_space<semaphore_mem>>) src(%dma_wait3A_140 : memref<10240x16xf32, #tpu.memory_space<vmem_shared>>) dst(%dma_wait3A_134 : memref<128x16xf32, #tpu.memory_space<vmem>>)
    %dma_start3A_141 = arith.constant 2 : i32
    %dma_start3A_142 = arith.constant 2 : i32
    %dma_start3A_143 = arith.constant 0 : i32
    %dma_start3A_144 = arith.constant 0 : i32
    %dma_start3A_145 = tpu.memref_slice %arg8[%dma_start3A_141, %dma_start3A_143, %dma_start3A_144] : memref<8x128x16xf32, #tpu.memory_space<vmem>> -> memref<1x128x16xf32, #tpu.memory_space<vmem>>
    %dma_start3A_146 = tpu.memref_squeeze %dma_start3A_145 : memref<1x128x16xf32, #tpu.memory_space<vmem>> -> memref<128x16xf32, #tpu.memory_space<vmem>>
    %dma_start3A_147 = arith.constant 0 : i32
    %dma_start3A_148 = tpu.memref_slice %arg7[%dma_start3A_142, %dma_start3A_147] : memref<80x128xi32, #tpu.memory_space<vmem>> -> memref<1x128xi32, #tpu.memory_space<vmem>>
    %dma_start3A_149 = tpu.memref_squeeze %dma_start3A_148 : memref<1x128xi32, #tpu.memory_space<vmem>> -> memref<128xi32, #tpu.memory_space<vmem>>
    %dma_start3A_150 = arith.constant 0 : i32
    %dma_start3A_151 = arith.constant 0 : i32
    %dma_start3A_152 = tpu.memref_slice %arg10[%dma_start3A_150, %dma_start3A_151] : memref<10240x16xf32, #tpu.memory_space<vmem_shared>> -> memref<10240x16xf32, #tpu.memory_space<vmem_shared>>
    tpu.enqueue_indirect_dma source(%dma_start3A_146 : memref<128x16xf32, #tpu.memory_space<vmem>>) target(%dma_start3A_152 : memref<10240x16xf32, #tpu.memory_space<vmem_shared>>) offsets(%dma_start3A_149 : memref<128xi32, #tpu.memory_space<vmem>>) semaphore(%arg22 : memref<!tpu.dma_semaphore, #tpu.memory_space<semaphore_mem>>) {add = true}
    %dma_start3A_153 = arith.constant 6 : i32
    %dma_start3A_154 = arith.constant 6 : i32
    %dma_start3A_155 = arith.constant 0 : i32
    %dma_start3A_156 = arith.constant 0 : i32
    %dma_start3A_157 = tpu.memref_slice %arg8[%dma_start3A_154, %dma_start3A_155, %dma_start3A_156] : memref<8x128x16xf32, #tpu.memory_space<vmem>> -> memref<1x128x16xf32, #tpu.memory_space<vmem>>
    %dma_start3A_158 = tpu.memref_squeeze %dma_start3A_157 : memref<1x128x16xf32, #tpu.memory_space<vmem>> -> memref<128x16xf32, #tpu.memory_space<vmem>>
    %dma_start3A_159 = arith.constant 0 : i32
    %dma_start3A_160 = tpu.memref_slice %arg6[%dma_start3A_153, %dma_start3A_159] : memref<80x128xi32, #tpu.memory_space<vmem>> -> memref<1x128xi32, #tpu.memory_space<vmem>>
    %dma_start3A_161 = tpu.memref_squeeze %dma_start3A_160 : memref<1x128xi32, #tpu.memory_space<vmem>> -> memref<128xi32, #tpu.memory_space<vmem>>
    %dma_start3A_162 = arith.constant 0 : i32
    %dma_start3A_163 = arith.constant 0 : i32
    %dma_start3A_164 = tpu.memref_slice %arg11[%dma_start3A_162, %dma_start3A_163] : memref<10240x16xf32, #tpu.memory_space<vmem_shared>> -> memref<10240x16xf32, #tpu.memory_space<vmem_shared>>
    tpu.enqueue_indirect_dma source(%dma_start3A_164 : memref<10240x16xf32, #tpu.memory_space<vmem_shared>>) target(%dma_start3A_158 : memref<128x16xf32, #tpu.memory_space<vmem>>) offsets(%dma_start3A_161 : memref<128xi32, #tpu.memory_space<vmem>>) semaphore(%arg18 : memref<!tpu.dma_semaphore, #tpu.memory_space<semaphore_mem>>)
    %dma_wait3A_165 = arith.constant 3 : i32
    %dma_wait3A_166 = arith.constant 3 : i32
    %dma_wait3A_167 = arith.constant 0 : i32
    %dma_wait3A_168 = arith.constant 0 : i32
    %dma_wait3A_169 = tpu.memref_slice %arg8[%dma_wait3A_166, %dma_wait3A_167, %dma_wait3A_168] : memref<8x128x16xf32, #tpu.memory_space<vmem>> -> memref<1x128x16xf32, #tpu.memory_space<vmem>>
    %dma_wait3A_170 = tpu.memref_squeeze %dma_wait3A_169 : memref<1x128x16xf32, #tpu.memory_space<vmem>> -> memref<128x16xf32, #tpu.memory_space<vmem>>
    %dma_wait3A_171 = arith.constant 0 : i32
    %dma_wait3A_172 = tpu.memref_slice %arg6[%dma_wait3A_165, %dma_wait3A_171] : memref<80x128xi32, #tpu.memory_space<vmem>> -> memref<1x128xi32, #tpu.memory_space<vmem>>
    %dma_wait3A_173 = tpu.memref_squeeze %dma_wait3A_172 : memref<1x128xi32, #tpu.memory_space<vmem>> -> memref<128xi32, #tpu.memory_space<vmem>>
    %dma_wait3A_174 = arith.constant 0 : i32
    %dma_wait3A_175 = arith.constant 0 : i32
    %dma_wait3A_176 = tpu.memref_slice %arg11[%dma_wait3A_174, %dma_wait3A_175] : memref<10240x16xf32, #tpu.memory_space<vmem_shared>> -> memref<10240x16xf32, #tpu.memory_space<vmem_shared>>
    tpu.wait_indirect_dma semaphore(%arg15 : memref<!tpu.dma_semaphore, #tpu.memory_space<semaphore_mem>>) src(%dma_wait3A_176 : memref<10240x16xf32, #tpu.memory_space<vmem_shared>>) dst(%dma_wait3A_170 : memref<128x16xf32, #tpu.memory_space<vmem>>)
    %dma_start3A_177 = arith.constant 3 : i32
    %dma_start3A_178 = arith.constant 3 : i32
    %dma_start3A_179 = arith.constant 0 : i32
    %dma_start3A_180 = arith.constant 0 : i32
    %dma_start3A_181 = tpu.memref_slice %arg8[%dma_start3A_177, %dma_start3A_179, %dma_start3A_180] : memref<8x128x16xf32, #tpu.memory_space<vmem>> -> memref<1x128x16xf32, #tpu.memory_space<vmem>>
    %dma_start3A_182 = tpu.memref_squeeze %dma_start3A_181 : memref<1x128x16xf32, #tpu.memory_space<vmem>> -> memref<128x16xf32, #tpu.memory_space<vmem>>
    %dma_start3A_183 = arith.constant 0 : i32
    %dma_start3A_184 = tpu.memref_slice %arg7[%dma_start3A_178, %dma_start3A_183] : memref<80x128xi32, #tpu.memory_space<vmem>> -> memref<1x128xi32, #tpu.memory_space<vmem>>
    %dma_start3A_185 = tpu.memref_squeeze %dma_start3A_184 : memref<1x128xi32, #tpu.memory_space<vmem>> -> memref<128xi32, #tpu.memory_space<vmem>>
    %dma_start3A_186 = arith.constant 0 : i32
    %dma_start3A_187 = arith.constant 0 : i32
    %dma_start3A_188 = tpu.memref_slice %arg10[%dma_start3A_186, %dma_start3A_187] : memref<10240x16xf32, #tpu.memory_space<vmem_shared>> -> memref<10240x16xf32, #tpu.memory_space<vmem_shared>>
    tpu.enqueue_indirect_dma source(%dma_start3A_182 : memref<128x16xf32, #tpu.memory_space<vmem>>) target(%dma_start3A_188 : memref<10240x16xf32, #tpu.memory_space<vmem_shared>>) offsets(%dma_start3A_185 : memref<128xi32, #tpu.memory_space<vmem>>) semaphore(%arg23 : memref<!tpu.dma_semaphore, #tpu.memory_space<semaphore_mem>>) {add = true}
    %dma_start3A_189 = arith.constant 7 : i32
    %dma_start3A_190 = arith.constant 7 : i32
    %dma_start3A_191 = arith.constant 0 : i32
    %dma_start3A_192 = arith.constant 0 : i32
    %dma_start3A_193 = tpu.memref_slice %arg8[%dma_start3A_190, %dma_start3A_191, %dma_start3A_192] : memref<8x128x16xf32, #tpu.memory_space<vmem>> -> memref<1x128x16xf32, #tpu.memory_space<vmem>>
    %dma_start3A_194 = tpu.memref_squeeze %dma_start3A_193 : memref<1x128x16xf32, #tpu.memory_space<vmem>> -> memref<128x16xf32, #tpu.memory_space<vmem>>
    %dma_start3A_195 = arith.constant 0 : i32
    %dma_start3A_196 = tpu.memref_slice %arg6[%dma_start3A_189, %dma_start3A_195] : memref<80x128xi32, #tpu.memory_space<vmem>> -> memref<1x128xi32, #tpu.memory_space<vmem>>
    %dma_start3A_197 = tpu.memref_squeeze %dma_start3A_196 : memref<1x128xi32, #tpu.memory_space<vmem>> -> memref<128xi32, #tpu.memory_space<vmem>>
    %dma_start3A_198 = arith.constant 0 : i32
    %dma_start3A_199 = arith.constant 0 : i32
    %dma_start3A_200 = tpu.memref_slice %arg11[%dma_start3A_198, %dma_start3A_199] : memref<10240x16xf32, #tpu.memory_space<vmem_shared>> -> memref<10240x16xf32, #tpu.memory_space<vmem_shared>>
    tpu.enqueue_indirect_dma source(%dma_start3A_200 : memref<10240x16xf32, #tpu.memory_space<vmem_shared>>) target(%dma_start3A_194 : memref<128x16xf32, #tpu.memory_space<vmem>>) offsets(%dma_start3A_197 : memref<128xi32, #tpu.memory_space<vmem>>) semaphore(%arg19 : memref<!tpu.dma_semaphore, #tpu.memory_space<semaphore_mem>>)
    %scan3A_201 = arith.constant 0 : i32
    %scan3A_202 = arith.constant 9 : i32
    %scan3A_203 = arith.addi %scan3A_201, %scan3A_202 : i32
    %scan3A_204 = arith.constant 1 : i32
    scf.for %scan3A_403 = %scan3A_201 to %scan3A_203 step %scan3A_204  : i32 {
      %mul3A_404 = arith.constant 1 : i32
      %mul3A_405 = arith.muli %scan3A_403, %mul3A_404 : i32
      %add3A_406 = arith.constant 0 : i32
      %add3A_407 = arith.addi %add3A_406, %mul3A_405 : i32
      %mul3A_408 = arith.constant 8 : i32
      %mul3A_409 = arith.muli %add3A_407, %mul3A_408 : i32
      %add3A_410 = arith.constant 4 : i32
      %add3A_411 = arith.addi %add3A_410, %mul3A_409 : i32
      %add3A_412 = arith.constant 0 : i32
      %add3A_413 = arith.addi %add3A_411, %add3A_412 : i32
      %dma_wait3A_414 = arith.constant 4 : i32
      %dma_wait3A_415 = arith.constant 0 : i32
      %dma_wait3A_416 = arith.constant 0 : i32
      %dma_wait3A_417 = tpu.memref_slice %arg8[%dma_wait3A_414, %dma_wait3A_415, %dma_wait3A_416] : memref<8x128x16xf32, #tpu.memory_space<vmem>> -> memref<1x128x16xf32, #tpu.memory_space<vmem>>
      %dma_wait3A_418 = tpu.memref_squeeze %dma_wait3A_417 : memref<1x128x16xf32, #tpu.memory_space<vmem>> -> memref<128x16xf32, #tpu.memory_space<vmem>>
      %dma_wait3A_419 = arith.constant 0 : i32
      %dma_wait3A_420 = tpu.memref_slice %arg6[%add3A_413, %dma_wait3A_419] : memref<80x128xi32, #tpu.memory_space<vmem>> -> memref<1x128xi32, #tpu.memory_space<vmem>>
      %dma_wait3A_421 = tpu.memref_squeeze %dma_wait3A_420 : memref<1x128xi32, #tpu.memory_space<vmem>> -> memref<128xi32, #tpu.memory_space<vmem>>
      %dma_wait3A_422 = arith.constant 0 : i32
      %dma_wait3A_423 = arith.constant 0 : i32
      %dma_wait3A_424 = tpu.memref_slice %arg11[%dma_wait3A_422, %dma_wait3A_423] : memref<10240x16xf32, #tpu.memory_space<vmem_shared>> -> memref<10240x16xf32, #tpu.memory_space<vmem_shared>>
      tpu.wait_indirect_dma semaphore(%arg16 : memref<!tpu.dma_semaphore, #tpu.memory_space<semaphore_mem>>) src(%dma_wait3A_424 : memref<10240x16xf32, #tpu.memory_space<vmem_shared>>) dst(%dma_wait3A_418 : memref<128x16xf32, #tpu.memory_space<vmem>>)
      %dma_start3A_425 = arith.constant 4 : i32
      %dma_start3A_426 = arith.constant 0 : i32
      %dma_start3A_427 = arith.constant 0 : i32
      %dma_start3A_428 = tpu.memref_slice %arg8[%dma_start3A_425, %dma_start3A_426, %dma_start3A_427] : memref<8x128x16xf32, #tpu.memory_space<vmem>> -> memref<1x128x16xf32, #tpu.memory_space<vmem>>
      %dma_start3A_429 = tpu.memref_squeeze %dma_start3A_428 : memref<1x128x16xf32, #tpu.memory_space<vmem>> -> memref<128x16xf32, #tpu.memory_space<vmem>>
      %dma_start3A_430 = arith.constant 0 : i32
      %dma_start3A_431 = tpu.memref_slice %arg7[%add3A_413, %dma_start3A_430] : memref<80x128xi32, #tpu.memory_space<vmem>> -> memref<1x128xi32, #tpu.memory_space<vmem>>
      %dma_start3A_432 = tpu.memref_squeeze %dma_start3A_431 : memref<1x128xi32, #tpu.memory_space<vmem>> -> memref<128xi32, #tpu.memory_space<vmem>>
      %dma_start3A_433 = arith.constant 0 : i32
      %dma_start3A_434 = arith.constant 0 : i32
      %dma_start3A_435 = tpu.memref_slice %arg10[%dma_start3A_433, %dma_start3A_434] : memref<10240x16xf32, #tpu.memory_space<vmem_shared>> -> memref<10240x16xf32, #tpu.memory_space<vmem_shared>>
      tpu.enqueue_indirect_dma source(%dma_start3A_429 : memref<128x16xf32, #tpu.memory_space<vmem>>) target(%dma_start3A_435 : memref<10240x16xf32, #tpu.memory_space<vmem_shared>>) offsets(%dma_start3A_432 : memref<128xi32, #tpu.memory_space<vmem>>) semaphore(%arg24 : memref<!tpu.dma_semaphore, #tpu.memory_space<semaphore_mem>>) {add = true}
      %mul3A_436 = arith.constant 8 : i32
      %mul3A_437 = arith.muli %add3A_407, %mul3A_436 : i32
      %add3A_438 = arith.constant 0 : i32
      %add3A_439 = arith.addi %mul3A_437, %add3A_438 : i32
      %dma_wait3A_440 = arith.constant 0 : i32
      %dma_wait3A_441 = arith.constant 0 : i32
      %dma_wait3A_442 = arith.constant 0 : i32
      %dma_wait3A_443 = tpu.memref_slice %arg8[%dma_wait3A_440, %dma_wait3A_441, %dma_wait3A_442] : memref<8x128x16xf32, #tpu.memory_space<vmem>> -> memref<1x128x16xf32, #tpu.memory_space<vmem>>
      %dma_wait3A_444 = tpu.memref_squeeze %dma_wait3A_443 : memref<1x128x16xf32, #tpu.memory_space<vmem>> -> memref<128x16xf32, #tpu.memory_space<vmem>>
      %dma_wait3A_445 = arith.constant 0 : i32
      %dma_wait3A_446 = tpu.memref_slice %arg7[%add3A_439, %dma_wait3A_445] : memref<80x128xi32, #tpu.memory_space<vmem>> -> memref<1x128xi32, #tpu.memory_space<vmem>>
      %dma_wait3A_447 = tpu.memref_squeeze %dma_wait3A_446 : memref<1x128xi32, #tpu.memory_space<vmem>> -> memref<128xi32, #tpu.memory_space<vmem>>
      %dma_wait3A_448 = arith.constant 0 : i32
      %dma_wait3A_449 = arith.constant 0 : i32
      %dma_wait3A_450 = tpu.memref_slice %arg10[%dma_wait3A_448, %dma_wait3A_449] : memref<10240x16xf32, #tpu.memory_space<vmem_shared>> -> memref<10240x16xf32, #tpu.memory_space<vmem_shared>>
      tpu.wait_indirect_dma semaphore(%arg20 : memref<!tpu.dma_semaphore, #tpu.memory_space<semaphore_mem>>) src(%dma_wait3A_444 : memref<128x16xf32, #tpu.memory_space<vmem>>) dst(%dma_wait3A_450 : memref<10240x16xf32, #tpu.memory_space<vmem_shared>>)
      %add3A_451 = arith.constant 4 : i32
      %add3A_452 = arith.addi %add3A_413, %add3A_451 : i32
      %dma_start3A_453 = arith.constant 0 : i32
      %dma_start3A_454 = arith.constant 0 : i32
      %dma_start3A_455 = arith.constant 0 : i32
      %dma_start3A_456 = tpu.memref_slice %arg8[%dma_start3A_453, %dma_start3A_454, %dma_start3A_455] : memref<8x128x16xf32, #tpu.memory_space<vmem>> -> memref<1x128x16xf32, #tpu.memory_space<vmem>>
      %dma_start3A_457 = tpu.memref_squeeze %dma_start3A_456 : memref<1x128x16xf32, #tpu.memory_space<vmem>> -> memref<128x16xf32, #tpu.memory_space<vmem>>
      %dma_start3A_458 = arith.constant 0 : i32
      %dma_start3A_459 = tpu.memref_slice %arg6[%add3A_452, %dma_start3A_458] : memref<80x128xi32, #tpu.memory_space<vmem>> -> memref<1x128xi32, #tpu.memory_space<vmem>>
      %dma_start3A_460 = tpu.memref_squeeze %dma_start3A_459 : memref<1x128xi32, #tpu.memory_space<vmem>> -> memref<128xi32, #tpu.memory_space<vmem>>
      %dma_start3A_461 = arith.constant 0 : i32
      %dma_start3A_462 = arith.constant 0 : i32
      %dma_start3A_463 = tpu.memref_slice %arg11[%dma_start3A_461, %dma_start3A_462] : memref<10240x16xf32, #tpu.memory_space<vmem_shared>> -> memref<10240x16xf32, #tpu.memory_space<vmem_shared>>
      tpu.enqueue_indirect_dma source(%dma_start3A_463 : memref<10240x16xf32, #tpu.memory_space<vmem_shared>>) target(%dma_start3A_457 : memref<128x16xf32, #tpu.memory_space<vmem>>) offsets(%dma_start3A_460 : memref<128xi32, #tpu.memory_space<vmem>>) semaphore(%arg12 : memref<!tpu.dma_semaphore, #tpu.memory_space<semaphore_mem>>)
      %mul3A_464 = arith.constant 8 : i32
      %mul3A_465 = arith.muli %add3A_407, %mul3A_464 : i32
      %add3A_466 = arith.constant 4 : i32
      %add3A_467 = arith.addi %add3A_466, %mul3A_465 : i32
      %add3A_468 = arith.constant 1 : i32
      %add3A_469 = arith.addi %add3A_467, %add3A_468 : i32
      %dma_wait3A_470 = arith.constant 5 : i32
      %dma_wait3A_471 = arith.constant 0 : i32
      %dma_wait3A_472 = arith.constant 0 : i32
      %dma_wait3A_473 = tpu.memref_slice %arg8[%dma_wait3A_470, %dma_wait3A_471, %dma_wait3A_472] : memref<8x128x16xf32, #tpu.memory_space<vmem>> -> memref<1x128x16xf32, #tpu.memory_space<vmem>>
      %dma_wait3A_474 = tpu.memref_squeeze %dma_wait3A_473 : memref<1x128x16xf32, #tpu.memory_space<vmem>> -> memref<128x16xf32, #tpu.memory_space<vmem>>
      %dma_wait3A_475 = arith.constant 0 : i32
      %dma_wait3A_476 = tpu.memref_slice %arg6[%add3A_469, %dma_wait3A_475] : memref<80x128xi32, #tpu.memory_space<vmem>> -> memref<1x128xi32, #tpu.memory_space<vmem>>
      %dma_wait3A_477 = tpu.memref_squeeze %dma_wait3A_476 : memref<1x128xi32, #tpu.memory_space<vmem>> -> memref<128xi32, #tpu.memory_space<vmem>>
      %dma_wait3A_478 = arith.constant 0 : i32
      %dma_wait3A_479 = arith.constant 0 : i32
      %dma_wait3A_480 = tpu.memref_slice %arg11[%dma_wait3A_478, %dma_wait3A_479] : memref<10240x16xf32, #tpu.memory_space<vmem_shared>> -> memref<10240x16xf32, #tpu.memory_space<vmem_shared>>
      tpu.wait_indirect_dma semaphore(%arg17 : memref<!tpu.dma_semaphore, #tpu.memory_space<semaphore_mem>>) src(%dma_wait3A_480 : memref<10240x16xf32, #tpu.memory_space<vmem_shared>>) dst(%dma_wait3A_474 : memref<128x16xf32, #tpu.memory_space<vmem>>)
      %dma_start3A_481 = arith.constant 5 : i32
      %dma_start3A_482 = arith.constant 0 : i32
      %dma_start3A_483 = arith.constant 0 : i32
      %dma_start3A_484 = tpu.memref_slice %arg8[%dma_start3A_481, %dma_start3A_482, %dma_start3A_483] : memref<8x128x16xf32, #tpu.memory_space<vmem>> -> memref<1x128x16xf32, #tpu.memory_space<vmem>>
      %dma_start3A_485 = tpu.memref_squeeze %dma_start3A_484 : memref<1x128x16xf32, #tpu.memory_space<vmem>> -> memref<128x16xf32, #tpu.memory_space<vmem>>
      %dma_start3A_486 = arith.constant 0 : i32
      %dma_start3A_487 = tpu.memref_slice %arg7[%add3A_469, %dma_start3A_486] : memref<80x128xi32, #tpu.memory_space<vmem>> -> memref<1x128xi32, #tpu.memory_space<vmem>>
      %dma_start3A_488 = tpu.memref_squeeze %dma_start3A_487 : memref<1x128xi32, #tpu.memory_space<vmem>> -> memref<128xi32, #tpu.memory_space<vmem>>
      %dma_start3A_489 = arith.constant 0 : i32
      %dma_start3A_490 = arith.constant 0 : i32
      %dma_start3A_491 = tpu.memref_slice %arg10[%dma_start3A_489, %dma_start3A_490] : memref<10240x16xf32, #tpu.memory_space<vmem_shared>> -> memref<10240x16xf32, #tpu.memory_space<vmem_shared>>
      tpu.enqueue_indirect_dma source(%dma_start3A_485 : memref<128x16xf32, #tpu.memory_space<vmem>>) target(%dma_start3A_491 : memref<10240x16xf32, #tpu.memory_space<vmem_shared>>) offsets(%dma_start3A_488 : memref<128xi32, #tpu.memory_space<vmem>>) semaphore(%arg25 : memref<!tpu.dma_semaphore, #tpu.memory_space<semaphore_mem>>) {add = true}
      %mul3A_492 = arith.constant 8 : i32
      %mul3A_493 = arith.muli %add3A_407, %mul3A_492 : i32
      %add3A_494 = arith.constant 1 : i32
      %add3A_495 = arith.addi %mul3A_493, %add3A_494 : i32
      %dma_wait3A_496 = arith.constant 1 : i32
      %dma_wait3A_497 = arith.constant 0 : i32
      %dma_wait3A_498 = arith.constant 0 : i32
      %dma_wait3A_499 = tpu.memref_slice %arg8[%dma_wait3A_496, %dma_wait3A_497, %dma_wait3A_498] : memref<8x128x16xf32, #tpu.memory_space<vmem>> -> memref<1x128x16xf32, #tpu.memory_space<vmem>>
      %dma_wait3A_500 = tpu.memref_squeeze %dma_wait3A_499 : memref<1x128x16xf32, #tpu.memory_space<vmem>> -> memref<128x16xf32, #tpu.memory_space<vmem>>
      %dma_wait3A_501 = arith.constant 0 : i32
      %dma_wait3A_502 = tpu.memref_slice %arg7[%add3A_495, %dma_wait3A_501] : memref<80x128xi32, #tpu.memory_space<vmem>> -> memref<1x128xi32, #tpu.memory_space<vmem>>
      %dma_wait3A_503 = tpu.memref_squeeze %dma_wait3A_502 : memref<1x128xi32, #tpu.memory_space<vmem>> -> memref<128xi32, #tpu.memory_space<vmem>>
      %dma_wait3A_504 = arith.constant 0 : i32
      %dma_wait3A_505 = arith.constant 0 : i32
      %dma_wait3A_506 = tpu.memref_slice %arg10[%dma_wait3A_504, %dma_wait3A_505] : memref<10240x16xf32, #tpu.memory_space<vmem_shared>> -> memref<10240x16xf32, #tpu.memory_space<vmem_shared>>
      tpu.wait_indirect_dma semaphore(%arg21 : memref<!tpu.dma_semaphore, #tpu.memory_space<semaphore_mem>>) src(%dma_wait3A_500 : memref<128x16xf32, #tpu.memory_space<vmem>>) dst(%dma_wait3A_506 : memref<10240x16xf32, #tpu.memory_space<vmem_shared>>)
      %add3A_507 = arith.constant 4 : i32
      %add3A_508 = arith.addi %add3A_469, %add3A_507 : i32
      %dma_start3A_509 = arith.constant 1 : i32
      %dma_start3A_510 = arith.constant 0 : i32
      %dma_start3A_511 = arith.constant 0 : i32
      %dma_start3A_512 = tpu.memref_slice %arg8[%dma_start3A_509, %dma_start3A_510, %dma_start3A_511] : memref<8x128x16xf32, #tpu.memory_space<vmem>> -> memref<1x128x16xf32, #tpu.memory_space<vmem>>
      %dma_start3A_513 = tpu.memref_squeeze %dma_start3A_512 : memref<1x128x16xf32, #tpu.memory_space<vmem>> -> memref<128x16xf32, #tpu.memory_space<vmem>>
      %dma_start3A_514 = arith.constant 0 : i32
      %dma_start3A_515 = tpu.memref_slice %arg6[%add3A_508, %dma_start3A_514] : memref<80x128xi32, #tpu.memory_space<vmem>> -> memref<1x128xi32, #tpu.memory_space<vmem>>
      %dma_start3A_516 = tpu.memref_squeeze %dma_start3A_515 : memref<1x128xi32, #tpu.memory_space<vmem>> -> memref<128xi32, #tpu.memory_space<vmem>>
      %dma_start3A_517 = arith.constant 0 : i32
      %dma_start3A_518 = arith.constant 0 : i32
      %dma_start3A_519 = tpu.memref_slice %arg11[%dma_start3A_517, %dma_start3A_518] : memref<10240x16xf32, #tpu.memory_space<vmem_shared>> -> memref<10240x16xf32, #tpu.memory_space<vmem_shared>>
      tpu.enqueue_indirect_dma source(%dma_start3A_519 : memref<10240x16xf32, #tpu.memory_space<vmem_shared>>) target(%dma_start3A_513 : memref<128x16xf32, #tpu.memory_space<vmem>>) offsets(%dma_start3A_516 : memref<128xi32, #tpu.memory_space<vmem>>) semaphore(%arg13 : memref<!tpu.dma_semaphore, #tpu.memory_space<semaphore_mem>>)
      %mul3A_520 = arith.constant 8 : i32
      %mul3A_521 = arith.muli %add3A_407, %mul3A_520 : i32
      %add3A_522 = arith.constant 4 : i32
      %add3A_523 = arith.addi %add3A_522, %mul3A_521 : i32
      %add3A_524 = arith.constant 2 : i32
      %add3A_525 = arith.addi %add3A_523, %add3A_524 : i32
      %dma_wait3A_526 = arith.constant 6 : i32
      %dma_wait3A_527 = arith.constant 0 : i32
      %dma_wait3A_528 = arith.constant 0 : i32
      %dma_wait3A_529 = tpu.memref_slice %arg8[%dma_wait3A_526, %dma_wait3A_527, %dma_wait3A_528] : memref<8x128x16xf32, #tpu.memory_space<vmem>> -> memref<1x128x16xf32, #tpu.memory_space<vmem>>
      %dma_wait3A_530 = tpu.memref_squeeze %dma_wait3A_529 : memref<1x128x16xf32, #tpu.memory_space<vmem>> -> memref<128x16xf32, #tpu.memory_space<vmem>>
      %dma_wait3A_531 = arith.constant 0 : i32
      %dma_wait3A_532 = tpu.memref_slice %arg6[%add3A_525, %dma_wait3A_531] : memref<80x128xi32, #tpu.memory_space<vmem>> -> memref<1x128xi32, #tpu.memory_space<vmem>>
      %dma_wait3A_533 = tpu.memref_squeeze %dma_wait3A_532 : memref<1x128xi32, #tpu.memory_space<vmem>> -> memref<128xi32, #tpu.memory_space<vmem>>
      %dma_wait3A_534 = arith.constant 0 : i32
      %dma_wait3A_535 = arith.constant 0 : i32
      %dma_wait3A_536 = tpu.memref_slice %arg11[%dma_wait3A_534, %dma_wait3A_535] : memref<10240x16xf32, #tpu.memory_space<vmem_shared>> -> memref<10240x16xf32, #tpu.memory_space<vmem_shared>>
      tpu.wait_indirect_dma semaphore(%arg18 : memref<!tpu.dma_semaphore, #tpu.memory_space<semaphore_mem>>) src(%dma_wait3A_536 : memref<10240x16xf32, #tpu.memory_space<vmem_shared>>) dst(%dma_wait3A_530 : memref<128x16xf32, #tpu.memory_space<vmem>>)
      %dma_start3A_537 = arith.constant 6 : i32
      %dma_start3A_538 = arith.constant 0 : i32
      %dma_start3A_539 = arith.constant 0 : i32
      %dma_start3A_540 = tpu.memref_slice %arg8[%dma_start3A_537, %dma_start3A_538, %dma_start3A_539] : memref<8x128x16xf32, #tpu.memory_space<vmem>> -> memref<1x128x16xf32, #tpu.memory_space<vmem>>
      %dma_start3A_541 = tpu.memref_squeeze %dma_start3A_540 : memref<1x128x16xf32, #tpu.memory_space<vmem>> -> memref<128x16xf32, #tpu.memory_space<vmem>>
      %dma_start3A_542 = arith.constant 0 : i32
      %dma_start3A_543 = tpu.memref_slice %arg7[%add3A_525, %dma_start3A_542] : memref<80x128xi32, #tpu.memory_space<vmem>> -> memref<1x128xi32, #tpu.memory_space<vmem>>
      %dma_start3A_544 = tpu.memref_squeeze %dma_start3A_543 : memref<1x128xi32, #tpu.memory_space<vmem>> -> memref<128xi32, #tpu.memory_space<vmem>>
      %dma_start3A_545 = arith.constant 0 : i32
      %dma_start3A_546 = arith.constant 0 : i32
      %dma_start3A_547 = tpu.memref_slice %arg10[%dma_start3A_545, %dma_start3A_546] : memref<10240x16xf32, #tpu.memory_space<vmem_shared>> -> memref<10240x16xf32, #tpu.memory_space<vmem_shared>>
      tpu.enqueue_indirect_dma source(%dma_start3A_541 : memref<128x16xf32, #tpu.memory_space<vmem>>) target(%dma_start3A_547 : memref<10240x16xf32, #tpu.memory_space<vmem_shared>>) offsets(%dma_start3A_544 : memref<128xi32, #tpu.memory_space<vmem>>) semaphore(%arg26 : memref<!tpu.dma_semaphore, #tpu.memory_space<semaphore_mem>>) {add = true}
      %mul3A_548 = arith.constant 8 : i32
      %mul3A_549 = arith.muli %add3A_407, %mul3A_548 : i32
      %add3A_550 = arith.constant 2 : i32
      %add3A_551 = arith.addi %mul3A_549, %add3A_550 : i32
      %dma_wait3A_552 = arith.constant 2 : i32
      %dma_wait3A_553 = arith.constant 0 : i32
      %dma_wait3A_554 = arith.constant 0 : i32
      %dma_wait3A_555 = tpu.memref_slice %arg8[%dma_wait3A_552, %dma_wait3A_553, %dma_wait3A_554] : memref<8x128x16xf32, #tpu.memory_space<vmem>> -> memref<1x128x16xf32, #tpu.memory_space<vmem>>
      %dma_wait3A_556 = tpu.memref_squeeze %dma_wait3A_555 : memref<1x128x16xf32, #tpu.memory_space<vmem>> -> memref<128x16xf32, #tpu.memory_space<vmem>>
      %dma_wait3A_557 = arith.constant 0 : i32
      %dma_wait3A_558 = tpu.memref_slice %arg7[%add3A_551, %dma_wait3A_557] : memref<80x128xi32, #tpu.memory_space<vmem>> -> memref<1x128xi32, #tpu.memory_space<vmem>>
      %dma_wait3A_559 = tpu.memref_squeeze %dma_wait3A_558 : memref<1x128xi32, #tpu.memory_space<vmem>> -> memref<128xi32, #tpu.memory_space<vmem>>
      %dma_wait3A_560 = arith.constant 0 : i32
      %dma_wait3A_561 = arith.constant 0 : i32
      %dma_wait3A_562 = tpu.memref_slice %arg10[%dma_wait3A_560, %dma_wait3A_561] : memref<10240x16xf32, #tpu.memory_space<vmem_shared>> -> memref<10240x16xf32, #tpu.memory_space<vmem_shared>>
      tpu.wait_indirect_dma semaphore(%arg22 : memref<!tpu.dma_semaphore, #tpu.memory_space<semaphore_mem>>) src(%dma_wait3A_556 : memref<128x16xf32, #tpu.memory_space<vmem>>) dst(%dma_wait3A_562 : memref<10240x16xf32, #tpu.memory_space<vmem_shared>>)
      %add3A_563 = arith.constant 4 : i32
      %add3A_564 = arith.addi %add3A_525, %add3A_563 : i32
      %dma_start3A_565 = arith.constant 2 : i32
      %dma_start3A_566 = arith.constant 0 : i32
      %dma_start3A_567 = arith.constant 0 : i32
      %dma_start3A_568 = tpu.memref_slice %arg8[%dma_start3A_565, %dma_start3A_566, %dma_start3A_567] : memref<8x128x16xf32, #tpu.memory_space<vmem>> -> memref<1x128x16xf32, #tpu.memory_space<vmem>>
      %dma_start3A_569 = tpu.memref_squeeze %dma_start3A_568 : memref<1x128x16xf32, #tpu.memory_space<vmem>> -> memref<128x16xf32, #tpu.memory_space<vmem>>
      %dma_start3A_570 = arith.constant 0 : i32
      %dma_start3A_571 = tpu.memref_slice %arg6[%add3A_564, %dma_start3A_570] : memref<80x128xi32, #tpu.memory_space<vmem>> -> memref<1x128xi32, #tpu.memory_space<vmem>>
      %dma_start3A_572 = tpu.memref_squeeze %dma_start3A_571 : memref<1x128xi32, #tpu.memory_space<vmem>> -> memref<128xi32, #tpu.memory_space<vmem>>
      %dma_start3A_573 = arith.constant 0 : i32
      %dma_start3A_574 = arith.constant 0 : i32
      %dma_start3A_575 = tpu.memref_slice %arg11[%dma_start3A_573, %dma_start3A_574] : memref<10240x16xf32, #tpu.memory_space<vmem_shared>> -> memref<10240x16xf32, #tpu.memory_space<vmem_shared>>
      tpu.enqueue_indirect_dma source(%dma_start3A_575 : memref<10240x16xf32, #tpu.memory_space<vmem_shared>>) target(%dma_start3A_569 : memref<128x16xf32, #tpu.memory_space<vmem>>) offsets(%dma_start3A_572 : memref<128xi32, #tpu.memory_space<vmem>>) semaphore(%arg14 : memref<!tpu.dma_semaphore, #tpu.memory_space<semaphore_mem>>)
      %mul3A_576 = arith.constant 8 : i32
      %mul3A_577 = arith.muli %add3A_407, %mul3A_576 : i32
      %add3A_578 = arith.constant 4 : i32
      %add3A_579 = arith.addi %add3A_578, %mul3A_577 : i32
      %add3A_580 = arith.constant 3 : i32
      %add3A_581 = arith.addi %add3A_579, %add3A_580 : i32
      %dma_wait3A_582 = arith.constant 7 : i32
      %dma_wait3A_583 = arith.constant 0 : i32
      %dma_wait3A_584 = arith.constant 0 : i32
      %dma_wait3A_585 = tpu.memref_slice %arg8[%dma_wait3A_582, %dma_wait3A_583, %dma_wait3A_584] : memref<8x128x16xf32, #tpu.memory_space<vmem>> -> memref<1x128x16xf32, #tpu.memory_space<vmem>>
      %dma_wait3A_586 = tpu.memref_squeeze %dma_wait3A_585 : memref<1x128x16xf32, #tpu.memory_space<vmem>> -> memref<128x16xf32, #tpu.memory_space<vmem>>
      %dma_wait3A_587 = arith.constant 0 : i32
      %dma_wait3A_588 = tpu.memref_slice %arg6[%add3A_581, %dma_wait3A_587] : memref<80x128xi32, #tpu.memory_space<vmem>> -> memref<1x128xi32, #tpu.memory_space<vmem>>
      %dma_wait3A_589 = tpu.memref_squeeze %dma_wait3A_588 : memref<1x128xi32, #tpu.memory_space<vmem>> -> memref<128xi32, #tpu.memory_space<vmem>>
      %dma_wait3A_590 = arith.constant 0 : i32
      %dma_wait3A_591 = arith.constant 0 : i32
      %dma_wait3A_592 = tpu.memref_slice %arg11[%dma_wait3A_590, %dma_wait3A_591] : memref<10240x16xf32, #tpu.memory_space<vmem_shared>> -> memref<10240x16xf32, #tpu.memory_space<vmem_shared>>
      tpu.wait_indirect_dma semaphore(%arg19 : memref<!tpu.dma_semaphore, #tpu.memory_space<semaphore_mem>>) src(%dma_wait3A_592 : memref<10240x16xf32, #tpu.memory_space<vmem_shared>>) dst(%dma_wait3A_586 : memref<128x16xf32, #tpu.memory_space<vmem>>)
      %dma_start3A_593 = arith.constant 7 : i32
      %dma_start3A_594 = arith.constant 0 : i32
      %dma_start3A_595 = arith.constant 0 : i32
      %dma_start3A_596 = tpu.memref_slice %arg8[%dma_start3A_593, %dma_start3A_594, %dma_start3A_595] : memref<8x128x16xf32, #tpu.memory_space<vmem>> -> memref<1x128x16xf32, #tpu.memory_space<vmem>>
      %dma_start3A_597 = tpu.memref_squeeze %dma_start3A_596 : memref<1x128x16xf32, #tpu.memory_space<vmem>> -> memref<128x16xf32, #tpu.memory_space<vmem>>
      %dma_start3A_598 = arith.constant 0 : i32
      %dma_start3A_599 = tpu.memref_slice %arg7[%add3A_581, %dma_start3A_598] : memref<80x128xi32, #tpu.memory_space<vmem>> -> memref<1x128xi32, #tpu.memory_space<vmem>>
      %dma_start3A_600 = tpu.memref_squeeze %dma_start3A_599 : memref<1x128xi32, #tpu.memory_space<vmem>> -> memref<128xi32, #tpu.memory_space<vmem>>
      %dma_start3A_601 = arith.constant 0 : i32
      %dma_start3A_602 = arith.constant 0 : i32
      %dma_start3A_603 = tpu.memref_slice %arg10[%dma_start3A_601, %dma_start3A_602] : memref<10240x16xf32, #tpu.memory_space<vmem_shared>> -> memref<10240x16xf32, #tpu.memory_space<vmem_shared>>
      tpu.enqueue_indirect_dma source(%dma_start3A_597 : memref<128x16xf32, #tpu.memory_space<vmem>>) target(%dma_start3A_603 : memref<10240x16xf32, #tpu.memory_space<vmem_shared>>) offsets(%dma_start3A_600 : memref<128xi32, #tpu.memory_space<vmem>>) semaphore(%arg27 : memref<!tpu.dma_semaphore, #tpu.memory_space<semaphore_mem>>) {add = true}
      %mul3A_604 = arith.constant 8 : i32
      %mul3A_605 = arith.muli %add3A_407, %mul3A_604 : i32
      %add3A_606 = arith.constant 3 : i32
      %add3A_607 = arith.addi %mul3A_605, %add3A_606 : i32
      %dma_wait3A_608 = arith.constant 3 : i32
      %dma_wait3A_609 = arith.constant 0 : i32
      %dma_wait3A_610 = arith.constant 0 : i32
      %dma_wait3A_611 = tpu.memref_slice %arg8[%dma_wait3A_608, %dma_wait3A_609, %dma_wait3A_610] : memref<8x128x16xf32, #tpu.memory_space<vmem>> -> memref<1x128x16xf32, #tpu.memory_space<vmem>>
      %dma_wait3A_612 = tpu.memref_squeeze %dma_wait3A_611 : memref<1x128x16xf32, #tpu.memory_space<vmem>> -> memref<128x16xf32, #tpu.memory_space<vmem>>
      %dma_wait3A_613 = arith.constant 0 : i32
      %dma_wait3A_614 = tpu.memref_slice %arg7[%add3A_607, %dma_wait3A_613] : memref<80x128xi32, #tpu.memory_space<vmem>> -> memref<1x128xi32, #tpu.memory_space<vmem>>
      %dma_wait3A_615 = tpu.memref_squeeze %dma_wait3A_614 : memref<1x128xi32, #tpu.memory_space<vmem>> -> memref<128xi32, #tpu.memory_space<vmem>>
      %dma_wait3A_616 = arith.constant 0 : i32
      %dma_wait3A_617 = arith.constant 0 : i32
      %dma_wait3A_618 = tpu.memref_slice %arg10[%dma_wait3A_616, %dma_wait3A_617] : memref<10240x16xf32, #tpu.memory_space<vmem_shared>> -> memref<10240x16xf32, #tpu.memory_space<vmem_shared>>
      tpu.wait_indirect_dma semaphore(%arg23 : memref<!tpu.dma_semaphore, #tpu.memory_space<semaphore_mem>>) src(%dma_wait3A_612 : memref<128x16xf32, #tpu.memory_space<vmem>>) dst(%dma_wait3A_618 : memref<10240x16xf32, #tpu.memory_space<vmem_shared>>)
      %add3A_619 = arith.constant 4 : i32
      %add3A_620 = arith.addi %add3A_581, %add3A_619 : i32
      %dma_start3A_621 = arith.constant 3 : i32
      %dma_start3A_622 = arith.constant 0 : i32
      %dma_start3A_623 = arith.constant 0 : i32
      %dma_start3A_624 = tpu.memref_slice %arg8[%dma_start3A_621, %dma_start3A_622, %dma_start3A_623] : memref<8x128x16xf32, #tpu.memory_space<vmem>> -> memref<1x128x16xf32, #tpu.memory_space<vmem>>
      %dma_start3A_625 = tpu.memref_squeeze %dma_start3A_624 : memref<1x128x16xf32, #tpu.memory_space<vmem>> -> memref<128x16xf32, #tpu.memory_space<vmem>>
      %dma_start3A_626 = arith.constant 0 : i32
      %dma_start3A_627 = tpu.memref_slice %arg6[%add3A_620, %dma_start3A_626] : memref<80x128xi32, #tpu.memory_space<vmem>> -> memref<1x128xi32, #tpu.memory_space<vmem>>
      %dma_start3A_628 = tpu.memref_squeeze %dma_start3A_627 : memref<1x128xi32, #tpu.memory_space<vmem>> -> memref<128xi32, #tpu.memory_space<vmem>>
      %dma_start3A_629 = arith.constant 0 : i32
      %dma_start3A_630 = arith.constant 0 : i32
      %dma_start3A_631 = tpu.memref_slice %arg11[%dma_start3A_629, %dma_start3A_630] : memref<10240x16xf32, #tpu.memory_space<vmem_shared>> -> memref<10240x16xf32, #tpu.memory_space<vmem_shared>>
      tpu.enqueue_indirect_dma source(%dma_start3A_631 : memref<10240x16xf32, #tpu.memory_space<vmem_shared>>) target(%dma_start3A_625 : memref<128x16xf32, #tpu.memory_space<vmem>>) offsets(%dma_start3A_628 : memref<128xi32, #tpu.memory_space<vmem>>) semaphore(%arg15 : memref<!tpu.dma_semaphore, #tpu.memory_space<semaphore_mem>>)
      %mul3A_632 = arith.constant 8 : i32
      %mul3A_633 = arith.muli %add3A_407, %mul3A_632 : i32
      %add3A_634 = arith.constant 4 : i32
      %add3A_635 = arith.addi %add3A_634, %mul3A_633 : i32
      %add3A_636 = arith.constant 4 : i32
      %add3A_637 = arith.addi %add3A_635, %add3A_636 : i32
      %dma_wait3A_638 = arith.constant 0 : i32
      %dma_wait3A_639 = arith.constant 0 : i32
      %dma_wait3A_640 = arith.constant 0 : i32
      %dma_wait3A_641 = tpu.memref_slice %arg8[%dma_wait3A_638, %dma_wait3A_639, %dma_wait3A_640] : memref<8x128x16xf32, #tpu.memory_space<vmem>> -> memref<1x128x16xf32, #tpu.memory_space<vmem>>
      %dma_wait3A_642 = tpu.memref_squeeze %dma_wait3A_641 : memref<1x128x16xf32, #tpu.memory_space<vmem>> -> memref<128x16xf32, #tpu.memory_space<vmem>>
      %dma_wait3A_643 = arith.constant 0 : i32
      %dma_wait3A_644 = tpu.memref_slice %arg6[%add3A_637, %dma_wait3A_643] : memref<80x128xi32, #tpu.memory_space<vmem>> -> memref<1x128xi32, #tpu.memory_space<vmem>>
      %dma_wait3A_645 = tpu.memref_squeeze %dma_wait3A_644 : memref<1x128xi32, #tpu.memory_space<vmem>> -> memref<128xi32, #tpu.memory_space<vmem>>
      %dma_wait3A_646 = arith.constant 0 : i32
      %dma_wait3A_647 = arith.constant 0 : i32
      %dma_wait3A_648 = tpu.memref_slice %arg11[%dma_wait3A_646, %dma_wait3A_647] : memref<10240x16xf32, #tpu.memory_space<vmem_shared>> -> memref<10240x16xf32, #tpu.memory_space<vmem_shared>>
      tpu.wait_indirect_dma semaphore(%arg12 : memref<!tpu.dma_semaphore, #tpu.memory_space<semaphore_mem>>) src(%dma_wait3A_648 : memref<10240x16xf32, #tpu.memory_space<vmem_shared>>) dst(%dma_wait3A_642 : memref<128x16xf32, #tpu.memory_space<vmem>>)
      %dma_start3A_649 = arith.constant 0 : i32
      %dma_start3A_650 = arith.constant 0 : i32
      %dma_start3A_651 = arith.constant 0 : i32
      %dma_start3A_652 = tpu.memref_slice %arg8[%dma_start3A_649, %dma_start3A_650, %dma_start3A_651] : memref<8x128x16xf32, #tpu.memory_space<vmem>> -> memref<1x128x16xf32, #tpu.memory_space<vmem>>
      %dma_start3A_653 = tpu.memref_squeeze %dma_start3A_652 : memref<1x128x16xf32, #tpu.memory_space<vmem>> -> memref<128x16xf32, #tpu.memory_space<vmem>>
      %dma_start3A_654 = arith.constant 0 : i32
      %dma_start3A_655 = tpu.memref_slice %arg7[%add3A_637, %dma_start3A_654] : memref<80x128xi32, #tpu.memory_space<vmem>> -> memref<1x128xi32, #tpu.memory_space<vmem>>
      %dma_start3A_656 = tpu.memref_squeeze %dma_start3A_655 : memref<1x128xi32, #tpu.memory_space<vmem>> -> memref<128xi32, #tpu.memory_space<vmem>>
      %dma_start3A_657 = arith.constant 0 : i32
      %dma_start3A_658 = arith.constant 0 : i32
      %dma_start3A_659 = tpu.memref_slice %arg10[%dma_start3A_657, %dma_start3A_658] : memref<10240x16xf32, #tpu.memory_space<vmem_shared>> -> memref<10240x16xf32, #tpu.memory_space<vmem_shared>>
      tpu.enqueue_indirect_dma source(%dma_start3A_653 : memref<128x16xf32, #tpu.memory_space<vmem>>) target(%dma_start3A_659 : memref<10240x16xf32, #tpu.memory_space<vmem_shared>>) offsets(%dma_start3A_656 : memref<128xi32, #tpu.memory_space<vmem>>) semaphore(%arg20 : memref<!tpu.dma_semaphore, #tpu.memory_space<semaphore_mem>>) {add = true}
      %mul3A_660 = arith.constant 8 : i32
      %mul3A_661 = arith.muli %add3A_407, %mul3A_660 : i32
      %add3A_662 = arith.constant 4 : i32
      %add3A_663 = arith.addi %mul3A_661, %add3A_662 : i32
      %dma_wait3A_664 = arith.constant 4 : i32
      %dma_wait3A_665 = arith.constant 0 : i32
      %dma_wait3A_666 = arith.constant 0 : i32
      %dma_wait3A_667 = tpu.memref_slice %arg8[%dma_wait3A_664, %dma_wait3A_665, %dma_wait3A_666] : memref<8x128x16xf32, #tpu.memory_space<vmem>> -> memref<1x128x16xf32, #tpu.memory_space<vmem>>
      %dma_wait3A_668 = tpu.memref_squeeze %dma_wait3A_667 : memref<1x128x16xf32, #tpu.memory_space<vmem>> -> memref<128x16xf32, #tpu.memory_space<vmem>>
      %dma_wait3A_669 = arith.constant 0 : i32
      %dma_wait3A_670 = tpu.memref_slice %arg7[%add3A_663, %dma_wait3A_669] : memref<80x128xi32, #tpu.memory_space<vmem>> -> memref<1x128xi32, #tpu.memory_space<vmem>>
      %dma_wait3A_671 = tpu.memref_squeeze %dma_wait3A_670 : memref<1x128xi32, #tpu.memory_space<vmem>> -> memref<128xi32, #tpu.memory_space<vmem>>
      %dma_wait3A_672 = arith.constant 0 : i32
      %dma_wait3A_673 = arith.constant 0 : i32
      %dma_wait3A_674 = tpu.memref_slice %arg10[%dma_wait3A_672, %dma_wait3A_673] : memref<10240x16xf32, #tpu.memory_space<vmem_shared>> -> memref<10240x16xf32, #tpu.memory_space<vmem_shared>>
      tpu.wait_indirect_dma semaphore(%arg24 : memref<!tpu.dma_semaphore, #tpu.memory_space<semaphore_mem>>) src(%dma_wait3A_668 : memref<128x16xf32, #tpu.memory_space<vmem>>) dst(%dma_wait3A_674 : memref<10240x16xf32, #tpu.memory_space<vmem_shared>>)
      %add3A_675 = arith.constant 4 : i32
      %add3A_676 = arith.addi %add3A_637, %add3A_675 : i32
      %dma_start3A_677 = arith.constant 4 : i32
      %dma_start3A_678 = arith.constant 0 : i32
      %dma_start3A_679 = arith.constant 0 : i32
      %dma_start3A_680 = tpu.memref_slice %arg8[%dma_start3A_677, %dma_start3A_678, %dma_start3A_679] : memref<8x128x16xf32, #tpu.memory_space<vmem>> -> memref<1x128x16xf32, #tpu.memory_space<vmem>>
      %dma_start3A_681 = tpu.memref_squeeze %dma_start3A_680 : memref<1x128x16xf32, #tpu.memory_space<vmem>> -> memref<128x16xf32, #tpu.memory_space<vmem>>
      %dma_start3A_682 = arith.constant 0 : i32
      %dma_start3A_683 = tpu.memref_slice %arg6[%add3A_676, %dma_start3A_682] : memref<80x128xi32, #tpu.memory_space<vmem>> -> memref<1x128xi32, #tpu.memory_space<vmem>>
      %dma_start3A_684 = tpu.memref_squeeze %dma_start3A_683 : memref<1x128xi32, #tpu.memory_space<vmem>> -> memref<128xi32, #tpu.memory_space<vmem>>
      %dma_start3A_685 = arith.constant 0 : i32
      %dma_start3A_686 = arith.constant 0 : i32
      %dma_start3A_687 = tpu.memref_slice %arg11[%dma_start3A_685, %dma_start3A_686] : memref<10240x16xf32, #tpu.memory_space<vmem_shared>> -> memref<10240x16xf32, #tpu.memory_space<vmem_shared>>
      tpu.enqueue_indirect_dma source(%dma_start3A_687 : memref<10240x16xf32, #tpu.memory_space<vmem_shared>>) target(%dma_start3A_681 : memref<128x16xf32, #tpu.memory_space<vmem>>) offsets(%dma_start3A_684 : memref<128xi32, #tpu.memory_space<vmem>>) semaphore(%arg16 : memref<!tpu.dma_semaphore, #tpu.memory_space<semaphore_mem>>)
      %mul3A_688 = arith.constant 8 : i32
      %mul3A_689 = arith.muli %add3A_407, %mul3A_688 : i32
      %add3A_690 = arith.constant 4 : i32
      %add3A_691 = arith.addi %add3A_690, %mul3A_689 : i32
      %add3A_692 = arith.constant 5 : i32
      %add3A_693 = arith.addi %add3A_691, %add3A_692 : i32
      %dma_wait3A_694 = arith.constant 1 : i32
      %dma_wait3A_695 = arith.constant 0 : i32
      %dma_wait3A_696 = arith.constant 0 : i32
      %dma_wait3A_697 = tpu.memref_slice %arg8[%dma_wait3A_694, %dma_wait3A_695, %dma_wait3A_696] : memref<8x128x16xf32, #tpu.memory_space<vmem>> -> memref<1x128x16xf32, #tpu.memory_space<vmem>>
      %dma_wait3A_698 = tpu.memref_squeeze %dma_wait3A_697 : memref<1x128x16xf32, #tpu.memory_space<vmem>> -> memref<128x16xf32, #tpu.memory_space<vmem>>
      %dma_wait3A_699 = arith.constant 0 : i32
      %dma_wait3A_700 = tpu.memref_slice %arg6[%add3A_693, %dma_wait3A_699] : memref<80x128xi32, #tpu.memory_space<vmem>> -> memref<1x128xi32, #tpu.memory_space<vmem>>
      %dma_wait3A_701 = tpu.memref_squeeze %dma_wait3A_700 : memref<1x128xi32, #tpu.memory_space<vmem>> -> memref<128xi32, #tpu.memory_space<vmem>>
      %dma_wait3A_702 = arith.constant 0 : i32
      %dma_wait3A_703 = arith.constant 0 : i32
      %dma_wait3A_704 = tpu.memref_slice %arg11[%dma_wait3A_702, %dma_wait3A_703] : memref<10240x16xf32, #tpu.memory_space<vmem_shared>> -> memref<10240x16xf32, #tpu.memory_space<vmem_shared>>
      tpu.wait_indirect_dma semaphore(%arg13 : memref<!tpu.dma_semaphore, #tpu.memory_space<semaphore_mem>>) src(%dma_wait3A_704 : memref<10240x16xf32, #tpu.memory_space<vmem_shared>>) dst(%dma_wait3A_698 : memref<128x16xf32, #tpu.memory_space<vmem>>)
      %dma_start3A_705 = arith.constant 1 : i32
      %dma_start3A_706 = arith.constant 0 : i32
      %dma_start3A_707 = arith.constant 0 : i32
      %dma_start3A_708 = tpu.memref_slice %arg8[%dma_start3A_705, %dma_start3A_706, %dma_start3A_707] : memref<8x128x16xf32, #tpu.memory_space<vmem>> -> memref<1x128x16xf32, #tpu.memory_space<vmem>>
      %dma_start3A_709 = tpu.memref_squeeze %dma_start3A_708 : memref<1x128x16xf32, #tpu.memory_space<vmem>> -> memref<128x16xf32, #tpu.memory_space<vmem>>
      %dma_start3A_710 = arith.constant 0 : i32
      %dma_start3A_711 = tpu.memref_slice %arg7[%add3A_693, %dma_start3A_710] : memref<80x128xi32, #tpu.memory_space<vmem>> -> memref<1x128xi32, #tpu.memory_space<vmem>>
      %dma_start3A_712 = tpu.memref_squeeze %dma_start3A_711 : memref<1x128xi32, #tpu.memory_space<vmem>> -> memref<128xi32, #tpu.memory_space<vmem>>
      %dma_start3A_713 = arith.constant 0 : i32
      %dma_start3A_714 = arith.constant 0 : i32
      %dma_start3A_715 = tpu.memref_slice %arg10[%dma_start3A_713, %dma_start3A_714] : memref<10240x16xf32, #tpu.memory_space<vmem_shared>> -> memref<10240x16xf32, #tpu.memory_space<vmem_shared>>
      tpu.enqueue_indirect_dma source(%dma_start3A_709 : memref<128x16xf32, #tpu.memory_space<vmem>>) target(%dma_start3A_715 : memref<10240x16xf32, #tpu.memory_space<vmem_shared>>) offsets(%dma_start3A_712 : memref<128xi32, #tpu.memory_space<vmem>>) semaphore(%arg21 : memref<!tpu.dma_semaphore, #tpu.memory_space<semaphore_mem>>) {add = true}
      %mul3A_716 = arith.constant 8 : i32
      %mul3A_717 = arith.muli %add3A_407, %mul3A_716 : i32
      %add3A_718 = arith.constant 5 : i32
      %add3A_719 = arith.addi %mul3A_717, %add3A_718 : i32
      %dma_wait3A_720 = arith.constant 5 : i32
      %dma_wait3A_721 = arith.constant 0 : i32
      %dma_wait3A_722 = arith.constant 0 : i32
      %dma_wait3A_723 = tpu.memref_slice %arg8[%dma_wait3A_720, %dma_wait3A_721, %dma_wait3A_722] : memref<8x128x16xf32, #tpu.memory_space<vmem>> -> memref<1x128x16xf32, #tpu.memory_space<vmem>>
      %dma_wait3A_724 = tpu.memref_squeeze %dma_wait3A_723 : memref<1x128x16xf32, #tpu.memory_space<vmem>> -> memref<128x16xf32, #tpu.memory_space<vmem>>
      %dma_wait3A_725 = arith.constant 0 : i32
      %dma_wait3A_726 = tpu.memref_slice %arg7[%add3A_719, %dma_wait3A_725] : memref<80x128xi32, #tpu.memory_space<vmem>> -> memref<1x128xi32, #tpu.memory_space<vmem>>
      %dma_wait3A_727 = tpu.memref_squeeze %dma_wait3A_726 : memref<1x128xi32, #tpu.memory_space<vmem>> -> memref<128xi32, #tpu.memory_space<vmem>>
      %dma_wait3A_728 = arith.constant 0 : i32
      %dma_wait3A_729 = arith.constant 0 : i32
      %dma_wait3A_730 = tpu.memref_slice %arg10[%dma_wait3A_728, %dma_wait3A_729] : memref<10240x16xf32, #tpu.memory_space<vmem_shared>> -> memref<10240x16xf32, #tpu.memory_space<vmem_shared>>
      tpu.wait_indirect_dma semaphore(%arg25 : memref<!tpu.dma_semaphore, #tpu.memory_space<semaphore_mem>>) src(%dma_wait3A_724 : memref<128x16xf32, #tpu.memory_space<vmem>>) dst(%dma_wait3A_730 : memref<10240x16xf32, #tpu.memory_space<vmem_shared>>)
      %add3A_731 = arith.constant 4 : i32
      %add3A_732 = arith.addi %add3A_693, %add3A_731 : i32
      %dma_start3A_733 = arith.constant 5 : i32
      %dma_start3A_734 = arith.constant 0 : i32
      %dma_start3A_735 = arith.constant 0 : i32
      %dma_start3A_736 = tpu.memref_slice %arg8[%dma_start3A_733, %dma_start3A_734, %dma_start3A_735] : memref<8x128x16xf32, #tpu.memory_space<vmem>> -> memref<1x128x16xf32, #tpu.memory_space<vmem>>
      %dma_start3A_737 = tpu.memref_squeeze %dma_start3A_736 : memref<1x128x16xf32, #tpu.memory_space<vmem>> -> memref<128x16xf32, #tpu.memory_space<vmem>>
      %dma_start3A_738 = arith.constant 0 : i32
      %dma_start3A_739 = tpu.memref_slice %arg6[%add3A_732, %dma_start3A_738] : memref<80x128xi32, #tpu.memory_space<vmem>> -> memref<1x128xi32, #tpu.memory_space<vmem>>
      %dma_start3A_740 = tpu.memref_squeeze %dma_start3A_739 : memref<1x128xi32, #tpu.memory_space<vmem>> -> memref<128xi32, #tpu.memory_space<vmem>>
      %dma_start3A_741 = arith.constant 0 : i32
      %dma_start3A_742 = arith.constant 0 : i32
      %dma_start3A_743 = tpu.memref_slice %arg11[%dma_start3A_741, %dma_start3A_742] : memref<10240x16xf32, #tpu.memory_space<vmem_shared>> -> memref<10240x16xf32, #tpu.memory_space<vmem_shared>>
      tpu.enqueue_indirect_dma source(%dma_start3A_743 : memref<10240x16xf32, #tpu.memory_space<vmem_shared>>) target(%dma_start3A_737 : memref<128x16xf32, #tpu.memory_space<vmem>>) offsets(%dma_start3A_740 : memref<128xi32, #tpu.memory_space<vmem>>) semaphore(%arg17 : memref<!tpu.dma_semaphore, #tpu.memory_space<semaphore_mem>>)
      %mul3A_744 = arith.constant 8 : i32
      %mul3A_745 = arith.muli %add3A_407, %mul3A_744 : i32
      %add3A_746 = arith.constant 4 : i32
      %add3A_747 = arith.addi %add3A_746, %mul3A_745 : i32
      %add3A_748 = arith.constant 6 : i32
      %add3A_749 = arith.addi %add3A_747, %add3A_748 : i32
      %dma_wait3A_750 = arith.constant 2 : i32
      %dma_wait3A_751 = arith.constant 0 : i32
      %dma_wait3A_752 = arith.constant 0 : i32
      %dma_wait3A_753 = tpu.memref_slice %arg8[%dma_wait3A_750, %dma_wait3A_751, %dma_wait3A_752] : memref<8x128x16xf32, #tpu.memory_space<vmem>> -> memref<1x128x16xf32, #tpu.memory_space<vmem>>
      %dma_wait3A_754 = tpu.memref_squeeze %dma_wait3A_753 : memref<1x128x16xf32, #tpu.memory_space<vmem>> -> memref<128x16xf32, #tpu.memory_space<vmem>>
      %dma_wait3A_755 = arith.constant 0 : i32
      %dma_wait3A_756 = tpu.memref_slice %arg6[%add3A_749, %dma_wait3A_755] : memref<80x128xi32, #tpu.memory_space<vmem>> -> memref<1x128xi32, #tpu.memory_space<vmem>>
      %dma_wait3A_757 = tpu.memref_squeeze %dma_wait3A_756 : memref<1x128xi32, #tpu.memory_space<vmem>> -> memref<128xi32, #tpu.memory_space<vmem>>
      %dma_wait3A_758 = arith.constant 0 : i32
      %dma_wait3A_759 = arith.constant 0 : i32
      %dma_wait3A_760 = tpu.memref_slice %arg11[%dma_wait3A_758, %dma_wait3A_759] : memref<10240x16xf32, #tpu.memory_space<vmem_shared>> -> memref<10240x16xf32, #tpu.memory_space<vmem_shared>>
      tpu.wait_indirect_dma semaphore(%arg14 : memref<!tpu.dma_semaphore, #tpu.memory_space<semaphore_mem>>) src(%dma_wait3A_760 : memref<10240x16xf32, #tpu.memory_space<vmem_shared>>) dst(%dma_wait3A_754 : memref<128x16xf32, #tpu.memory_space<vmem>>)
      %dma_start3A_761 = arith.constant 2 : i32
      %dma_start3A_762 = arith.constant 0 : i32
      %dma_start3A_763 = arith.constant 0 : i32
      %dma_start3A_764 = tpu.memref_slice %arg8[%dma_start3A_761, %dma_start3A_762, %dma_start3A_763] : memref<8x128x16xf32, #tpu.memory_space<vmem>> -> memref<1x128x16xf32, #tpu.memory_space<vmem>>
      %dma_start3A_765 = tpu.memref_squeeze %dma_start3A_764 : memref<1x128x16xf32, #tpu.memory_space<vmem>> -> memref<128x16xf32, #tpu.memory_space<vmem>>
      %dma_start3A_766 = arith.constant 0 : i32
      %dma_start3A_767 = tpu.memref_slice %arg7[%add3A_749, %dma_start3A_766] : memref<80x128xi32, #tpu.memory_space<vmem>> -> memref<1x128xi32, #tpu.memory_space<vmem>>
      %dma_start3A_768 = tpu.memref_squeeze %dma_start3A_767 : memref<1x128xi32, #tpu.memory_space<vmem>> -> memref<128xi32, #tpu.memory_space<vmem>>
      %dma_start3A_769 = arith.constant 0 : i32
      %dma_start3A_770 = arith.constant 0 : i32
      %dma_start3A_771 = tpu.memref_slice %arg10[%dma_start3A_769, %dma_start3A_770] : memref<10240x16xf32, #tpu.memory_space<vmem_shared>> -> memref<10240x16xf32, #tpu.memory_space<vmem_shared>>
      tpu.enqueue_indirect_dma source(%dma_start3A_765 : memref<128x16xf32, #tpu.memory_space<vmem>>) target(%dma_start3A_771 : memref<10240x16xf32, #tpu.memory_space<vmem_shared>>) offsets(%dma_start3A_768 : memref<128xi32, #tpu.memory_space<vmem>>) semaphore(%arg22 : memref<!tpu.dma_semaphore, #tpu.memory_space<semaphore_mem>>) {add = true}
      %mul3A_772 = arith.constant 8 : i32
      %mul3A_773 = arith.muli %add3A_407, %mul3A_772 : i32
      %add3A_774 = arith.constant 6 : i32
      %add3A_775 = arith.addi %mul3A_773, %add3A_774 : i32
      %dma_wait3A_776 = arith.constant 6 : i32
      %dma_wait3A_777 = arith.constant 0 : i32
      %dma_wait3A_778 = arith.constant 0 : i32
      %dma_wait3A_779 = tpu.memref_slice %arg8[%dma_wait3A_776, %dma_wait3A_777, %dma_wait3A_778] : memref<8x128x16xf32, #tpu.memory_space<vmem>> -> memref<1x128x16xf32, #tpu.memory_space<vmem>>
      %dma_wait3A_780 = tpu.memref_squeeze %dma_wait3A_779 : memref<1x128x16xf32, #tpu.memory_space<vmem>> -> memref<128x16xf32, #tpu.memory_space<vmem>>
      %dma_wait3A_781 = arith.constant 0 : i32
      %dma_wait3A_782 = tpu.memref_slice %arg7[%add3A_775, %dma_wait3A_781] : memref<80x128xi32, #tpu.memory_space<vmem>> -> memref<1x128xi32, #tpu.memory_space<vmem>>
      %dma_wait3A_783 = tpu.memref_squeeze %dma_wait3A_782 : memref<1x128xi32, #tpu.memory_space<vmem>> -> memref<128xi32, #tpu.memory_space<vmem>>
      %dma_wait3A_784 = arith.constant 0 : i32
      %dma_wait3A_785 = arith.constant 0 : i32
      %dma_wait3A_786 = tpu.memref_slice %arg10[%dma_wait3A_784, %dma_wait3A_785] : memref<10240x16xf32, #tpu.memory_space<vmem_shared>> -> memref<10240x16xf32, #tpu.memory_space<vmem_shared>>
      tpu.wait_indirect_dma semaphore(%arg26 : memref<!tpu.dma_semaphore, #tpu.memory_space<semaphore_mem>>) src(%dma_wait3A_780 : memref<128x16xf32, #tpu.memory_space<vmem>>) dst(%dma_wait3A_786 : memref<10240x16xf32, #tpu.memory_space<vmem_shared>>)
      %add3A_787 = arith.constant 4 : i32
      %add3A_788 = arith.addi %add3A_749, %add3A_787 : i32
      %dma_start3A_789 = arith.constant 6 : i32
      %dma_start3A_790 = arith.constant 0 : i32
      %dma_start3A_791 = arith.constant 0 : i32
      %dma_start3A_792 = tpu.memref_slice %arg8[%dma_start3A_789, %dma_start3A_790, %dma_start3A_791] : memref<8x128x16xf32, #tpu.memory_space<vmem>> -> memref<1x128x16xf32, #tpu.memory_space<vmem>>
      %dma_start3A_793 = tpu.memref_squeeze %dma_start3A_792 : memref<1x128x16xf32, #tpu.memory_space<vmem>> -> memref<128x16xf32, #tpu.memory_space<vmem>>
      %dma_start3A_794 = arith.constant 0 : i32
      %dma_start3A_795 = tpu.memref_slice %arg6[%add3A_788, %dma_start3A_794] : memref<80x128xi32, #tpu.memory_space<vmem>> -> memref<1x128xi32, #tpu.memory_space<vmem>>
      %dma_start3A_796 = tpu.memref_squeeze %dma_start3A_795 : memref<1x128xi32, #tpu.memory_space<vmem>> -> memref<128xi32, #tpu.memory_space<vmem>>
      %dma_start3A_797 = arith.constant 0 : i32
      %dma_start3A_798 = arith.constant 0 : i32
      %dma_start3A_799 = tpu.memref_slice %arg11[%dma_start3A_797, %dma_start3A_798] : memref<10240x16xf32, #tpu.memory_space<vmem_shared>> -> memref<10240x16xf32, #tpu.memory_space<vmem_shared>>
      tpu.enqueue_indirect_dma source(%dma_start3A_799 : memref<10240x16xf32, #tpu.memory_space<vmem_shared>>) target(%dma_start3A_793 : memref<128x16xf32, #tpu.memory_space<vmem>>) offsets(%dma_start3A_796 : memref<128xi32, #tpu.memory_space<vmem>>) semaphore(%arg18 : memref<!tpu.dma_semaphore, #tpu.memory_space<semaphore_mem>>)
      %mul3A_800 = arith.constant 8 : i32
      %mul3A_801 = arith.muli %add3A_407, %mul3A_800 : i32
      %add3A_802 = arith.constant 4 : i32
      %add3A_803 = arith.addi %add3A_802, %mul3A_801 : i32
      %add3A_804 = arith.constant 7 : i32
      %add3A_805 = arith.addi %add3A_803, %add3A_804 : i32
      %dma_wait3A_806 = arith.constant 3 : i32
      %dma_wait3A_807 = arith.constant 0 : i32
      %dma_wait3A_808 = arith.constant 0 : i32
      %dma_wait3A_809 = tpu.memref_slice %arg8[%dma_wait3A_806, %dma_wait3A_807, %dma_wait3A_808] : memref<8x128x16xf32, #tpu.memory_space<vmem>> -> memref<1x128x16xf32, #tpu.memory_space<vmem>>
      %dma_wait3A_810 = tpu.memref_squeeze %dma_wait3A_809 : memref<1x128x16xf32, #tpu.memory_space<vmem>> -> memref<128x16xf32, #tpu.memory_space<vmem>>
      %dma_wait3A_811 = arith.constant 0 : i32
      %dma_wait3A_812 = tpu.memref_slice %arg6[%add3A_805, %dma_wait3A_811] : memref<80x128xi32, #tpu.memory_space<vmem>> -> memref<1x128xi32, #tpu.memory_space<vmem>>
      %dma_wait3A_813 = tpu.memref_squeeze %dma_wait3A_812 : memref<1x128xi32, #tpu.memory_space<vmem>> -> memref<128xi32, #tpu.memory_space<vmem>>
      %dma_wait3A_814 = arith.constant 0 : i32
      %dma_wait3A_815 = arith.constant 0 : i32
      %dma_wait3A_816 = tpu.memref_slice %arg11[%dma_wait3A_814, %dma_wait3A_815] : memref<10240x16xf32, #tpu.memory_space<vmem_shared>> -> memref<10240x16xf32, #tpu.memory_space<vmem_shared>>
      tpu.wait_indirect_dma semaphore(%arg15 : memref<!tpu.dma_semaphore, #tpu.memory_space<semaphore_mem>>) src(%dma_wait3A_816 : memref<10240x16xf32, #tpu.memory_space<vmem_shared>>) dst(%dma_wait3A_810 : memref<128x16xf32, #tpu.memory_space<vmem>>)
      %dma_start3A_817 = arith.constant 3 : i32
      %dma_start3A_818 = arith.constant 0 : i32
      %dma_start3A_819 = arith.constant 0 : i32
      %dma_start3A_820 = tpu.memref_slice %arg8[%dma_start3A_817, %dma_start3A_818, %dma_start3A_819] : memref<8x128x16xf32, #tpu.memory_space<vmem>> -> memref<1x128x16xf32, #tpu.memory_space<vmem>>
      %dma_start3A_821 = tpu.memref_squeeze %dma_start3A_820 : memref<1x128x16xf32, #tpu.memory_space<vmem>> -> memref<128x16xf32, #tpu.memory_space<vmem>>
      %dma_start3A_822 = arith.constant 0 : i32
      %dma_start3A_823 = tpu.memref_slice %arg7[%add3A_805, %dma_start3A_822] : memref<80x128xi32, #tpu.memory_space<vmem>> -> memref<1x128xi32, #tpu.memory_space<vmem>>
      %dma_start3A_824 = tpu.memref_squeeze %dma_start3A_823 : memref<1x128xi32, #tpu.memory_space<vmem>> -> memref<128xi32, #tpu.memory_space<vmem>>
      %dma_start3A_825 = arith.constant 0 : i32
      %dma_start3A_826 = arith.constant 0 : i32
      %dma_start3A_827 = tpu.memref_slice %arg10[%dma_start3A_825, %dma_start3A_826] : memref<10240x16xf32, #tpu.memory_space<vmem_shared>> -> memref<10240x16xf32, #tpu.memory_space<vmem_shared>>
      tpu.enqueue_indirect_dma source(%dma_start3A_821 : memref<128x16xf32, #tpu.memory_space<vmem>>) target(%dma_start3A_827 : memref<10240x16xf32, #tpu.memory_space<vmem_shared>>) offsets(%dma_start3A_824 : memref<128xi32, #tpu.memory_space<vmem>>) semaphore(%arg23 : memref<!tpu.dma_semaphore, #tpu.memory_space<semaphore_mem>>) {add = true}
      %mul3A_828 = arith.constant 8 : i32
      %mul3A_829 = arith.muli %add3A_407, %mul3A_828 : i32
      %add3A_830 = arith.constant 7 : i32
      %add3A_831 = arith.addi %mul3A_829, %add3A_830 : i32
      %dma_wait3A_832 = arith.constant 7 : i32
      %dma_wait3A_833 = arith.constant 0 : i32
      %dma_wait3A_834 = arith.constant 0 : i32
      %dma_wait3A_835 = tpu.memref_slice %arg8[%dma_wait3A_832, %dma_wait3A_833, %dma_wait3A_834] : memref<8x128x16xf32, #tpu.memory_space<vmem>> -> memref<1x128x16xf32, #tpu.memory_space<vmem>>
      %dma_wait3A_836 = tpu.memref_squeeze %dma_wait3A_835 : memref<1x128x16xf32, #tpu.memory_space<vmem>> -> memref<128x16xf32, #tpu.memory_space<vmem>>
      %dma_wait3A_837 = arith.constant 0 : i32
      %dma_wait3A_838 = tpu.memref_slice %arg7[%add3A_831, %dma_wait3A_837] : memref<80x128xi32, #tpu.memory_space<vmem>> -> memref<1x128xi32, #tpu.memory_space<vmem>>
      %dma_wait3A_839 = tpu.memref_squeeze %dma_wait3A_838 : memref<1x128xi32, #tpu.memory_space<vmem>> -> memref<128xi32, #tpu.memory_space<vmem>>
      %dma_wait3A_840 = arith.constant 0 : i32
      %dma_wait3A_841 = arith.constant 0 : i32
      %dma_wait3A_842 = tpu.memref_slice %arg10[%dma_wait3A_840, %dma_wait3A_841] : memref<10240x16xf32, #tpu.memory_space<vmem_shared>> -> memref<10240x16xf32, #tpu.memory_space<vmem_shared>>
      tpu.wait_indirect_dma semaphore(%arg27 : memref<!tpu.dma_semaphore, #tpu.memory_space<semaphore_mem>>) src(%dma_wait3A_836 : memref<128x16xf32, #tpu.memory_space<vmem>>) dst(%dma_wait3A_842 : memref<10240x16xf32, #tpu.memory_space<vmem_shared>>)
      %add3A_843 = arith.constant 4 : i32
      %add3A_844 = arith.addi %add3A_805, %add3A_843 : i32
      %dma_start3A_845 = arith.constant 7 : i32
      %dma_start3A_846 = arith.constant 0 : i32
      %dma_start3A_847 = arith.constant 0 : i32
      %dma_start3A_848 = tpu.memref_slice %arg8[%dma_start3A_845, %dma_start3A_846, %dma_start3A_847] : memref<8x128x16xf32, #tpu.memory_space<vmem>> -> memref<1x128x16xf32, #tpu.memory_space<vmem>>
      %dma_start3A_849 = tpu.memref_squeeze %dma_start3A_848 : memref<1x128x16xf32, #tpu.memory_space<vmem>> -> memref<128x16xf32, #tpu.memory_space<vmem>>
      %dma_start3A_850 = arith.constant 0 : i32
      %dma_start3A_851 = tpu.memref_slice %arg6[%add3A_844, %dma_start3A_850] : memref<80x128xi32, #tpu.memory_space<vmem>> -> memref<1x128xi32, #tpu.memory_space<vmem>>
      %dma_start3A_852 = tpu.memref_squeeze %dma_start3A_851 : memref<1x128xi32, #tpu.memory_space<vmem>> -> memref<128xi32, #tpu.memory_space<vmem>>
      %dma_start3A_853 = arith.constant 0 : i32
      %dma_start3A_854 = arith.constant 0 : i32
      %dma_start3A_855 = tpu.memref_slice %arg11[%dma_start3A_853, %dma_start3A_854] : memref<10240x16xf32, #tpu.memory_space<vmem_shared>> -> memref<10240x16xf32, #tpu.memory_space<vmem_shared>>
      tpu.enqueue_indirect_dma source(%dma_start3A_855 : memref<10240x16xf32, #tpu.memory_space<vmem_shared>>) target(%dma_start3A_849 : memref<128x16xf32, #tpu.memory_space<vmem>>) offsets(%dma_start3A_852 : memref<128xi32, #tpu.memory_space<vmem>>) semaphore(%arg19 : memref<!tpu.dma_semaphore, #tpu.memory_space<semaphore_mem>>)
    }
    %scan3A_205 = arith.constant 9 : i32
    %dma_wait3A_206 = arith.constant 76 : i32
    %dma_wait3A_207 = arith.constant 4 : i32
    %dma_wait3A_208 = arith.constant 0 : i32
    %dma_wait3A_209 = arith.constant 0 : i32
    %dma_wait3A_210 = tpu.memref_slice %arg8[%dma_wait3A_207, %dma_wait3A_208, %dma_wait3A_209] : memref<8x128x16xf32, #tpu.memory_space<vmem>> -> memref<1x128x16xf32, #tpu.memory_space<vmem>>
    %dma_wait3A_211 = tpu.memref_squeeze %dma_wait3A_210 : memref<1x128x16xf32, #tpu.memory_space<vmem>> -> memref<128x16xf32, #tpu.memory_space<vmem>>
    %dma_wait3A_212 = arith.constant 0 : i32
    %dma_wait3A_213 = tpu.memref_slice %arg6[%dma_wait3A_206, %dma_wait3A_212] : memref<80x128xi32, #tpu.memory_space<vmem>> -> memref<1x128xi32, #tpu.memory_space<vmem>>
    %dma_wait3A_214 = tpu.memref_squeeze %dma_wait3A_213 : memref<1x128xi32, #tpu.memory_space<vmem>> -> memref<128xi32, #tpu.memory_space<vmem>>
    %dma_wait3A_215 = arith.constant 0 : i32
    %dma_wait3A_216 = arith.constant 0 : i32
    %dma_wait3A_217 = tpu.memref_slice %arg11[%dma_wait3A_215, %dma_wait3A_216] : memref<10240x16xf32, #tpu.memory_space<vmem_shared>> -> memref<10240x16xf32, #tpu.memory_space<vmem_shared>>
    tpu.wait_indirect_dma semaphore(%arg16 : memref<!tpu.dma_semaphore, #tpu.memory_space<semaphore_mem>>) src(%dma_wait3A_217 : memref<10240x16xf32, #tpu.memory_space<vmem_shared>>) dst(%dma_wait3A_211 : memref<128x16xf32, #tpu.memory_space<vmem>>)
    %dma_start3A_218 = arith.constant 4 : i32
    %dma_start3A_219 = arith.constant 76 : i32
    %dma_start3A_220 = arith.constant 0 : i32
    %dma_start3A_221 = arith.constant 0 : i32
    %dma_start3A_222 = tpu.memref_slice %arg8[%dma_start3A_218, %dma_start3A_220, %dma_start3A_221] : memref<8x128x16xf32, #tpu.memory_space<vmem>> -> memref<1x128x16xf32, #tpu.memory_space<vmem>>
    %dma_start3A_223 = tpu.memref_squeeze %dma_start3A_222 : memref<1x128x16xf32, #tpu.memory_space<vmem>> -> memref<128x16xf32, #tpu.memory_space<vmem>>
    %dma_start3A_224 = arith.constant 0 : i32
    %dma_start3A_225 = tpu.memref_slice %arg7[%dma_start3A_219, %dma_start3A_224] : memref<80x128xi32, #tpu.memory_space<vmem>> -> memref<1x128xi32, #tpu.memory_space<vmem>>
    %dma_start3A_226 = tpu.memref_squeeze %dma_start3A_225 : memref<1x128xi32, #tpu.memory_space<vmem>> -> memref<128xi32, #tpu.memory_space<vmem>>
    %dma_start3A_227 = arith.constant 0 : i32
    %dma_start3A_228 = arith.constant 0 : i32
    %dma_start3A_229 = tpu.memref_slice %arg10[%dma_start3A_227, %dma_start3A_228] : memref<10240x16xf32, #tpu.memory_space<vmem_shared>> -> memref<10240x16xf32, #tpu.memory_space<vmem_shared>>
    tpu.enqueue_indirect_dma source(%dma_start3A_223 : memref<128x16xf32, #tpu.memory_space<vmem>>) target(%dma_start3A_229 : memref<10240x16xf32, #tpu.memory_space<vmem_shared>>) offsets(%dma_start3A_226 : memref<128xi32, #tpu.memory_space<vmem>>) semaphore(%arg24 : memref<!tpu.dma_semaphore, #tpu.memory_space<semaphore_mem>>) {add = true}
    %dma_wait3A_230 = arith.constant 77 : i32
    %dma_wait3A_231 = arith.constant 5 : i32
    %dma_wait3A_232 = arith.constant 0 : i32
    %dma_wait3A_233 = arith.constant 0 : i32
    %dma_wait3A_234 = tpu.memref_slice %arg8[%dma_wait3A_231, %dma_wait3A_232, %dma_wait3A_233] : memref<8x128x16xf32, #tpu.memory_space<vmem>> -> memref<1x128x16xf32, #tpu.memory_space<vmem>>
    %dma_wait3A_235 = tpu.memref_squeeze %dma_wait3A_234 : memref<1x128x16xf32, #tpu.memory_space<vmem>> -> memref<128x16xf32, #tpu.memory_space<vmem>>
    %dma_wait3A_236 = arith.constant 0 : i32
    %dma_wait3A_237 = tpu.memref_slice %arg6[%dma_wait3A_230, %dma_wait3A_236] : memref<80x128xi32, #tpu.memory_space<vmem>> -> memref<1x128xi32, #tpu.memory_space<vmem>>
    %dma_wait3A_238 = tpu.memref_squeeze %dma_wait3A_237 : memref<1x128xi32, #tpu.memory_space<vmem>> -> memref<128xi32, #tpu.memory_space<vmem>>
    %dma_wait3A_239 = arith.constant 0 : i32
    %dma_wait3A_240 = arith.constant 0 : i32
    %dma_wait3A_241 = tpu.memref_slice %arg11[%dma_wait3A_239, %dma_wait3A_240] : memref<10240x16xf32, #tpu.memory_space<vmem_shared>> -> memref<10240x16xf32, #tpu.memory_space<vmem_shared>>
    tpu.wait_indirect_dma semaphore(%arg17 : memref<!tpu.dma_semaphore, #tpu.memory_space<semaphore_mem>>) src(%dma_wait3A_241 : memref<10240x16xf32, #tpu.memory_space<vmem_shared>>) dst(%dma_wait3A_235 : memref<128x16xf32, #tpu.memory_space<vmem>>)
    %dma_start3A_242 = arith.constant 5 : i32
    %dma_start3A_243 = arith.constant 77 : i32
    %dma_start3A_244 = arith.constant 0 : i32
    %dma_start3A_245 = arith.constant 0 : i32
    %dma_start3A_246 = tpu.memref_slice %arg8[%dma_start3A_242, %dma_start3A_244, %dma_start3A_245] : memref<8x128x16xf32, #tpu.memory_space<vmem>> -> memref<1x128x16xf32, #tpu.memory_space<vmem>>
    %dma_start3A_247 = tpu.memref_squeeze %dma_start3A_246 : memref<1x128x16xf32, #tpu.memory_space<vmem>> -> memref<128x16xf32, #tpu.memory_space<vmem>>
    %dma_start3A_248 = arith.constant 0 : i32
    %dma_start3A_249 = tpu.memref_slice %arg7[%dma_start3A_243, %dma_start3A_248] : memref<80x128xi32, #tpu.memory_space<vmem>> -> memref<1x128xi32, #tpu.memory_space<vmem>>
    %dma_start3A_250 = tpu.memref_squeeze %dma_start3A_249 : memref<1x128xi32, #tpu.memory_space<vmem>> -> memref<128xi32, #tpu.memory_space<vmem>>
    %dma_start3A_251 = arith.constant 0 : i32
    %dma_start3A_252 = arith.constant 0 : i32
    %dma_start3A_253 = tpu.memref_slice %arg10[%dma_start3A_251, %dma_start3A_252] : memref<10240x16xf32, #tpu.memory_space<vmem_shared>> -> memref<10240x16xf32, #tpu.memory_space<vmem_shared>>
    tpu.enqueue_indirect_dma source(%dma_start3A_247 : memref<128x16xf32, #tpu.memory_space<vmem>>) target(%dma_start3A_253 : memref<10240x16xf32, #tpu.memory_space<vmem_shared>>) offsets(%dma_start3A_250 : memref<128xi32, #tpu.memory_space<vmem>>) semaphore(%arg25 : memref<!tpu.dma_semaphore, #tpu.memory_space<semaphore_mem>>) {add = true}
    %dma_wait3A_254 = arith.constant 78 : i32
    %dma_wait3A_255 = arith.constant 6 : i32
    %dma_wait3A_256 = arith.constant 0 : i32
    %dma_wait3A_257 = arith.constant 0 : i32
    %dma_wait3A_258 = tpu.memref_slice %arg8[%dma_wait3A_255, %dma_wait3A_256, %dma_wait3A_257] : memref<8x128x16xf32, #tpu.memory_space<vmem>> -> memref<1x128x16xf32, #tpu.memory_space<vmem>>
    %dma_wait3A_259 = tpu.memref_squeeze %dma_wait3A_258 : memref<1x128x16xf32, #tpu.memory_space<vmem>> -> memref<128x16xf32, #tpu.memory_space<vmem>>
    %dma_wait3A_260 = arith.constant 0 : i32
    %dma_wait3A_261 = tpu.memref_slice %arg6[%dma_wait3A_254, %dma_wait3A_260] : memref<80x128xi32, #tpu.memory_space<vmem>> -> memref<1x128xi32, #tpu.memory_space<vmem>>
    %dma_wait3A_262 = tpu.memref_squeeze %dma_wait3A_261 : memref<1x128xi32, #tpu.memory_space<vmem>> -> memref<128xi32, #tpu.memory_space<vmem>>
    %dma_wait3A_263 = arith.constant 0 : i32
    %dma_wait3A_264 = arith.constant 0 : i32
    %dma_wait3A_265 = tpu.memref_slice %arg11[%dma_wait3A_263, %dma_wait3A_264] : memref<10240x16xf32, #tpu.memory_space<vmem_shared>> -> memref<10240x16xf32, #tpu.memory_space<vmem_shared>>
    tpu.wait_indirect_dma semaphore(%arg18 : memref<!tpu.dma_semaphore, #tpu.memory_space<semaphore_mem>>) src(%dma_wait3A_265 : memref<10240x16xf32, #tpu.memory_space<vmem_shared>>) dst(%dma_wait3A_259 : memref<128x16xf32, #tpu.memory_space<vmem>>)
    %dma_start3A_266 = arith.constant 6 : i32
    %dma_start3A_267 = arith.constant 78 : i32
    %dma_start3A_268 = arith.constant 0 : i32
    %dma_start3A_269 = arith.constant 0 : i32
    %dma_start3A_270 = tpu.memref_slice %arg8[%dma_start3A_266, %dma_start3A_268, %dma_start3A_269] : memref<8x128x16xf32, #tpu.memory_space<vmem>> -> memref<1x128x16xf32, #tpu.memory_space<vmem>>
    %dma_start3A_271 = tpu.memref_squeeze %dma_start3A_270 : memref<1x128x16xf32, #tpu.memory_space<vmem>> -> memref<128x16xf32, #tpu.memory_space<vmem>>
    %dma_start3A_272 = arith.constant 0 : i32
    %dma_start3A_273 = tpu.memref_slice %arg7[%dma_start3A_267, %dma_start3A_272] : memref<80x128xi32, #tpu.memory_space<vmem>> -> memref<1x128xi32, #tpu.memory_space<vmem>>
    %dma_start3A_274 = tpu.memref_squeeze %dma_start3A_273 : memref<1x128xi32, #tpu.memory_space<vmem>> -> memref<128xi32, #tpu.memory_space<vmem>>
    %dma_start3A_275 = arith.constant 0 : i32
    %dma_start3A_276 = arith.constant 0 : i32
    %dma_start3A_277 = tpu.memref_slice %arg10[%dma_start3A_275, %dma_start3A_276] : memref<10240x16xf32, #tpu.memory_space<vmem_shared>> -> memref<10240x16xf32, #tpu.memory_space<vmem_shared>>
    tpu.enqueue_indirect_dma source(%dma_start3A_271 : memref<128x16xf32, #tpu.memory_space<vmem>>) target(%dma_start3A_277 : memref<10240x16xf32, #tpu.memory_space<vmem_shared>>) offsets(%dma_start3A_274 : memref<128xi32, #tpu.memory_space<vmem>>) semaphore(%arg26 : memref<!tpu.dma_semaphore, #tpu.memory_space<semaphore_mem>>) {add = true}
    %dma_wait3A_278 = arith.constant 79 : i32
    %dma_wait3A_279 = arith.constant 7 : i32
    %dma_wait3A_280 = arith.constant 0 : i32
    %dma_wait3A_281 = arith.constant 0 : i32
    %dma_wait3A_282 = tpu.memref_slice %arg8[%dma_wait3A_279, %dma_wait3A_280, %dma_wait3A_281] : memref<8x128x16xf32, #tpu.memory_space<vmem>> -> memref<1x128x16xf32, #tpu.memory_space<vmem>>
    %dma_wait3A_283 = tpu.memref_squeeze %dma_wait3A_282 : memref<1x128x16xf32, #tpu.memory_space<vmem>> -> memref<128x16xf32, #tpu.memory_space<vmem>>
    %dma_wait3A_284 = arith.constant 0 : i32
    %dma_wait3A_285 = tpu.memref_slice %arg6[%dma_wait3A_278, %dma_wait3A_284] : memref<80x128xi32, #tpu.memory_space<vmem>> -> memref<1x128xi32, #tpu.memory_space<vmem>>
    %dma_wait3A_286 = tpu.memref_squeeze %dma_wait3A_285 : memref<1x128xi32, #tpu.memory_space<vmem>> -> memref<128xi32, #tpu.memory_space<vmem>>
    %dma_wait3A_287 = arith.constant 0 : i32
    %dma_wait3A_288 = arith.constant 0 : i32
    %dma_wait3A_289 = tpu.memref_slice %arg11[%dma_wait3A_287, %dma_wait3A_288] : memref<10240x16xf32, #tpu.memory_space<vmem_shared>> -> memref<10240x16xf32, #tpu.memory_space<vmem_shared>>
    tpu.wait_indirect_dma semaphore(%arg19 : memref<!tpu.dma_semaphore, #tpu.memory_space<semaphore_mem>>) src(%dma_wait3A_289 : memref<10240x16xf32, #tpu.memory_space<vmem_shared>>) dst(%dma_wait3A_283 : memref<128x16xf32, #tpu.memory_space<vmem>>)
    %dma_start3A_290 = arith.constant 7 : i32
    %dma_start3A_291 = arith.constant 79 : i32
    %dma_start3A_292 = arith.constant 0 : i32
    %dma_start3A_293 = arith.constant 0 : i32
    %dma_start3A_294 = tpu.memref_slice %arg8[%dma_start3A_290, %dma_start3A_292, %dma_start3A_293] : memref<8x128x16xf32, #tpu.memory_space<vmem>> -> memref<1x128x16xf32, #tpu.memory_space<vmem>>
    %dma_start3A_295 = tpu.memref_squeeze %dma_start3A_294 : memref<1x128x16xf32, #tpu.memory_space<vmem>> -> memref<128x16xf32, #tpu.memory_space<vmem>>
    %dma_start3A_296 = arith.constant 0 : i32
    %dma_start3A_297 = tpu.memref_slice %arg7[%dma_start3A_291, %dma_start3A_296] : memref<80x128xi32, #tpu.memory_space<vmem>> -> memref<1x128xi32, #tpu.memory_space<vmem>>
    %dma_start3A_298 = tpu.memref_squeeze %dma_start3A_297 : memref<1x128xi32, #tpu.memory_space<vmem>> -> memref<128xi32, #tpu.memory_space<vmem>>
    %dma_start3A_299 = arith.constant 0 : i32
    %dma_start3A_300 = arith.constant 0 : i32
    %dma_start3A_301 = tpu.memref_slice %arg10[%dma_start3A_299, %dma_start3A_300] : memref<10240x16xf32, #tpu.memory_space<vmem_shared>> -> memref<10240x16xf32, #tpu.memory_space<vmem_shared>>
    tpu.enqueue_indirect_dma source(%dma_start3A_295 : memref<128x16xf32, #tpu.memory_space<vmem>>) target(%dma_start3A_301 : memref<10240x16xf32, #tpu.memory_space<vmem_shared>>) offsets(%dma_start3A_298 : memref<128xi32, #tpu.memory_space<vmem>>) semaphore(%arg27 : memref<!tpu.dma_semaphore, #tpu.memory_space<semaphore_mem>>) {add = true}
    %dma_wait3A_302 = arith.constant 0 : i32
    %dma_wait3A_303 = arith.constant 72 : i32
    %dma_wait3A_304 = arith.constant 0 : i32
    %dma_wait3A_305 = arith.constant 0 : i32
    %dma_wait3A_306 = tpu.memref_slice %arg8[%dma_wait3A_302, %dma_wait3A_304, %dma_wait3A_305] : memref<8x128x16xf32, #tpu.memory_space<vmem>> -> memref<1x128x16xf32, #tpu.memory_space<vmem>>
    %dma_wait3A_307 = tpu.memref_squeeze %dma_wait3A_306 : memref<1x128x16xf32, #tpu.memory_space<vmem>> -> memref<128x16xf32, #tpu.memory_space<vmem>>
    %dma_wait3A_308 = arith.constant 0 : i32
    %dma_wait3A_309 = tpu.memref_slice %arg7[%dma_wait3A_303, %dma_wait3A_308] : memref<80x128xi32, #tpu.memory_space<vmem>> -> memref<1x128xi32, #tpu.memory_space<vmem>>
    %dma_wait3A_310 = tpu.memref_squeeze %dma_wait3A_309 : memref<1x128xi32, #tpu.memory_space<vmem>> -> memref<128xi32, #tpu.memory_space<vmem>>
    %dma_wait3A_311 = arith.constant 0 : i32
    %dma_wait3A_312 = arith.constant 0 : i32
    %dma_wait3A_313 = tpu.memref_slice %arg10[%dma_wait3A_311, %dma_wait3A_312] : memref<10240x16xf32, #tpu.memory_space<vmem_shared>> -> memref<10240x16xf32, #tpu.memory_space<vmem_shared>>
    tpu.wait_indirect_dma semaphore(%arg20 : memref<!tpu.dma_semaphore, #tpu.memory_space<semaphore_mem>>) src(%dma_wait3A_307 : memref<128x16xf32, #tpu.memory_space<vmem>>) dst(%dma_wait3A_313 : memref<10240x16xf32, #tpu.memory_space<vmem_shared>>)
    %dma_wait3A_314 = arith.constant 1 : i32
    %dma_wait3A_315 = arith.constant 73 : i32
    %dma_wait3A_316 = arith.constant 0 : i32
    %dma_wait3A_317 = arith.constant 0 : i32
    %dma_wait3A_318 = tpu.memref_slice %arg8[%dma_wait3A_314, %dma_wait3A_316, %dma_wait3A_317] : memref<8x128x16xf32, #tpu.memory_space<vmem>> -> memref<1x128x16xf32, #tpu.memory_space<vmem>>
    %dma_wait3A_319 = tpu.memref_squeeze %dma_wait3A_318 : memref<1x128x16xf32, #tpu.memory_space<vmem>> -> memref<128x16xf32, #tpu.memory_space<vmem>>
    %dma_wait3A_320 = arith.constant 0 : i32
    %dma_wait3A_321 = tpu.memref_slice %arg7[%dma_wait3A_315, %dma_wait3A_320] : memref<80x128xi32, #tpu.memory_space<vmem>> -> memref<1x128xi32, #tpu.memory_space<vmem>>
    %dma_wait3A_322 = tpu.memref_squeeze %dma_wait3A_321 : memref<1x128xi32, #tpu.memory_space<vmem>> -> memref<128xi32, #tpu.memory_space<vmem>>
    %dma_wait3A_323 = arith.constant 0 : i32
    %dma_wait3A_324 = arith.constant 0 : i32
    %dma_wait3A_325 = tpu.memref_slice %arg10[%dma_wait3A_323, %dma_wait3A_324] : memref<10240x16xf32, #tpu.memory_space<vmem_shared>> -> memref<10240x16xf32, #tpu.memory_space<vmem_shared>>
    tpu.wait_indirect_dma semaphore(%arg21 : memref<!tpu.dma_semaphore, #tpu.memory_space<semaphore_mem>>) src(%dma_wait3A_319 : memref<128x16xf32, #tpu.memory_space<vmem>>) dst(%dma_wait3A_325 : memref<10240x16xf32, #tpu.memory_space<vmem_shared>>)
    %dma_wait3A_326 = arith.constant 2 : i32
    %dma_wait3A_327 = arith.constant 74 : i32
    %dma_wait3A_328 = arith.constant 0 : i32
    %dma_wait3A_329 = arith.constant 0 : i32
    %dma_wait3A_330 = tpu.memref_slice %arg8[%dma_wait3A_326, %dma_wait3A_328, %dma_wait3A_329] : memref<8x128x16xf32, #tpu.memory_space<vmem>> -> memref<1x128x16xf32, #tpu.memory_space<vmem>>
    %dma_wait3A_331 = tpu.memref_squeeze %dma_wait3A_330 : memref<1x128x16xf32, #tpu.memory_space<vmem>> -> memref<128x16xf32, #tpu.memory_space<vmem>>
    %dma_wait3A_332 = arith.constant 0 : i32
    %dma_wait3A_333 = tpu.memref_slice %arg7[%dma_wait3A_327, %dma_wait3A_332] : memref<80x128xi32, #tpu.memory_space<vmem>> -> memref<1x128xi32, #tpu.memory_space<vmem>>
    %dma_wait3A_334 = tpu.memref_squeeze %dma_wait3A_333 : memref<1x128xi32, #tpu.memory_space<vmem>> -> memref<128xi32, #tpu.memory_space<vmem>>
    %dma_wait3A_335 = arith.constant 0 : i32
    %dma_wait3A_336 = arith.constant 0 : i32
    %dma_wait3A_337 = tpu.memref_slice %arg10[%dma_wait3A_335, %dma_wait3A_336] : memref<10240x16xf32, #tpu.memory_space<vmem_shared>> -> memref<10240x16xf32, #tpu.memory_space<vmem_shared>>
    tpu.wait_indirect_dma semaphore(%arg22 : memref<!tpu.dma_semaphore, #tpu.memory_space<semaphore_mem>>) src(%dma_wait3A_331 : memref<128x16xf32, #tpu.memory_space<vmem>>) dst(%dma_wait3A_337 : memref<10240x16xf32, #tpu.memory_space<vmem_shared>>)
    %dma_wait3A_338 = arith.constant 3 : i32
    %dma_wait3A_339 = arith.constant 75 : i32
    %dma_wait3A_340 = arith.constant 0 : i32
    %dma_wait3A_341 = arith.constant 0 : i32
    %dma_wait3A_342 = tpu.memref_slice %arg8[%dma_wait3A_338, %dma_wait3A_340, %dma_wait3A_341] : memref<8x128x16xf32, #tpu.memory_space<vmem>> -> memref<1x128x16xf32, #tpu.memory_space<vmem>>
    %dma_wait3A_343 = tpu.memref_squeeze %dma_wait3A_342 : memref<1x128x16xf32, #tpu.memory_space<vmem>> -> memref<128x16xf32, #tpu.memory_space<vmem>>
    %dma_wait3A_344 = arith.constant 0 : i32
    %dma_wait3A_345 = tpu.memref_slice %arg7[%dma_wait3A_339, %dma_wait3A_344] : memref<80x128xi32, #tpu.memory_space<vmem>> -> memref<1x128xi32, #tpu.memory_space<vmem>>
    %dma_wait3A_346 = tpu.memref_squeeze %dma_wait3A_345 : memref<1x128xi32, #tpu.memory_space<vmem>> -> memref<128xi32, #tpu.memory_space<vmem>>
    %dma_wait3A_347 = arith.constant 0 : i32
    %dma_wait3A_348 = arith.constant 0 : i32
    %dma_wait3A_349 = tpu.memref_slice %arg10[%dma_wait3A_347, %dma_wait3A_348] : memref<10240x16xf32, #tpu.memory_space<vmem_shared>> -> memref<10240x16xf32, #tpu.memory_space<vmem_shared>>
    tpu.wait_indirect_dma semaphore(%arg23 : memref<!tpu.dma_semaphore, #tpu.memory_space<semaphore_mem>>) src(%dma_wait3A_343 : memref<128x16xf32, #tpu.memory_space<vmem>>) dst(%dma_wait3A_349 : memref<10240x16xf32, #tpu.memory_space<vmem_shared>>)
    %dma_wait3A_350 = arith.constant 4 : i32
    %dma_wait3A_351 = arith.constant 76 : i32
    %dma_wait3A_352 = arith.constant 0 : i32
    %dma_wait3A_353 = arith.constant 0 : i32
    %dma_wait3A_354 = tpu.memref_slice %arg8[%dma_wait3A_350, %dma_wait3A_352, %dma_wait3A_353] : memref<8x128x16xf32, #tpu.memory_space<vmem>> -> memref<1x128x16xf32, #tpu.memory_space<vmem>>
    %dma_wait3A_355 = tpu.memref_squeeze %dma_wait3A_354 : memref<1x128x16xf32, #tpu.memory_space<vmem>> -> memref<128x16xf32, #tpu.memory_space<vmem>>
    %dma_wait3A_356 = arith.constant 0 : i32
    %dma_wait3A_357 = tpu.memref_slice %arg7[%dma_wait3A_351, %dma_wait3A_356] : memref<80x128xi32, #tpu.memory_space<vmem>> -> memref<1x128xi32, #tpu.memory_space<vmem>>
    %dma_wait3A_358 = tpu.memref_squeeze %dma_wait3A_357 : memref<1x128xi32, #tpu.memory_space<vmem>> -> memref<128xi32, #tpu.memory_space<vmem>>
    %dma_wait3A_359 = arith.constant 0 : i32
    %dma_wait3A_360 = arith.constant 0 : i32
    %dma_wait3A_361 = tpu.memref_slice %arg10[%dma_wait3A_359, %dma_wait3A_360] : memref<10240x16xf32, #tpu.memory_space<vmem_shared>> -> memref<10240x16xf32, #tpu.memory_space<vmem_shared>>
    tpu.wait_indirect_dma semaphore(%arg24 : memref<!tpu.dma_semaphore, #tpu.memory_space<semaphore_mem>>) src(%dma_wait3A_355 : memref<128x16xf32, #tpu.memory_space<vmem>>) dst(%dma_wait3A_361 : memref<10240x16xf32, #tpu.memory_space<vmem_shared>>)
    %dma_wait3A_362 = arith.constant 5 : i32
    %dma_wait3A_363 = arith.constant 77 : i32
    %dma_wait3A_364 = arith.constant 0 : i32
    %dma_wait3A_365 = arith.constant 0 : i32
    %dma_wait3A_366 = tpu.memref_slice %arg8[%dma_wait3A_362, %dma_wait3A_364, %dma_wait3A_365] : memref<8x128x16xf32, #tpu.memory_space<vmem>> -> memref<1x128x16xf32, #tpu.memory_space<vmem>>
    %dma_wait3A_367 = tpu.memref_squeeze %dma_wait3A_366 : memref<1x128x16xf32, #tpu.memory_space<vmem>> -> memref<128x16xf32, #tpu.memory_space<vmem>>
    %dma_wait3A_368 = arith.constant 0 : i32
    %dma_wait3A_369 = tpu.memref_slice %arg7[%dma_wait3A_363, %dma_wait3A_368] : memref<80x128xi32, #tpu.memory_space<vmem>> -> memref<1x128xi32, #tpu.memory_space<vmem>>
    %dma_wait3A_370 = tpu.memref_squeeze %dma_wait3A_369 : memref<1x128xi32, #tpu.memory_space<vmem>> -> memref<128xi32, #tpu.memory_space<vmem>>
    %dma_wait3A_371 = arith.constant 0 : i32
    %dma_wait3A_372 = arith.constant 0 : i32
    %dma_wait3A_373 = tpu.memref_slice %arg10[%dma_wait3A_371, %dma_wait3A_372] : memref<10240x16xf32, #tpu.memory_space<vmem_shared>> -> memref<10240x16xf32, #tpu.memory_space<vmem_shared>>
    tpu.wait_indirect_dma semaphore(%arg25 : memref<!tpu.dma_semaphore, #tpu.memory_space<semaphore_mem>>) src(%dma_wait3A_367 : memref<128x16xf32, #tpu.memory_space<vmem>>) dst(%dma_wait3A_373 : memref<10240x16xf32, #tpu.memory_space<vmem_shared>>)
    %dma_wait3A_374 = arith.constant 6 : i32
    %dma_wait3A_375 = arith.constant 78 : i32
    %dma_wait3A_376 = arith.constant 0 : i32
    %dma_wait3A_377 = arith.constant 0 : i32
    %dma_wait3A_378 = tpu.memref_slice %arg8[%dma_wait3A_374, %dma_wait3A_376, %dma_wait3A_377] : memref<8x128x16xf32, #tpu.memory_space<vmem>> -> memref<1x128x16xf32, #tpu.memory_space<vmem>>
    %dma_wait3A_379 = tpu.memref_squeeze %dma_wait3A_378 : memref<1x128x16xf32, #tpu.memory_space<vmem>> -> memref<128x16xf32, #tpu.memory_space<vmem>>
    %dma_wait3A_380 = arith.constant 0 : i32
    %dma_wait3A_381 = tpu.memref_slice %arg7[%dma_wait3A_375, %dma_wait3A_380] : memref<80x128xi32, #tpu.memory_space<vmem>> -> memref<1x128xi32, #tpu.memory_space<vmem>>
    %dma_wait3A_382 = tpu.memref_squeeze %dma_wait3A_381 : memref<1x128xi32, #tpu.memory_space<vmem>> -> memref<128xi32, #tpu.memory_space<vmem>>
    %dma_wait3A_383 = arith.constant 0 : i32
    %dma_wait3A_384 = arith.constant 0 : i32
    %dma_wait3A_385 = tpu.memref_slice %arg10[%dma_wait3A_383, %dma_wait3A_384] : memref<10240x16xf32, #tpu.memory_space<vmem_shared>> -> memref<10240x16xf32, #tpu.memory_space<vmem_shared>>
    tpu.wait_indirect_dma semaphore(%arg26 : memref<!tpu.dma_semaphore, #tpu.memory_space<semaphore_mem>>) src(%dma_wait3A_379 : memref<128x16xf32, #tpu.memory_space<vmem>>) dst(%dma_wait3A_385 : memref<10240x16xf32, #tpu.memory_space<vmem_shared>>)
    %dma_wait3A_386 = arith.constant 7 : i32
    %dma_wait3A_387 = arith.constant 79 : i32
    %dma_wait3A_388 = arith.constant 0 : i32
    %dma_wait3A_389 = arith.constant 0 : i32
    %dma_wait3A_390 = tpu.memref_slice %arg8[%dma_wait3A_386, %dma_wait3A_388, %dma_wait3A_389] : memref<8x128x16xf32, #tpu.memory_space<vmem>> -> memref<1x128x16xf32, #tpu.memory_space<vmem>>
    %dma_wait3A_391 = tpu.memref_squeeze %dma_wait3A_390 : memref<1x128x16xf32, #tpu.memory_space<vmem>> -> memref<128x16xf32, #tpu.memory_space<vmem>>
    %dma_wait3A_392 = arith.constant 0 : i32
    %dma_wait3A_393 = tpu.memref_slice %arg7[%dma_wait3A_387, %dma_wait3A_392] : memref<80x128xi32, #tpu.memory_space<vmem>> -> memref<1x128xi32, #tpu.memory_space<vmem>>
    %dma_wait3A_394 = tpu.memref_squeeze %dma_wait3A_393 : memref<1x128xi32, #tpu.memory_space<vmem>> -> memref<128xi32, #tpu.memory_space<vmem>>
    %dma_wait3A_395 = arith.constant 0 : i32
    %dma_wait3A_396 = arith.constant 0 : i32
    %dma_wait3A_397 = tpu.memref_slice %arg10[%dma_wait3A_395, %dma_wait3A_396] : memref<10240x16xf32, #tpu.memory_space<vmem_shared>> -> memref<10240x16xf32, #tpu.memory_space<vmem_shared>>
    tpu.wait_indirect_dma semaphore(%arg27 : memref<!tpu.dma_semaphore, #tpu.memory_space<semaphore_mem>>) src(%dma_wait3A_391 : memref<128x16xf32, #tpu.memory_space<vmem>>) dst(%dma_wait3A_397 : memref<10240x16xf32, #tpu.memory_space<vmem_shared>>)
    %barrier3A_398 = arith.constant 0 : index
    tpu.barrier barrier_id(%barrier3A_398)
    %mul3A_399 = arith.constant 640 : i32
    %mul3A_400 = arith.muli %arg1, %mul3A_399 : i32
    %mul3A_401 = arith.constant 640 : i32
    %mul3A_402 = arith.muli %arg1, %mul3A_401 : i32
    "tpu.region"() ({
      %run_scoped3A = tpu.sem_alloc : memref<!tpu.dma_semaphore, #tpu.memory_space<semaphore_mem>>
      %dma_start3A_403 = arith.constant 0 : i32
      %dma_start3A_404 = tpu.memref_slice %arg5[%arg0, %mul3A_402, %dma_start3A_403] : memref<2x10240x16xf32, #tpu.memory_space<hbm>> -> memref<1x640x16xf32, #tpu.memory_space<hbm>>
      %dma_start3A_405 = tpu.memref_squeeze %dma_start3A_404 : memref<1x640x16xf32, #tpu.memory_space<hbm>> -> memref<640x16xf32, #tpu.memory_space<hbm>>
      %dma_start3A_406 = arith.constant 0 : i32
      %dma_start3A_407 = tpu.memref_slice %arg10[%mul3A_400, %dma_start3A_406] : memref<10240x16xf32, #tpu.memory_space<vmem_shared>> -> memref<640x16xf32, #tpu.memory_space<vmem_shared>>
      tpu.enqueue_dma source(%dma_start3A_407 : memref<640x16xf32, #tpu.memory_space<vmem_shared>>) target(%dma_start3A_405 : memref<640x16xf32, #tpu.memory_space<hbm>>) target_semaphore(%run_scoped3A : memref<!tpu.dma_semaphore, #tpu.memory_space<semaphore_mem>>)
      %dma_wait3A_408 = arith.constant 0 : i32
      %dma_wait3A_409 = tpu.memref_slice %arg5[%arg0, %mul3A_402, %dma_wait3A_408] : memref<2x10240x16xf32, #tpu.memory_space<hbm>> -> memref<1x640x16xf32, #tpu.memory_space<hbm>>
      %dma_wait3A_410 = tpu.memref_squeeze %dma_wait3A_409 : memref<1x640x16xf32, #tpu.memory_space<hbm>> -> memref<640x16xf32, #tpu.memory_space<hbm>>
      %dma_wait3A_411 = arith.constant 0 : i32
      %dma_wait3A_412 = tpu.memref_slice %arg10[%mul3A_400, %dma_wait3A_411] : memref<10240x16xf32, #tpu.memory_space<vmem_shared>> -> memref<640x16xf32, #tpu.memory_space<vmem_shared>>
      tpu.wait_dma2 semaphore(%run_scoped3A : memref<!tpu.dma_semaphore, #tpu.memory_space<semaphore_mem>>) src(%dma_wait3A_412 : memref<640x16xf32, #tpu.memory_space<vmem_shared>>) dst(%dma_wait3A_410 : memref<640x16xf32, #tpu.memory_space<hbm>>)
      tpu.yield
    }) : () -> ()
    return
  }
}

module attributes {stable_mosaic.version = 14 : i64} {
  func.func @body(%arg0: i32, %arg1: memref<640x128xf32, #tpu.memory_space<vmem>>, %arg2: memref<128x16xf32, #tpu.memory_space<vmem>>, %arg3: memref<640x16xf32, #tpu.memory_space<vmem>>) attributes {dimension_semantics = [#tpu.dimension_semantics<arbitrary>], iteration_bounds = array<i64: 16>, scalar_prefetch = 0 : i64, scratch_operands = 0 : i64, tpu.core_type = #tpu.core_type<tc>, window_params = [{transform_indices = @transform_0, window_bounds = array<i64: 640, 128>}, {pipeline_mode = #tpu.pipeline_mode<synchronous>, transform_indices = @transform_1, window_bounds = array<i64: 128, 16>}, {transform_indices = @transform_2, window_bounds = array<i64: 640, 16>}]} {
    %get3A = arith.constant 0 : index
    %get3A_0 = arith.constant 0 : index
    %get3A_1 = vector.load %arg1[%get3A, %get3A_0] : memref<640x128xf32, #tpu.memory_space<vmem>>, vector<640x128xf32>
    %get3A_2 = arith.constant 0 : index
    %get3A_3 = arith.constant 0 : index
    %get3A_4 = vector.load %arg2[%get3A_2, %get3A_3] : memref<128x16xf32, #tpu.memory_space<vmem>>, vector<128x16xf32>
    %dot_general3A = arith.constant dense<0.000000e+00> : vector<640x16xf32>
    %dot_general3A_5 = tpu.matmul %get3A_1, %get3A_4, %dot_general3A {dimension_numbers = #tpu.dot_dimension_numbers<[1], [0], [0], [1], [0, 0, 1, 1], [], []>, transpose_lhs_hint = false} : vector<640x128xf32>, vector<128x16xf32>, vector<640x16xf32> -> vector<640x16xf32>
    %swap3A = arith.constant 0 : index
    %swap3A_6 = arith.constant 0 : index
    %swap3A_7 = vector.load %arg3[%swap3A, %swap3A_6] : memref<640x16xf32, #tpu.memory_space<vmem>>, vector<640x16xf32>
    tpu.vector_store %arg3[%swap3A, %swap3A_6], %dot_general3A_5 {strides = array<i32>} : memref<640x16xf32, #tpu.memory_space<vmem>>, vector<640x16xf32>,
    return
  }
  func.func @transform_0(%arg0: i32) -> (i32, i32) {
    %c0_i32 = arith.constant 0 : i32
    %c0_i32_0 = arith.constant 0 : i32
    return %arg0, %c0_i32 : i32, i32
  }
  func.func @transform_1(%arg0: i32) -> (i32, i32) {
    %c0_i32 = arith.constant 0 : i32
    %c0_i32_0 = arith.constant 0 : i32
    %c0_i32_1 = arith.constant 0 : i32
    return %c0_i32, %c0_i32_0 : i32, i32
  }
  func.func @transform_2(%arg0: i32) -> (i32, i32) {
    %c0_i32 = arith.constant 0 : i32
    %c0_i32_0 = arith.constant 0 : i32
    return %arg0, %c0_i32 : i32, i32
  }
}

module attributes {stable_mosaic.version = 14 : i64} {
  func.func @body(%arg0: i32, %arg1: memref<1x2x640xf32, #tpu.memory_space<vmem>>, %arg2: memref<640x16xf32, #tpu.memory_space<vmem>>, %arg3: memref<640x16xf32, #tpu.memory_space<vmem>>, %arg4: memref<640x1xf32, #tpu.memory_space<vmem>>) attributes {dimension_semantics = [#tpu.dimension_semantics<arbitrary>], iteration_bounds = array<i64: 16>, scalar_prefetch = 0 : i64, scratch_operands = 0 : i64, tpu.core_type = #tpu.core_type<tc>, window_params = [{transform_indices = @transform_0, window_bounds = array<i64: 1, 2, 640>}, {transform_indices = @transform_1, window_bounds = array<i64: 640, 16>}, {transform_indices = @transform_2, window_bounds = array<i64: 640, 16>}, {transform_indices = @transform_3, window_bounds = array<i64: 640, 1>}]} {
    %get3A = arith.constant 0 : index
    %get3A_0 = arith.constant 0 : index
    %get3A_1 = arith.constant 0 : index
    %get3A_2 = vector.load %arg1[%get3A, %get3A_0, %get3A_1] : memref<1x2x640xf32, #tpu.memory_space<vmem>>, vector<1x1x640xf32>
    %get3A_3 = vector.shape_cast %get3A_2 : vector<1x1x640xf32> to vector<640xf32>
    %add3A = arith.constant 1.000000e+00 : f32
    %add3A_4 = vector.broadcast %add3A : f32 to vector<640xf32>
    %add3A_5 = arith.addf %add3A_4, %get3A_3 : vector<640xf32>
    %get3A_6 = arith.constant 0 : index
    %get3A_7 = arith.constant 1 : index
    %get3A_8 = arith.constant 0 : index
    %get3A_9 = vector.load %arg1[%get3A_6, %get3A_7, %get3A_8] : memref<1x2x640xf32, #tpu.memory_space<vmem>>, vector<1x1x640xf32>
    %get3A_10 = vector.shape_cast %get3A_9 : vector<1x1x640xf32> to vector<640xf32>
    %add3A_11 = arith.addf %add3A_5, %get3A_10 : vector<640xf32>
    %rsqrt3A = math.rsqrt %add3A_11 : vector<640xf32>
    %broadcast_in_dim3A = vector.shape_cast %rsqrt3A : vector<640xf32> to vector<640x1xf32>
    %swap3A = arith.constant 0 : index
    %swap3A_12 = arith.constant 0 : index
    %swap3A_13 = vector.load %arg4[%swap3A, %swap3A_12] : memref<640x1xf32, #tpu.memory_space<vmem>>, vector<640x1xf32>
    tpu.vector_store %arg4[%swap3A, %swap3A_12], %broadcast_in_dim3A {strides = array<i32>} : memref<640x1xf32, #tpu.memory_space<vmem>>, vector<640x1xf32>,
    %get3A_14 = arith.constant 0 : index
    %get3A_15 = arith.constant 0 : index
    %get3A_16 = vector.load %arg2[%get3A_14, %get3A_15] : memref<640x16xf32, #tpu.memory_space<vmem>>, vector<640x16xf32>
    %mul3A = vector.broadcast %broadcast_in_dim3A : vector<640x1xf32> to vector<640x16xf32>
    %mul3A_17 = arith.mulf %get3A_16, %mul3A : vector<640x16xf32>
    %swap3A_18 = arith.constant 0 : index
    %swap3A_19 = arith.constant 0 : index
    %swap3A_20 = vector.load %arg3[%swap3A_18, %swap3A_19] : memref<640x16xf32, #tpu.memory_space<vmem>>, vector<640x16xf32>
    tpu.vector_store %arg3[%swap3A_18, %swap3A_19], %mul3A_17 {strides = array<i32>} : memref<640x16xf32, #tpu.memory_space<vmem>>, vector<640x16xf32>,
    return
  }
  func.func @transform_0(%arg0: i32) -> (i32, i32, i32) {
    %c0_i32 = arith.constant 0 : i32
    %c0_i32_0 = arith.constant 0 : i32
    %c0_i32_1 = arith.constant 0 : i32
    return %c0_i32, %c0_i32_0, %arg0 : i32, i32, i32
  }
  func.func @transform_1(%arg0: i32) -> (i32, i32) {
    %c0_i32 = arith.constant 0 : i32
    %c0_i32_0 = arith.constant 0 : i32
    return %arg0, %c0_i32 : i32, i32
  }
  func.func @transform_2(%arg0: i32) -> (i32, i32) {
    %c0_i32 = arith.constant 0 : i32
    %c0_i32_0 = arith.constant 0 : i32
    return %arg0, %c0_i32 : i32, i32
  }
  func.func @transform_3(%arg0: i32) -> (i32, i32) {
    %c0_i32 = arith.constant 0 : i32
    %c0_i32_0 = arith.constant 0 : i32
    return %arg0, %c0_i32 : i32, i32
  }
}

module attributes {stable_mosaic.version = 14 : i64} {
  func.func @body(%arg0: i32, %arg1: memref<2x640x16xf32, #tpu.memory_space<vmem>>, %arg2: memref<640x16xf32, #tpu.memory_space<vmem>>, %arg3: memref<640x1xf32, #tpu.memory_space<vmem>>, %arg4: memref<1x16xf32, #tpu.memory_space<vmem>>, %arg5: memref<640x16xf32, #tpu.memory_space<vmem>>) attributes {dimension_semantics = [#tpu.dimension_semantics<arbitrary>], iteration_bounds = array<i64: 16>, scalar_prefetch = 0 : i64, scratch_operands = 0 : i64, tpu.core_type = #tpu.core_type<tc>, window_params = [{transform_indices = @transform_0, window_bounds = array<i64: 2, 640, 16>}, {transform_indices = @transform_1, window_bounds = array<i64: 640, 16>}, {transform_indices = @transform_2, window_bounds = array<i64: 640, 1>}, {pipeline_mode = #tpu.pipeline_mode<synchronous>, transform_indices = @transform_3, window_bounds = array<i64: 1, 16>}, {transform_indices = @transform_4, window_bounds = array<i64: 640, 16>}]} {
    %get3A = arith.constant 0 : index
    %get3A_0 = arith.constant 0 : index
    %get3A_1 = arith.constant 0 : index
    %get3A_2 = vector.load %arg1[%get3A, %get3A_0, %get3A_1] : memref<2x640x16xf32, #tpu.memory_space<vmem>>, vector<1x640x16xf32>
    %get3A_3 = vector.shape_cast %get3A_2 : vector<1x640x16xf32> to vector<640x16xf32>
    %get3A_4 = arith.constant 1 : index
    %get3A_5 = arith.constant 0 : index
    %get3A_6 = arith.constant 0 : index
    %get3A_7 = vector.load %arg1[%get3A_4, %get3A_5, %get3A_6] : memref<2x640x16xf32, #tpu.memory_space<vmem>>, vector<1x640x16xf32>
    %get3A_8 = vector.shape_cast %get3A_7 : vector<1x640x16xf32> to vector<640x16xf32>
    %add3A = arith.addf %get3A_3, %get3A_8 : vector<640x16xf32>
    %get3A_9 = arith.constant 0 : index
    %get3A_10 = arith.constant 0 : index
    %get3A_11 = vector.load %arg2[%get3A_9, %get3A_10] : memref<640x16xf32, #tpu.memory_space<vmem>>, vector<640x16xf32>
    %add3A_12 = arith.addf %add3A, %get3A_11 : vector<640x16xf32>
    %get3A_13 = arith.constant 0 : index
    %get3A_14 = arith.constant 0 : index
    %get3A_15 = vector.load %arg3[%get3A_13, %get3A_14] : memref<640x1xf32, #tpu.memory_space<vmem>>, vector<640x1xf32>
    %mul3A = vector.broadcast %get3A_15 : vector<640x1xf32> to vector<640x16xf32>
    %mul3A_16 = arith.mulf %add3A_12, %mul3A : vector<640x16xf32>
    %get3A_17 = arith.constant 0 : index
    %get3A_18 = arith.constant 0 : index
    %get3A_19 = vector.load %arg4[%get3A_17, %get3A_18] : memref<1x16xf32, #tpu.memory_space<vmem>>, vector<1x16xf32>
    %add3A_20 = vector.broadcast %get3A_19 : vector<1x16xf32> to vector<640x16xf32>
    %add3A_21 = arith.addf %mul3A_16, %add3A_20 : vector<640x16xf32>
    %max3A = arith.constant 0.000000e+00 : f32
    %max3A_22 = vector.broadcast %max3A : f32 to vector<640x16xf32>
    %max3A_23 = arith.maximumf %add3A_21, %max3A_22 : vector<640x16xf32>
    %get3A_24 = arith.constant 0 : index
    %get3A_25 = arith.constant 0 : index
    %get3A_26 = vector.load %arg3[%get3A_24, %get3A_25] : memref<640x1xf32, #tpu.memory_space<vmem>>, vector<640x1xf32>
    %mul3A_27 = vector.broadcast %get3A_26 : vector<640x1xf32> to vector<640x16xf32>
    %mul3A_28 = arith.mulf %max3A_23, %mul3A_27 : vector<640x16xf32>
    %swap3A = arith.constant 0 : index
    %swap3A_29 = arith.constant 0 : index
    %swap3A_30 = vector.load %arg5[%swap3A, %swap3A_29] : memref<640x16xf32, #tpu.memory_space<vmem>>, vector<640x16xf32>
    tpu.vector_store %arg5[%swap3A, %swap3A_29], %mul3A_28 {strides = array<i32>} : memref<640x16xf32, #tpu.memory_space<vmem>>, vector<640x16xf32>,
    return
  }
  func.func @transform_0(%arg0: i32) -> (i32, i32, i32) {
    %c0_i32 = arith.constant 0 : i32
    %c0_i32_0 = arith.constant 0 : i32
    %c0_i32_1 = arith.constant 0 : i32
    return %c0_i32, %arg0, %c0_i32_0 : i32, i32, i32
  }
  func.func @transform_1(%arg0: i32) -> (i32, i32) {
    %c0_i32 = arith.constant 0 : i32
    %c0_i32_0 = arith.constant 0 : i32
    return %arg0, %c0_i32 : i32, i32
  }
  func.func @transform_2(%arg0: i32) -> (i32, i32) {
    %c0_i32 = arith.constant 0 : i32
    %c0_i32_0 = arith.constant 0 : i32
    return %arg0, %c0_i32 : i32, i32
  }
  func.func @transform_3(%arg0: i32) -> (i32, i32) {
    %c0_i32 = arith.constant 0 : i32
    %c0_i32_0 = arith.constant 0 : i32
    %c0_i32_1 = arith.constant 0 : i32
    return %c0_i32, %c0_i32_0 : i32, i32
  }
  func.func @transform_4(%arg0: i32) -> (i32, i32) {
    %c0_i32 = arith.constant 0 : i32
    %c0_i32_0 = arith.constant 0 : i32
    return %arg0, %c0_i32 : i32, i32
  }
}

module attributes {stable_mosaic.version = 14 : i64} {
  func.func @body(%arg0: i32, %arg1: memref<2x1000x16xf32, #tpu.memory_space<vmem>>, %arg2: memref<1000x16xf32, #tpu.memory_space<vmem>>, %arg3: memref<1000x1xf32, #tpu.memory_space<vmem>>, %arg4: memref<16x40xf32, #tpu.memory_space<vmem>>, %arg5: memref<1x40xf32, #tpu.memory_space<vmem>>, %arg6: memref<1000x40xf32, #tpu.memory_space<vmem>>) attributes {dimension_semantics = [#tpu.dimension_semantics<arbitrary>], iteration_bounds = array<i64: 10>, scalar_prefetch = 0 : i64, scratch_operands = 0 : i64, tpu.core_type = #tpu.core_type<tc>, window_params = [{transform_indices = @transform_0, window_bounds = array<i64: 2, 1000, 16>}, {transform_indices = @transform_1, window_bounds = array<i64: 1000, 16>}, {transform_indices = @transform_2, window_bounds = array<i64: 1000, 1>}, {pipeline_mode = #tpu.pipeline_mode<synchronous>, transform_indices = @transform_3, window_bounds = array<i64: 16, 40>}, {pipeline_mode = #tpu.pipeline_mode<synchronous>, transform_indices = @transform_4, window_bounds = array<i64: 1, 40>}, {transform_indices = @transform_5, window_bounds = array<i64: 1000, 40>}]} {
    %get3A = arith.constant 0 : index
    %get3A_0 = arith.constant 0 : index
    %get3A_1 = arith.constant 0 : index
    %get3A_2 = vector.load %arg1[%get3A, %get3A_0, %get3A_1] : memref<2x1000x16xf32, #tpu.memory_space<vmem>>, vector<1x1000x16xf32>
    %get3A_3 = vector.shape_cast %get3A_2 : vector<1x1000x16xf32> to vector<1000x16xf32>
    %get3A_4 = arith.constant 1 : index
    %get3A_5 = arith.constant 0 : index
    %get3A_6 = arith.constant 0 : index
    %get3A_7 = vector.load %arg1[%get3A_4, %get3A_5, %get3A_6] : memref<2x1000x16xf32, #tpu.memory_space<vmem>>, vector<1x1000x16xf32>
    %get3A_8 = vector.shape_cast %get3A_7 : vector<1x1000x16xf32> to vector<1000x16xf32>
    %add3A = arith.addf %get3A_3, %get3A_8 : vector<1000x16xf32>
    %get3A_9 = arith.constant 0 : index
    %get3A_10 = arith.constant 0 : index
    %get3A_11 = vector.load %arg2[%get3A_9, %get3A_10] : memref<1000x16xf32, #tpu.memory_space<vmem>>, vector<1000x16xf32>
    %add3A_12 = arith.addf %add3A, %get3A_11 : vector<1000x16xf32>
    %get3A_13 = arith.constant 0 : index
    %get3A_14 = arith.constant 0 : index
    %get3A_15 = vector.load %arg3[%get3A_13, %get3A_14] : memref<1000x1xf32, #tpu.memory_space<vmem>>, vector<1000x1xf32>
    %mul3A = vector.broadcast %get3A_15 : vector<1000x1xf32> to vector<1000x16xf32>
    %mul3A_16 = arith.mulf %add3A_12, %mul3A : vector<1000x16xf32>
    %get3A_17 = arith.constant 0 : index
    %get3A_18 = arith.constant 0 : index
    %get3A_19 = vector.load %arg4[%get3A_17, %get3A_18] : memref<16x40xf32, #tpu.memory_space<vmem>>, vector<16x40xf32>
    %dot_general3A = arith.constant dense<0.000000e+00> : vector<1000x40xf32>
    %dot_general3A_20 = tpu.matmul %mul3A_16, %get3A_19, %dot_general3A {dimension_numbers = #tpu.dot_dimension_numbers<[1], [0], [0], [1], [0, 0, 1, 1], [], []>, transpose_lhs_hint = false} : vector<1000x16xf32>, vector<16x40xf32>, vector<1000x40xf32> -> vector<1000x40xf32>
    %get3A_21 = arith.constant 0 : index
    %get3A_22 = arith.constant 0 : index
    %get3A_23 = vector.load %arg5[%get3A_21, %get3A_22] : memref<1x40xf32, #tpu.memory_space<vmem>>, vector<1x40xf32>
    %add3A_24 = vector.broadcast %get3A_23 : vector<1x40xf32> to vector<1000x40xf32>
    %add3A_25 = arith.addf %dot_general3A_20, %add3A_24 : vector<1000x40xf32>
    %swap3A = arith.constant 0 : index
    %swap3A_26 = arith.constant 0 : index
    %swap3A_27 = vector.load %arg6[%swap3A, %swap3A_26] : memref<1000x40xf32, #tpu.memory_space<vmem>>, vector<1000x40xf32>
    tpu.vector_store %arg6[%swap3A, %swap3A_26], %add3A_25 {strides = array<i32>} : memref<1000x40xf32, #tpu.memory_space<vmem>>, vector<1000x40xf32>,
    return
  }
  func.func @transform_0(%arg0: i32) -> (i32, i32, i32) {
    %c0_i32 = arith.constant 0 : i32
    %c0_i32_0 = arith.constant 0 : i32
    %c0_i32_1 = arith.constant 0 : i32
    return %c0_i32, %arg0, %c0_i32_0 : i32, i32, i32
  }
  func.func @transform_1(%arg0: i32) -> (i32, i32) {
    %c0_i32 = arith.constant 0 : i32
    %c0_i32_0 = arith.constant 0 : i32
    return %arg0, %c0_i32 : i32, i32
  }
  func.func @transform_2(%arg0: i32) -> (i32, i32) {
    %c0_i32 = arith.constant 0 : i32
    %c0_i32_0 = arith.constant 0 : i32
    return %arg0, %c0_i32 : i32, i32
  }
  func.func @transform_3(%arg0: i32) -> (i32, i32) {
    %c0_i32 = arith.constant 0 : i32
    %c0_i32_0 = arith.constant 0 : i32
    %c0_i32_1 = arith.constant 0 : i32
    return %c0_i32, %c0_i32_0 : i32, i32
  }
  func.func @transform_4(%arg0: i32) -> (i32, i32) {
    %c0_i32 = arith.constant 0 : i32
    %c0_i32_0 = arith.constant 0 : i32
    %c0_i32_1 = arith.constant 0 : i32
    return %c0_i32, %c0_i32_0 : i32, i32
  }
  func.func @transform_5(%arg0: i32) -> (i32, i32) {
    %c0_i32 = arith.constant 0 : i32
    %c0_i32_0 = arith.constant 0 : i32
    return %arg0, %c0_i32 : i32, i32
  }
}

</mosaic_0001>

<sc_bundles>
// kernel: kernel.12.cloned.1.call-start
scs
__scs_entry_jumppad:
0x0: {  	(pc) =	sbr.rel $0x88, $3  }
0x1: {  	(tag) =	ssettag $0x0;
	lr =	simm.s32 $0x1  }
0x2: {  	[smem:$0x3F9B] =	sst lr;
	_ =	strace $0xD0000000  }
0x3: {  	_ = 	snop  }
0x4: {  	_ = 	snop  }
0x5: {  	_ = 	snop  }
0x6: {  	_ = 	snop  }
0x7: {  	_ = 	snop  }
__scs_overlays_trampoline_lowered:
0x8: {  	[smem:$0x3FAA] =	sst s0  }
0x9: {  	[smem:$0x3FAB] =	sst s1  }
0xa: {  	[smem:$0x3FAC] =	sst s2  }
0xb: {  	[smem:$0x3FAD] =	sst s3  }
0xc: {  	[smem:$0x3FAE] =	sst s4  }
0xd: {  	[smem:$0x3FAF] =	sst s5  }
0xe: {  	[smem:$0x3FB0] =	sst s6  }
0xf: {  	[smem:$0x3FB1] =	sst s7  }
0x10: {  	[smem:$0x3FB2] =	sst s8  }
0x11: {  	[smem:$0x3FB3] =	sst s9;
	s0 =	simm.s32 @!p0 $0x0  }
0x12: {  	s1 =	sld [smem:$0x3F99];
	s0 =	simm.s32 @p0 $0x1  }
0x13: {  	[smem:$0x3FB4] =	sst s0;
	s0 =	simm.s32 @!p1 $0x0  }
0x14: {  	s2 =	sld [smem:$0x3F98];
	s0 =	simm.s32 @p1 $0x1  }
0x15: {  	[smem:$0x3FB5] =	sst s0;
	s0 =	simm.s32 @!p2 $0x0  }
0x16: {  	s3 =	sld [smem:$0x3FDB];
	s0 =	simm.s32 @p2 $0x1  }
0x17: {  	s4 =	simm.s32 $0x1BF5;
	[smem:$0x3FB7] =	sst s0  }
0x18: {  	s0 =	sld [smem:$0x3F9A];
	_ =	swait.ge [sflag:s4], $0x0  }
0x19: {  	s7 =	sld [smem:$0x3F9B]  }
0x1a: {  	s8 =	sadd.s32 $0xFFFFE003, lr  }
0x1b: {  	s9 =	sadd.s32 $0xFFFFFEF7, lr;
	s5 =	simm.s32 $0xFFFFFFFF;
	p2 =	slt.u32 s8, $0xFFFFF086  }
0x1c: {  	p1 =	slt.u32 s9, $0xF7A;
	s5 =	simm.s32 @!p2 $0x0  }
0x1d: {  	s5 =	simm.s32 @p1 $0x1;
	p0 =	seq.s32 s7, s2  }
0x1e: {  	s7 =	smul.u32 @!p0 $0xF7A, s2;
	p2 =	seq.s32 @!p0 s5, $0x0  }
0x1f: {  	s9 =	smul.u32 $0xF7A, s1;
	s8 =	simm.s32 @!p0 $0x1BF5;
	p2 =	por !p2, p0  }
0x20: {  	[sflag:s8] =	ssyncset.s32 @!p0 $0xFFFFF086;
	s6 =	sadd.s32 @!p0 s3, s7;
	s7 =	simm.s32 @!p0 $0x108  }
0x21: {  	s3 =	sadd.s32 s3, s9;
	s6 =	sadd.s32 @!p0 $0x88, s6;
	s7 =	simm.s32 @p2 $0x1082  }
0x22: {  	[simem:s7], [sflag:s8] =	dma.local @!p0 [hbm:s6], $0xF7A  }
0x23: {  	s9 =	sor.u32 $0xD0000000, s2;
	s6 =	simm.s32 $0x108;
	_ =	swait.ge @!p0 [sflag:s8], $0x0  }
0x24: {  	s3 =	sadd.s32 $0x88, s3;
	s6 =	simm.s32 @!p1 $0x1082;
	[sflag:s4] =	ssyncset.s32 $0xFFFFF086  }
0x25: {  	[simem:s6], [sflag:s4] =	dma.local [hbm:s3], $0xF7A  }
0x26: {  	[smem:$0x3F9B] =	sst s1;
	(tag) =	ssettag s2;
	_ =	strace s9  }
0x27: {  	s1 =	sld [smem:$0x3FAB]  }
0x28: {  	s2 =	sld [smem:$0x3FAC]  }
0x29: {  	s4 =	sld [smem:$0x3FAE]  }
0x2a: {  	p0 =	seq.s32 s5, $0x0;
	s5 =	sld [smem:$0x3FAF]  }
0x2b: {  	s6 =	sld [smem:$0x3FB0]  }
0x2c: {  	s7 =	sld [smem:$0x3FB1]  }
0x2d: {  	s3 =	simm.s32 $0x108;
	s8 =	sld [smem:$0x3FB2]  }
0x2e: {  	s3 =	simm.s32 @!p0 $0x1082;
	s9 =	sld [smem:$0x3FB3]  }
0x2f: {  	lr =	sadd.s32 s0, s3;
	s0 =	sld [smem:$0x3FAA]  }
0x30: {  	s3 =	sld [smem:$0x3FAD]  }
0x31: {  	[smem:$0x3FB6] =	sst s10  }
0x32: {  	s10 =	sld [smem:$0x3FB4];
	_ =	sdelay $0x3  }
0x33: {  	p0 =	seq.s32 s10, $0x1;
	s10 =	sld [smem:$0x3FB6];
	_ =	sdelay $0x3  }
0x34: {  	[smem:$0x3FB6] =	sst s10  }
0x35: {  	s10 =	sld [smem:$0x3FB5];
	_ =	sdelay $0x3  }
0x36: {  	p1 =	seq.s32 s10, $0x1;
	s10 =	sld [smem:$0x3FB6];
	_ =	sdelay $0x3  }
0x37: {  	[smem:$0x3FB6] =	sst s10  }
0x38: {  	s10 =	sld [smem:$0x3FB7]  }
0x39: {  	_ = 	snop;
	(pc) =	sbr.ind lr, $3  }
0x3a: {  	_ = 	snop  }
0x3b: {  	_ = 	snop  }
0x3c: {  	p2 =	seq.s32 s10, $0x1;
	s10 =	sld [smem:$0x3FB6]  }
0x3d: {  	_ =	shalt  }
0x3e: {  	_ =	shalt  }
0x3f: {  	_ =	shalt  }
0x40: {  	_ =	shalt  }
0x41: {  	_ =	shalt  }
0x42: {  	_ =	shalt  }
0x43: {  	_ =	shalt  }
0x44: {  	_ =	shalt  }
0x45: {  	_ =	shalt  }
0x46: {  	_ =	shalt  }
0x47: {  	_ =	shalt  }
0x48: {  	_ =	shalt  }
0x49: {  	_ =	shalt  }
0x4a: {  	_ =	shalt  }
0x4b: {  	_ =	shalt  }
0x4c: {  	_ =	shalt  }
0x4d: {  	_ =	shalt  }
0x4e: {  	_ =	shalt  }
0x4f: {  	_ =	shalt  }
0x50: {  	_ =	shalt  }
0x51: {  	_ =	shalt  }
0x52: {  	_ =	shalt  }
0x53: {  	_ =	shalt  }
0x54: {  	_ =	shalt  }
0x55: {  	_ =	shalt  }
0x56: {  	_ =	shalt  }
0x57: {  	_ =	shalt  }
0x58: {  	_ =	shalt  }
0x59: {  	_ =	shalt  }
0x5a: {  	_ =	shalt  }
0x5b: {  	_ =	shalt  }
0x5c: {  	_ =	shalt  }
0x5d: {  	_ =	shalt  }
0x5e: {  	_ =	shalt  }
0x5f: {  	_ =	shalt  }
0x60: {  	_ =	shalt  }
0x61: {  	_ =	shalt  }
0x62: {  	_ =	shalt  }
0x63: {  	_ =	shalt  }
0x64: {  	_ =	shalt  }
0x65: {  	_ =	shalt  }
0x66: {  	_ =	shalt  }
0x67: {  	_ =	shalt  }
0x68: {  	_ =	shalt  }
0x69: {  	_ =	shalt  }
0x6a: {  	_ =	shalt  }
0x6b: {  	_ =	shalt  }
0x6c: {  	_ =	shalt  }
0x6d: {  	_ =	shalt  }
0x6e: {  	_ =	shalt  }
0x6f: {  	_ =	shalt  }
0x70: {  	_ =	shalt  }
0x71: {  	_ =	shalt  }
0x72: {  	_ =	shalt  }
0x73: {  	_ =	shalt  }
0x74: {  	_ =	shalt  }
0x75: {  	_ =	shalt  }
0x76: {  	_ =	shalt  }
0x77: {  	_ =	shalt  }
0x78: {  	_ =	shalt  }
0x79: {  	_ =	shalt  }
0x7a: {  	_ =	shalt  }
0x7b: {  	_ =	shalt  }
0x7c: {  	_ =	shalt  }
0x7d: {  	_ =	shalt  }
0x7e: {  	_ =	shalt  }
0x7f: {  	_ =	shalt  }
0x80: {  	_ =	shalt  }
0x81: {  	_ =	shalt  }
0x82: {  	_ =	shalt  }
0x83: {  	_ =	shalt  }
0x84: {  	_ =	shalt  }
0x85: {  	_ =	shalt  }
0x86: {  	_ =	shalt  }
0x87: {  	_ =	shalt  }
.Lfunc_end0:
.L_simem_size_0:
called_computation.1_lowered:
.L_overlay_start_0:
0x88: {  	s2 =	sld [smem:$0x3FD9]  }
0x89: {  	s3 =	sld [smem:$0x3FFE];
	_ =	sdelay $0x1  }
0x8a: {  	s1 =	srdreg.scid  }
0x8b: {  	s0 =	sand.u32 $0x1, s1  }
0x8c: {  	s17 =	sshll.u32 s0, $0xA;
	s2 =	sadd.s32 s3, s2  }
0x8d: {  	s2 =	sadd.s32 s2, s17  }
0x8e: {  	[smem:$0x3FC2] =	sst s2  }
0x8f: {  	_ = 	snop  }
0x90: {  	s2 =	sld [smem:$0x3FD0];
	(tm) =	ssettm $0x1  }
0x91: {  	s18 =	sld [smem:$0x3FFB];
	_ =	sdelay $0x3  }
0x92: {  	_ =	strace s18  }
0x93: {  	s3 =	sld [smem:$0x3FFC];
	_ =	sdelay $0x3  }
0x94: {  	_ =	strace s3  }
0x95: {  	s3 =	sld [smem:$0x3FFD];
	_ =	sdelay $0x3  }
0x96: {  	_ =	strace s3  }
0x97: {  	_ =	strace $0x8FFFFFFF  }
0x98: {  	s19 =	sld [smem:$0x3FDB];
	_ =	sdelay $0x1  }
0x99: {  	s4 =	simm.s32 $_scs_section_size  }
0x9a: {  	s5 =	simm.s32 $_size__tile_overlayer_lowered;
	s6 =	simm.s32 $_tile_overlayer_lowered  }
0x9b: {  	s22 =	simm.s32 $0x1BFF;
	s21 =	sshll.u32 s6, $0x1;
	s3 =	sadd.s32 s4, s19  }
0x9c: {  	s7 =	simm.s32 $0x0;
	s20 =	sshll.u32 s5, $0x1;
	s5 =	sadd.s32 s21, s3  }
0x9d: {  	[timem:s7], [sflag:s22] =	dma.local [hbm:s5], s20  }
0x9e: {  	_ =	swait.ge [sflag:s22], s20  }
0x9f: {  	s4 =	ssub.s32 $0x0, s20;
	[sflag:s22] =	ssyncset.done $0x0  }
0xa0: {  	[sflag:s22] =	ssyncadd.s32 s4;
	_ =	sdelay $0x1  }
0xa1: {  	s23 =	simm.s32 $0x1B8B  }
0xa2: {  	_ =	swait.ge [sflag:s23], $0x1  }
0xa3: {  	[sflag:s23] =	ssyncset.done $0x0  }
0xa4: {  	s25 =	simm.s32 $0x1B8E;
	s24 =	sld [smem:$0x3FFE];
	[sflag:s23] =	ssyncadd.s32 $0xFFFFFFFF  }
0xa5: {  	s26 =	simm.s32 $execute0_lowered;
	[smem:$0x3FD2] =	sst s25  }
0xa6: {  	s5 =	sshll.u32 s26, $0x1;
	_ =	strace $0x80000049;
	[dreg:$0x1] =	wrdreg $0xFFFFFFFF  }
0xa7: {  	s28 =	simm.s32 $_size_execute0_lowered;
	s3 =	sadd.s32 s3, s5;
	[dreg:$0x0] =	wrdreg $0x0  }
0xa8: {  	s5 =	sshll.u32 s28, $0x1;
	[dreg:$0x2] =	wrdreg s3  }
0xa9: {  	[dreg:$0x3] =	wrdreg s5  }
0xaa: {  	[dreg:$0x4] =	wrdreg $0xC0  }
0xab: {  	_ =	task [dreg:s7], $0x5FFFF  }
0xac: {  	[dreg:$0x1] =	wrdreg $0xFFFFFFFF  }
0xad: {  	[dreg:$0x0] =	wrdreg $0x60  }
0xae: {  	[dreg:$0x2] =	wrdreg s24  }
0xaf: {  	[dreg:$0x3] =	wrdreg s2  }
0xb0: {  	[dreg:$0x4] =	wrdreg $0xB8000  }
0xb1: {  	[dreg:$0x5] =	wrdreg $0xE0000  }
0xb2: {  	[dreg:$0x6] =	wrdreg $0x9  }
0xb3: {  	_ =	task.clear_ibuf [dreg:s7], $0x7FFFF;
	_ =	strace $0x90000049  }
0xb4: {  	s29 =	simm.s32 $0x9;
	_ =	strace $0x8000004B  }
0xb5: {  	_ =	swait.ge [sflag:s29], $0x1  }
0xb6: {  	[sflag:s29] =	ssyncadd.s32 $0xFFFFFFFF  }
0xb7: {  	_ =	strace $0x9000004B  }
0xb8: {  	_ =	sfence  }
0xb9: {  	s30 =	sld [smem:$0x0];
	_ =	sdelay $0x2  }
0xba: {  	s31 =	sshll.u32 s1, $0xD;
	s1 =	sshrl.u32 s1, $0x2  }
0xbb: {  	s3 =	sand.u32 $0x4000, s31;
	s1 =	sadd.s32 s1, s30  }
0xbc: {  	s0 =	sor.u32 s3, s0;
	s1 =	sshll.u32 s1, $0x11  }
0xbd: {  	s0 =	sor.u32 s1, s0  }
0xbe: {  	s0 =	sadd.s32 $0x8F2B, s0  }
0xbf: {  	[sflag:s0] =	ssyncadd.remote.s32 $0x1  }
0xc0: {  	_ =	sfence.sel $0xFFFF  }
0xc1: {  	[dreg:$0x0] =	wrdreg $0xFFFFFFFF;
	(pc) =	sbr.abs _section_cstart, $3  }
0xc2: {  	[dreg:$0x1] =	wrdreg $0xFFFFFFFF  }
0xc3: {  	_ =	task.clear_ibuf [dreg:s7], $0x2FFFF;
	_ =	strace $0x9FFFFFFF  }
0xc4: {  	(tm) =	ssettm $0x7FFFFFFF  }
0xc5: {  	_ =	shalt  }
tec
execute0_lowered:
.L_overlay_start_1:
0x0: {  	(tag) =	ssettag $0x1  }
0x1: {  	s0 =	rddreg [dreg:$0x0]  }
0x2: {  	s1 =	rddreg [dreg:$0x1]  }
0x3: {  	s2 =	rddreg [dreg:$0x2]  }
0x4: {  	s3 =	rddreg [dreg:$0x3];
	s4 =	stileid.u32  }
0x5: {  	s5 =	srdreg.scid;
	s13 =	simm.s32 $0x0;
	s12 =	simm.s32 $0x11  }
0x6: {  	s16 =	simm.s32 $0x80;
	s17 =	simm.s32 $0x5000;
	s18 =	simm.s32 $0x5800  }
0x7: {  	s20 =	simm.s32 $0x6000;
	s30 =	simm.s32 $0x7800;
	s31 =	simm.s32 $0x3  }
0x8: {  	s19 =	simm.s32 $0x4;
	s28 =	simm.s32 $0x8800;
	s29 =	simm.s32 $0x5  }
0x9: {  	s15 =	simm.s32 $0xE;
	s14 =	simm.s32 $0x10;
	s6 =	smul.u32 $0x2800, s4  }
0xa: {  	s5 =	sand.u32 $0x1, s5;
	[smem:$0x7FF] =	sst s13;
	s25 =	sshll.u32 s4, $0x6  }
0xb: {  	s7 =	sshll.u32 s5, $0x4;
	s8 =	smul.u32 $0x28000, s5;
	_ =	strace $0x8000004A  }
0xc: {  	s5 =	ssub.s32 $0x2, s5;
	s9 =	sshrl.u32 s6, $0x3;
	s7 =	sor.u32 s4, s7  }
0xd: {  	s10 =	sshrl.u32 s5, $0x1;
	s21 =	sadd.s32 s6, s2;
	s7 =	smul.u32 $0x500, s7  }
0xe: {  	s8 =	sadd.s32 s6, s8;
	s9 =	sadd.s32 s9, s0;
	s5 =	ssub.s32 s5, s10  }
0xf: {  	[dreg:$0x6] =	wrdreg s21;
	s6 =	sadd.s32 s6, s3;
	s21 =	simm.s32 $0xA  }
0x10: {  	s10 =	simm.s32 $0xF;
	s8 =	sshrl.u32 s8, $0x3;
	s22 =	sadd.s32 $0xC000, s9  }
0x11: {  	s24 =	smax.u32 s5, $0x1;
	s26 =	sshrl.u32 s6, $0x3;
	s6 =	simm.s32 $0xB  }
0x12: {  	s9 =	simm.s32 $0xD;
	s11 =	sadd.s32 s7, s0;
	[dreg:$0x7] =	wrdreg s22  }
0x13: {  	s0 =	sadd.s32 s8, s0;
	s1 =	sadd.s32 s1, s7;
	[dreg:$0xb] =	wrdreg s24  }
0x14: {  	[dreg:$0xd] =	wrdreg s26;
	s22 =	simm.s32 $0x6800;
	s26 =	simm.s32 $0x2  }
0x15: {  	s24 =	simm.s32 $0x7;
	s7 =	simm.s32 $0x8;
	s8 =	simm.s32 $0xC  }
0x16: {  	s23 =	sadd.s32 $0x2000, s11;
	[dreg:$0x9] =	wrdreg s1;
	s0 =	sadd.s32 $0x11000, s0  }
0x17: {  	s11 =	simm.s32 $0x8000;
	s1 =	simm.s32 $0x6;
	[dreg:$0x8] =	wrdreg s23  }
0x18: {  	[dreg:$0xa] =	wrdreg s0;
	s0 =	sor.u32 $0x1C11, s25;
	s23 =	simm.s32 $0x1  }
0x19: {  	v0 =	vimm.f32 $0.0e+00;
	s25 =	simm.s32 $0x7000;
	[dreg:$0xc] =	wrdreg s0;
	s0 =	simm.s32 $0x9  }
.LBB2_1:
0x1a: {  	[dreg:$0x5] =	wrdreg s13;
	s5 =	simm.s32 $0x40;
	s13 =	simm.s32 $0x0  }
.LBB2_2:
0x1b: {  	p0 =	sne.s32 s5, $0x9FC0;
	[tilespmem:s13+$0x9000] =	vst v0;
	s13 =	smov.u32 s5;
	s5 =	sadd.s32 $0x40, s5  }
.Ltmp0:
0x1c: {  	(pc) =	sbr.rel @p0 .LBB2_2-.Ltmp0, $2  }
0x1d: {  	_ =	sdelay $0x2  }
0x1e: {  	s13 =	sshra.s32 s13, $0x2  }
0x1f: {  	[tilespmem:s13+$0x9000] =	vst v0;
	s4 =	rddreg [dreg:$0x6];
	s5 =	simm.s32 $0x9000  }
0x20: {  	[spmem:s4] =	stream.linear.scatter [tilespmem:s5], [sflag:$0x11], $0x2800, $0x38;
	[tilespmem:$0x10800] =	vst v63  }
0x21: {  	_ =	swait.ge [sflag:s12], $0x2800  }
0x22: {  	s4 =	rddreg [dreg:$0x7]  }
0x23: {  	[sflag:s12] =	ssyncset.done $0x0;
	s5 =	rddreg [dreg:$0xc]  }
0x24: {  	s13 =	rddreg [dreg:$0xd];
	[sflag:s12] =	ssyncadd.s32 $0xFFFFD800  }
0x25: {  	[spmem:s13], [sflag:s5] =	dma.local [hbm:s4], $0x500  }
0x26: {  	_ =	swait.ge [sflag:s12], $0x500  }
0x27: {  	[sflag:s12] =	ssyncset.done $0x0  }
0x28: {  	s5 =	simm.s32 $0x0;
	s13 =	rddreg [dreg:$0x8];
	[sflag:s12] =	ssyncadd.s32 $0xFFFFFB00  }
0x29: {  	[tilespmem:s5], [sflag:$0x11] =	stream.linear.gather [hbm4b:s13+s5], $0x2800, $0x38;
	[tilespmem:$0x10800] =	vst v63  }
0x2a: {  	_ =	swait.ge [sflag:s12], $0x2800  }
0x2b: {  	[sflag:s12] =	ssyncset.done $0x0  }
0x2c: {  	s13 =	simm.s32 $0x2800;
	s4 =	rddreg [dreg:$0x9];
	[sflag:s12] =	ssyncadd.s32 $0xFFFFD800  }
0x2d: {  	[tilespmem:s13], [sflag:$0x11] =	stream.linear.gather [hbm4b:s4+s5], $0x2800, $0x38;
	[tilespmem:$0x10800] =	vst v63  }
0x2e: {  	_ =	swait.ge [sflag:s12], $0x2800  }
0x2f: {  	[sflag:s12] =	ssyncset.done $0x0  }
0x30: {  	[sflag:s12] =	ssyncadd.s32 $0xFFFFD800  }
0x31: {  	[bflag:$0x0] =	sbarrier.arrive $0xFFFF  }
0x32: {  	[tilespmem:s17], [sflag:$0x1] =	stream.indirect.gather [spmem:s3], $0x10, s5, s16, $0xb8;
	[tilespmem:$0x10800] =	vst v63  }
0x33: {  	_ = 	snop  }
0x34: {  	[tilespmem:s18], [sflag:$0x2] =	stream.indirect.gather [spmem:s3], $0x10, s16, s16, $0xb8;
	[tilespmem:$0x10800] =	vst v63  }
0x35: {  	s5 =	simm.s32 $0x100  }
0x36: {  	[tilespmem:s20], [sflag:$0x3] =	stream.indirect.gather [spmem:s3], $0x10, s5, s16, $0xb8;
	[tilespmem:$0x10800] =	vst v63  }
0x37: {  	s5 =	simm.s32 $0x180  }
0x38: {  	[tilespmem:s22], [sflag:$0x4] =	stream.indirect.gather [spmem:s3], $0x10, s5, s16, $0xb8;
	[tilespmem:$0x10800] =	vst v63  }
0x39: {  	_ =	swait.ge [sflag:s23], $0x800  }
0x3a: {  	[sflag:s23] =	ssyncset.done $0x0  }
0x3b: {  	[sflag:s23] =	ssyncadd.s32 $0xFFFFF800  }
0x3c: {  	[spmem:s2] =	stream.indirect.scatter.add.f32 [tilespmem:s17], [sflag:$0x9], $0x10, s13, s16, $0xb8;
	[tilespmem:$0x10800] =	vst v63  }
0x3d: {  	s5 =	simm.s32 $0x200  }
0x3e: {  	[tilespmem:s25], [sflag:$0x5] =	stream.indirect.gather [spmem:s3], $0x10, s5, s16, $0xb8;
	[tilespmem:$0x10800] =	vst v63  }
0x3f: {  	_ =	swait.ge [sflag:s26], $0x800  }
0x40: {  	[sflag:s26] =	ssyncset.done $0x0  }
0x41: {  	s13 =	simm.s32 $0x2880;
	[sflag:s26] =	ssyncadd.s32 $0xFFFFF800  }
0x42: {  	[spmem:s2] =	stream.indirect.scatter.add.f32 [tilespmem:s18], [sflag:$0xA], $0x10, s13, s16, $0xb8;
	[tilespmem:$0x10800] =	vst v63  }
0x43: {  	s5 =	simm.s32 $0x280  }
0x44: {  	[tilespmem:s30], [sflag:$0x6] =	stream.indirect.gather [spmem:s3], $0x10, s5, s16, $0xb8;
	[tilespmem:$0x10800] =	vst v63  }
0x45: {  	_ =	swait.ge [sflag:s31], $0x800  }
0x46: {  	[sflag:s31] =	ssyncset.done $0x0  }
0x47: {  	s13 =	simm.s32 $0x2900;
	[sflag:s31] =	ssyncadd.s32 $0xFFFFF800  }
0x48: {  	[spmem:s2] =	stream.indirect.scatter.add.f32 [tilespmem:s20], [sflag:$0xB], $0x10, s13, s16, $0xb8;
	[tilespmem:$0x10800] =	vst v63  }
0x49: {  	s5 =	simm.s32 $0x300  }
0x4a: {  	[tilespmem:s11], [sflag:$0x7] =	stream.indirect.gather [spmem:s3], $0x10, s5, s16, $0xb8;
	[tilespmem:$0x10800] =	vst v63  }
0x4b: {  	_ =	swait.ge [sflag:s19], $0x800  }
0x4c: {  	[sflag:s19] =	ssyncset.done $0x0  }
0x4d: {  	s13 =	simm.s32 $0x2980;
	[sflag:s19] =	ssyncadd.s32 $0xFFFFF800  }
0x4e: {  	[spmem:s2] =	stream.indirect.scatter.add.f32 [tilespmem:s22], [sflag:$0xC], $0x10, s13, s16, $0xb8;
	[tilespmem:$0x10800] =	vst v63  }
0x4f: {  	s5 =	simm.s32 $0x380  }
0x50: {  	[tilespmem:s28], [sflag:$0x8] =	stream.indirect.gather [spmem:s3], $0x10, s5, s16, $0xb8;
	[tilespmem:$0x10800] =	vst v63  }
0x51: {  	_ =	swait.ge [sflag:s29], $0x800  }
0x52: {  	[sflag:s29] =	ssyncset.done $0x0  }
0x53: {  	s13 =	simm.s32 $0x2A00;
	[sflag:s29] =	ssyncadd.s32 $0xFFFFF800  }
0x54: {  	[spmem:s2] =	stream.indirect.scatter.add.f32 [tilespmem:s25], [sflag:$0xD], $0x10, s13, s16, $0xb8;
	[tilespmem:$0x10800] =	vst v63  }
0x55: {  	_ =	swait.ge [sflag:s0], $0x800  }
0x56: {  	[sflag:s0] =	ssyncset.done $0x0  }
0x57: {  	s4 =	simm.s32 $0x400;
	[sflag:s0] =	ssyncadd.s32 $0xFFFFF800  }
0x58: {  	[tilespmem:s17], [sflag:$0x1] =	stream.indirect.gather [spmem:s3], $0x10, s4, s16, $0xb8;
	[tilespmem:$0x10800] =	vst v63  }
0x59: {  	_ =	swait.ge [sflag:s1], $0x800  }
0x5a: {  	[sflag:s1] =	ssyncset.done $0x0  }
0x5b: {  	s13 =	simm.s32 $0x2A80;
	[sflag:s1] =	ssyncadd.s32 $0xFFFFF800  }
0x5c: {  	[spmem:s2] =	stream.indirect.scatter.add.f32 [tilespmem:s30], [sflag:$0xE], $0x10, s13, s16, $0xb8;
	[tilespmem:$0x10800] =	vst v63  }
0x5d: {  	_ =	swait.ge [sflag:s21], $0x800  }
0x5e: {  	[sflag:s21] =	ssyncset.done $0x0  }
0x5f: {  	s4 =	simm.s32 $0x480;
	[sflag:s21] =	ssyncadd.s32 $0xFFFFF800  }
0x60: {  	[tilespmem:s18], [sflag:$0x2] =	stream.indirect.gather [spmem:s3], $0x10, s4, s16, $0xb8;
	[tilespmem:$0x10800] =	vst v63  }
0x61: {  	_ =	swait.ge [sflag:s24], $0x800  }
0x62: {  	[sflag:s24] =	ssyncset.done $0x0  }
0x63: {  	s13 =	simm.s32 $0x2B00;
	[sflag:s24] =	ssyncadd.s32 $0xFFFFF800  }
0x64: {  	[spmem:s2] =	stream.indirect.scatter.add.f32 [tilespmem:s11], [sflag:$0xF], $0x10, s13, s16, $0xb8;
	[tilespmem:$0x10800] =	vst v63  }
0x65: {  	_ =	swait.ge [sflag:s6], $0x800  }
0x66: {  	[sflag:s6] =	ssyncset.done $0x0  }
0x67: {  	s4 =	simm.s32 $0x500;
	[sflag:s6] =	ssyncadd.s32 $0xFFFFF800  }
0x68: {  	[tilespmem:s20], [sflag:$0x3] =	stream.indirect.gather [spmem:s3], $0x10, s4, s16, $0xb8;
	[tilespmem:$0x10800] =	vst v63  }
0x69: {  	_ =	swait.ge [sflag:s7], $0x800  }
0x6a: {  	[sflag:s7] =	ssyncset.done $0x0  }
0x6b: {  	s13 =	simm.s32 $0x2B80;
	[sflag:s7] =	ssyncadd.s32 $0xFFFFF800  }
0x6c: {  	[spmem:s2] =	stream.indirect.scatter.add.f32 [tilespmem:s28], [sflag:$0x10], $0x10, s13, s16, $0xb8;
	[tilespmem:$0x10800] =	vst v63  }
0x6d: {  	_ =	swait.ge [sflag:s8], $0x800  }
0x6e: {  	[sflag:s8] =	ssyncset.done $0x0  }
0x6f: {  	s4 =	simm.s32 $0x580;
	[sflag:s8] =	ssyncadd.s32 $0xFFFFF800  }
0x70: {  	[tilespmem:s22], [sflag:$0x4] =	stream.indirect.gather [spmem:s3], $0x10, s4, s16, $0xb8;
	[tilespmem:$0x10800] =	vst v63  }
0x71: {  	_ =	swait.ge [sflag:s23], $0x800  }
0x72: {  	[sflag:s23] =	ssyncset.done $0x0  }
0x73: {  	s13 =	simm.s32 $0x2C00;
	[sflag:s23] =	ssyncadd.s32 $0xFFFFF800  }
0x74: {  	[spmem:s2] =	stream.indirect.scatter.add.f32 [tilespmem:s17], [sflag:$0x9], $0x10, s13, s16, $0xb8;
	[tilespmem:$0x10800] =	vst v63  }
0x75: {  	_ =	swait.ge [sflag:s9], $0x800  }
0x76: {  	[sflag:s9] =	ssyncset.done $0x0  }
0x77: {  	s4 =	simm.s32 $0x600;
	[sflag:s9] =	ssyncadd.s32 $0xFFFFF800  }
0x78: {  	[tilespmem:s25], [sflag:$0x5] =	stream.indirect.gather [spmem:s3], $0x10, s4, s16, $0xb8;
	[tilespmem:$0x10800] =	vst v63  }
0x79: {  	_ =	swait.ge [sflag:s26], $0x800  }
0x7a: {  	[sflag:s26] =	ssyncset.done $0x0  }
0x7b: {  	s13 =	simm.s32 $0x2C80;
	[sflag:s26] =	ssyncadd.s32 $0xFFFFF800  }
0x7c: {  	[spmem:s2] =	stream.indirect.scatter.add.f32 [tilespmem:s18], [sflag:$0xA], $0x10, s13, s16, $0xb8;
	[tilespmem:$0x10800] =	vst v63  }
0x7d: {  	_ =	swait.ge [sflag:s15], $0x800  }
0x7e: {  	[sflag:s15] =	ssyncset.done $0x0  }
0x7f: {  	s4 =	simm.s32 $0x680;
	[sflag:s15] =	ssyncadd.s32 $0xFFFFF800  }
0x80: {  	[tilespmem:s30], [sflag:$0x6] =	stream.indirect.gather [spmem:s3], $0x10, s4, s16, $0xb8;
	[tilespmem:$0x10800] =	vst v63  }
0x81: {  	_ =	swait.ge [sflag:s31], $0x800  }
0x82: {  	[sflag:s31] =	ssyncset.done $0x0  }
0x83: {  	s13 =	simm.s32 $0x2D00;
	[sflag:s31] =	ssyncadd.s32 $0xFFFFF800  }
0x84: {  	[spmem:s2] =	stream.indirect.scatter.add.f32 [tilespmem:s20], [sflag:$0xB], $0x10, s13, s16, $0xb8;
	[tilespmem:$0x10800] =	vst v63  }
0x85: {  	_ =	swait.ge [sflag:s10], $0x800  }
0x86: {  	[sflag:s10] =	ssyncset.done $0x0  }
0x87: {  	s4 =	simm.s32 $0x700;
	[sflag:s10] =	ssyncadd.s32 $0xFFFFF800  }
0x88: {  	[tilespmem:s11], [sflag:$0x7] =	stream.indirect.gather [spmem:s3], $0x10, s4, s16, $0xb8;
	[tilespmem:$0x10800] =	vst v63  }
0x89: {  	_ =	swait.ge [sflag:s19], $0x800  }
0x8a: {  	[sflag:s19] =	ssyncset.done $0x0  }
0x8b: {  	s13 =	simm.s32 $0x2D80;
	[sflag:s19] =	ssyncadd.s32 $0xFFFFF800  }
0x8c: {  	[spmem:s2] =	stream.indirect.scatter.add.f32 [tilespmem:s22], [sflag:$0xC], $0x10, s13, s16, $0xb8;
	[tilespmem:$0x10800] =	vst v63  }
0x8d: {  	_ =	swait.ge [sflag:s14], $0x800  }
0x8e: {  	[sflag:s14] =	ssyncset.done $0x0  }
0x8f: {  	s5 =	simm.s32 $0x1000;
	s13 =	simm.s32 $0x780;
	[sflag:s14] =	ssyncadd.s32 $0xFFFFF800  }
.LBB2_4:
0x90: {  	[tilespmem:s28], [sflag:$0x8] =	stream.indirect.gather [spmem:s3], $0x10, s13, s16, $0xb8;
	[tilespmem:$0x10800] =	vst v63  }
0x91: {  	s13 =	smov.u32 s5  }
0x92: {  	p0 =	sne.s32 s5, $0x8000;
	s5 =	sadd.s32 $0x1000, s5;
	_ =	swait.ge [sflag:s29], $0x800  }
0x93: {  	s13 =	sshra.s32 s13, $0x2;
	[sflag:s29] =	ssyncset.done $0x0  }
0x94: {  	s4 =	sadd.s32 $0x2A00, s13;
	[sflag:s29] =	ssyncadd.s32 $0xFFFFF800  }
0x95: {  	[spmem:s2] =	stream.indirect.scatter.add.f32 [tilespmem:s25], [sflag:$0xD], $0x10, s4, s16, $0xb8;
	[tilespmem:$0x10800] =	vst v63  }
0x96: {  	_ =	swait.ge [sflag:s0], $0x800  }
0x97: {  	[sflag:s0] =	ssyncset.done $0x0  }
0x98: {  	s4 =	sadd.s32 $0x400, s13;
	[sflag:s0] =	ssyncadd.s32 $0xFFFFF800  }
0x99: {  	[tilespmem:s17], [sflag:$0x1] =	stream.indirect.gather [spmem:s3], $0x10, s4, s16, $0xb8;
	[tilespmem:$0x10800] =	vst v63  }
0x9a: {  	_ =	swait.ge [sflag:s1], $0x800  }
0x9b: {  	[sflag:s1] =	ssyncset.done $0x0  }
0x9c: {  	s4 =	sadd.s32 $0x2A80, s13;
	[sflag:s1] =	ssyncadd.s32 $0xFFFFF800  }
0x9d: {  	[spmem:s2] =	stream.indirect.scatter.add.f32 [tilespmem:s30], [sflag:$0xE], $0x10, s4, s16, $0xb8;
	[tilespmem:$0x10800] =	vst v63  }
0x9e: {  	_ =	swait.ge [sflag:s21], $0x800  }
0x9f: {  	[sflag:s21] =	ssyncset.done $0x0  }
0xa0: {  	s4 =	sadd.s32 $0x480, s13;
	[sflag:s21] =	ssyncadd.s32 $0xFFFFF800  }
0xa1: {  	[tilespmem:s18], [sflag:$0x2] =	stream.indirect.gather [spmem:s3], $0x10, s4, s16, $0xb8;
	[tilespmem:$0x10800] =	vst v63  }
0xa2: {  	_ =	swait.ge [sflag:s24], $0x800  }
0xa3: {  	[sflag:s24] =	ssyncset.done $0x0  }
0xa4: {  	s4 =	sadd.s32 $0x2B00, s13;
	[sflag:s24] =	ssyncadd.s32 $0xFFFFF800  }
0xa5: {  	[spmem:s2] =	stream.indirect.scatter.add.f32 [tilespmem:s11], [sflag:$0xF], $0x10, s4, s16, $0xb8;
	[tilespmem:$0x10800] =	vst v63  }
0xa6: {  	_ =	swait.ge [sflag:s6], $0x800  }
0xa7: {  	[sflag:s6] =	ssyncset.done $0x0  }
0xa8: {  	s4 =	sadd.s32 $0x500, s13;
	[sflag:s6] =	ssyncadd.s32 $0xFFFFF800  }
0xa9: {  	[tilespmem:s20], [sflag:$0x3] =	stream.indirect.gather [spmem:s3], $0x10, s4, s16, $0xb8;
	[tilespmem:$0x10800] =	vst v63  }
0xaa: {  	_ =	swait.ge [sflag:s7], $0x800  }
0xab: {  	[sflag:s7] =	ssyncset.done $0x0  }
0xac: {  	s4 =	sadd.s32 $0x2B80, s13;
	[sflag:s7] =	ssyncadd.s32 $0xFFFFF800  }
0xad: {  	[spmem:s2] =	stream.indirect.scatter.add.f32 [tilespmem:s28], [sflag:$0x10], $0x10, s4, s16, $0xb8;
	[tilespmem:$0x10800] =	vst v63  }
0xae: {  	_ =	swait.ge [sflag:s8], $0x800  }
0xaf: {  	[sflag:s8] =	ssyncset.done $0x0  }
0xb0: {  	s4 =	sadd.s32 $0x580, s13;
	[sflag:s8] =	ssyncadd.s32 $0xFFFFF800  }
0xb1: {  	[tilespmem:s22], [sflag:$0x4] =	stream.indirect.gather [spmem:s3], $0x10, s4, s16, $0xb8;
	[tilespmem:$0x10800] =	vst v63  }
0xb2: {  	_ =	swait.ge [sflag:s23], $0x800  }
0xb3: {  	[sflag:s23] =	ssyncset.done $0x0  }
0xb4: {  	s4 =	sadd.s32 $0x2C00, s13;
	[sflag:s23] =	ssyncadd.s32 $0xFFFFF800  }
0xb5: {  	[spmem:s2] =	stream.indirect.scatter.add.f32 [tilespmem:s17], [sflag:$0x9], $0x10, s4, s16, $0xb8;
	[tilespmem:$0x10800] =	vst v63  }
0xb6: {  	_ =	swait.ge [sflag:s9], $0x800  }
0xb7: {  	[sflag:s9] =	ssyncset.done $0x0  }
0xb8: {  	s4 =	sadd.s32 $0x600, s13;
	[sflag:s9] =	ssyncadd.s32 $0xFFFFF800  }
0xb9: {  	[tilespmem:s25], [sflag:$0x5] =	stream.indirect.gather [spmem:s3], $0x10, s4, s16, $0xb8;
	[tilespmem:$0x10800] =	vst v63  }
0xba: {  	_ =	swait.ge [sflag:s26], $0x800  }
0xbb: {  	[sflag:s26] =	ssyncset.done $0x0  }
0xbc: {  	s4 =	sadd.s32 $0x2C80, s13;
	[sflag:s26] =	ssyncadd.s32 $0xFFFFF800  }
0xbd: {  	[spmem:s2] =	stream.indirect.scatter.add.f32 [tilespmem:s18], [sflag:$0xA], $0x10, s4, s16, $0xb8;
	[tilespmem:$0x10800] =	vst v63  }
0xbe: {  	_ =	swait.ge [sflag:s15], $0x800  }
0xbf: {  	[sflag:s15] =	ssyncset.done $0x0  }
0xc0: {  	s4 =	sadd.s32 $0x680, s13;
	[sflag:s15] =	ssyncadd.s32 $0xFFFFF800  }
0xc1: {  	[tilespmem:s30], [sflag:$0x6] =	stream.indirect.gather [spmem:s3], $0x10, s4, s16, $0xb8;
	[tilespmem:$0x10800] =	vst v63  }
0xc2: {  	_ =	swait.ge [sflag:s31], $0x800  }
0xc3: {  	[sflag:s31] =	ssyncset.done $0x0  }
0xc4: {  	s4 =	sadd.s32 $0x2D00, s13;
	[sflag:s31] =	ssyncadd.s32 $0xFFFFF800  }
0xc5: {  	[spmem:s2] =	stream.indirect.scatter.add.f32 [tilespmem:s20], [sflag:$0xB], $0x10, s4, s16, $0xb8;
	[tilespmem:$0x10800] =	vst v63  }
0xc6: {  	_ =	swait.ge [sflag:s10], $0x800  }
0xc7: {  	[sflag:s10] =	ssyncset.done $0x0  }
0xc8: {  	s4 =	sadd.s32 $0x700, s13;
	[sflag:s10] =	ssyncadd.s32 $0xFFFFF800  }
0xc9: {  	[tilespmem:s11], [sflag:$0x7] =	stream.indirect.gather [spmem:s3], $0x10, s4, s16, $0xb8;
	[tilespmem:$0x10800] =	vst v63  }
0xca: {  	_ =	swait.ge [sflag:s19], $0x800  }
0xcb: {  	[sflag:s19] =	ssyncset.done $0x0  }
.Ltmp1:
0xcc: {  	s4 =	sadd.s32 $0x2D80, s13;
	[sflag:s19] =	ssyncadd.s32 $0xFFFFF800;
	(pc) =	sbr.rel @p0 .LBB2_4-.Ltmp1, $4  }
0xcd: {  	[spmem:s2] =	stream.indirect.scatter.add.f32 [tilespmem:s22], [sflag:$0xC], $0x10, s4, s16, $0xb8;
	[tilespmem:$0x10800] =	vst v63  }
0xce: {  	_ =	swait.ge [sflag:s14], $0x800  }
0xcf: {  	[sflag:s14] =	ssyncset.done $0x0  }
0xd0: {  	s13 =	sadd.s32 $0x780, s13;
	[sflag:s14] =	ssyncadd.s32 $0xFFFFF800  }
0xd1: {  	[tilespmem:s28], [sflag:$0x8] =	stream.indirect.gather [spmem:s3], $0x10, s13, s16, $0xb8;
	[tilespmem:$0x10800] =	vst v63  }
0xd2: {  	_ =	swait.ge [sflag:s29], $0x800  }
0xd3: {  	[sflag:s29] =	ssyncset.done $0x0  }
0xd4: {  	s4 =	simm.s32 $0x4E00;
	[sflag:s29] =	ssyncadd.s32 $0xFFFFF800  }
0xd5: {  	[spmem:s2] =	stream.indirect.scatter.add.f32 [tilespmem:s25], [sflag:$0xD], $0x10, s4, s16, $0xb8;
	[tilespmem:$0x10800] =	vst v63  }
0xd6: {  	_ =	swait.ge [sflag:s1], $0x800  }
0xd7: {  	[sflag:s1] =	ssyncset.done $0x0  }
0xd8: {  	s5 =	simm.s32 $0x4E80;
	[sflag:s1] =	ssyncadd.s32 $0xFFFFF800  }
0xd9: {  	[spmem:s2] =	stream.indirect.scatter.add.f32 [tilespmem:s30], [sflag:$0xE], $0x10, s5, s16, $0xb8;
	[tilespmem:$0x10800] =	vst v63  }
0xda: {  	_ =	swait.ge [sflag:s24], $0x800  }
0xdb: {  	[sflag:s24] =	ssyncset.done $0x0  }
0xdc: {  	s13 =	simm.s32 $0x4F00;
	[sflag:s24] =	ssyncadd.s32 $0xFFFFF800  }
0xdd: {  	[spmem:s2] =	stream.indirect.scatter.add.f32 [tilespmem:s11], [sflag:$0xF], $0x10, s13, s16, $0xb8;
	[tilespmem:$0x10800] =	vst v63  }
0xde: {  	_ =	swait.ge [sflag:s7], $0x800  }
0xdf: {  	[sflag:s7] =	ssyncset.done $0x0  }
0xe0: {  	s5 =	simm.s32 $0x4F80;
	[sflag:s7] =	ssyncadd.s32 $0xFFFFF800  }
0xe1: {  	[spmem:s2] =	stream.indirect.scatter.add.f32 [tilespmem:s28], [sflag:$0x10], $0x10, s5, s16, $0xb8;
	[tilespmem:$0x10800] =	vst v63  }
0xe2: {  	_ =	swait.ge [sflag:s0], $0x800  }
0xe3: {  	[sflag:s0] =	ssyncset.done $0x0  }
0xe4: {  	[sflag:s0] =	ssyncadd.s32 $0xFFFFF800  }
0xe5: {  	_ =	swait.ge [sflag:s21], $0x800  }
0xe6: {  	[sflag:s21] =	ssyncset.done $0x0  }
0xe7: {  	[sflag:s21] =	ssyncadd.s32 $0xFFFFF800  }
0xe8: {  	_ =	swait.ge [sflag:s6], $0x800  }
0xe9: {  	[sflag:s6] =	ssyncset.done $0x0  }
0xea: {  	[sflag:s6] =	ssyncadd.s32 $0xFFFFF800  }
0xeb: {  	_ =	swait.ge [sflag:s8], $0x800  }
0xec: {  	[sflag:s8] =	ssyncset.done $0x0  }
0xed: {  	[sflag:s8] =	ssyncadd.s32 $0xFFFFF800  }
0xee: {  	_ =	swait.ge [sflag:s9], $0x800  }
0xef: {  	[sflag:s9] =	ssyncset.done $0x0  }
0xf0: {  	[sflag:s9] =	ssyncadd.s32 $0xFFFFF800  }
0xf1: {  	_ =	swait.ge [sflag:s15], $0x800  }
0xf2: {  	[sflag:s15] =	ssyncset.done $0x0  }
0xf3: {  	[sflag:s15] =	ssyncadd.s32 $0xFFFFF800  }
0xf4: {  	_ =	swait.ge [sflag:s10], $0x800  }
0xf5: {  	[sflag:s10] =	ssyncset.done $0x0  }
0xf6: {  	[sflag:s10] =	ssyncadd.s32 $0xFFFFF800  }
0xf7: {  	_ =	swait.ge [sflag:s14], $0x800  }
0xf8: {  	[sflag:s14] =	ssyncset.done $0x0  }
0xf9: {  	[sflag:s14] =	ssyncadd.s32 $0xFFFFF800  }
0xfa: {  	[bflag:$0x0] =	sbarrier.arrive $0xFFFF  }
0xfb: {  	s13 =	rddreg [dreg:$0x6]  }
0xfc: {  	s5 =	rddreg [dreg:$0xa]  }
0xfd: {  	s4 =	sshrl.u32 s13, $0x3;
	s13 =	rddreg [dreg:$0xc]  }
0xfe: {  	[hbm:s5], [sflag:s13] =	dma.local [spmem:s4], $0x500  }
0xff: {  	_ =	swait.ge [sflag:s12], $0x500  }
0x100: {  	s4 =	rddreg [dreg:$0x5]  }
0x101: {  	s5 =	rddreg [dreg:$0xb];
	s13 =	sadd.s32 $0x1, s4  }
0x102: {  	p0 =	sne.s32 s13, s5  }
.Ltmp2:
0x103: {  	_ = 	snop;
	(pc) =	sbr.rel @p0 .LBB2_1-.Ltmp2, $3  }
0x104: {  	_ =	sdelay $0x1  }
0x105: {  	[sflag:s12] =	ssyncset.done $0x0  }
0x106: {  	[sflag:s12] =	ssyncadd.s32 $0xFFFFFB00  }
0x107: {  	_ =	sfence.sel $0x180000  }
0x108: {  	[bflag:$0x0] =	sbarrier.arrive $0xFFFF  }
0x109: {  	_ =	strace $0x9000004A  }
0x10a: {  	s0 =	stileid.u32;
	[bflag:$0x2] =	sbarrier.arrive $0xFFFF  }
0x10b: {  	p0 =	sne.s32 s0, $0x0;
	s0 =	rddreg [dreg:$0x4]  }
0x10c: {  	s0 =	sadd.s32 @!p0 $0x100000, s0  }
0x10d: {  	[sflag:s0] =	ssyncadd.tile.s32 @!p0 $0x1;
	_ =	shalt  }
.Lfunc_end2:
_tile_overlayer_lowered:
.L_overlay_start_2:
0x10e: {  	(tag) =	ssettag $0x2  }
0x10f: {  	s0 =	rddreg [dreg:$0x0];
	s2 =	stileid.u32  }
0x110: {  	s1 =	rddreg [dreg:$0x1];
	p0 =	sne.s32 s2, $0x0  }
0x111: {  	s3 =	rddreg [dreg:$0x2];
	[bflag:$0x3] =	sbarrier.arrive $0xFFFF;
	s2 =	simm.s32 @!p0 $0x1C11  }
0x112: {  	[timem:s3], [sflag:s2] =	dma.local @!p0 [hbm:s0], s1  }
0x113: {  	s0 =	simm.s32 @!p0 $0x11  }
0x114: {  	_ =	swait.ge @!p0 [sflag:s0], s1  }
0x115: {  	s1 =	ssub.s32 @!p0 $0x0, s1;
	[sflag:s0] =	ssyncset.done @!p0 $0x0  }
0x116: {  	[sflag:s0] =	ssyncadd.s32 @!p0 s1  }
0x117: {  	[bflag:$0x3] =	sbarrier.arrive $0xFFFF  }
0x118: {  	_ =	shalt  }

// kernel: kernel.15.cloned.1.call-start
scs
__scs_entry_jumppad:
0x0: {  	(pc) =	sbr.rel $0x88, $3  }
0x1: {  	(tag) =	ssettag $0x0;
	lr =	simm.s32 $0x1  }
0x2: {  	[smem:$0x3F9B] =	sst lr;
	_ =	strace $0xD0000000  }
0x3: {  	_ = 	snop  }
0x4: {  	_ = 	snop  }
0x5: {  	_ = 	snop  }
0x6: {  	_ = 	snop  }
0x7: {  	_ = 	snop  }
__scs_overlays_trampoline_lowered:
0x8: {  	[smem:$0x3FAA] =	sst s0  }
0x9: {  	[smem:$0x3FAB] =	sst s1  }
0xa: {  	[smem:$0x3FAC] =	sst s2  }
0xb: {  	[smem:$0x3FAD] =	sst s3  }
0xc: {  	[smem:$0x3FAE] =	sst s4  }
0xd: {  	[smem:$0x3FAF] =	sst s5  }
0xe: {  	[smem:$0x3FB0] =	sst s6  }
0xf: {  	[smem:$0x3FB1] =	sst s7  }
0x10: {  	[smem:$0x3FB2] =	sst s8  }
0x11: {  	[smem:$0x3FB3] =	sst s9;
	s0 =	simm.s32 @!p0 $0x0  }
0x12: {  	s1 =	sld [smem:$0x3F99];
	s0 =	simm.s32 @p0 $0x1  }
0x13: {  	[smem:$0x3FB4] =	sst s0;
	s0 =	simm.s32 @!p1 $0x0  }
0x14: {  	s2 =	sld [smem:$0x3F98];
	s0 =	simm.s32 @p1 $0x1  }
0x15: {  	[smem:$0x3FB5] =	sst s0;
	s0 =	simm.s32 @!p2 $0x0  }
0x16: {  	s3 =	sld [smem:$0x3FDB];
	s0 =	simm.s32 @p2 $0x1  }
0x17: {  	s4 =	simm.s32 $0x1BF5;
	[smem:$0x3FB7] =	sst s0  }
0x18: {  	s0 =	sld [smem:$0x3F9A];
	_ =	swait.ge [sflag:s4], $0x0  }
0x19: {  	s7 =	sld [smem:$0x3F9B]  }
0x1a: {  	s8 =	sadd.s32 $0xFFFFE003, lr  }
0x1b: {  	s9 =	sadd.s32 $0xFFFFFEF7, lr;
	s5 =	simm.s32 $0xFFFFFFFF;
	p2 =	slt.u32 s8, $0xFFFFF086  }
0x1c: {  	p1 =	slt.u32 s9, $0xF7A;
	s5 =	simm.s32 @!p2 $0x0  }
0x1d: {  	s5 =	simm.s32 @p1 $0x1;
	p0 =	seq.s32 s7, s2  }
0x1e: {  	s7 =	smul.u32 @!p0 $0xF7A, s2;
	p2 =	seq.s32 @!p0 s5, $0x0  }
0x1f: {  	s9 =	smul.u32 $0xF7A, s1;
	s8 =	simm.s32 @!p0 $0x1BF5;
	p2 =	por !p2, p0  }
0x20: {  	[sflag:s8] =	ssyncset.s32 @!p0 $0xFFFFF086;
	s6 =	sadd.s32 @!p0 s3, s7;
	s7 =	simm.s32 @!p0 $0x108  }
0x21: {  	s3 =	sadd.s32 s3, s9;
	s6 =	sadd.s32 @!p0 $0x88, s6;
	s7 =	simm.s32 @p2 $0x1082  }
0x22: {  	[simem:s7], [sflag:s8] =	dma.local @!p0 [hbm:s6], $0xF7A  }
0x23: {  	s9 =	sor.u32 $0xD0000000, s2;
	s6 =	simm.s32 $0x108;
	_ =	swait.ge @!p0 [sflag:s8], $0x0  }
0x24: {  	s3 =	sadd.s32 $0x88, s3;
	s6 =	simm.s32 @!p1 $0x1082;
	[sflag:s4] =	ssyncset.s32 $0xFFFFF086  }
0x25: {  	[simem:s6], [sflag:s4] =	dma.local [hbm:s3], $0xF7A  }
0x26: {  	[smem:$0x3F9B] =	sst s1;
	(tag) =	ssettag s2;
	_ =	strace s9  }
0x27: {  	s1 =	sld [smem:$0x3FAB]  }
0x28: {  	s2 =	sld [smem:$0x3FAC]  }
0x29: {  	s4 =	sld [smem:$0x3FAE]  }
0x2a: {  	p0 =	seq.s32 s5, $0x0;
	s5 =	sld [smem:$0x3FAF]  }
0x2b: {  	s6 =	sld [smem:$0x3FB0]  }
0x2c: {  	s7 =	sld [smem:$0x3FB1]  }
0x2d: {  	s3 =	simm.s32 $0x108;
	s8 =	sld [smem:$0x3FB2]  }
0x2e: {  	s3 =	simm.s32 @!p0 $0x1082;
	s9 =	sld [smem:$0x3FB3]  }
0x2f: {  	lr =	sadd.s32 s0, s3;
	s0 =	sld [smem:$0x3FAA]  }
0x30: {  	s3 =	sld [smem:$0x3FAD]  }
0x31: {  	[smem:$0x3FB6] =	sst s10  }
0x32: {  	s10 =	sld [smem:$0x3FB4];
	_ =	sdelay $0x3  }
0x33: {  	p0 =	seq.s32 s10, $0x1;
	s10 =	sld [smem:$0x3FB6];
	_ =	sdelay $0x3  }
0x34: {  	[smem:$0x3FB6] =	sst s10  }
0x35: {  	s10 =	sld [smem:$0x3FB5];
	_ =	sdelay $0x3  }
0x36: {  	p1 =	seq.s32 s10, $0x1;
	s10 =	sld [smem:$0x3FB6];
	_ =	sdelay $0x3  }
0x37: {  	[smem:$0x3FB6] =	sst s10  }
0x38: {  	s10 =	sld [smem:$0x3FB7]  }
0x39: {  	_ = 	snop;
	(pc) =	sbr.ind lr, $3  }
0x3a: {  	_ = 	snop  }
0x3b: {  	_ = 	snop  }
0x3c: {  	p2 =	seq.s32 s10, $0x1;
	s10 =	sld [smem:$0x3FB6]  }
0x3d: {  	_ =	shalt  }
0x3e: {  	_ =	shalt  }
0x3f: {  	_ =	shalt  }
0x40: {  	_ =	shalt  }
0x41: {  	_ =	shalt  }
0x42: {  	_ =	shalt  }
0x43: {  	_ =	shalt  }
0x44: {  	_ =	shalt  }
0x45: {  	_ =	shalt  }
0x46: {  	_ =	shalt  }
0x47: {  	_ =	shalt  }
0x48: {  	_ =	shalt  }
0x49: {  	_ =	shalt  }
0x4a: {  	_ =	shalt  }
0x4b: {  	_ =	shalt  }
0x4c: {  	_ =	shalt  }
0x4d: {  	_ =	shalt  }
0x4e: {  	_ =	shalt  }
0x4f: {  	_ =	shalt  }
0x50: {  	_ =	shalt  }
0x51: {  	_ =	shalt  }
0x52: {  	_ =	shalt  }
0x53: {  	_ =	shalt  }
0x54: {  	_ =	shalt  }
0x55: {  	_ =	shalt  }
0x56: {  	_ =	shalt  }
0x57: {  	_ =	shalt  }
0x58: {  	_ =	shalt  }
0x59: {  	_ =	shalt  }
0x5a: {  	_ =	shalt  }
0x5b: {  	_ =	shalt  }
0x5c: {  	_ =	shalt  }
0x5d: {  	_ =	shalt  }
0x5e: {  	_ =	shalt  }
0x5f: {  	_ =	shalt  }
0x60: {  	_ =	shalt  }
0x61: {  	_ =	shalt  }
0x62: {  	_ =	shalt  }
0x63: {  	_ =	shalt  }
0x64: {  	_ =	shalt  }
0x65: {  	_ =	shalt  }
0x66: {  	_ =	shalt  }
0x67: {  	_ =	shalt  }
0x68: {  	_ =	shalt  }
0x69: {  	_ =	shalt  }
0x6a: {  	_ =	shalt  }
0x6b: {  	_ =	shalt  }
0x6c: {  	_ =	shalt  }
0x6d: {  	_ =	shalt  }
0x6e: {  	_ =	shalt  }
0x6f: {  	_ =	shalt  }
0x70: {  	_ =	shalt  }
0x71: {  	_ =	shalt  }
0x72: {  	_ =	shalt  }
0x73: {  	_ =	shalt  }
0x74: {  	_ =	shalt  }
0x75: {  	_ =	shalt  }
0x76: {  	_ =	shalt  }
0x77: {  	_ =	shalt  }
0x78: {  	_ =	shalt  }
0x79: {  	_ =	shalt  }
0x7a: {  	_ =	shalt  }
0x7b: {  	_ =	shalt  }
0x7c: {  	_ =	shalt  }
0x7d: {  	_ =	shalt  }
0x7e: {  	_ =	shalt  }
0x7f: {  	_ =	shalt  }
0x80: {  	_ =	shalt  }
0x81: {  	_ =	shalt  }
0x82: {  	_ =	shalt  }
0x83: {  	_ =	shalt  }
0x84: {  	_ =	shalt  }
0x85: {  	_ =	shalt  }
0x86: {  	_ =	shalt  }
0x87: {  	_ =	shalt  }
.Lfunc_end0:
.L_simem_size_0:
called_computation.2_lowered:
.L_overlay_start_0:
0x88: {  	s2 =	sld [smem:$0x3FD9]  }
0x89: {  	s3 =	sld [smem:$0x3FFE];
	_ =	sdelay $0x1  }
0x8a: {  	s1 =	srdreg.scid  }
0x8b: {  	s0 =	sand.u32 $0x1, s1  }
0x8c: {  	s17 =	sshll.u32 s0, $0xA;
	s2 =	sadd.s32 s3, s2  }
0x8d: {  	s2 =	sadd.s32 s2, s17  }
0x8e: {  	[smem:$0x3FC2] =	sst s2  }
0x8f: {  	_ = 	snop  }
0x90: {  	s2 =	sld [smem:$0x3FD0];
	(tm) =	ssettm $0x1  }
0x91: {  	s18 =	sld [smem:$0x3FFB];
	_ =	sdelay $0x3  }
0x92: {  	_ =	strace s18  }
0x93: {  	s3 =	sld [smem:$0x3FFC];
	_ =	sdelay $0x3  }
0x94: {  	_ =	strace s3  }
0x95: {  	s3 =	sld [smem:$0x3FFD];
	_ =	sdelay $0x3  }
0x96: {  	_ =	strace s3  }
0x97: {  	_ =	strace $0x8FFFFFFF  }
0x98: {  	s19 =	sld [smem:$0x3FDB];
	_ =	sdelay $0x1  }
0x99: {  	s4 =	simm.s32 $_scs_section_size  }
0x9a: {  	s5 =	simm.s32 $_size__tile_overlayer_lowered;
	s6 =	simm.s32 $_tile_overlayer_lowered  }
0x9b: {  	s22 =	simm.s32 $0x1BFF;
	s21 =	sshll.u32 s6, $0x1;
	s3 =	sadd.s32 s4, s19  }
0x9c: {  	s7 =	simm.s32 $0x0;
	s20 =	sshll.u32 s5, $0x1;
	s5 =	sadd.s32 s21, s3  }
0x9d: {  	[timem:s7], [sflag:s22] =	dma.local [hbm:s5], s20  }
0x9e: {  	_ =	swait.ge [sflag:s22], s20  }
0x9f: {  	s4 =	ssub.s32 $0x0, s20;
	[sflag:s22] =	ssyncset.done $0x0  }
0xa0: {  	[sflag:s22] =	ssyncadd.s32 s4;
	_ =	sdelay $0x1  }
0xa1: {  	s23 =	simm.s32 $0x1B8B  }
0xa2: {  	_ =	swait.ge [sflag:s23], $0x1  }
0xa3: {  	[sflag:s23] =	ssyncset.done $0x0  }
0xa4: {  	s25 =	simm.s32 $0x1B8E;
	s24 =	sld [smem:$0x3FFE];
	[sflag:s23] =	ssyncadd.s32 $0xFFFFFFFF  }
0xa5: {  	s26 =	simm.s32 $execute0_lowered;
	[smem:$0x3FD2] =	sst s25  }
0xa6: {  	s5 =	sshll.u32 s26, $0x1;
	_ =	strace $0x8000004C;
	[dreg:$0x1] =	wrdreg $0xFFFFFFFF  }
0xa7: {  	s28 =	simm.s32 $_size_execute0_lowered;
	s3 =	sadd.s32 s3, s5;
	[dreg:$0x0] =	wrdreg $0x0  }
0xa8: {  	s5 =	sshll.u32 s28, $0x1;
	[dreg:$0x2] =	wrdreg s3  }
0xa9: {  	[dreg:$0x3] =	wrdreg s5  }
0xaa: {  	[dreg:$0x4] =	wrdreg $0xC0  }
0xab: {  	_ =	task [dreg:s7], $0x5FFFF  }
0xac: {  	[dreg:$0x1] =	wrdreg $0xFFFFFFFF  }
0xad: {  	[dreg:$0x0] =	wrdreg $0x60  }
0xae: {  	[dreg:$0x2] =	wrdreg s24  }
0xaf: {  	[dreg:$0x3] =	wrdreg s2  }
0xb0: {  	[dreg:$0x4] =	wrdreg $0xB8000  }
0xb1: {  	[dreg:$0x5] =	wrdreg $0xE0000  }
0xb2: {  	[dreg:$0x6] =	wrdreg $0x9  }
0xb3: {  	_ =	task.clear_ibuf [dreg:s7], $0x7FFFF;
	_ =	strace $0x9000004C  }
0xb4: {  	s29 =	simm.s32 $0x9;
	_ =	strace $0x8000004E  }
0xb5: {  	_ =	swait.ge [sflag:s29], $0x1  }
0xb6: {  	[sflag:s29] =	ssyncadd.s32 $0xFFFFFFFF  }
0xb7: {  	_ =	strace $0x9000004E  }
0xb8: {  	_ =	sfence  }
0xb9: {  	s30 =	sld [smem:$0x0];
	_ =	sdelay $0x2  }
0xba: {  	s31 =	sshll.u32 s1, $0xD;
	s1 =	sshrl.u32 s1, $0x2  }
0xbb: {  	s3 =	sand.u32 $0x4000, s31;
	s1 =	sadd.s32 s1, s30  }
0xbc: {  	s0 =	sor.u32 s3, s0;
	s1 =	sshll.u32 s1, $0x11  }
0xbd: {  	s0 =	sor.u32 s1, s0  }
0xbe: {  	s0 =	sadd.s32 $0x8F2B, s0  }
0xbf: {  	[sflag:s0] =	ssyncadd.remote.s32 $0x1  }
0xc0: {  	_ =	sfence.sel $0xFFFF  }
0xc1: {  	[dreg:$0x0] =	wrdreg $0xFFFFFFFF;
	(pc) =	sbr.abs _section_cstart, $3  }
0xc2: {  	[dreg:$0x1] =	wrdreg $0xFFFFFFFF  }
0xc3: {  	_ =	task.clear_ibuf [dreg:s7], $0x2FFFF;
	_ =	strace $0x9FFFFFFF  }
0xc4: {  	(tm) =	ssettm $0x7FFFFFFF  }
0xc5: {  	_ =	shalt  }
tec
execute0_lowered:
.L_overlay_start_1:
0x0: {  	(tag) =	ssettag $0x1  }
0x1: {  	s0 =	rddreg [dreg:$0x0]  }
0x2: {  	s1 =	rddreg [dreg:$0x1]  }
0x3: {  	s2 =	rddreg [dreg:$0x2]  }
0x4: {  	s3 =	rddreg [dreg:$0x3];
	s4 =	stileid.u32  }
0x5: {  	s5 =	srdreg.scid;
	s13 =	simm.s32 $0x0;
	s12 =	simm.s32 $0x11  }
0x6: {  	s16 =	simm.s32 $0x80;
	s17 =	simm.s32 $0x5000;
	s18 =	simm.s32 $0x5800  }
0x7: {  	s20 =	simm.s32 $0x6000;
	s30 =	simm.s32 $0x7800;
	s31 =	simm.s32 $0x3  }
0x8: {  	s19 =	simm.s32 $0x4;
	s28 =	simm.s32 $0x8800;
	s29 =	simm.s32 $0x5  }
0x9: {  	s15 =	simm.s32 $0xE;
	s14 =	simm.s32 $0x10;
	s6 =	smul.u32 $0x2800, s4  }
0xa: {  	s5 =	sand.u32 $0x1, s5;
	[smem:$0x7FF] =	sst s13;
	s25 =	sshll.u32 s4, $0x6  }
0xb: {  	s7 =	sshll.u32 s5, $0x4;
	s8 =	smul.u32 $0x28000, s5;
	_ =	strace $0x8000004D  }
0xc: {  	s5 =	ssub.s32 $0x2, s5;
	s9 =	sshrl.u32 s6, $0x3;
	s7 =	sor.u32 s4, s7  }
0xd: {  	s10 =	sshrl.u32 s5, $0x1;
	s21 =	sadd.s32 s6, s2;
	s7 =	smul.u32 $0x500, s7  }
0xe: {  	s8 =	sadd.s32 s6, s8;
	s9 =	sadd.s32 s9, s0;
	s5 =	ssub.s32 s5, s10  }
0xf: {  	[dreg:$0x6] =	wrdreg s21;
	s6 =	sadd.s32 s6, s3;
	s21 =	simm.s32 $0xA  }
0x10: {  	s10 =	simm.s32 $0xF;
	s8 =	sshrl.u32 s8, $0x3;
	s22 =	sadd.s32 $0xC000, s9  }
0x11: {  	s24 =	smax.u32 s5, $0x1;
	s26 =	sshrl.u32 s6, $0x3;
	s6 =	simm.s32 $0xB  }
0x12: {  	s9 =	simm.s32 $0xD;
	s11 =	sadd.s32 s7, s0;
	[dreg:$0x7] =	wrdreg s22  }
0x13: {  	s0 =	sadd.s32 s8, s0;
	s1 =	sadd.s32 s1, s7;
	[dreg:$0xb] =	wrdreg s24  }
0x14: {  	[dreg:$0xd] =	wrdreg s26;
	s22 =	simm.s32 $0x6800;
	s26 =	simm.s32 $0x2  }
0x15: {  	s24 =	simm.s32 $0x7;
	s7 =	simm.s32 $0x8;
	s8 =	simm.s32 $0xC  }
0x16: {  	s23 =	sadd.s32 $0x2000, s11;
	[dreg:$0x9] =	wrdreg s1;
	s0 =	sadd.s32 $0x11000, s0  }
0x17: {  	s11 =	simm.s32 $0x8000;
	s1 =	simm.s32 $0x6;
	[dreg:$0x8] =	wrdreg s23  }
0x18: {  	[dreg:$0xa] =	wrdreg s0;
	s0 =	sor.u32 $0x1C11, s25;
	s23 =	simm.s32 $0x1  }
0x19: {  	v0 =	vimm.f32 $0.0e+00;
	s25 =	simm.s32 $0x7000;
	[dreg:$0xc] =	wrdreg s0;
	s0 =	simm.s32 $0x9  }
.LBB2_1:
0x1a: {  	[dreg:$0x5] =	wrdreg s13;
	s5 =	simm.s32 $0x40;
	s13 =	simm.s32 $0x0  }
.LBB2_2:
0x1b: {  	p0 =	sne.s32 s5, $0x9FC0;
	[tilespmem:s13+$0x9000] =	vst v0;
	s13 =	smov.u32 s5;
	s5 =	sadd.s32 $0x40, s5  }
.Ltmp0:
0x1c: {  	(pc) =	sbr.rel @p0 .LBB2_2-.Ltmp0, $2  }
0x1d: {  	_ =	sdelay $0x2  }
0x1e: {  	s13 =	sshra.s32 s13, $0x2  }
0x1f: {  	[tilespmem:s13+$0x9000] =	vst v0;
	s4 =	rddreg [dreg:$0x6];
	s5 =	simm.s32 $0x9000  }
0x20: {  	[spmem:s4] =	stream.linear.scatter [tilespmem:s5], [sflag:$0x11], $0x2800, $0x38;
	[tilespmem:$0x10800] =	vst v63  }
0x21: {  	_ =	swait.ge [sflag:s12], $0x2800  }
0x22: {  	s4 =	rddreg [dreg:$0x7]  }
0x23: {  	[sflag:s12] =	ssyncset.done $0x0;
	s5 =	rddreg [dreg:$0xc]  }
0x24: {  	s13 =	rddreg [dreg:$0xd];
	[sflag:s12] =	ssyncadd.s32 $0xFFFFD800  }
0x25: {  	[spmem:s13], [sflag:s5] =	dma.local [hbm:s4], $0x500  }
0x26: {  	_ =	swait.ge [sflag:s12], $0x500  }
0x27: {  	[sflag:s12] =	ssyncset.done $0x0  }
0x28: {  	s5 =	simm.s32 $0x0;
	s13 =	rddreg [dreg:$0x8];
	[sflag:s12] =	ssyncadd.s32 $0xFFFFFB00  }
0x29: {  	[tilespmem:s5], [sflag:$0x11] =	stream.linear.gather [hbm4b:s13+s5], $0x2800, $0x38;
	[tilespmem:$0x10800] =	vst v63  }
0x2a: {  	_ =	swait.ge [sflag:s12], $0x2800  }
0x2b: {  	[sflag:s12] =	ssyncset.done $0x0  }
0x2c: {  	s13 =	simm.s32 $0x2800;
	s4 =	rddreg [dreg:$0x9];
	[sflag:s12] =	ssyncadd.s32 $0xFFFFD800  }
0x2d: {  	[tilespmem:s13], [sflag:$0x11] =	stream.linear.gather [hbm4b:s4+s5], $0x2800, $0x38;
	[tilespmem:$0x10800] =	vst v63  }
0x2e: {  	_ =	swait.ge [sflag:s12], $0x2800  }
0x2f: {  	[sflag:s12] =	ssyncset.done $0x0  }
0x30: {  	[sflag:s12] =	ssyncadd.s32 $0xFFFFD800  }
0x31: {  	[bflag:$0x0] =	sbarrier.arrive $0xFFFF  }
0x32: {  	[tilespmem:s17], [sflag:$0x1] =	stream.indirect.gather [spmem:s3], $0x10, s5, s16, $0xb8;
	[tilespmem:$0x10800] =	vst v63  }
0x33: {  	_ = 	snop  }
0x34: {  	[tilespmem:s18], [sflag:$0x2] =	stream.indirect.gather [spmem:s3], $0x10, s16, s16, $0xb8;
	[tilespmem:$0x10800] =	vst v63  }
0x35: {  	s5 =	simm.s32 $0x100  }
0x36: {  	[tilespmem:s20], [sflag:$0x3] =	stream.indirect.gather [spmem:s3], $0x10, s5, s16, $0xb8;
	[tilespmem:$0x10800] =	vst v63  }
0x37: {  	s5 =	simm.s32 $0x180  }
0x38: {  	[tilespmem:s22], [sflag:$0x4] =	stream.indirect.gather [spmem:s3], $0x10, s5, s16, $0xb8;
	[tilespmem:$0x10800] =	vst v63  }
0x39: {  	_ =	swait.ge [sflag:s23], $0x800  }
0x3a: {  	[sflag:s23] =	ssyncset.done $0x0  }
0x3b: {  	[sflag:s23] =	ssyncadd.s32 $0xFFFFF800  }
0x3c: {  	[spmem:s2] =	stream.indirect.scatter.add.f32 [tilespmem:s17], [sflag:$0x9], $0x10, s13, s16, $0xb8;
	[tilespmem:$0x10800] =	vst v63  }
0x3d: {  	s5 =	simm.s32 $0x200  }
0x3e: {  	[tilespmem:s25], [sflag:$0x5] =	stream.indirect.gather [spmem:s3], $0x10, s5, s16, $0xb8;
	[tilespmem:$0x10800] =	vst v63  }
0x3f: {  	_ =	swait.ge [sflag:s26], $0x800  }
0x40: {  	[sflag:s26] =	ssyncset.done $0x0  }
0x41: {  	s13 =	simm.s32 $0x2880;
	[sflag:s26] =	ssyncadd.s32 $0xFFFFF800  }
0x42: {  	[spmem:s2] =	stream.indirect.scatter.add.f32 [tilespmem:s18], [sflag:$0xA], $0x10, s13, s16, $0xb8;
	[tilespmem:$0x10800] =	vst v63  }
0x43: {  	s5 =	simm.s32 $0x280  }
0x44: {  	[tilespmem:s30], [sflag:$0x6] =	stream.indirect.gather [spmem:s3], $0x10, s5, s16, $0xb8;
	[tilespmem:$0x10800] =	vst v63  }
0x45: {  	_ =	swait.ge [sflag:s31], $0x800  }
0x46: {  	[sflag:s31] =	ssyncset.done $0x0  }
0x47: {  	s13 =	simm.s32 $0x2900;
	[sflag:s31] =	ssyncadd.s32 $0xFFFFF800  }
0x48: {  	[spmem:s2] =	stream.indirect.scatter.add.f32 [tilespmem:s20], [sflag:$0xB], $0x10, s13, s16, $0xb8;
	[tilespmem:$0x10800] =	vst v63  }
0x49: {  	s5 =	simm.s32 $0x300  }
0x4a: {  	[tilespmem:s11], [sflag:$0x7] =	stream.indirect.gather [spmem:s3], $0x10, s5, s16, $0xb8;
	[tilespmem:$0x10800] =	vst v63  }
0x4b: {  	_ =	swait.ge [sflag:s19], $0x800  }
0x4c: {  	[sflag:s19] =	ssyncset.done $0x0  }
0x4d: {  	s13 =	simm.s32 $0x2980;
	[sflag:s19] =	ssyncadd.s32 $0xFFFFF800  }
0x4e: {  	[spmem:s2] =	stream.indirect.scatter.add.f32 [tilespmem:s22], [sflag:$0xC], $0x10, s13, s16, $0xb8;
	[tilespmem:$0x10800] =	vst v63  }
0x4f: {  	s5 =	simm.s32 $0x380  }
0x50: {  	[tilespmem:s28], [sflag:$0x8] =	stream.indirect.gather [spmem:s3], $0x10, s5, s16, $0xb8;
	[tilespmem:$0x10800] =	vst v63  }
0x51: {  	_ =	swait.ge [sflag:s29], $0x800  }
0x52: {  	[sflag:s29] =	ssyncset.done $0x0  }
0x53: {  	s13 =	simm.s32 $0x2A00;
	[sflag:s29] =	ssyncadd.s32 $0xFFFFF800  }
0x54: {  	[spmem:s2] =	stream.indirect.scatter.add.f32 [tilespmem:s25], [sflag:$0xD], $0x10, s13, s16, $0xb8;
	[tilespmem:$0x10800] =	vst v63  }
0x55: {  	_ =	swait.ge [sflag:s0], $0x800  }
0x56: {  	[sflag:s0] =	ssyncset.done $0x0  }
0x57: {  	s4 =	simm.s32 $0x400;
	[sflag:s0] =	ssyncadd.s32 $0xFFFFF800  }
0x58: {  	[tilespmem:s17], [sflag:$0x1] =	stream.indirect.gather [spmem:s3], $0x10, s4, s16, $0xb8;
	[tilespmem:$0x10800] =	vst v63  }
0x59: {  	_ =	swait.ge [sflag:s1], $0x800  }
0x5a: {  	[sflag:s1] =	ssyncset.done $0x0  }
0x5b: {  	s13 =	simm.s32 $0x2A80;
	[sflag:s1] =	ssyncadd.s32 $0xFFFFF800  }
0x5c: {  	[spmem:s2] =	stream.indirect.scatter.add.f32 [tilespmem:s30], [sflag:$0xE], $0x10, s13, s16, $0xb8;
	[tilespmem:$0x10800] =	vst v63  }
0x5d: {  	_ =	swait.ge [sflag:s21], $0x800  }
0x5e: {  	[sflag:s21] =	ssyncset.done $0x0  }
0x5f: {  	s4 =	simm.s32 $0x480;
	[sflag:s21] =	ssyncadd.s32 $0xFFFFF800  }
0x60: {  	[tilespmem:s18], [sflag:$0x2] =	stream.indirect.gather [spmem:s3], $0x10, s4, s16, $0xb8;
	[tilespmem:$0x10800] =	vst v63  }
0x61: {  	_ =	swait.ge [sflag:s24], $0x800  }
0x62: {  	[sflag:s24] =	ssyncset.done $0x0  }
0x63: {  	s13 =	simm.s32 $0x2B00;
	[sflag:s24] =	ssyncadd.s32 $0xFFFFF800  }
0x64: {  	[spmem:s2] =	stream.indirect.scatter.add.f32 [tilespmem:s11], [sflag:$0xF], $0x10, s13, s16, $0xb8;
	[tilespmem:$0x10800] =	vst v63  }
0x65: {  	_ =	swait.ge [sflag:s6], $0x800  }
0x66: {  	[sflag:s6] =	ssyncset.done $0x0  }
0x67: {  	s4 =	simm.s32 $0x500;
	[sflag:s6] =	ssyncadd.s32 $0xFFFFF800  }
0x68: {  	[tilespmem:s20], [sflag:$0x3] =	stream.indirect.gather [spmem:s3], $0x10, s4, s16, $0xb8;
	[tilespmem:$0x10800] =	vst v63  }
0x69: {  	_ =	swait.ge [sflag:s7], $0x800  }
0x6a: {  	[sflag:s7] =	ssyncset.done $0x0  }
0x6b: {  	s13 =	simm.s32 $0x2B80;
	[sflag:s7] =	ssyncadd.s32 $0xFFFFF800  }
0x6c: {  	[spmem:s2] =	stream.indirect.scatter.add.f32 [tilespmem:s28], [sflag:$0x10], $0x10, s13, s16, $0xb8;
	[tilespmem:$0x10800] =	vst v63  }
0x6d: {  	_ =	swait.ge [sflag:s8], $0x800  }
0x6e: {  	[sflag:s8] =	ssyncset.done $0x0  }
0x6f: {  	s4 =	simm.s32 $0x580;
	[sflag:s8] =	ssyncadd.s32 $0xFFFFF800  }
0x70: {  	[tilespmem:s22], [sflag:$0x4] =	stream.indirect.gather [spmem:s3], $0x10, s4, s16, $0xb8;
	[tilespmem:$0x10800] =	vst v63  }
0x71: {  	_ =	swait.ge [sflag:s23], $0x800  }
0x72: {  	[sflag:s23] =	ssyncset.done $0x0  }
0x73: {  	s13 =	simm.s32 $0x2C00;
	[sflag:s23] =	ssyncadd.s32 $0xFFFFF800  }
0x74: {  	[spmem:s2] =	stream.indirect.scatter.add.f32 [tilespmem:s17], [sflag:$0x9], $0x10, s13, s16, $0xb8;
	[tilespmem:$0x10800] =	vst v63  }
0x75: {  	_ =	swait.ge [sflag:s9], $0x800  }
0x76: {  	[sflag:s9] =	ssyncset.done $0x0  }
0x77: {  	s4 =	simm.s32 $0x600;
	[sflag:s9] =	ssyncadd.s32 $0xFFFFF800  }
0x78: {  	[tilespmem:s25], [sflag:$0x5] =	stream.indirect.gather [spmem:s3], $0x10, s4, s16, $0xb8;
	[tilespmem:$0x10800] =	vst v63  }
0x79: {  	_ =	swait.ge [sflag:s26], $0x800  }
0x7a: {  	[sflag:s26] =	ssyncset.done $0x0  }
0x7b: {  	s13 =	simm.s32 $0x2C80;
	[sflag:s26] =	ssyncadd.s32 $0xFFFFF800  }
0x7c: {  	[spmem:s2] =	stream.indirect.scatter.add.f32 [tilespmem:s18], [sflag:$0xA], $0x10, s13, s16, $0xb8;
	[tilespmem:$0x10800] =	vst v63  }
0x7d: {  	_ =	swait.ge [sflag:s15], $0x800  }
0x7e: {  	[sflag:s15] =	ssyncset.done $0x0  }
0x7f: {  	s4 =	simm.s32 $0x680;
	[sflag:s15] =	ssyncadd.s32 $0xFFFFF800  }
0x80: {  	[tilespmem:s30], [sflag:$0x6] =	stream.indirect.gather [spmem:s3], $0x10, s4, s16, $0xb8;
	[tilespmem:$0x10800] =	vst v63  }
0x81: {  	_ =	swait.ge [sflag:s31], $0x800  }
0x82: {  	[sflag:s31] =	ssyncset.done $0x0  }
0x83: {  	s13 =	simm.s32 $0x2D00;
	[sflag:s31] =	ssyncadd.s32 $0xFFFFF800  }
0x84: {  	[spmem:s2] =	stream.indirect.scatter.add.f32 [tilespmem:s20], [sflag:$0xB], $0x10, s13, s16, $0xb8;
	[tilespmem:$0x10800] =	vst v63  }
0x85: {  	_ =	swait.ge [sflag:s10], $0x800  }
0x86: {  	[sflag:s10] =	ssyncset.done $0x0  }
0x87: {  	s4 =	simm.s32 $0x700;
	[sflag:s10] =	ssyncadd.s32 $0xFFFFF800  }
0x88: {  	[tilespmem:s11], [sflag:$0x7] =	stream.indirect.gather [spmem:s3], $0x10, s4, s16, $0xb8;
	[tilespmem:$0x10800] =	vst v63  }
0x89: {  	_ =	swait.ge [sflag:s19], $0x800  }
0x8a: {  	[sflag:s19] =	ssyncset.done $0x0  }
0x8b: {  	s13 =	simm.s32 $0x2D80;
	[sflag:s19] =	ssyncadd.s32 $0xFFFFF800  }
0x8c: {  	[spmem:s2] =	stream.indirect.scatter.add.f32 [tilespmem:s22], [sflag:$0xC], $0x10, s13, s16, $0xb8;
	[tilespmem:$0x10800] =	vst v63  }
0x8d: {  	_ =	swait.ge [sflag:s14], $0x800  }
0x8e: {  	[sflag:s14] =	ssyncset.done $0x0  }
0x8f: {  	s5 =	simm.s32 $0x1000;
	s13 =	simm.s32 $0x780;
	[sflag:s14] =	ssyncadd.s32 $0xFFFFF800  }
.LBB2_4:
0x90: {  	[tilespmem:s28], [sflag:$0x8] =	stream.indirect.gather [spmem:s3], $0x10, s13, s16, $0xb8;
	[tilespmem:$0x10800] =	vst v63  }
0x91: {  	s13 =	smov.u32 s5  }
0x92: {  	p0 =	sne.s32 s5, $0x8000;
	s5 =	sadd.s32 $0x1000, s5;
	_ =	swait.ge [sflag:s29], $0x800  }
0x93: {  	s13 =	sshra.s32 s13, $0x2;
	[sflag:s29] =	ssyncset.done $0x0  }
0x94: {  	s4 =	sadd.s32 $0x2A00, s13;
	[sflag:s29] =	ssyncadd.s32 $0xFFFFF800  }
0x95: {  	[spmem:s2] =	stream.indirect.scatter.add.f32 [tilespmem:s25], [sflag:$0xD], $0x10, s4, s16, $0xb8;
	[tilespmem:$0x10800] =	vst v63  }
0x96: {  	_ =	swait.ge [sflag:s0], $0x800  }
0x97: {  	[sflag:s0] =	ssyncset.done $0x0  }
0x98: {  	s4 =	sadd.s32 $0x400, s13;
	[sflag:s0] =	ssyncadd.s32 $0xFFFFF800  }
0x99: {  	[tilespmem:s17], [sflag:$0x1] =	stream.indirect.gather [spmem:s3], $0x10, s4, s16, $0xb8;
	[tilespmem:$0x10800] =	vst v63  }
0x9a: {  	_ =	swait.ge [sflag:s1], $0x800  }
0x9b: {  	[sflag:s1] =	ssyncset.done $0x0  }
0x9c: {  	s4 =	sadd.s32 $0x2A80, s13;
	[sflag:s1] =	ssyncadd.s32 $0xFFFFF800  }
0x9d: {  	[spmem:s2] =	stream.indirect.scatter.add.f32 [tilespmem:s30], [sflag:$0xE], $0x10, s4, s16, $0xb8;
	[tilespmem:$0x10800] =	vst v63  }
0x9e: {  	_ =	swait.ge [sflag:s21], $0x800  }
0x9f: {  	[sflag:s21] =	ssyncset.done $0x0  }
0xa0: {  	s4 =	sadd.s32 $0x480, s13;
	[sflag:s21] =	ssyncadd.s32 $0xFFFFF800  }
0xa1: {  	[tilespmem:s18], [sflag:$0x2] =	stream.indirect.gather [spmem:s3], $0x10, s4, s16, $0xb8;
	[tilespmem:$0x10800] =	vst v63  }
0xa2: {  	_ =	swait.ge [sflag:s24], $0x800  }
0xa3: {  	[sflag:s24] =	ssyncset.done $0x0  }
0xa4: {  	s4 =	sadd.s32 $0x2B00, s13;
	[sflag:s24] =	ssyncadd.s32 $0xFFFFF800  }
0xa5: {  	[spmem:s2] =	stream.indirect.scatter.add.f32 [tilespmem:s11], [sflag:$0xF], $0x10, s4, s16, $0xb8;
	[tilespmem:$0x10800] =	vst v63  }
0xa6: {  	_ =	swait.ge [sflag:s6], $0x800  }
0xa7: {  	[sflag:s6] =	ssyncset.done $0x0  }
0xa8: {  	s4 =	sadd.s32 $0x500, s13;
	[sflag:s6] =	ssyncadd.s32 $0xFFFFF800  }
0xa9: {  	[tilespmem:s20], [sflag:$0x3] =	stream.indirect.gather [spmem:s3], $0x10, s4, s16, $0xb8;
	[tilespmem:$0x10800] =	vst v63  }
0xaa: {  	_ =	swait.ge [sflag:s7], $0x800  }
0xab: {  	[sflag:s7] =	ssyncset.done $0x0  }
0xac: {  	s4 =	sadd.s32 $0x2B80, s13;
	[sflag:s7] =	ssyncadd.s32 $0xFFFFF800  }
0xad: {  	[spmem:s2] =	stream.indirect.scatter.add.f32 [tilespmem:s28], [sflag:$0x10], $0x10, s4, s16, $0xb8;
	[tilespmem:$0x10800] =	vst v63  }
0xae: {  	_ =	swait.ge [sflag:s8], $0x800  }
0xaf: {  	[sflag:s8] =	ssyncset.done $0x0  }
0xb0: {  	s4 =	sadd.s32 $0x580, s13;
	[sflag:s8] =	ssyncadd.s32 $0xFFFFF800  }
0xb1: {  	[tilespmem:s22], [sflag:$0x4] =	stream.indirect.gather [spmem:s3], $0x10, s4, s16, $0xb8;
	[tilespmem:$0x10800] =	vst v63  }
0xb2: {  	_ =	swait.ge [sflag:s23], $0x800  }
0xb3: {  	[sflag:s23] =	ssyncset.done $0x0  }
0xb4: {  	s4 =	sadd.s32 $0x2C00, s13;
	[sflag:s23] =	ssyncadd.s32 $0xFFFFF800  }
0xb5: {  	[spmem:s2] =	stream.indirect.scatter.add.f32 [tilespmem:s17], [sflag:$0x9], $0x10, s4, s16, $0xb8;
	[tilespmem:$0x10800] =	vst v63  }
0xb6: {  	_ =	swait.ge [sflag:s9], $0x800  }
0xb7: {  	[sflag:s9] =	ssyncset.done $0x0  }
0xb8: {  	s4 =	sadd.s32 $0x600, s13;
	[sflag:s9] =	ssyncadd.s32 $0xFFFFF800  }
0xb9: {  	[tilespmem:s25], [sflag:$0x5] =	stream.indirect.gather [spmem:s3], $0x10, s4, s16, $0xb8;
	[tilespmem:$0x10800] =	vst v63  }
0xba: {  	_ =	swait.ge [sflag:s26], $0x800  }
0xbb: {  	[sflag:s26] =	ssyncset.done $0x0  }
0xbc: {  	s4 =	sadd.s32 $0x2C80, s13;
	[sflag:s26] =	ssyncadd.s32 $0xFFFFF800  }
0xbd: {  	[spmem:s2] =	stream.indirect.scatter.add.f32 [tilespmem:s18], [sflag:$0xA], $0x10, s4, s16, $0xb8;
	[tilespmem:$0x10800] =	vst v63  }
0xbe: {  	_ =	swait.ge [sflag:s15], $0x800  }
0xbf: {  	[sflag:s15] =	ssyncset.done $0x0  }
0xc0: {  	s4 =	sadd.s32 $0x680, s13;
	[sflag:s15] =	ssyncadd.s32 $0xFFFFF800  }
0xc1: {  	[tilespmem:s30], [sflag:$0x6] =	stream.indirect.gather [spmem:s3], $0x10, s4, s16, $0xb8;
	[tilespmem:$0x10800] =	vst v63  }
0xc2: {  	_ =	swait.ge [sflag:s31], $0x800  }
0xc3: {  	[sflag:s31] =	ssyncset.done $0x0  }
0xc4: {  	s4 =	sadd.s32 $0x2D00, s13;
	[sflag:s31] =	ssyncadd.s32 $0xFFFFF800  }
0xc5: {  	[spmem:s2] =	stream.indirect.scatter.add.f32 [tilespmem:s20], [sflag:$0xB], $0x10, s4, s16, $0xb8;
	[tilespmem:$0x10800] =	vst v63  }
0xc6: {  	_ =	swait.ge [sflag:s10], $0x800  }
0xc7: {  	[sflag:s10] =	ssyncset.done $0x0  }
0xc8: {  	s4 =	sadd.s32 $0x700, s13;
	[sflag:s10] =	ssyncadd.s32 $0xFFFFF800  }
0xc9: {  	[tilespmem:s11], [sflag:$0x7] =	stream.indirect.gather [spmem:s3], $0x10, s4, s16, $0xb8;
	[tilespmem:$0x10800] =	vst v63  }
0xca: {  	_ =	swait.ge [sflag:s19], $0x800  }
0xcb: {  	[sflag:s19] =	ssyncset.done $0x0  }
.Ltmp1:
0xcc: {  	s4 =	sadd.s32 $0x2D80, s13;
	[sflag:s19] =	ssyncadd.s32 $0xFFFFF800;
	(pc) =	sbr.rel @p0 .LBB2_4-.Ltmp1, $4  }
0xcd: {  	[spmem:s2] =	stream.indirect.scatter.add.f32 [tilespmem:s22], [sflag:$0xC], $0x10, s4, s16, $0xb8;
	[tilespmem:$0x10800] =	vst v63  }
0xce: {  	_ =	swait.ge [sflag:s14], $0x800  }
0xcf: {  	[sflag:s14] =	ssyncset.done $0x0  }
0xd0: {  	s13 =	sadd.s32 $0x780, s13;
	[sflag:s14] =	ssyncadd.s32 $0xFFFFF800  }
0xd1: {  	[tilespmem:s28], [sflag:$0x8] =	stream.indirect.gather [spmem:s3], $0x10, s13, s16, $0xb8;
	[tilespmem:$0x10800] =	vst v63  }
0xd2: {  	_ =	swait.ge [sflag:s29], $0x800  }
0xd3: {  	[sflag:s29] =	ssyncset.done $0x0  }
0xd4: {  	s4 =	simm.s32 $0x4E00;
	[sflag:s29] =	ssyncadd.s32 $0xFFFFF800  }
0xd5: {  	[spmem:s2] =	stream.indirect.scatter.add.f32 [tilespmem:s25], [sflag:$0xD], $0x10, s4, s16, $0xb8;
	[tilespmem:$0x10800] =	vst v63  }
0xd6: {  	_ =	swait.ge [sflag:s1], $0x800  }
0xd7: {  	[sflag:s1] =	ssyncset.done $0x0  }
0xd8: {  	s5 =	simm.s32 $0x4E80;
	[sflag:s1] =	ssyncadd.s32 $0xFFFFF800  }
0xd9: {  	[spmem:s2] =	stream.indirect.scatter.add.f32 [tilespmem:s30], [sflag:$0xE], $0x10, s5, s16, $0xb8;
	[tilespmem:$0x10800] =	vst v63  }
0xda: {  	_ =	swait.ge [sflag:s24], $0x800  }
0xdb: {  	[sflag:s24] =	ssyncset.done $0x0  }
0xdc: {  	s13 =	simm.s32 $0x4F00;
	[sflag:s24] =	ssyncadd.s32 $0xFFFFF800  }
0xdd: {  	[spmem:s2] =	stream.indirect.scatter.add.f32 [tilespmem:s11], [sflag:$0xF], $0x10, s13, s16, $0xb8;
	[tilespmem:$0x10800] =	vst v63  }
0xde: {  	_ =	swait.ge [sflag:s7], $0x800  }
0xdf: {  	[sflag:s7] =	ssyncset.done $0x0  }
0xe0: {  	s5 =	simm.s32 $0x4F80;
	[sflag:s7] =	ssyncadd.s32 $0xFFFFF800  }
0xe1: {  	[spmem:s2] =	stream.indirect.scatter.add.f32 [tilespmem:s28], [sflag:$0x10], $0x10, s5, s16, $0xb8;
	[tilespmem:$0x10800] =	vst v63  }
0xe2: {  	_ =	swait.ge [sflag:s0], $0x800  }
0xe3: {  	[sflag:s0] =	ssyncset.done $0x0  }
0xe4: {  	[sflag:s0] =	ssyncadd.s32 $0xFFFFF800  }
0xe5: {  	_ =	swait.ge [sflag:s21], $0x800  }
0xe6: {  	[sflag:s21] =	ssyncset.done $0x0  }
0xe7: {  	[sflag:s21] =	ssyncadd.s32 $0xFFFFF800  }
0xe8: {  	_ =	swait.ge [sflag:s6], $0x800  }
0xe9: {  	[sflag:s6] =	ssyncset.done $0x0  }
0xea: {  	[sflag:s6] =	ssyncadd.s32 $0xFFFFF800  }
0xeb: {  	_ =	swait.ge [sflag:s8], $0x800  }
0xec: {  	[sflag:s8] =	ssyncset.done $0x0  }
0xed: {  	[sflag:s8] =	ssyncadd.s32 $0xFFFFF800  }
0xee: {  	_ =	swait.ge [sflag:s9], $0x800  }
0xef: {  	[sflag:s9] =	ssyncset.done $0x0  }
0xf0: {  	[sflag:s9] =	ssyncadd.s32 $0xFFFFF800  }
0xf1: {  	_ =	swait.ge [sflag:s15], $0x800  }
0xf2: {  	[sflag:s15] =	ssyncset.done $0x0  }
0xf3: {  	[sflag:s15] =	ssyncadd.s32 $0xFFFFF800  }
0xf4: {  	_ =	swait.ge [sflag:s10], $0x800  }
0xf5: {  	[sflag:s10] =	ssyncset.done $0x0  }
0xf6: {  	[sflag:s10] =	ssyncadd.s32 $0xFFFFF800  }
0xf7: {  	_ =	swait.ge [sflag:s14], $0x800  }
0xf8: {  	[sflag:s14] =	ssyncset.done $0x0  }
0xf9: {  	[sflag:s14] =	ssyncadd.s32 $0xFFFFF800  }
0xfa: {  	[bflag:$0x0] =	sbarrier.arrive $0xFFFF  }
0xfb: {  	s13 =	rddreg [dreg:$0x6]  }
0xfc: {  	s5 =	rddreg [dreg:$0xa]  }
0xfd: {  	s4 =	sshrl.u32 s13, $0x3;
	s13 =	rddreg [dreg:$0xc]  }
0xfe: {  	[hbm:s5], [sflag:s13] =	dma.local [spmem:s4], $0x500  }
0xff: {  	_ =	swait.ge [sflag:s12], $0x500  }
0x100: {  	s4 =	rddreg [dreg:$0x5]  }
0x101: {  	s5 =	rddreg [dreg:$0xb];
	s13 =	sadd.s32 $0x1, s4  }
0x102: {  	p0 =	sne.s32 s13, s5  }
.Ltmp2:
0x103: {  	_ = 	snop;
	(pc) =	sbr.rel @p0 .LBB2_1-.Ltmp2, $3  }
0x104: {  	_ =	sdelay $0x1  }
0x105: {  	[sflag:s12] =	ssyncset.done $0x0  }
0x106: {  	[sflag:s12] =	ssyncadd.s32 $0xFFFFFB00  }
0x107: {  	_ =	sfence.sel $0x180000  }
0x108: {  	[bflag:$0x0] =	sbarrier.arrive $0xFFFF  }
0x109: {  	_ =	strace $0x9000004D  }
0x10a: {  	s0 =	stileid.u32;
	[bflag:$0x2] =	sbarrier.arrive $0xFFFF  }
0x10b: {  	p0 =	sne.s32 s0, $0x0;
	s0 =	rddreg [dreg:$0x4]  }
0x10c: {  	s0 =	sadd.s32 @!p0 $0x100000, s0  }
0x10d: {  	[sflag:s0] =	ssyncadd.tile.s32 @!p0 $0x1;
	_ =	shalt  }
.Lfunc_end2:
_tile_overlayer_lowered:
.L_overlay_start_2:
0x10e: {  	(tag) =	ssettag $0x2  }
0x10f: {  	s0 =	rddreg [dreg:$0x0];
	s2 =	stileid.u32  }
0x110: {  	s1 =	rddreg [dreg:$0x1];
	p0 =	sne.s32 s2, $0x0  }
0x111: {  	s3 =	rddreg [dreg:$0x2];
	[bflag:$0x3] =	sbarrier.arrive $0xFFFF;
	s2 =	simm.s32 @!p0 $0x1C11  }
0x112: {  	[timem:s3], [sflag:s2] =	dma.local @!p0 [hbm:s0], s1  }
0x113: {  	s0 =	simm.s32 @!p0 $0x11  }
0x114: {  	_ =	swait.ge @!p0 [sflag:s0], s1  }
0x115: {  	s1 =	ssub.s32 @!p0 $0x0, s1;
	[sflag:s0] =	ssyncset.done @!p0 $0x0  }
0x116: {  	[sflag:s0] =	ssyncadd.s32 @!p0 s1  }
0x117: {  	[bflag:$0x3] =	sbarrier.arrive $0xFFFF  }
0x118: {  	_ =	shalt  }

// kernel: kernel.9.cloned.1.call-start
scs
__scs_entry_jumppad:
0x0: {  	(pc) =	sbr.rel $0x88, $3  }
0x1: {  	(tag) =	ssettag $0x0;
	lr =	simm.s32 $0x1  }
0x2: {  	[smem:$0x3F9B] =	sst lr;
	_ =	strace $0xD0000000  }
0x3: {  	_ = 	snop  }
0x4: {  	_ = 	snop  }
0x5: {  	_ = 	snop  }
0x6: {  	_ = 	snop  }
0x7: {  	_ = 	snop  }
__scs_overlays_trampoline_lowered:
0x8: {  	[smem:$0x3FAA] =	sst s0  }
0x9: {  	[smem:$0x3FAB] =	sst s1  }
0xa: {  	[smem:$0x3FAC] =	sst s2  }
0xb: {  	[smem:$0x3FAD] =	sst s3  }
0xc: {  	[smem:$0x3FAE] =	sst s4  }
0xd: {  	[smem:$0x3FAF] =	sst s5  }
0xe: {  	[smem:$0x3FB0] =	sst s6  }
0xf: {  	[smem:$0x3FB1] =	sst s7  }
0x10: {  	[smem:$0x3FB2] =	sst s8  }
0x11: {  	[smem:$0x3FB3] =	sst s9;
	s0 =	simm.s32 @!p0 $0x0  }
0x12: {  	s1 =	sld [smem:$0x3F99];
	s0 =	simm.s32 @p0 $0x1  }
0x13: {  	[smem:$0x3FB4] =	sst s0;
	s0 =	simm.s32 @!p1 $0x0  }
0x14: {  	s2 =	sld [smem:$0x3F98];
	s0 =	simm.s32 @p1 $0x1  }
0x15: {  	[smem:$0x3FB5] =	sst s0;
	s0 =	simm.s32 @!p2 $0x0  }
0x16: {  	s3 =	sld [smem:$0x3FDB];
	s0 =	simm.s32 @p2 $0x1  }
0x17: {  	s4 =	simm.s32 $0x1BF5;
	[smem:$0x3FB7] =	sst s0  }
0x18: {  	s0 =	sld [smem:$0x3F9A];
	_ =	swait.ge [sflag:s4], $0x0  }
0x19: {  	s7 =	sld [smem:$0x3F9B]  }
0x1a: {  	s8 =	sadd.s32 $0xFFFFE003, lr  }
0x1b: {  	s9 =	sadd.s32 $0xFFFFFEF7, lr;
	s5 =	simm.s32 $0xFFFFFFFF;
	p2 =	slt.u32 s8, $0xFFFFF086  }
0x1c: {  	p1 =	slt.u32 s9, $0xF7A;
	s5 =	simm.s32 @!p2 $0x0  }
0x1d: {  	s5 =	simm.s32 @p1 $0x1;
	p0 =	seq.s32 s7, s2  }
0x1e: {  	s7 =	smul.u32 @!p0 $0xF7A, s2;
	p2 =	seq.s32 @!p0 s5, $0x0  }
0x1f: {  	s9 =	smul.u32 $0xF7A, s1;
	s8 =	simm.s32 @!p0 $0x1BF5;
	p2 =	por !p2, p0  }
0x20: {  	[sflag:s8] =	ssyncset.s32 @!p0 $0xFFFFF086;
	s6 =	sadd.s32 @!p0 s3, s7;
	s7 =	simm.s32 @!p0 $0x108  }
0x21: {  	s3 =	sadd.s32 s3, s9;
	s6 =	sadd.s32 @!p0 $0x88, s6;
	s7 =	simm.s32 @p2 $0x1082  }
0x22: {  	[simem:s7], [sflag:s8] =	dma.local @!p0 [hbm:s6], $0xF7A  }
0x23: {  	s9 =	sor.u32 $0xD0000000, s2;
	s6 =	simm.s32 $0x108;
	_ =	swait.ge @!p0 [sflag:s8], $0x0  }
0x24: {  	s3 =	sadd.s32 $0x88, s3;
	s6 =	simm.s32 @!p1 $0x1082;
	[sflag:s4] =	ssyncset.s32 $0xFFFFF086  }
0x25: {  	[simem:s6], [sflag:s4] =	dma.local [hbm:s3], $0xF7A  }
0x26: {  	[smem:$0x3F9B] =	sst s1;
	(tag) =	ssettag s2;
	_ =	strace s9  }
0x27: {  	s1 =	sld [smem:$0x3FAB]  }
0x28: {  	s2 =	sld [smem:$0x3FAC]  }
0x29: {  	s4 =	sld [smem:$0x3FAE]  }
0x2a: {  	p0 =	seq.s32 s5, $0x0;
	s5 =	sld [smem:$0x3FAF]  }
0x2b: {  	s6 =	sld [smem:$0x3FB0]  }
0x2c: {  	s7 =	sld [smem:$0x3FB1]  }
0x2d: {  	s3 =	simm.s32 $0x108;
	s8 =	sld [smem:$0x3FB2]  }
0x2e: {  	s3 =	simm.s32 @!p0 $0x1082;
	s9 =	sld [smem:$0x3FB3]  }
0x2f: {  	lr =	sadd.s32 s0, s3;
	s0 =	sld [smem:$0x3FAA]  }
0x30: {  	s3 =	sld [smem:$0x3FAD]  }
0x31: {  	[smem:$0x3FB6] =	sst s10  }
0x32: {  	s10 =	sld [smem:$0x3FB4];
	_ =	sdelay $0x3  }
0x33: {  	p0 =	seq.s32 s10, $0x1;
	s10 =	sld [smem:$0x3FB6];
	_ =	sdelay $0x3  }
0x34: {  	[smem:$0x3FB6] =	sst s10  }
0x35: {  	s10 =	sld [smem:$0x3FB5];
	_ =	sdelay $0x3  }
0x36: {  	p1 =	seq.s32 s10, $0x1;
	s10 =	sld [smem:$0x3FB6];
	_ =	sdelay $0x3  }
0x37: {  	[smem:$0x3FB6] =	sst s10  }
0x38: {  	s10 =	sld [smem:$0x3FB7]  }
0x39: {  	_ = 	snop;
	(pc) =	sbr.ind lr, $3  }
0x3a: {  	_ = 	snop  }
0x3b: {  	_ = 	snop  }
0x3c: {  	p2 =	seq.s32 s10, $0x1;
	s10 =	sld [smem:$0x3FB6]  }
0x3d: {  	_ =	shalt  }
0x3e: {  	_ =	shalt  }
0x3f: {  	_ =	shalt  }
0x40: {  	_ =	shalt  }
0x41: {  	_ =	shalt  }
0x42: {  	_ =	shalt  }
0x43: {  	_ =	shalt  }
0x44: {  	_ =	shalt  }
0x45: {  	_ =	shalt  }
0x46: {  	_ =	shalt  }
0x47: {  	_ =	shalt  }
0x48: {  	_ =	shalt  }
0x49: {  	_ =	shalt  }
0x4a: {  	_ =	shalt  }
0x4b: {  	_ =	shalt  }
0x4c: {  	_ =	shalt  }
0x4d: {  	_ =	shalt  }
0x4e: {  	_ =	shalt  }
0x4f: {  	_ =	shalt  }
0x50: {  	_ =	shalt  }
0x51: {  	_ =	shalt  }
0x52: {  	_ =	shalt  }
0x53: {  	_ =	shalt  }
0x54: {  	_ =	shalt  }
0x55: {  	_ =	shalt  }
0x56: {  	_ =	shalt  }
0x57: {  	_ =	shalt  }
0x58: {  	_ =	shalt  }
0x59: {  	_ =	shalt  }
0x5a: {  	_ =	shalt  }
0x5b: {  	_ =	shalt  }
0x5c: {  	_ =	shalt  }
0x5d: {  	_ =	shalt  }
0x5e: {  	_ =	shalt  }
0x5f: {  	_ =	shalt  }
0x60: {  	_ =	shalt  }
0x61: {  	_ =	shalt  }
0x62: {  	_ =	shalt  }
0x63: {  	_ =	shalt  }
0x64: {  	_ =	shalt  }
0x65: {  	_ =	shalt  }
0x66: {  	_ =	shalt  }
0x67: {  	_ =	shalt  }
0x68: {  	_ =	shalt  }
0x69: {  	_ =	shalt  }
0x6a: {  	_ =	shalt  }
0x6b: {  	_ =	shalt  }
0x6c: {  	_ =	shalt  }
0x6d: {  	_ =	shalt  }
0x6e: {  	_ =	shalt  }
0x6f: {  	_ =	shalt  }
0x70: {  	_ =	shalt  }
0x71: {  	_ =	shalt  }
0x72: {  	_ =	shalt  }
0x73: {  	_ =	shalt  }
0x74: {  	_ =	shalt  }
0x75: {  	_ =	shalt  }
0x76: {  	_ =	shalt  }
0x77: {  	_ =	shalt  }
0x78: {  	_ =	shalt  }
0x79: {  	_ =	shalt  }
0x7a: {  	_ =	shalt  }
0x7b: {  	_ =	shalt  }
0x7c: {  	_ =	shalt  }
0x7d: {  	_ =	shalt  }
0x7e: {  	_ =	shalt  }
0x7f: {  	_ =	shalt  }
0x80: {  	_ =	shalt  }
0x81: {  	_ =	shalt  }
0x82: {  	_ =	shalt  }
0x83: {  	_ =	shalt  }
0x84: {  	_ =	shalt  }
0x85: {  	_ =	shalt  }
0x86: {  	_ =	shalt  }
0x87: {  	_ =	shalt  }
.Lfunc_end0:
.L_simem_size_0:
called_computation_lowered:
.L_overlay_start_0:
0x88: {  	s2 =	sld [smem:$0x3FD9]  }
0x89: {  	s3 =	sld [smem:$0x3FFE];
	_ =	sdelay $0x1  }
0x8a: {  	s1 =	srdreg.scid  }
0x8b: {  	s0 =	sand.u32 $0x1, s1  }
0x8c: {  	s17 =	sshll.u32 s0, $0xA;
	s2 =	sadd.s32 s3, s2  }
0x8d: {  	s2 =	sadd.s32 s2, s17  }
0x8e: {  	[smem:$0x3FC2] =	sst s2  }
0x8f: {  	_ = 	snop  }
0x90: {  	s2 =	sld [smem:$0x3FD0];
	(tm) =	ssettm $0x1  }
0x91: {  	s18 =	sld [smem:$0x3FFB];
	_ =	sdelay $0x3  }
0x92: {  	_ =	strace s18  }
0x93: {  	s3 =	sld [smem:$0x3FFC];
	_ =	sdelay $0x3  }
0x94: {  	_ =	strace s3  }
0x95: {  	s3 =	sld [smem:$0x3FFD];
	_ =	sdelay $0x3  }
0x96: {  	_ =	strace s3  }
0x97: {  	_ =	strace $0x8FFFFFFF  }
0x98: {  	s19 =	sld [smem:$0x3FDB];
	_ =	sdelay $0x1  }
0x99: {  	s4 =	simm.s32 $_scs_section_size  }
0x9a: {  	s5 =	simm.s32 $_size__tile_overlayer_lowered;
	s6 =	simm.s32 $_tile_overlayer_lowered  }
0x9b: {  	s22 =	simm.s32 $0x1BFF;
	s21 =	sshll.u32 s6, $0x1;
	s3 =	sadd.s32 s4, s19  }
0x9c: {  	s7 =	simm.s32 $0x0;
	s20 =	sshll.u32 s5, $0x1;
	s5 =	sadd.s32 s21, s3  }
0x9d: {  	[timem:s7], [sflag:s22] =	dma.local [hbm:s5], s20  }
0x9e: {  	_ =	swait.ge [sflag:s22], s20  }
0x9f: {  	s4 =	ssub.s32 $0x0, s20;
	[sflag:s22] =	ssyncset.done $0x0  }
0xa0: {  	[sflag:s22] =	ssyncadd.s32 s4;
	_ =	sdelay $0x1  }
0xa1: {  	s23 =	simm.s32 $0x1B8B  }
0xa2: {  	_ =	swait.ge [sflag:s23], $0x1  }
0xa3: {  	[sflag:s23] =	ssyncset.done $0x0  }
0xa4: {  	s25 =	simm.s32 $0x1B8E;
	s24 =	sld [smem:$0x3FFE];
	[sflag:s23] =	ssyncadd.s32 $0xFFFFFFFF  }
0xa5: {  	s26 =	simm.s32 $execute0_lowered;
	[smem:$0x3FD2] =	sst s25  }
0xa6: {  	s5 =	sshll.u32 s26, $0x1;
	_ =	strace $0x80000046;
	[dreg:$0x1] =	wrdreg $0xFFFFFFFF  }
0xa7: {  	s28 =	simm.s32 $_size_execute0_lowered;
	s3 =	sadd.s32 s3, s5;
	[dreg:$0x0] =	wrdreg $0x0  }
0xa8: {  	s5 =	sshll.u32 s28, $0x1;
	[dreg:$0x2] =	wrdreg s3  }
0xa9: {  	[dreg:$0x3] =	wrdreg s5  }
0xaa: {  	[dreg:$0x4] =	wrdreg $0xC0  }
0xab: {  	_ =	task [dreg:s7], $0x5FFFF  }
0xac: {  	[dreg:$0x1] =	wrdreg $0xFFFFFFFF  }
0xad: {  	[dreg:$0x0] =	wrdreg $0x60  }
0xae: {  	[dreg:$0x2] =	wrdreg s2  }
0xaf: {  	[dreg:$0x3] =	wrdreg s24  }
0xb0: {  	[dreg:$0x4] =	wrdreg $0x2B000  }
0xb1: {  	[dreg:$0x5] =	wrdreg $0x9  }
0xb2: {  	_ =	task.clear_ibuf [dreg:s7], $0x6FFFF;
	_ =	strace $0x90000046  }
0xb3: {  	s29 =	simm.s32 $0x9;
	_ =	strace $0x80000048  }
0xb4: {  	_ =	swait.ge [sflag:s29], $0x1  }
0xb5: {  	[sflag:s29] =	ssyncadd.s32 $0xFFFFFFFF  }
0xb6: {  	_ =	strace $0x90000048  }
0xb7: {  	_ =	sfence  }
0xb8: {  	s30 =	sld [smem:$0x0];
	_ =	sdelay $0x2  }
0xb9: {  	s31 =	sshll.u32 s1, $0xD;
	s1 =	sshrl.u32 s1, $0x2  }
0xba: {  	s3 =	sand.u32 $0x4000, s31;
	s1 =	sadd.s32 s1, s30  }
0xbb: {  	s0 =	sor.u32 s3, s0;
	s1 =	sshll.u32 s1, $0x11  }
0xbc: {  	s0 =	sor.u32 s1, s0  }
0xbd: {  	s0 =	sadd.s32 $0x8F2B, s0  }
0xbe: {  	[sflag:s0] =	ssyncadd.remote.s32 $0x1  }
0xbf: {  	_ =	sfence.sel $0xFFFF  }
0xc0: {  	[dreg:$0x0] =	wrdreg $0xFFFFFFFF;
	(pc) =	sbr.abs _section_cstart, $3  }
0xc1: {  	[dreg:$0x1] =	wrdreg $0xFFFFFFFF  }
0xc2: {  	_ =	task.clear_ibuf [dreg:s7], $0x2FFFF;
	_ =	strace $0x9FFFFFFF  }
0xc3: {  	(tm) =	ssettm $0x7FFFFFFF  }
tec
execute0_lowered:
.L_overlay_start_1:
0x0: {  	(tag) =	ssettag $0x1  }
0x1: {  	s5 =	rddreg [dreg:$0x0]  }
0x2: {  	s4 =	rddreg [dreg:$0x1];
	s1 =	srdreg.scid  }
0x3: {  	s0 =	stileid.u32;
	s2 =	rddreg [dreg:$0x2];
	s3 =	simm.s32 $0x0  }
0x4: {  	s11 =	simm.s32 $0x2800;
	s6 =	sand.u32 $0x1, s1;
	s1 =	rddreg [dreg:$0x3]  }
0x5: {  	s14 =	simm.s32 $0x0;
	s7 =	smul.u32 $0x280, s0;
	[smem:$0x7FF] =	sst s3  }
0x6: {  	s12 =	sshll.u32 s0, $0x6;
	s8 =	smul.u32 $0x2800, s6;
	s9 =	sshll.u32 s6, $0x4  }
0x7: {  	s6 =	ssub.s32 $0x2, s6;
	_ =	strace $0x80000047;
	s9 =	sor.u32 s0, s9  }
0x8: {  	s10 =	sshrl.u32 s6, $0x1;
	s8 =	sadd.s32 s7, s8;
	s9 =	smul.u32 $0x500, s9  }
0x9: {  	s12 =	sor.u32 $0x1C01, s12;
	s10 =	ssub.s32 s6, s10;
	s8 =	sshrl.u32 s8, $0x3  }
0xa: {  	s8 =	sadd.s32 s8, s4;
	s4 =	sadd.s32 s7, s2;
	s5 =	sadd.s32 s5, s9  }
0xb: {  	s7 =	smax.u32 s10, $0x1;
	s9 =	simm.s32 $0x1;
	s10 =	simm.s32 $0x80  }
0xc: {  	v0 =	vimm.f32 $1.000000000e+00;
	v1 =	vimm.f32 $0.0e+00;
	s6 =	sadd.s32 $0x1600, s8;
	s8 =	simm.s32 $0x2880;
	s13 =	sshrl.u32 s4, $0x3  }
.LBB2_1:
0xd: {  	[tilespmem:$0x2800] =	vst v0  }
0xe: {  	[tilespmem:$0x2810] =	vst v0  }
0xf: {  	[tilespmem:$0x2820] =	vst v0  }
0x10: {  	[tilespmem:$0x2830] =	vst v0  }
0x11: {  	[tilespmem:$0x2840] =	vst v0  }
0x12: {  	[tilespmem:$0x2850] =	vst v0  }
0x13: {  	[tilespmem:$0x2860] =	vst v0  }
0x14: {  	[tilespmem:$0x2870] =	vst v0  }
0x15: {  	[tilespmem:$0x2880] =	vst v1  }
0x16: {  	[tilespmem:$0x2890] =	vst v1  }
0x17: {  	[tilespmem:$0x28A0] =	vst v1  }
0x18: {  	[tilespmem:$0x28B0] =	vst v1  }
0x19: {  	[tilespmem:$0x28C0] =	vst v1  }
0x1a: {  	[tilespmem:$0x28D0] =	vst v1  }
0x1b: {  	[tilespmem:$0x28E0] =	vst v1  }
0x1c: {  	[tilespmem:$0x28F0] =	vst v1  }
0x1d: {  	[tilespmem:$0x2900] =	vst v1  }
0x1e: {  	[tilespmem:$0x2910] =	vst v1  }
0x1f: {  	[tilespmem:$0x2920] =	vst v1  }
0x20: {  	[tilespmem:$0x2930] =	vst v1  }
0x21: {  	[tilespmem:$0x2940] =	vst v1  }
0x22: {  	[tilespmem:$0x2950] =	vst v1  }
0x23: {  	[tilespmem:$0x2960] =	vst v1  }
0x24: {  	[tilespmem:$0x2970] =	vst v1  }
0x25: {  	[tilespmem:$0x2980] =	vst v1  }
0x26: {  	[tilespmem:$0x2990] =	vst v1  }
0x27: {  	[tilespmem:$0x29A0] =	vst v1  }
0x28: {  	[tilespmem:$0x29B0] =	vst v1  }
0x29: {  	[tilespmem:$0x29C0] =	vst v1  }
0x2a: {  	[tilespmem:$0x29D0] =	vst v1  }
0x2b: {  	[tilespmem:$0x29E0] =	vst v1  }
0x2c: {  	[tilespmem:$0x29F0] =	vst v1  }
0x2d: {  	[tilespmem:$0x2A00] =	vst v1  }
0x2e: {  	[tilespmem:$0x2A10] =	vst v1  }
0x2f: {  	[tilespmem:$0x2A20] =	vst v1  }
0x30: {  	[tilespmem:$0x2A30] =	vst v1  }
0x31: {  	[tilespmem:$0x2A40] =	vst v1  }
0x32: {  	[tilespmem:$0x2A50] =	vst v1  }
0x33: {  	[tilespmem:$0x2A60] =	vst v1  }
0x34: {  	[tilespmem:$0x2A70] =	vst v1  }
0x35: {  	[tilespmem:$0x2A80] =	vst v1  }
0x36: {  	[tilespmem:$0x2A90] =	vst v1  }
0x37: {  	[tilespmem:$0x2AA0] =	vst v1  }
0x38: {  	[tilespmem:$0x2AB0] =	vst v1  }
0x39: {  	[tilespmem:$0x2AC0] =	vst v1  }
0x3a: {  	[tilespmem:$0x2AD0] =	vst v1  }
0x3b: {  	[tilespmem:$0x2AE0] =	vst v1  }
0x3c: {  	[tilespmem:$0x2AF0] =	vst v1  }
0x3d: {  	[spmem:s4] =	stream.linear.scatter [tilespmem:s8], [sflag:$0x1], $0x280, $0x38;
	[tilespmem:$0x2D80] =	vst v63  }
0x3e: {  	_ =	swait.ge [sflag:s9], $0x280  }
0x3f: {  	[sflag:s9] =	ssyncset.done $0x0  }
0x40: {  	[sflag:s9] =	ssyncadd.s32 $0xFFFFFD80  }
0x41: {  	[tilespmem:s3], [sflag:$0x1] =	stream.linear.gather [hbm4b:s5+s3], $0x2800, $0x38;
	[tilespmem:$0x2D80] =	vst v63  }
0x42: {  	_ =	swait.ge [sflag:s9], $0x2800  }
0x43: {  	[sflag:s9] =	ssyncset.done $0x0  }
0x44: {  	[sflag:s9] =	ssyncadd.s32 $0xFFFFD800  }
0x45: {  	s15 =	simm.s32 $0x0;
	[bflag:$0x0] =	sbarrier.arrive $0xFFFF  }
0x46: {  	[spmem:s2] =	stream.indirect.scatter.add.f32 [tilespmem:s11], [sflag:$0x1], $0x1, s15, s10, $0xb8;
	[tilespmem:$0x2D80] =	vst v63  }
0x47: {  	_ =	swait.ge [sflag:s9], $0x80  }
0x48: {  	s15 =	simm.s32 $0x200;
	[sflag:s9] =	ssyncset.done $0x0  }
.LBB2_2:
0x49: {  	s16 =	sshra.s32 s15, $0x2;
	[sflag:s9] =	ssyncadd.s32 $0xFFFFFF80;
	p0 =	sne.s32 s15, $0x9E00  }
0x4a: {  	[spmem:s2] =	stream.indirect.scatter.add.f32 [tilespmem:s11], [sflag:$0x1], $0x1, s16, s10, $0xb8;
	[tilespmem:$0x2D80] =	vst v63  }
.Ltmp0:
0x4b: {  	_ = 	snop;
	(pc) =	sbr.rel @p0 .LBB2_2-.Ltmp0, $4  }
0x4c: {  	_ = 	snop  }
0x4d: {  	s15 =	sadd.s32 $0x200, s15  }
0x4e: {  	_ =	swait.ge [sflag:s9], $0x80  }
0x4f: {  	[sflag:s9] =	ssyncset.done $0x0  }
0x50: {  	s14 =	sadd.s32 $0x1, s14  }
0x51: {  	[sflag:s9] =	ssyncadd.s32 $0xFFFFFF80;
	p0 =	sne.s32 s14, s7  }
.Ltmp1:
0x52: {  	[bflag:$0x0] =	sbarrier.arrive $0xFFFF;
	(pc) =	sbr.rel @p0 .LBB2_1-.Ltmp1, $4  }
0x53: {  	[hbm:s6], [sflag:s12] =	dma.local [spmem:s13], $0x50  }
0x54: {  	_ =	swait.ge [sflag:s9], $0x50  }
0x55: {  	[sflag:s9] =	ssyncset.done $0x0  }
0x56: {  	[sflag:s9] =	ssyncadd.s32 $0xFFFFFFB0  }
0x57: {  	_ =	sfence.sel $0x180000  }
0x58: {  	[bflag:$0x0] =	sbarrier.arrive $0xFFFF  }
0x59: {  	p0 =	sne.s32 s0, $0x0;
	_ =	strace $0x90000047  }
0x5a: {  	s0 =	sadd.s32 @!p0 $0x100000, s1;
	[bflag:$0x2] =	sbarrier.arrive $0xFFFF  }
0x5b: {  	[sflag:s0] =	ssyncadd.tile.s32 @!p0 $0x1;
	_ =	shalt  }
.Lfunc_end2:
_tile_overlayer_lowered:
.L_overlay_start_2:
0x5c: {  	(tag) =	ssettag $0x2  }
0x5d: {  	s0 =	rddreg [dreg:$0x0];
	s2 =	stileid.u32  }
0x5e: {  	s1 =	rddreg [dreg:$0x1];
	p0 =	sne.s32 s2, $0x0  }
0x5f: {  	s3 =	rddreg [dreg:$0x2];
	[bflag:$0x3] =	sbarrier.arrive $0xFFFF;
	s2 =	simm.s32 @!p0 $0x1C01  }
0x60: {  	[timem:s3], [sflag:s2] =	dma.local @!p0 [hbm:s0], s1  }
0x61: {  	s0 =	simm.s32 @!p0 $0x1  }
0x62: {  	_ =	swait.ge @!p0 [sflag:s0], s1  }
0x63: {  	s1 =	ssub.s32 @!p0 $0x0, s1;
	[sflag:s0] =	ssyncset.done @!p0 $0x0  }
0x64: {  	[sflag:s0] =	ssyncadd.s32 @!p0 s1  }
0x65: {  	[bflag:$0x3] =	sbarrier.arrive $0xFFFF  }
0x66: {  	_ =	shalt  }

</sc_bundles>
